<compile_context>
chip_gen: v7x
topology: tpu7x:2x2x1
jax: 0.10.2.dev20260603
libtpu: 0.0.44.dev20260713+nightly
codegen_flags: <defaults>
</compile_context>

<pallas_src>
import functools

import jax
import jax.numpy as jnp
from jax import lax
from jax.experimental import pallas as pl
from jax.experimental.pallas import tpu as pltpu
from jax.experimental.pallas import tpu_sc as plsc

N = 10000
E = 320000
NFEAT = 128
EPS = 1e-7

CH = 128
TILES = 16
CPT = 160
CHUNKS = CPT * TILES
E_PAD = CHUNKS * CH
NACC = 10240
ZROWS = NACC // TILES
DUMMY = N


def _edge_accumulate(p_tbl, q_tbl, src2d, dst2d, zblk):
    mesh = plsc.VectorSubcoreMesh(core_axis_name="c", subcore_axis_name="s")

    @functools.partial(
        pl.kernel,
        out_type=(
            jax.ShapeDtypeStruct((NACC, NFEAT), jnp.float32),
            jax.ShapeDtypeStruct((NACC, NFEAT), jnp.float32),
        ),
        mesh=mesh,
        scratch_types=[
            pltpu.VMEM((4, CH), jnp.int32),
            pltpu.VMEM((CH,), jnp.int32),
            pltpu.VMEM((CH,), jnp.int32),
            pltpu.VMEM((CH,), jnp.int32),
            pltpu.VMEM((CH,), jnp.int32),
            pltpu.VMEM((CH, NFEAT), jnp.float32),
            pltpu.VMEM((CH, NFEAT), jnp.float32),
            pltpu.SemaphoreType.DMA,
            pltpu.SemaphoreType.DMA,
            pltpu.SemaphoreType.DMA,
            pltpu.SemaphoreType.DMA,
            pltpu.SemaphoreType.DMA,
            pltpu.SemaphoreType.DMA,
            pltpu.VMEM_SHARED((NACC, NFEAT), jnp.float32),
        ],
    )
    def k(p_ref, q_ref, src_ref, dst_ref, z_ref, op_ref, oq_ref,
          sv, dv0, dv1, dv2, dv3, rb0, rb1, is0, is1, is2, is3, gs0, gs1,
          acc):
        cid = lax.axis_index("c")
        sid = lax.axis_index("s")
        base = sid * CPT
        dvs = (dv0, dv1, dv2, dv3)
        rbs = (rb0, rb1)
        isems = (is0, is1, is2, is3)
        gsems = (gs0, gs1)

        for b in range(ZROWS // CH):
            pltpu.sync_copy(z_ref, acc.at[pl.ds(sid * ZROWS + b * CH, CH)])

        def run(tbl, out):
            def idx_load(c, k):
                pltpu.async_copy(src_ref.at[base + c], sv.at[k], isems[k])
                pltpu.async_copy(dst_ref.at[base + c], dvs[k], isems[k])

            def idx_wait(k):
                pltpu.make_async_copy(src_ref.at[base], sv.at[k],
                                      isems[k]).wait()
                pltpu.make_async_copy(dst_ref.at[base], dvs[k],
                                      isems[k]).wait()

            def gather_start(tbl, k, b):
                pltpu.async_copy(tbl.at[sv.at[k]], rbs[b], gsems[b])

            def gather_wait(tbl, b):
                pltpu.make_async_copy(tbl.at[sv.at[0]], rbs[b],
                                      gsems[b]).wait()

            for k in range(4):
                idx_load(k, k)
            for k in range(2):
                idx_wait(k)
                gather_start(tbl, k, k)
            plsc.subcore_barrier()

            def body(i, carry):
                for k in range(4):
                    c = 4 * i + k
                    b = k % 2
                    gather_wait(tbl, b)
                    pltpu.sync_copy(rbs[b], acc.at[dvs[k]], add=True)

                    @pl.when(c + 4 < CPT)
                    def _():
                        idx_load(c + 4, k)

                    @pl.when(c + 2 < CPT)
                    def _():
                        idx_wait((k + 2) % 4)
                        gather_start(tbl, (k + 2) % 4, b)
                return carry

            lax.fori_loop(0, CPT // 4, body, 0)
            plsc.subcore_barrier()
            pltpu.sync_copy(acc.at[pl.ds(sid * ZROWS, ZROWS)],
                            out.at[pl.ds(sid * ZROWS, ZROWS)])

        @pl.when(cid == 0)
        def _():
            run(p_ref, op_ref)

        @pl.when(cid == 1)
        def _():
            run(q_ref, oq_ref)

    accp, accq = k(p_tbl, q_tbl, src2d, dst2d, zblk)
    return accp[:N], accq[:N]


def _prep(x):
    def body(x_ref, p_ref, q_ref):
        m = jnp.maximum(x_ref[:], 0.0) + EPS
        q = jnp.exp(m)
        p_ref[:] = m * q
        q_ref[:] = q

    return pl.pallas_call(
        body,
        out_shape=(
            jax.ShapeDtypeStruct((N, NFEAT), jnp.float32),
            jax.ShapeDtypeStruct((N, NFEAT), jnp.float32),
        ),
    )(x)


def _mlp(accp, accq, xin, W1, b1, g1, be1, W2, b2, *, fuse_next):
    hid2 = W1.shape[1]

    def body(ap_ref, aq_ref, x_ref, w1_ref, b1_ref, g1_ref, be1_ref,
             w2_ref, b2_ref, *outs):
        agg = ap_ref[:] / jnp.maximum(aq_ref[:], 1e-16)
        out = agg + x_ref[:]
        h = jnp.dot(out, w1_ref[:], preferred_element_type=jnp.float32) + b1_ref[:]
        mu = jnp.mean(h, axis=0, keepdims=True)
        var = jnp.mean((h - mu) ** 2, axis=0, keepdims=True)
        hn = (h - mu) * (g1_ref[:] * lax.rsqrt(var + 1e-5)) + be1_ref[:]
        hr = jnp.maximum(hn, 0.0)
        y = jnp.dot(hr, w2_ref[:], preferred_element_type=jnp.float32) + b2_ref[:]
        if fuse_next:
            x2_ref, p_ref, q_ref = outs
            x2_ref[:] = jnp.where(y >= 0, y, 0.01 * y)
            m = jnp.maximum(y, 0.0) + EPS
            q = jnp.exp(m)
            p_ref[:] = m * q
            q_ref[:] = q
        else:
            outs[0][:] = y

    nout = 3 if fuse_next else 1
    return pl.pallas_call(
        body,
        out_shape=tuple(
            jax.ShapeDtypeStruct((N, NFEAT), jnp.float32) for _ in range(nout)
        ),
    )(accp, accq, xin,
      W1, b1.reshape(1, hid2), g1.reshape(1, hid2), be1.reshape(1, hid2),
      W2, b2.reshape(1, NFEAT))


def kernel(x, edge_index, W1a, b1a, g1a, be1a, W2a, b2a,
           W1b, b1b, g1b, be1b, W2b, b2b):
    src = edge_index[0]
    dst = edge_index[1]
    pad = E_PAD - E
    src2d = jnp.concatenate(
        [src, jnp.zeros((pad,), jnp.int32)]).reshape(CHUNKS, CH)
    dst_pad = DUMMY + jnp.arange(pad, dtype=jnp.int32) % (NACC - N)
    dst2d = jnp.concatenate([dst, dst_pad]).reshape(CHUNKS, CH)
    zblk = jnp.zeros((CH, NFEAT), jnp.float32)

    p1, q1 = _prep(x)
    ap1, aq1 = _edge_accumulate(p1, q1, src2d, dst2d, zblk)
    x2, p2, q2 = _mlp(ap1, aq1, x, W1a, b1a, g1a, be1a, W2a, b2a,
                      fuse_next=True)
    ap2, aq2 = _edge_accumulate(p2, q2, src2d, dst2d, zblk)
    (y,) = _mlp(ap2, aq2, x2, W1b, b1b, g1b, be1b, W2b, b2b,
                fuse_next=False)
    return y

# --- scband reference (transcript-rebuilt; emitter-appended) ---
"""Pipeline reference for scband-graph-gen-4587025072295 (READ-ONLY COPY).

The authoritative reference and input builder live on the scoring server;
editing this copy changes nothing except your own understanding.
"""

import jax, jax.numpy as jnp
import numpy as np

N = 10000
E = 320000
NFEAT = 128
NHID = 128
HID2 = 256
EPS = 1e-7


def _genconv(x, src, dst, W1, b1, g1, be1, W2, b2):
    # GENConv (PyG) with aggr='softmax', t=1.0, no edge_attr (except-path in original forward)
    msg = jax.nn.relu(x[src]) + EPS
    # per-destination, per-channel softmax aggregation
    mmax = jax.ops.segment_max(msg, dst, num_segments=N)
    mmax = jnp.where(jnp.isfinite(mmax), mmax, 0.0)
    ex = jnp.exp(msg - mmax[dst])
    denom = jax.ops.segment_sum(ex, dst, num_segments=N)
    alpha = ex / jnp.maximum(denom[dst], 1e-16)
    agg = jax.ops.segment_sum(msg * alpha, dst, num_segments=N)
    out = agg + x
    # MLP([in, 2*in, out]) with batch_norm + relu between layers (training-mode BN stats)
    h = out @ W1 + b1
    mu = jnp.mean(h, axis=0)
    var = jnp.var(h, axis=0)
    h = (h - mu) / jnp.sqrt(var + 1e-5) * g1 + be1
    h = jax.nn.relu(h)
    return h @ W2 + b2


def setup_inputs(seed: int = 0):
    key = jax.random.key(seed)
    ks = jax.random.split(key, 14)
    x = jax.random.normal(ks[0], (N, NFEAT), dtype=jnp.float32)
    edge_index = jax.random.randint(ks[1], (2, E), 0, N, dtype=jnp.int32)
    s1 = 1.0 / np.sqrt(NFEAT)
    s2 = 1.0 / np.sqrt(HID2)
    params = {
        'W1a': jax.random.uniform(ks[2], (NFEAT, HID2), jnp.float32, -s1, s1),
        'b1a': jax.random.uniform(ks[3], (HID2,), jnp.float32, -s1, s1),
        'g1a': jnp.ones((HID2,), jnp.float32),
        'be1a': jnp.zeros((HID2,), jnp.float32),
        'W2a': jax.random.uniform(ks[4], (HID2, NHID), jnp.float32, -s2, s2),
        'b2a': jax.random.uniform(ks[5], (NHID,), jnp.float32, -s2, s2),
        'W1b': jax.random.uniform(ks[6], (NHID, HID2), jnp.float32, -s1, s1),
        'b1b': jax.random.uniform(ks[7], (HID2,), jnp.float32, -s1, s1),
        'g1b': jnp.ones((HID2,), jnp.float32),
        'be1b': jnp.zeros((HID2,), jnp.float32),
        'W2b': jax.random.uniform(ks[8], (HID2, NHID), jnp.float32, -s2, s2),
        'b2b': jax.random.uniform(ks[9], (NHID,), jnp.float32, -s2, s2),
    }
    inp = {'x': x, 'edge_index': edge_index}
    inp.update(params)
    return inp


def reference(x, edge_index, W1a, b1a, g1a, be1a, W2a, b2a, W1b, b1b, g1b, be1b, W2b, b2b):
    src = edge_index[0]
    dst = edge_index[1]
    h = _genconv(x, src, dst, W1a, b1a, g1a, be1a, W2a, b2a)
    h = jnp.where(h >= 0, h, 0.01 * h)  # leaky_relu, default slope 0.01
    h = _genconv(h, src, dst, W1b, b1b, g1b, be1b, W2b, b2b)
    return h

if __name__ == "__main__":
    import jax
    _d = setup_inputs()
    print(jax.jit(kernel)(*tuple(_d.values())))

</pallas_src>

<mosaic_0001>
#map = affine_map<(d0, d1) -> (0, 0)>
module attributes {stable_mosaic.version = 14 : i64} {
  func.func @k(%arg0: i32, %arg1: i32, %arg2: memref<10000x128xf32, #tpu.memory_space<hbm>>, %arg3: memref<10000x128xf32, #tpu.memory_space<hbm>>, %arg4: memref<2560x128xi32, #tpu.memory_space<hbm>>, %arg5: memref<2560x128xi32, #tpu.memory_space<hbm>>, %arg6: memref<128x128xf32, #tpu.memory_space<hbm>>, %arg7: memref<10240x128xf32, #tpu.memory_space<hbm>>, %arg8: memref<10240x128xf32, #tpu.memory_space<hbm>>, %arg9: memref<4x128xi32, #tpu.memory_space<vmem>>, %arg10: memref<128xi32, #tpu.memory_space<vmem>>, %arg11: memref<128xi32, #tpu.memory_space<vmem>>, %arg12: memref<128xi32, #tpu.memory_space<vmem>>, %arg13: memref<128xi32, #tpu.memory_space<vmem>>, %arg14: memref<128x128xf32, #tpu.memory_space<vmem>>, %arg15: memref<128x128xf32, #tpu.memory_space<vmem>>, %arg16: memref<!tpu.dma_semaphore, #tpu.memory_space<semaphore_mem>>, %arg17: memref<!tpu.dma_semaphore, #tpu.memory_space<semaphore_mem>>, %arg18: memref<!tpu.dma_semaphore, #tpu.memory_space<semaphore_mem>>, %arg19: memref<!tpu.dma_semaphore, #tpu.memory_space<semaphore_mem>>, %arg20: memref<!tpu.dma_semaphore, #tpu.memory_space<semaphore_mem>>, %arg21: memref<!tpu.dma_semaphore, #tpu.memory_space<semaphore_mem>>, %arg22: memref<10240x128xf32, #tpu.memory_space<vmem_shared>>) attributes {dimension_semantics = [#tpu.dimension_semantics<core_parallel>, #tpu.dimension_semantics<subcore_parallel>], iteration_bounds = array<i64: 2, 16>, scalar_prefetch = 0 : i64, scratch_operands = 14 : i64, tpu.core_type = #tpu.core_type<sc_vector_subcore>, window_params = [{transform_indices = #map}, {transform_indices = #map}, {transform_indices = #map}, {transform_indices = #map}, {transform_indices = #map}, {transform_indices = #map}, {transform_indices = #map}]} {
    %mul3A = arith.constant 160 : i32
    %mul3A_0 = arith.muli %arg1, %mul3A : i32
    %mul3A_1 = arith.constant 640 : i32
    %mul3A_2 = arith.muli %arg1, %mul3A_1 : i32
    %add3A = arith.constant 0 : i32
    %add3A_3 = arith.addi %mul3A_2, %add3A : i32
    "tpu.region"() ({
      %run_scoped3A = tpu.sem_alloc : memref<!tpu.dma_semaphore, #tpu.memory_space<semaphore_mem>>
      %dma_start3A = arith.constant 0 : i32
      %dma_start3A_27 = tpu.memref_slice %arg22[%add3A_3, %dma_start3A] : memref<10240x128xf32, #tpu.memory_space<vmem_shared>> -> memref<128x128xf32, #tpu.memory_space<vmem_shared>>
      tpu.enqueue_dma source(%arg6 : memref<128x128xf32, #tpu.memory_space<hbm>>) target(%dma_start3A_27 : memref<128x128xf32, #tpu.memory_space<vmem_shared>>) target_semaphore(%run_scoped3A : memref<!tpu.dma_semaphore, #tpu.memory_space<semaphore_mem>>)
      %dma_wait3A = arith.constant 0 : i32
      %dma_wait3A_28 = tpu.memref_slice %arg22[%add3A_3, %dma_wait3A] : memref<10240x128xf32, #tpu.memory_space<vmem_shared>> -> memref<128x128xf32, #tpu.memory_space<vmem_shared>>
      tpu.wait_dma2 semaphore(%run_scoped3A : memref<!tpu.dma_semaphore, #tpu.memory_space<semaphore_mem>>) src(%arg6 : memref<128x128xf32, #tpu.memory_space<hbm>>) dst(%dma_wait3A_28 : memref<128x128xf32, #tpu.memory_space<vmem_shared>>)
      tpu.yield
    }) : () -> ()
    %mul3A_4 = arith.constant 640 : i32
    %mul3A_5 = arith.muli %arg1, %mul3A_4 : i32
    %add3A_6 = arith.constant 128 : i32
    %add3A_7 = arith.addi %mul3A_5, %add3A_6 : i32
    "tpu.region"() ({
      %run_scoped3A = tpu.sem_alloc : memref<!tpu.dma_semaphore, #tpu.memory_space<semaphore_mem>>
      %dma_start3A = arith.constant 0 : i32
      %dma_start3A_27 = tpu.memref_slice %arg22[%add3A_7, %dma_start3A] : memref<10240x128xf32, #tpu.memory_space<vmem_shared>> -> memref<128x128xf32, #tpu.memory_space<vmem_shared>>
      tpu.enqueue_dma source(%arg6 : memref<128x128xf32, #tpu.memory_space<hbm>>) target(%dma_start3A_27 : memref<128x128xf32, #tpu.memory_space<vmem_shared>>) target_semaphore(%run_scoped3A : memref<!tpu.dma_semaphore, #tpu.memory_space<semaphore_mem>>)
      %dma_wait3A = arith.constant 0 : i32
      %dma_wait3A_28 = tpu.memref_slice %arg22[%add3A_7, %dma_wait3A] : memref<10240x128xf32, #tpu.memory_space<vmem_shared>> -> memref<128x128xf32, #tpu.memory_space<vmem_shared>>
      tpu.wait_dma2 semaphore(%run_scoped3A : memref<!tpu.dma_semaphore, #tpu.memory_space<semaphore_mem>>) src(%arg6 : memref<128x128xf32, #tpu.memory_space<hbm>>) dst(%dma_wait3A_28 : memref<128x128xf32, #tpu.memory_space<vmem_shared>>)
      tpu.yield
    }) : () -> ()
    %mul3A_8 = arith.constant 640 : i32
    %mul3A_9 = arith.muli %arg1, %mul3A_8 : i32
    %add3A_10 = arith.constant 256 : i32
    %add3A_11 = arith.addi %mul3A_9, %add3A_10 : i32
    "tpu.region"() ({
      %run_scoped3A = tpu.sem_alloc : memref<!tpu.dma_semaphore, #tpu.memory_space<semaphore_mem>>
      %dma_start3A = arith.constant 0 : i32
      %dma_start3A_27 = tpu.memref_slice %arg22[%add3A_11, %dma_start3A] : memref<10240x128xf32, #tpu.memory_space<vmem_shared>> -> memref<128x128xf32, #tpu.memory_space<vmem_shared>>
      tpu.enqueue_dma source(%arg6 : memref<128x128xf32, #tpu.memory_space<hbm>>) target(%dma_start3A_27 : memref<128x128xf32, #tpu.memory_space<vmem_shared>>) target_semaphore(%run_scoped3A : memref<!tpu.dma_semaphore, #tpu.memory_space<semaphore_mem>>)
      %dma_wait3A = arith.constant 0 : i32
      %dma_wait3A_28 = tpu.memref_slice %arg22[%add3A_11, %dma_wait3A] : memref<10240x128xf32, #tpu.memory_space<vmem_shared>> -> memref<128x128xf32, #tpu.memory_space<vmem_shared>>
      tpu.wait_dma2 semaphore(%run_scoped3A : memref<!tpu.dma_semaphore, #tpu.memory_space<semaphore_mem>>) src(%arg6 : memref<128x128xf32, #tpu.memory_space<hbm>>) dst(%dma_wait3A_28 : memref<128x128xf32, #tpu.memory_space<vmem_shared>>)
      tpu.yield
    }) : () -> ()
    %mul3A_12 = arith.constant 640 : i32
    %mul3A_13 = arith.muli %arg1, %mul3A_12 : i32
    %add3A_14 = arith.constant 384 : i32
    %add3A_15 = arith.addi %mul3A_13, %add3A_14 : i32
    "tpu.region"() ({
      %run_scoped3A = tpu.sem_alloc : memref<!tpu.dma_semaphore, #tpu.memory_space<semaphore_mem>>
      %dma_start3A = arith.constant 0 : i32
      %dma_start3A_27 = tpu.memref_slice %arg22[%add3A_15, %dma_start3A] : memref<10240x128xf32, #tpu.memory_space<vmem_shared>> -> memref<128x128xf32, #tpu.memory_space<vmem_shared>>
      tpu.enqueue_dma source(%arg6 : memref<128x128xf32, #tpu.memory_space<hbm>>) target(%dma_start3A_27 : memref<128x128xf32, #tpu.memory_space<vmem_shared>>) target_semaphore(%run_scoped3A : memref<!tpu.dma_semaphore, #tpu.memory_space<semaphore_mem>>)
      %dma_wait3A = arith.constant 0 : i32
      %dma_wait3A_28 = tpu.memref_slice %arg22[%add3A_15, %dma_wait3A] : memref<10240x128xf32, #tpu.memory_space<vmem_shared>> -> memref<128x128xf32, #tpu.memory_space<vmem_shared>>
      tpu.wait_dma2 semaphore(%run_scoped3A : memref<!tpu.dma_semaphore, #tpu.memory_space<semaphore_mem>>) src(%arg6 : memref<128x128xf32, #tpu.memory_space<hbm>>) dst(%dma_wait3A_28 : memref<128x128xf32, #tpu.memory_space<vmem_shared>>)
      tpu.yield
    }) : () -> ()
    %mul3A_16 = arith.constant 640 : i32
    %mul3A_17 = arith.muli %arg1, %mul3A_16 : i32
    %add3A_18 = arith.constant 512 : i32
    %add3A_19 = arith.addi %mul3A_17, %add3A_18 : i32
    "tpu.region"() ({
      %run_scoped3A = tpu.sem_alloc : memref<!tpu.dma_semaphore, #tpu.memory_space<semaphore_mem>>
      %dma_start3A = arith.constant 0 : i32
      %dma_start3A_27 = tpu.memref_slice %arg22[%add3A_19, %dma_start3A] : memref<10240x128xf32, #tpu.memory_space<vmem_shared>> -> memref<128x128xf32, #tpu.memory_space<vmem_shared>>
      tpu.enqueue_dma source(%arg6 : memref<128x128xf32, #tpu.memory_space<hbm>>) target(%dma_start3A_27 : memref<128x128xf32, #tpu.memory_space<vmem_shared>>) target_semaphore(%run_scoped3A : memref<!tpu.dma_semaphore, #tpu.memory_space<semaphore_mem>>)
      %dma_wait3A = arith.constant 0 : i32
      %dma_wait3A_28 = tpu.memref_slice %arg22[%add3A_19, %dma_wait3A] : memref<10240x128xf32, #tpu.memory_space<vmem_shared>> -> memref<128x128xf32, #tpu.memory_space<vmem_shared>>
      tpu.wait_dma2 semaphore(%run_scoped3A : memref<!tpu.dma_semaphore, #tpu.memory_space<semaphore_mem>>) src(%arg6 : memref<128x128xf32, #tpu.memory_space<hbm>>) dst(%dma_wait3A_28 : memref<128x128xf32, #tpu.memory_space<vmem_shared>>)
      tpu.yield
    }) : () -> ()
    %eq3A = arith.constant 0 : i32
    %eq3A_20 = arith.cmpi eq, %arg0, %eq3A : i32
    %convert_element_type3A = arith.extui %eq3A_20 : i1 to i32
    %cond3A = arith.constant 0 : i32
    %cond3A_21 = arith.cmpi ne, %convert_element_type3A, %cond3A : i32
    scf.if %cond3A_21 {
      %add3A_27 = arith.constant 0 : i32
      %add3A_28 = arith.addi %mul3A_0, %add3A_27 : i32
      %dma_start3A = arith.constant 0 : i32
      %dma_start3A_29 = arith.constant 0 : i32
      %dma_start3A_30 = tpu.memref_slice %arg9[%dma_start3A, %dma_start3A_29] : memref<4x128xi32, #tpu.memory_space<vmem>> -> memref<1x128xi32, #tpu.memory_space<vmem>>
      %dma_start3A_31 = tpu.memref_squeeze %dma_start3A_30 : memref<1x128xi32, #tpu.memory_space<vmem>> -> memref<128xi32, #tpu.memory_space<vmem>>
      %dma_start3A_32 = arith.constant 0 : i32
      %dma_start3A_33 = tpu.memref_slice %arg4[%add3A_28, %dma_start3A_32] : memref<2560x128xi32, #tpu.memory_space<hbm>> -> memref<1x128xi32, #tpu.memory_space<hbm>>
      %dma_start3A_34 = tpu.memref_squeeze %dma_start3A_33 : memref<1x128xi32, #tpu.memory_space<hbm>> -> memref<128xi32, #tpu.memory_space<hbm>>
      %dma_start3A_35 = arith.constant 0 : i32
      %dma_start3A_36 = tpu.memref_slice %arg9[%dma_start3A, %dma_start3A_35] : memref<4x128xi32, #tpu.memory_space<vmem>> -> memref<1x128xi32, #tpu.memory_space<vmem>>
      %dma_start3A_37 = tpu.memref_squeeze %dma_start3A_36 : memref<1x128xi32, #tpu.memory_space<vmem>> -> memref<128xi32, #tpu.memory_space<vmem>>
      %dma_start3A_38 = arith.constant 0 : i32
      %dma_start3A_39 = tpu.memref_slice %arg4[%add3A_28, %dma_start3A_38] : memref<2560x128xi32, #tpu.memory_space<hbm>> -> memref<1x128xi32, #tpu.memory_space<hbm>>
      %dma_start3A_40 = tpu.memref_squeeze %dma_start3A_39 : memref<1x128xi32, #tpu.memory_space<hbm>> -> memref<128xi32, #tpu.memory_space<hbm>>
      tpu.enqueue_dma source(%dma_start3A_40 : memref<128xi32, #tpu.memory_space<hbm>>) target(%dma_start3A_37 : memref<128xi32, #tpu.memory_space<vmem>>) target_semaphore(%arg16 : memref<!tpu.dma_semaphore, #tpu.memory_space<semaphore_mem>>)
      %add3A_41 = arith.constant 0 : i32
      %add3A_42 = arith.addi %mul3A_0, %add3A_41 : i32
      %dma_start3A_43 = arith.constant 0 : i32
      %dma_start3A_44 = tpu.memref_slice %arg5[%add3A_42, %dma_start3A_43] : memref<2560x128xi32, #tpu.memory_space<hbm>> -> memref<1x128xi32, #tpu.memory_space<hbm>>
      %dma_start3A_45 = tpu.memref_squeeze %dma_start3A_44 : memref<1x128xi32, #tpu.memory_space<hbm>> -> memref<128xi32, #tpu.memory_space<hbm>>
      %dma_start3A_46 = arith.constant 0 : i32
      %dma_start3A_47 = tpu.memref_slice %arg5[%add3A_42, %dma_start3A_46] : memref<2560x128xi32, #tpu.memory_space<hbm>> -> memref<1x128xi32, #tpu.memory_space<hbm>>
      %dma_start3A_48 = tpu.memref_squeeze %dma_start3A_47 : memref<1x128xi32, #tpu.memory_space<hbm>> -> memref<128xi32, #tpu.memory_space<hbm>>
      tpu.enqueue_dma source(%dma_start3A_48 : memref<128xi32, #tpu.memory_space<hbm>>) target(%arg10 : memref<128xi32, #tpu.memory_space<vmem>>) target_semaphore(%arg16 : memref<!tpu.dma_semaphore, #tpu.memory_space<semaphore_mem>>)
      %add3A_49 = arith.constant 1 : i32
      %add3A_50 = arith.addi %mul3A_0, %add3A_49 : i32
      %dma_start3A_51 = arith.constant 1 : i32
      %dma_start3A_52 = arith.constant 0 : i32
      %dma_start3A_53 = tpu.memref_slice %arg9[%dma_start3A_51, %dma_start3A_52] : memref<4x128xi32, #tpu.memory_space<vmem>> -> memref<1x128xi32, #tpu.memory_space<vmem>>
      %dma_start3A_54 = tpu.memref_squeeze %dma_start3A_53 : memref<1x128xi32, #tpu.memory_space<vmem>> -> memref<128xi32, #tpu.memory_space<vmem>>
      %dma_start3A_55 = arith.constant 0 : i32
      %dma_start3A_56 = tpu.memref_slice %arg4[%add3A_50, %dma_start3A_55] : memref<2560x128xi32, #tpu.memory_space<hbm>> -> memref<1x128xi32, #tpu.memory_space<hbm>>
      %dma_start3A_57 = tpu.memref_squeeze %dma_start3A_56 : memref<1x128xi32, #tpu.memory_space<hbm>> -> memref<128xi32, #tpu.memory_space<hbm>>
      %dma_start3A_58 = arith.constant 0 : i32
      %dma_start3A_59 = tpu.memref_slice %arg9[%dma_start3A_51, %dma_start3A_58] : memref<4x128xi32, #tpu.memory_space<vmem>> -> memref<1x128xi32, #tpu.memory_space<vmem>>
      %dma_start3A_60 = tpu.memref_squeeze %dma_start3A_59 : memref<1x128xi32, #tpu.memory_space<vmem>> -> memref<128xi32, #tpu.memory_space<vmem>>
      %dma_start3A_61 = arith.constant 0 : i32
      %dma_start3A_62 = tpu.memref_slice %arg4[%add3A_50, %dma_start3A_61] : memref<2560x128xi32, #tpu.memory_space<hbm>> -> memref<1x128xi32, #tpu.memory_space<hbm>>
      %dma_start3A_63 = tpu.memref_squeeze %dma_start3A_62 : memref<1x128xi32, #tpu.memory_space<hbm>> -> memref<128xi32, #tpu.memory_space<hbm>>
      tpu.enqueue_dma source(%dma_start3A_63 : memref<128xi32, #tpu.memory_space<hbm>>) target(%dma_start3A_60 : memref<128xi32, #tpu.memory_space<vmem>>) target_semaphore(%arg17 : memref<!tpu.dma_semaphore, #tpu.memory_space<semaphore_mem>>)
      %add3A_64 = arith.constant 1 : i32
      %add3A_65 = arith.addi %mul3A_0, %add3A_64 : i32
      %dma_start3A_66 = arith.constant 0 : i32
      %dma_start3A_67 = tpu.memref_slice %arg5[%add3A_65, %dma_start3A_66] : memref<2560x128xi32, #tpu.memory_space<hbm>> -> memref<1x128xi32, #tpu.memory_space<hbm>>
      %dma_start3A_68 = tpu.memref_squeeze %dma_start3A_67 : memref<1x128xi32, #tpu.memory_space<hbm>> -> memref<128xi32, #tpu.memory_space<hbm>>
      %dma_start3A_69 = arith.constant 0 : i32
      %dma_start3A_70 = tpu.memref_slice %arg5[%add3A_65, %dma_start3A_69] : memref<2560x128xi32, #tpu.memory_space<hbm>> -> memref<1x128xi32, #tpu.memory_space<hbm>>
      %dma_start3A_71 = tpu.memref_squeeze %dma_start3A_70 : memref<1x128xi32, #tpu.memory_space<hbm>> -> memref<128xi32, #tpu.memory_space<hbm>>
      tpu.enqueue_dma source(%dma_start3A_71 : memref<128xi32, #tpu.memory_space<hbm>>) target(%arg11 : memref<128xi32, #tpu.memory_space<vmem>>) target_semaphore(%arg17 : memref<!tpu.dma_semaphore, #tpu.memory_space<semaphore_mem>>)
      %add3A_72 = arith.constant 2 : i32
      %add3A_73 = arith.addi %mul3A_0, %add3A_72 : i32
      %dma_start3A_74 = arith.constant 2 : i32
      %dma_start3A_75 = arith.constant 0 : i32
      %dma_start3A_76 = tpu.memref_slice %arg9[%dma_start3A_74, %dma_start3A_75] : memref<4x128xi32, #tpu.memory_space<vmem>> -> memref<1x128xi32, #tpu.memory_space<vmem>>
      %dma_start3A_77 = tpu.memref_squeeze %dma_start3A_76 : memref<1x128xi32, #tpu.memory_space<vmem>> -> memref<128xi32, #tpu.memory_space<vmem>>
      %dma_start3A_78 = arith.constant 0 : i32
      %dma_start3A_79 = tpu.memref_slice %arg4[%add3A_73, %dma_start3A_78] : memref<2560x128xi32, #tpu.memory_space<hbm>> -> memref<1x128xi32, #tpu.memory_space<hbm>>
      %dma_start3A_80 = tpu.memref_squeeze %dma_start3A_79 : memref<1x128xi32, #tpu.memory_space<hbm>> -> memref<128xi32, #tpu.memory_space<hbm>>
      %dma_start3A_81 = arith.constant 0 : i32
      %dma_start3A_82 = tpu.memref_slice %arg9[%dma_start3A_74, %dma_start3A_81] : memref<4x128xi32, #tpu.memory_space<vmem>> -> memref<1x128xi32, #tpu.memory_space<vmem>>
      %dma_start3A_83 = tpu.memref_squeeze %dma_start3A_82 : memref<1x128xi32, #tpu.memory_space<vmem>> -> memref<128xi32, #tpu.memory_space<vmem>>
      %dma_start3A_84 = arith.constant 0 : i32
      %dma_start3A_85 = tpu.memref_slice %arg4[%add3A_73, %dma_start3A_84] : memref<2560x128xi32, #tpu.memory_space<hbm>> -> memref<1x128xi32, #tpu.memory_space<hbm>>
      %dma_start3A_86 = tpu.memref_squeeze %dma_start3A_85 : memref<1x128xi32, #tpu.memory_space<hbm>> -> memref<128xi32, #tpu.memory_space<hbm>>
      tpu.enqueue_dma source(%dma_start3A_86 : memref<128xi32, #tpu.memory_space<hbm>>) target(%dma_start3A_83 : memref<128xi32, #tpu.memory_space<vmem>>) target_semaphore(%arg18 : memref<!tpu.dma_semaphore, #tpu.memory_space<semaphore_mem>>)
      %add3A_87 = arith.constant 2 : i32
      %add3A_88 = arith.addi %mul3A_0, %add3A_87 : i32
      %dma_start3A_89 = arith.constant 0 : i32
      %dma_start3A_90 = tpu.memref_slice %arg5[%add3A_88, %dma_start3A_89] : memref<2560x128xi32, #tpu.memory_space<hbm>> -> memref<1x128xi32, #tpu.memory_space<hbm>>
      %dma_start3A_91 = tpu.memref_squeeze %dma_start3A_90 : memref<1x128xi32, #tpu.memory_space<hbm>> -> memref<128xi32, #tpu.memory_space<hbm>>
      %dma_start3A_92 = arith.constant 0 : i32
      %dma_start3A_93 = tpu.memref_slice %arg5[%add3A_88, %dma_start3A_92] : memref<2560x128xi32, #tpu.memory_space<hbm>> -> memref<1x128xi32, #tpu.memory_space<hbm>>
      %dma_start3A_94 = tpu.memref_squeeze %dma_start3A_93 : memref<1x128xi32, #tpu.memory_space<hbm>> -> memref<128xi32, #tpu.memory_space<hbm>>
      tpu.enqueue_dma source(%dma_start3A_94 : memref<128xi32, #tpu.memory_space<hbm>>) target(%arg12 : memref<128xi32, #tpu.memory_space<vmem>>) target_semaphore(%arg18 : memref<!tpu.dma_semaphore, #tpu.memory_space<semaphore_mem>>)
      %add3A_95 = arith.constant 3 : i32
      %add3A_96 = arith.addi %mul3A_0, %add3A_95 : i32
      %dma_start3A_97 = arith.constant 3 : i32
      %dma_start3A_98 = arith.constant 0 : i32
      %dma_start3A_99 = tpu.memref_slice %arg9[%dma_start3A_97, %dma_start3A_98] : memref<4x128xi32, #tpu.memory_space<vmem>> -> memref<1x128xi32, #tpu.memory_space<vmem>>
      %dma_start3A_100 = tpu.memref_squeeze %dma_start3A_99 : memref<1x128xi32, #tpu.memory_space<vmem>> -> memref<128xi32, #tpu.memory_space<vmem>>
      %dma_start3A_101 = arith.constant 0 : i32
      %dma_start3A_102 = tpu.memref_slice %arg4[%add3A_96, %dma_start3A_101] : memref<2560x128xi32, #tpu.memory_space<hbm>> -> memref<1x128xi32, #tpu.memory_space<hbm>>
      %dma_start3A_103 = tpu.memref_squeeze %dma_start3A_102 : memref<1x128xi32, #tpu.memory_space<hbm>> -> memref<128xi32, #tpu.memory_space<hbm>>
      %dma_start3A_104 = arith.constant 0 : i32
      %dma_start3A_105 = tpu.memref_slice %arg9[%dma_start3A_97, %dma_start3A_104] : memref<4x128xi32, #tpu.memory_space<vmem>> -> memref<1x128xi32, #tpu.memory_space<vmem>>
      %dma_start3A_106 = tpu.memref_squeeze %dma_start3A_105 : memref<1x128xi32, #tpu.memory_space<vmem>> -> memref<128xi32, #tpu.memory_space<vmem>>
      %dma_start3A_107 = arith.constant 0 : i32
      %dma_start3A_108 = tpu.memref_slice %arg4[%add3A_96, %dma_start3A_107] : memref<2560x128xi32, #tpu.memory_space<hbm>> -> memref<1x128xi32, #tpu.memory_space<hbm>>
      %dma_start3A_109 = tpu.memref_squeeze %dma_start3A_108 : memref<1x128xi32, #tpu.memory_space<hbm>> -> memref<128xi32, #tpu.memory_space<hbm>>
      tpu.enqueue_dma source(%dma_start3A_109 : memref<128xi32, #tpu.memory_space<hbm>>) target(%dma_start3A_106 : memref<128xi32, #tpu.memory_space<vmem>>) target_semaphore(%arg19 : memref<!tpu.dma_semaphore, #tpu.memory_space<semaphore_mem>>)
      %add3A_110 = arith.constant 3 : i32
      %add3A_111 = arith.addi %mul3A_0, %add3A_110 : i32
      %dma_start3A_112 = arith.constant 0 : i32
      %dma_start3A_113 = tpu.memref_slice %arg5[%add3A_111, %dma_start3A_112] : memref<2560x128xi32, #tpu.memory_space<hbm>> -> memref<1x128xi32, #tpu.memory_space<hbm>>
      %dma_start3A_114 = tpu.memref_squeeze %dma_start3A_113 : memref<1x128xi32, #tpu.memory_space<hbm>> -> memref<128xi32, #tpu.memory_space<hbm>>
      %dma_start3A_115 = arith.constant 0 : i32
      %dma_start3A_116 = tpu.memref_slice %arg5[%add3A_111, %dma_start3A_115] : memref<2560x128xi32, #tpu.memory_space<hbm>> -> memref<1x128xi32, #tpu.memory_space<hbm>>
      %dma_start3A_117 = tpu.memref_squeeze %dma_start3A_116 : memref<1x128xi32, #tpu.memory_space<hbm>> -> memref<128xi32, #tpu.memory_space<hbm>>
      tpu.enqueue_dma source(%dma_start3A_117 : memref<128xi32, #tpu.memory_space<hbm>>) target(%arg13 : memref<128xi32, #tpu.memory_space<vmem>>) target_semaphore(%arg19 : memref<!tpu.dma_semaphore, #tpu.memory_space<semaphore_mem>>)
      %dma_wait3A = arith.constant 0 : i32
      %dma_wait3A_118 = arith.constant 0 : i32
      %dma_wait3A_119 = tpu.memref_slice %arg9[%dma_wait3A, %dma_wait3A_118] : memref<4x128xi32, #tpu.memory_space<vmem>> -> memref<1x128xi32, #tpu.memory_space<vmem>>
      %dma_wait3A_120 = tpu.memref_squeeze %dma_wait3A_119 : memref<1x128xi32, #tpu.memory_space<vmem>> -> memref<128xi32, #tpu.memory_space<vmem>>
      %dma_wait3A_121 = arith.constant 0 : i32
      %dma_wait3A_122 = tpu.memref_slice %arg4[%mul3A_0, %dma_wait3A_121] : memref<2560x128xi32, #tpu.memory_space<hbm>> -> memref<1x128xi32, #tpu.memory_space<hbm>>
      %dma_wait3A_123 = tpu.memref_squeeze %dma_wait3A_122 : memref<1x128xi32, #tpu.memory_space<hbm>> -> memref<128xi32, #tpu.memory_space<hbm>>
      %dma_wait3A_124 = arith.constant 0 : i32
      %dma_wait3A_125 = tpu.memref_slice %arg9[%dma_wait3A, %dma_wait3A_124] : memref<4x128xi32, #tpu.memory_space<vmem>> -> memref<1x128xi32, #tpu.memory_space<vmem>>
      %dma_wait3A_126 = tpu.memref_squeeze %dma_wait3A_125 : memref<1x128xi32, #tpu.memory_space<vmem>> -> memref<128xi32, #tpu.memory_space<vmem>>
      %dma_wait3A_127 = arith.constant 0 : i32
      %dma_wait3A_128 = tpu.memref_slice %arg4[%mul3A_0, %dma_wait3A_127] : memref<2560x128xi32, #tpu.memory_space<hbm>> -> memref<1x128xi32, #tpu.memory_space<hbm>>
      %dma_wait3A_129 = tpu.memref_squeeze %dma_wait3A_128 : memref<1x128xi32, #tpu.memory_space<hbm>> -> memref<128xi32, #tpu.memory_space<hbm>>
      tpu.wait_dma2 semaphore(%arg16 : memref<!tpu.dma_semaphore, #tpu.memory_space<semaphore_mem>>) src(%dma_wait3A_129 : memref<128xi32, #tpu.memory_space<hbm>>) dst(%dma_wait3A_126 : memref<128xi32, #tpu.memory_space<vmem>>)
      %dma_wait3A_130 = arith.constant 0 : i32
      %dma_wait3A_131 = tpu.memref_slice %arg5[%mul3A_0, %dma_wait3A_130] : memref<2560x128xi32, #tpu.memory_space<hbm>> -> memref<1x128xi32, #tpu.memory_space<hbm>>
      %dma_wait3A_132 = tpu.memref_squeeze %dma_wait3A_131 : memref<1x128xi32, #tpu.memory_space<hbm>> -> memref<128xi32, #tpu.memory_space<hbm>>
      %dma_wait3A_133 = arith.constant 0 : i32
      %dma_wait3A_134 = tpu.memref_slice %arg5[%mul3A_0, %dma_wait3A_133] : memref<2560x128xi32, #tpu.memory_space<hbm>> -> memref<1x128xi32, #tpu.memory_space<hbm>>
      %dma_wait3A_135 = tpu.memref_squeeze %dma_wait3A_134 : memref<1x128xi32, #tpu.memory_space<hbm>> -> memref<128xi32, #tpu.memory_space<hbm>>
      tpu.wait_dma2 semaphore(%arg16 : memref<!tpu.dma_semaphore, #tpu.memory_space<semaphore_mem>>) src(%dma_wait3A_135 : memref<128xi32, #tpu.memory_space<hbm>>) dst(%arg10 : memref<128xi32, #tpu.memory_space<vmem>>)
      %dma_start3A_136 = arith.constant 0 : i32
      %dma_start3A_137 = arith.constant 0 : i32
      %dma_start3A_138 = tpu.memref_slice %arg9[%dma_start3A_136, %dma_start3A_137] : memref<4x128xi32, #tpu.memory_space<vmem>> -> memref<1x128xi32, #tpu.memory_space<vmem>>
      %dma_start3A_139 = tpu.memref_squeeze %dma_start3A_138 : memref<1x128xi32, #tpu.memory_space<vmem>> -> memref<128xi32, #tpu.memory_space<vmem>>
      %dma_start3A_140 = arith.constant 0 : i32
      %dma_start3A_141 = arith.constant 0 : i32
      %dma_start3A_142 = tpu.memref_slice %arg2[%dma_start3A_140, %dma_start3A_141] : memref<10000x128xf32, #tpu.memory_space<hbm>> -> memref<10000x128xf32, #tpu.memory_space<hbm>>
      tpu.enqueue_indirect_dma source(%dma_start3A_142 : memref<10000x128xf32, #tpu.memory_space<hbm>>) target(%arg14 : memref<128x128xf32, #tpu.memory_space<vmem>>) offsets(%dma_start3A_139 : memref<128xi32, #tpu.memory_space<vmem>>) semaphore(%arg20 : memref<!tpu.dma_semaphore, #tpu.memory_space<semaphore_mem>>)
      %dma_wait3A_143 = arith.constant 1 : i32
      %dma_wait3A_144 = arith.constant 0 : i32
      %dma_wait3A_145 = tpu.memref_slice %arg9[%dma_wait3A_143, %dma_wait3A_144] : memref<4x128xi32, #tpu.memory_space<vmem>> -> memref<1x128xi32, #tpu.memory_space<vmem>>
      %dma_wait3A_146 = tpu.memref_squeeze %dma_wait3A_145 : memref<1x128xi32, #tpu.memory_space<vmem>> -> memref<128xi32, #tpu.memory_space<vmem>>
      %dma_wait3A_147 = arith.constant 0 : i32
      %dma_wait3A_148 = tpu.memref_slice %arg4[%mul3A_0, %dma_wait3A_147] : memref<2560x128xi32, #tpu.memory_space<hbm>> -> memref<1x128xi32, #tpu.memory_space<hbm>>
      %dma_wait3A_149 = tpu.memref_squeeze %dma_wait3A_148 : memref<1x128xi32, #tpu.memory_space<hbm>> -> memref<128xi32, #tpu.memory_space<hbm>>
      %dma_wait3A_150 = arith.constant 0 : i32
      %dma_wait3A_151 = tpu.memref_slice %arg9[%dma_wait3A_143, %dma_wait3A_150] : memref<4x128xi32, #tpu.memory_space<vmem>> -> memref<1x128xi32, #tpu.memory_space<vmem>>
      %dma_wait3A_152 = tpu.memref_squeeze %dma_wait3A_151 : memref<1x128xi32, #tpu.memory_space<vmem>> -> memref<128xi32, #tpu.memory_space<vmem>>
      %dma_wait3A_153 = arith.constant 0 : i32
      %dma_wait3A_154 = tpu.memref_slice %arg4[%mul3A_0, %dma_wait3A_153] : memref<2560x128xi32, #tpu.memory_space<hbm>> -> memref<1x128xi32, #tpu.memory_space<hbm>>
      %dma_wait3A_155 = tpu.memref_squeeze %dma_wait3A_154 : memref<1x128xi32, #tpu.memory_space<hbm>> -> memref<128xi32, #tpu.memory_space<hbm>>
      tpu.wait_dma2 semaphore(%arg17 : memref<!tpu.dma_semaphore, #tpu.memory_space<semaphore_mem>>) src(%dma_wait3A_155 : memref<128xi32, #tpu.memory_space<hbm>>) dst(%dma_wait3A_152 : memref<128xi32, #tpu.memory_space<vmem>>)
      %dma_wait3A_156 = arith.constant 0 : i32
      %dma_wait3A_157 = tpu.memref_slice %arg5[%mul3A_0, %dma_wait3A_156] : memref<2560x128xi32, #tpu.memory_space<hbm>> -> memref<1x128xi32, #tpu.memory_space<hbm>>
      %dma_wait3A_158 = tpu.memref_squeeze %dma_wait3A_157 : memref<1x128xi32, #tpu.memory_space<hbm>> -> memref<128xi32, #tpu.memory_space<hbm>>
      %dma_wait3A_159 = arith.constant 0 : i32
      %dma_wait3A_160 = tpu.memref_slice %arg5[%mul3A_0, %dma_wait3A_159] : memref<2560x128xi32, #tpu.memory_space<hbm>> -> memref<1x128xi32, #tpu.memory_space<hbm>>
      %dma_wait3A_161 = tpu.memref_squeeze %dma_wait3A_160 : memref<1x128xi32, #tpu.memory_space<hbm>> -> memref<128xi32, #tpu.memory_space<hbm>>
      tpu.wait_dma2 semaphore(%arg17 : memref<!tpu.dma_semaphore, #tpu.memory_space<semaphore_mem>>) src(%dma_wait3A_161 : memref<128xi32, #tpu.memory_space<hbm>>) dst(%arg11 : memref<128xi32, #tpu.memory_space<vmem>>)
      %dma_start3A_162 = arith.constant 1 : i32
      %dma_start3A_163 = arith.constant 0 : i32
      %dma_start3A_164 = tpu.memref_slice %arg9[%dma_start3A_162, %dma_start3A_163] : memref<4x128xi32, #tpu.memory_space<vmem>> -> memref<1x128xi32, #tpu.memory_space<vmem>>
      %dma_start3A_165 = tpu.memref_squeeze %dma_start3A_164 : memref<1x128xi32, #tpu.memory_space<vmem>> -> memref<128xi32, #tpu.memory_space<vmem>>
      %dma_start3A_166 = arith.constant 0 : i32
      %dma_start3A_167 = arith.constant 0 : i32
      %dma_start3A_168 = tpu.memref_slice %arg2[%dma_start3A_166, %dma_start3A_167] : memref<10000x128xf32, #tpu.memory_space<hbm>> -> memref<10000x128xf32, #tpu.memory_space<hbm>>
      tpu.enqueue_indirect_dma source(%dma_start3A_168 : memref<10000x128xf32, #tpu.memory_space<hbm>>) target(%arg15 : memref<128x128xf32, #tpu.memory_space<vmem>>) offsets(%dma_start3A_165 : memref<128xi32, #tpu.memory_space<vmem>>) semaphore(%arg21 : memref<!tpu.dma_semaphore, #tpu.memory_space<semaphore_mem>>)
      %barrier3A = arith.constant 0 : index
      tpu.barrier barrier_id(%barrier3A)
      %scan3A = arith.constant 0 : i32
      %scan3A_169 = arith.constant 0 : i32
      %scan3A_170 = arith.constant 40 : i32
      %scan3A_171 = arith.addi %scan3A_169, %scan3A_170 : i32
      %scan3A_172 = arith.constant 1 : i32
      scf.for %scan3A_179 = %scan3A_169 to %scan3A_171 step %scan3A_172  : i32 {
        %mul3A_180 = arith.constant 4 : i32
        %mul3A_181 = arith.muli %mul3A_180, %scan3A_179 : i32
        %add3A_182 = arith.constant 0 : i32
        %add3A_183 = arith.addi %mul3A_181, %add3A_182 : i32
        %dma_wait3A_184 = arith.constant 0 : i32
        %dma_wait3A_185 = arith.constant 0 : i32
        %dma_wait3A_186 = tpu.memref_slice %arg9[%dma_wait3A_184, %dma_wait3A_185] : memref<4x128xi32, #tpu.memory_space<vmem>> -> memref<1x128xi32, #tpu.memory_space<vmem>>
        %dma_wait3A_187 = tpu.memref_squeeze %dma_wait3A_186 : memref<1x128xi32, #tpu.memory_space<vmem>> -> memref<128xi32, #tpu.memory_space<vmem>>
        %dma_wait3A_188 = arith.constant 0 : i32
        %dma_wait3A_189 = arith.constant 0 : i32
        %dma_wait3A_190 = tpu.memref_slice %arg2[%dma_wait3A_188, %dma_wait3A_189] : memref<10000x128xf32, #tpu.memory_space<hbm>> -> memref<10000x128xf32, #tpu.memory_space<hbm>>
        tpu.wait_indirect_dma semaphore(%arg20 : memref<!tpu.dma_semaphore, #tpu.memory_space<semaphore_mem>>) src(%dma_wait3A_190 : memref<10000x128xf32, #tpu.memory_space<hbm>>) dst(%arg14 : memref<128x128xf32, #tpu.memory_space<vmem>>)
        "tpu.region"() ({
          %run_scoped3A = tpu.sem_alloc : memref<!tpu.dma_semaphore, #tpu.memory_space<semaphore_mem>>
          %dma_start3A_279 = arith.constant 0 : i32
          %dma_start3A_280 = arith.constant 0 : i32
          %dma_start3A_281 = tpu.memref_slice %arg22[%dma_start3A_279, %dma_start3A_280] : memref<10240x128xf32, #tpu.memory_space<vmem_shared>> -> memref<10240x128xf32, #tpu.memory_space<vmem_shared>>
          tpu.enqueue_indirect_dma source(%arg14 : memref<128x128xf32, #tpu.memory_space<vmem>>) target(%dma_start3A_281 : memref<10240x128xf32, #tpu.memory_space<vmem_shared>>) offsets(%arg10 : memref<128xi32, #tpu.memory_space<vmem>>) semaphore(%run_scoped3A : memref<!tpu.dma_semaphore, #tpu.memory_space<semaphore_mem>>) {add = true}
          %dma_wait3A_282 = arith.constant 0 : i32
          %dma_wait3A_283 = arith.constant 0 : i32
          %dma_wait3A_284 = tpu.memref_slice %arg22[%dma_wait3A_282, %dma_wait3A_283] : memref<10240x128xf32, #tpu.memory_space<vmem_shared>> -> memref<10240x128xf32, #tpu.memory_space<vmem_shared>>
          tpu.wait_indirect_dma semaphore(%run_scoped3A : memref<!tpu.dma_semaphore, #tpu.memory_space<semaphore_mem>>) src(%arg14 : memref<128x128xf32, #tpu.memory_space<vmem>>) dst(%dma_wait3A_284 : memref<10240x128xf32, #tpu.memory_space<vmem_shared>>)
          tpu.yield
        }) : () -> ()
        %add3A_191 = arith.constant 4 : i32
        %add3A_192 = arith.addi %add3A_183, %add3A_191 : i32
        %lt3A = arith.constant 160 : i32
        %lt3A_193 = arith.cmpi slt, %add3A_192, %lt3A : i32
        %convert_element_type3A_194 = arith.extui %lt3A_193 : i1 to i32
        %cond3A_195 = arith.constant 0 : i32
        %cond3A_196 = arith.cmpi ne, %convert_element_type3A_194, %cond3A_195 : i32
        scf.if %cond3A_196 {
          %add3A_279 = arith.constant 4 : i32
          %add3A_280 = arith.addi %add3A_183, %add3A_279 : i32
          %add3A_281 = arith.addi %mul3A_0, %add3A_280 : i32
          %dma_start3A_282 = arith.constant 0 : i32
          %dma_start3A_283 = arith.constant 0 : i32
          %dma_start3A_284 = tpu.memref_slice %arg9[%dma_start3A_282, %dma_start3A_283] : memref<4x128xi32, #tpu.memory_space<vmem>> -> memref<1x128xi32, #tpu.memory_space<vmem>>
          %dma_start3A_285 = tpu.memref_squeeze %dma_start3A_284 : memref<1x128xi32, #tpu.memory_space<vmem>> -> memref<128xi32, #tpu.memory_space<vmem>>
          %dma_start3A_286 = arith.constant 0 : i32
          %dma_start3A_287 = tpu.memref_slice %arg4[%add3A_281, %dma_start3A_286] : memref<2560x128xi32, #tpu.memory_space<hbm>> -> memref<1x128xi32, #tpu.memory_space<hbm>>
          %dma_start3A_288 = tpu.memref_squeeze %dma_start3A_287 : memref<1x128xi32, #tpu.memory_space<hbm>> -> memref<128xi32, #tpu.memory_space<hbm>>
          %dma_start3A_289 = arith.constant 0 : i32
          %dma_start3A_290 = tpu.memref_slice %arg9[%dma_start3A_282, %dma_start3A_289] : memref<4x128xi32, #tpu.memory_space<vmem>> -> memref<1x128xi32, #tpu.memory_space<vmem>>
          %dma_start3A_291 = tpu.memref_squeeze %dma_start3A_290 : memref<1x128xi32, #tpu.memory_space<vmem>> -> memref<128xi32, #tpu.memory_space<vmem>>
          %dma_start3A_292 = arith.constant 0 : i32
          %dma_start3A_293 = tpu.memref_slice %arg4[%add3A_281, %dma_start3A_292] : memref<2560x128xi32, #tpu.memory_space<hbm>> -> memref<1x128xi32, #tpu.memory_space<hbm>>
          %dma_start3A_294 = tpu.memref_squeeze %dma_start3A_293 : memref<1x128xi32, #tpu.memory_space<hbm>> -> memref<128xi32, #tpu.memory_space<hbm>>
          tpu.enqueue_dma source(%dma_start3A_294 : memref<128xi32, #tpu.memory_space<hbm>>) target(%dma_start3A_291 : memref<128xi32, #tpu.memory_space<vmem>>) target_semaphore(%arg16 : memref<!tpu.dma_semaphore, #tpu.memory_space<semaphore_mem>>)
          %add3A_295 = arith.addi %mul3A_0, %add3A_280 : i32
          %dma_start3A_296 = arith.constant 0 : i32
          %dma_start3A_297 = tpu.memref_slice %arg5[%add3A_295, %dma_start3A_296] : memref<2560x128xi32, #tpu.memory_space<hbm>> -> memref<1x128xi32, #tpu.memory_space<hbm>>
          %dma_start3A_298 = tpu.memref_squeeze %dma_start3A_297 : memref<1x128xi32, #tpu.memory_space<hbm>> -> memref<128xi32, #tpu.memory_space<hbm>>
          %dma_start3A_299 = arith.constant 0 : i32
          %dma_start3A_300 = tpu.memref_slice %arg5[%add3A_295, %dma_start3A_299] : memref<2560x128xi32, #tpu.memory_space<hbm>> -> memref<1x128xi32, #tpu.memory_space<hbm>>
          %dma_start3A_301 = tpu.memref_squeeze %dma_start3A_300 : memref<1x128xi32, #tpu.memory_space<hbm>> -> memref<128xi32, #tpu.memory_space<hbm>>
          tpu.enqueue_dma source(%dma_start3A_301 : memref<128xi32, #tpu.memory_space<hbm>>) target(%arg10 : memref<128xi32, #tpu.memory_space<vmem>>) target_semaphore(%arg16 : memref<!tpu.dma_semaphore, #tpu.memory_space<semaphore_mem>>)
        } else {
        }
        %add3A_197 = arith.constant 2 : i32
        %add3A_198 = arith.addi %add3A_183, %add3A_197 : i32
        %lt3A_199 = arith.constant 160 : i32
        %lt3A_200 = arith.cmpi slt, %add3A_198, %lt3A_199 : i32
        %convert_element_type3A_201 = arith.extui %lt3A_200 : i1 to i32
        %cond3A_202 = arith.constant 0 : i32
        %cond3A_203 = arith.cmpi ne, %convert_element_type3A_201, %cond3A_202 : i32
        scf.if %cond3A_203 {
          %dma_wait3A_279 = arith.constant 2 : i32
          %dma_wait3A_280 = arith.constant 0 : i32
          %dma_wait3A_281 = tpu.memref_slice %arg9[%dma_wait3A_279, %dma_wait3A_280] : memref<4x128xi32, #tpu.memory_space<vmem>> -> memref<1x128xi32, #tpu.memory_space<vmem>>
          %dma_wait3A_282 = tpu.memref_squeeze %dma_wait3A_281 : memref<1x128xi32, #tpu.memory_space<vmem>> -> memref<128xi32, #tpu.memory_space<vmem>>
          %dma_wait3A_283 = arith.constant 0 : i32
          %dma_wait3A_284 = tpu.memref_slice %arg4[%mul3A_0, %dma_wait3A_283] : memref<2560x128xi32, #tpu.memory_space<hbm>> -> memref<1x128xi32, #tpu.memory_space<hbm>>
          %dma_wait3A_285 = tpu.memref_squeeze %dma_wait3A_284 : memref<1x128xi32, #tpu.memory_space<hbm>> -> memref<128xi32, #tpu.memory_space<hbm>>
          %dma_wait3A_286 = arith.constant 0 : i32
          %dma_wait3A_287 = tpu.memref_slice %arg9[%dma_wait3A_279, %dma_wait3A_286] : memref<4x128xi32, #tpu.memory_space<vmem>> -> memref<1x128xi32, #tpu.memory_space<vmem>>
          %dma_wait3A_288 = tpu.memref_squeeze %dma_wait3A_287 : memref<1x128xi32, #tpu.memory_space<vmem>> -> memref<128xi32, #tpu.memory_space<vmem>>
          %dma_wait3A_289 = arith.constant 0 : i32
          %dma_wait3A_290 = tpu.memref_slice %arg4[%mul3A_0, %dma_wait3A_289] : memref<2560x128xi32, #tpu.memory_space<hbm>> -> memref<1x128xi32, #tpu.memory_space<hbm>>
          %dma_wait3A_291 = tpu.memref_squeeze %dma_wait3A_290 : memref<1x128xi32, #tpu.memory_space<hbm>> -> memref<128xi32, #tpu.memory_space<hbm>>
          tpu.wait_dma2 semaphore(%arg18 : memref<!tpu.dma_semaphore, #tpu.memory_space<semaphore_mem>>) src(%dma_wait3A_291 : memref<128xi32, #tpu.memory_space<hbm>>) dst(%dma_wait3A_288 : memref<128xi32, #tpu.memory_space<vmem>>)
          %dma_wait3A_292 = arith.constant 0 : i32
          %dma_wait3A_293 = tpu.memref_slice %arg5[%mul3A_0, %dma_wait3A_292] : memref<2560x128xi32, #tpu.memory_space<hbm>> -> memref<1x128xi32, #tpu.memory_space<hbm>>
          %dma_wait3A_294 = tpu.memref_squeeze %dma_wait3A_293 : memref<1x128xi32, #tpu.memory_space<hbm>> -> memref<128xi32, #tpu.memory_space<hbm>>
          %dma_wait3A_295 = arith.constant 0 : i32
          %dma_wait3A_296 = tpu.memref_slice %arg5[%mul3A_0, %dma_wait3A_295] : memref<2560x128xi32, #tpu.memory_space<hbm>> -> memref<1x128xi32, #tpu.memory_space<hbm>>
          %dma_wait3A_297 = tpu.memref_squeeze %dma_wait3A_296 : memref<1x128xi32, #tpu.memory_space<hbm>> -> memref<128xi32, #tpu.memory_space<hbm>>
          tpu.wait_dma2 semaphore(%arg18 : memref<!tpu.dma_semaphore, #tpu.memory_space<semaphore_mem>>) src(%dma_wait3A_297 : memref<128xi32, #tpu.memory_space<hbm>>) dst(%arg12 : memref<128xi32, #tpu.memory_space<vmem>>)
          %dma_start3A_298 = arith.constant 2 : i32
          %dma_start3A_299 = arith.constant 0 : i32
          %dma_start3A_300 = tpu.memref_slice %arg9[%dma_start3A_298, %dma_start3A_299] : memref<4x128xi32, #tpu.memory_space<vmem>> -> memref<1x128xi32, #tpu.memory_space<vmem>>
          %dma_start3A_301 = tpu.memref_squeeze %dma_start3A_300 : memref<1x128xi32, #tpu.memory_space<vmem>> -> memref<128xi32, #tpu.memory_space<vmem>>
          %dma_start3A_302 = arith.constant 0 : i32
          %dma_start3A_303 = arith.constant 0 : i32
          %dma_start3A_304 = tpu.memref_slice %arg2[%dma_start3A_302, %dma_start3A_303] : memref<10000x128xf32, #tpu.memory_space<hbm>> -> memref<10000x128xf32, #tpu.memory_space<hbm>>
          tpu.enqueue_indirect_dma source(%dma_start3A_304 : memref<10000x128xf32, #tpu.memory_space<hbm>>) target(%arg14 : memref<128x128xf32, #tpu.memory_space<vmem>>) offsets(%dma_start3A_301 : memref<128xi32, #tpu.memory_space<vmem>>) semaphore(%arg20 : memref<!tpu.dma_semaphore, #tpu.memory_space<semaphore_mem>>)
        } else {
        }
        %mul3A_204 = arith.constant 4 : i32
        %mul3A_205 = arith.muli %mul3A_204, %scan3A_179 : i32
        %add3A_206 = arith.constant 1 : i32
        %add3A_207 = arith.addi %mul3A_205, %add3A_206 : i32
        %dma_wait3A_208 = arith.constant 0 : i32
        %dma_wait3A_209 = arith.constant 0 : i32
        %dma_wait3A_210 = tpu.memref_slice %arg9[%dma_wait3A_208, %dma_wait3A_209] : memref<4x128xi32, #tpu.memory_space<vmem>> -> memref<1x128xi32, #tpu.memory_space<vmem>>
        %dma_wait3A_211 = tpu.memref_squeeze %dma_wait3A_210 : memref<1x128xi32, #tpu.memory_space<vmem>> -> memref<128xi32, #tpu.memory_space<vmem>>
        %dma_wait3A_212 = arith.constant 0 : i32
        %dma_wait3A_213 = arith.constant 0 : i32
        %dma_wait3A_214 = tpu.memref_slice %arg2[%dma_wait3A_212, %dma_wait3A_213] : memref<10000x128xf32, #tpu.memory_space<hbm>> -> memref<10000x128xf32, #tpu.memory_space<hbm>>
        tpu.wait_indirect_dma semaphore(%arg21 : memref<!tpu.dma_semaphore, #tpu.memory_space<semaphore_mem>>) src(%dma_wait3A_214 : memref<10000x128xf32, #tpu.memory_space<hbm>>) dst(%arg15 : memref<128x128xf32, #tpu.memory_space<vmem>>)
        "tpu.region"() ({
          %run_scoped3A = tpu.sem_alloc : memref<!tpu.dma_semaphore, #tpu.memory_space<semaphore_mem>>
          %dma_start3A_279 = arith.constant 0 : i32
          %dma_start3A_280 = arith.constant 0 : i32
          %dma_start3A_281 = tpu.memref_slice %arg22[%dma_start3A_279, %dma_start3A_280] : memref<10240x128xf32, #tpu.memory_space<vmem_shared>> -> memref<10240x128xf32, #tpu.memory_space<vmem_shared>>
          tpu.enqueue_indirect_dma source(%arg15 : memref<128x128xf32, #tpu.memory_space<vmem>>) target(%dma_start3A_281 : memref<10240x128xf32, #tpu.memory_space<vmem_shared>>) offsets(%arg11 : memref<128xi32, #tpu.memory_space<vmem>>) semaphore(%run_scoped3A : memref<!tpu.dma_semaphore, #tpu.memory_space<semaphore_mem>>) {add = true}
          %dma_wait3A_282 = arith.constant 0 : i32
          %dma_wait3A_283 = arith.constant 0 : i32
          %dma_wait3A_284 = tpu.memref_slice %arg22[%dma_wait3A_282, %dma_wait3A_283] : memref<10240x128xf32, #tpu.memory_space<vmem_shared>> -> memref<10240x128xf32, #tpu.memory_space<vmem_shared>>
          tpu.wait_indirect_dma semaphore(%run_scoped3A : memref<!tpu.dma_semaphore, #tpu.memory_space<semaphore_mem>>) src(%arg15 : memref<128x128xf32, #tpu.memory_space<vmem>>) dst(%dma_wait3A_284 : memref<10240x128xf32, #tpu.memory_space<vmem_shared>>)
          tpu.yield
        }) : () -> ()
        %add3A_215 = arith.constant 4 : i32
        %add3A_216 = arith.addi %add3A_207, %add3A_215 : i32
        %lt3A_217 = arith.constant 160 : i32
        %lt3A_218 = arith.cmpi slt, %add3A_216, %lt3A_217 : i32
        %convert_element_type3A_219 = arith.extui %lt3A_218 : i1 to i32
        %cond3A_220 = arith.constant 0 : i32
        %cond3A_221 = arith.cmpi ne, %convert_element_type3A_219, %cond3A_220 : i32
        scf.if %cond3A_221 {
          %add3A_279 = arith.constant 4 : i32
          %add3A_280 = arith.addi %add3A_207, %add3A_279 : i32
          %add3A_281 = arith.addi %mul3A_0, %add3A_280 : i32
          %dma_start3A_282 = arith.constant 1 : i32
          %dma_start3A_283 = arith.constant 0 : i32
          %dma_start3A_284 = tpu.memref_slice %arg9[%dma_start3A_282, %dma_start3A_283] : memref<4x128xi32, #tpu.memory_space<vmem>> -> memref<1x128xi32, #tpu.memory_space<vmem>>
          %dma_start3A_285 = tpu.memref_squeeze %dma_start3A_284 : memref<1x128xi32, #tpu.memory_space<vmem>> -> memref<128xi32, #tpu.memory_space<vmem>>
          %dma_start3A_286 = arith.constant 0 : i32
          %dma_start3A_287 = tpu.memref_slice %arg4[%add3A_281, %dma_start3A_286] : memref<2560x128xi32, #tpu.memory_space<hbm>> -> memref<1x128xi32, #tpu.memory_space<hbm>>
          %dma_start3A_288 = tpu.memref_squeeze %dma_start3A_287 : memref<1x128xi32, #tpu.memory_space<hbm>> -> memref<128xi32, #tpu.memory_space<hbm>>
          %dma_start3A_289 = arith.constant 0 : i32
          %dma_start3A_290 = tpu.memref_slice %arg9[%dma_start3A_282, %dma_start3A_289] : memref<4x128xi32, #tpu.memory_space<vmem>> -> memref<1x128xi32, #tpu.memory_space<vmem>>
          %dma_start3A_291 = tpu.memref_squeeze %dma_start3A_290 : memref<1x128xi32, #tpu.memory_space<vmem>> -> memref<128xi32, #tpu.memory_space<vmem>>
          %dma_start3A_292 = arith.constant 0 : i32
          %dma_start3A_293 = tpu.memref_slice %arg4[%add3A_281, %dma_start3A_292] : memref<2560x128xi32, #tpu.memory_space<hbm>> -> memref<1x128xi32, #tpu.memory_space<hbm>>
          %dma_start3A_294 = tpu.memref_squeeze %dma_start3A_293 : memref<1x128xi32, #tpu.memory_space<hbm>> -> memref<128xi32, #tpu.memory_space<hbm>>
          tpu.enqueue_dma source(%dma_start3A_294 : memref<128xi32, #tpu.memory_space<hbm>>) target(%dma_start3A_291 : memref<128xi32, #tpu.memory_space<vmem>>) target_semaphore(%arg17 : memref<!tpu.dma_semaphore, #tpu.memory_space<semaphore_mem>>)
          %add3A_295 = arith.addi %mul3A_0, %add3A_280 : i32
          %dma_start3A_296 = arith.constant 0 : i32
          %dma_start3A_297 = tpu.memref_slice %arg5[%add3A_295, %dma_start3A_296] : memref<2560x128xi32, #tpu.memory_space<hbm>> -> memref<1x128xi32, #tpu.memory_space<hbm>>
          %dma_start3A_298 = tpu.memref_squeeze %dma_start3A_297 : memref<1x128xi32, #tpu.memory_space<hbm>> -> memref<128xi32, #tpu.memory_space<hbm>>
          %dma_start3A_299 = arith.constant 0 : i32
          %dma_start3A_300 = tpu.memref_slice %arg5[%add3A_295, %dma_start3A_299] : memref<2560x128xi32, #tpu.memory_space<hbm>> -> memref<1x128xi32, #tpu.memory_space<hbm>>
          %dma_start3A_301 = tpu.memref_squeeze %dma_start3A_300 : memref<1x128xi32, #tpu.memory_space<hbm>> -> memref<128xi32, #tpu.memory_space<hbm>>
          tpu.enqueue_dma source(%dma_start3A_301 : memref<128xi32, #tpu.memory_space<hbm>>) target(%arg11 : memref<128xi32, #tpu.memory_space<vmem>>) target_semaphore(%arg17 : memref<!tpu.dma_semaphore, #tpu.memory_space<semaphore_mem>>)
        } else {
        }
        %add3A_222 = arith.constant 2 : i32
        %add3A_223 = arith.addi %add3A_207, %add3A_222 : i32
        %lt3A_224 = arith.constant 160 : i32
        %lt3A_225 = arith.cmpi slt, %add3A_223, %lt3A_224 : i32
        %convert_element_type3A_226 = arith.extui %lt3A_225 : i1 to i32
        %cond3A_227 = arith.constant 0 : i32
        %cond3A_228 = arith.cmpi ne, %convert_element_type3A_226, %cond3A_227 : i32
        scf.if %cond3A_228 {
          %dma_wait3A_279 = arith.constant 3 : i32
          %dma_wait3A_280 = arith.constant 0 : i32
          %dma_wait3A_281 = tpu.memref_slice %arg9[%dma_wait3A_279, %dma_wait3A_280] : memref<4x128xi32, #tpu.memory_space<vmem>> -> memref<1x128xi32, #tpu.memory_space<vmem>>
          %dma_wait3A_282 = tpu.memref_squeeze %dma_wait3A_281 : memref<1x128xi32, #tpu.memory_space<vmem>> -> memref<128xi32, #tpu.memory_space<vmem>>
          %dma_wait3A_283 = arith.constant 0 : i32
          %dma_wait3A_284 = tpu.memref_slice %arg4[%mul3A_0, %dma_wait3A_283] : memref<2560x128xi32, #tpu.memory_space<hbm>> -> memref<1x128xi32, #tpu.memory_space<hbm>>
          %dma_wait3A_285 = tpu.memref_squeeze %dma_wait3A_284 : memref<1x128xi32, #tpu.memory_space<hbm>> -> memref<128xi32, #tpu.memory_space<hbm>>
          %dma_wait3A_286 = arith.constant 0 : i32
          %dma_wait3A_287 = tpu.memref_slice %arg9[%dma_wait3A_279, %dma_wait3A_286] : memref<4x128xi32, #tpu.memory_space<vmem>> -> memref<1x128xi32, #tpu.memory_space<vmem>>
          %dma_wait3A_288 = tpu.memref_squeeze %dma_wait3A_287 : memref<1x128xi32, #tpu.memory_space<vmem>> -> memref<128xi32, #tpu.memory_space<vmem>>
          %dma_wait3A_289 = arith.constant 0 : i32
          %dma_wait3A_290 = tpu.memref_slice %arg4[%mul3A_0, %dma_wait3A_289] : memref<2560x128xi32, #tpu.memory_space<hbm>> -> memref<1x128xi32, #tpu.memory_space<hbm>>
          %dma_wait3A_291 = tpu.memref_squeeze %dma_wait3A_290 : memref<1x128xi32, #tpu.memory_space<hbm>> -> memref<128xi32, #tpu.memory_space<hbm>>
          tpu.wait_dma2 semaphore(%arg19 : memref<!tpu.dma_semaphore, #tpu.memory_space<semaphore_mem>>) src(%dma_wait3A_291 : memref<128xi32, #tpu.memory_space<hbm>>) dst(%dma_wait3A_288 : memref<128xi32, #tpu.memory_space<vmem>>)
          %dma_wait3A_292 = arith.constant 0 : i32
          %dma_wait3A_293 = tpu.memref_slice %arg5[%mul3A_0, %dma_wait3A_292] : memref<2560x128xi32, #tpu.memory_space<hbm>> -> memref<1x128xi32, #tpu.memory_space<hbm>>
          %dma_wait3A_294 = tpu.memref_squeeze %dma_wait3A_293 : memref<1x128xi32, #tpu.memory_space<hbm>> -> memref<128xi32, #tpu.memory_space<hbm>>
          %dma_wait3A_295 = arith.constant 0 : i32
          %dma_wait3A_296 = tpu.memref_slice %arg5[%mul3A_0, %dma_wait3A_295] : memref<2560x128xi32, #tpu.memory_space<hbm>> -> memref<1x128xi32, #tpu.memory_space<hbm>>
          %dma_wait3A_297 = tpu.memref_squeeze %dma_wait3A_296 : memref<1x128xi32, #tpu.memory_space<hbm>> -> memref<128xi32, #tpu.memory_space<hbm>>
          tpu.wait_dma2 semaphore(%arg19 : memref<!tpu.dma_semaphore, #tpu.memory_space<semaphore_mem>>) src(%dma_wait3A_297 : memref<128xi32, #tpu.memory_space<hbm>>) dst(%arg13 : memref<128xi32, #tpu.memory_space<vmem>>)
          %dma_start3A_298 = arith.constant 3 : i32
          %dma_start3A_299 = arith.constant 0 : i32
          %dma_start3A_300 = tpu.memref_slice %arg9[%dma_start3A_298, %dma_start3A_299] : memref<4x128xi32, #tpu.memory_space<vmem>> -> memref<1x128xi32, #tpu.memory_space<vmem>>
          %dma_start3A_301 = tpu.memref_squeeze %dma_start3A_300 : memref<1x128xi32, #tpu.memory_space<vmem>> -> memref<128xi32, #tpu.memory_space<vmem>>
          %dma_start3A_302 = arith.constant 0 : i32
          %dma_start3A_303 = arith.constant 0 : i32
          %dma_start3A_304 = tpu.memref_slice %arg2[%dma_start3A_302, %dma_start3A_303] : memref<10000x128xf32, #tpu.memory_space<hbm>> -> memref<10000x128xf32, #tpu.memory_space<hbm>>
          tpu.enqueue_indirect_dma source(%dma_start3A_304 : memref<10000x128xf32, #tpu.memory_space<hbm>>) target(%arg15 : memref<128x128xf32, #tpu.memory_space<vmem>>) offsets(%dma_start3A_301 : memref<128xi32, #tpu.memory_space<vmem>>) semaphore(%arg21 : memref<!tpu.dma_semaphore, #tpu.memory_space<semaphore_mem>>)
        } else {
        }
        %mul3A_229 = arith.constant 4 : i32
        %mul3A_230 = arith.muli %mul3A_229, %scan3A_179 : i32
        %add3A_231 = arith.constant 2 : i32
        %add3A_232 = arith.addi %mul3A_230, %add3A_231 : i32
        %dma_wait3A_233 = arith.constant 0 : i32
        %dma_wait3A_234 = arith.constant 0 : i32
        %dma_wait3A_235 = tpu.memref_slice %arg9[%dma_wait3A_233, %dma_wait3A_234] : memref<4x128xi32, #tpu.memory_space<vmem>> -> memref<1x128xi32, #tpu.memory_space<vmem>>
        %dma_wait3A_236 = tpu.memref_squeeze %dma_wait3A_235 : memref<1x128xi32, #tpu.memory_space<vmem>> -> memref<128xi32, #tpu.memory_space<vmem>>
        %dma_wait3A_237 = arith.constant 0 : i32
        %dma_wait3A_238 = arith.constant 0 : i32
        %dma_wait3A_239 = tpu.memref_slice %arg2[%dma_wait3A_237, %dma_wait3A_238] : memref<10000x128xf32, #tpu.memory_space<hbm>> -> memref<10000x128xf32, #tpu.memory_space<hbm>>
        tpu.wait_indirect_dma semaphore(%arg20 : memref<!tpu.dma_semaphore, #tpu.memory_space<semaphore_mem>>) src(%dma_wait3A_239 : memref<10000x128xf32, #tpu.memory_space<hbm>>) dst(%arg14 : memref<128x128xf32, #tpu.memory_space<vmem>>)
        "tpu.region"() ({
          %run_scoped3A = tpu.sem_alloc : memref<!tpu.dma_semaphore, #tpu.memory_space<semaphore_mem>>
          %dma_start3A_279 = arith.constant 0 : i32
          %dma_start3A_280 = arith.constant 0 : i32
          %dma_start3A_281 = tpu.memref_slice %arg22[%dma_start3A_279, %dma_start3A_280] : memref<10240x128xf32, #tpu.memory_space<vmem_shared>> -> memref<10240x128xf32, #tpu.memory_space<vmem_shared>>
          tpu.enqueue_indirect_dma source(%arg14 : memref<128x128xf32, #tpu.memory_space<vmem>>) target(%dma_start3A_281 : memref<10240x128xf32, #tpu.memory_space<vmem_shared>>) offsets(%arg12 : memref<128xi32, #tpu.memory_space<vmem>>) semaphore(%run_scoped3A : memref<!tpu.dma_semaphore, #tpu.memory_space<semaphore_mem>>) {add = true}
          %dma_wait3A_282 = arith.constant 0 : i32
          %dma_wait3A_283 = arith.constant 0 : i32
          %dma_wait3A_284 = tpu.memref_slice %arg22[%dma_wait3A_282, %dma_wait3A_283] : memref<10240x128xf32, #tpu.memory_space<vmem_shared>> -> memref<10240x128xf32, #tpu.memory_space<vmem_shared>>
          tpu.wait_indirect_dma semaphore(%run_scoped3A : memref<!tpu.dma_semaphore, #tpu.memory_space<semaphore_mem>>) src(%arg14 : memref<128x128xf32, #tpu.memory_space<vmem>>) dst(%dma_wait3A_284 : memref<10240x128xf32, #tpu.memory_space<vmem_shared>>)
          tpu.yield
        }) : () -> ()
        %add3A_240 = arith.constant 4 : i32
        %add3A_241 = arith.addi %add3A_232, %add3A_240 : i32
        %lt3A_242 = arith.constant 160 : i32
        %lt3A_243 = arith.cmpi slt, %add3A_241, %lt3A_242 : i32
        %convert_element_type3A_244 = arith.extui %lt3A_243 : i1 to i32
        %cond3A_245 = arith.constant 0 : i32
        %cond3A_246 = arith.cmpi ne, %convert_element_type3A_244, %cond3A_245 : i32
        scf.if %cond3A_246 {
          %add3A_279 = arith.constant 4 : i32
          %add3A_280 = arith.addi %add3A_232, %add3A_279 : i32
          %add3A_281 = arith.addi %mul3A_0, %add3A_280 : i32
          %dma_start3A_282 = arith.constant 2 : i32
          %dma_start3A_283 = arith.constant 0 : i32
          %dma_start3A_284 = tpu.memref_slice %arg9[%dma_start3A_282, %dma_start3A_283] : memref<4x128xi32, #tpu.memory_space<vmem>> -> memref<1x128xi32, #tpu.memory_space<vmem>>
          %dma_start3A_285 = tpu.memref_squeeze %dma_start3A_284 : memref<1x128xi32, #tpu.memory_space<vmem>> -> memref<128xi32, #tpu.memory_space<vmem>>
          %dma_start3A_286 = arith.constant 0 : i32
          %dma_start3A_287 = tpu.memref_slice %arg4[%add3A_281, %dma_start3A_286] : memref<2560x128xi32, #tpu.memory_space<hbm>> -> memref<1x128xi32, #tpu.memory_space<hbm>>
          %dma_start3A_288 = tpu.memref_squeeze %dma_start3A_287 : memref<1x128xi32, #tpu.memory_space<hbm>> -> memref<128xi32, #tpu.memory_space<hbm>>
          %dma_start3A_289 = arith.constant 0 : i32
          %dma_start3A_290 = tpu.memref_slice %arg9[%dma_start3A_282, %dma_start3A_289] : memref<4x128xi32, #tpu.memory_space<vmem>> -> memref<1x128xi32, #tpu.memory_space<vmem>>
          %dma_start3A_291 = tpu.memref_squeeze %dma_start3A_290 : memref<1x128xi32, #tpu.memory_space<vmem>> -> memref<128xi32, #tpu.memory_space<vmem>>
          %dma_start3A_292 = arith.constant 0 : i32
          %dma_start3A_293 = tpu.memref_slice %arg4[%add3A_281, %dma_start3A_292] : memref<2560x128xi32, #tpu.memory_space<hbm>> -> memref<1x128xi32, #tpu.memory_space<hbm>>
          %dma_start3A_294 = tpu.memref_squeeze %dma_start3A_293 : memref<1x128xi32, #tpu.memory_space<hbm>> -> memref<128xi32, #tpu.memory_space<hbm>>
          tpu.enqueue_dma source(%dma_start3A_294 : memref<128xi32, #tpu.memory_space<hbm>>) target(%dma_start3A_291 : memref<128xi32, #tpu.memory_space<vmem>>) target_semaphore(%arg18 : memref<!tpu.dma_semaphore, #tpu.memory_space<semaphore_mem>>)
          %add3A_295 = arith.addi %mul3A_0, %add3A_280 : i32
          %dma_start3A_296 = arith.constant 0 : i32
          %dma_start3A_297 = tpu.memref_slice %arg5[%add3A_295, %dma_start3A_296] : memref<2560x128xi32, #tpu.memory_space<hbm>> -> memref<1x128xi32, #tpu.memory_space<hbm>>
          %dma_start3A_298 = tpu.memref_squeeze %dma_start3A_297 : memref<1x128xi32, #tpu.memory_space<hbm>> -> memref<128xi32, #tpu.memory_space<hbm>>
          %dma_start3A_299 = arith.constant 0 : i32
          %dma_start3A_300 = tpu.memref_slice %arg5[%add3A_295, %dma_start3A_299] : memref<2560x128xi32, #tpu.memory_space<hbm>> -> memref<1x128xi32, #tpu.memory_space<hbm>>
          %dma_start3A_301 = tpu.memref_squeeze %dma_start3A_300 : memref<1x128xi32, #tpu.memory_space<hbm>> -> memref<128xi32, #tpu.memory_space<hbm>>
          tpu.enqueue_dma source(%dma_start3A_301 : memref<128xi32, #tpu.memory_space<hbm>>) target(%arg12 : memref<128xi32, #tpu.memory_space<vmem>>) target_semaphore(%arg18 : memref<!tpu.dma_semaphore, #tpu.memory_space<semaphore_mem>>)
        } else {
        }
        %add3A_247 = arith.constant 2 : i32
        %add3A_248 = arith.addi %add3A_232, %add3A_247 : i32
        %lt3A_249 = arith.constant 160 : i32
        %lt3A_250 = arith.cmpi slt, %add3A_248, %lt3A_249 : i32
        %convert_element_type3A_251 = arith.extui %lt3A_250 : i1 to i32
        %cond3A_252 = arith.constant 0 : i32
        %cond3A_253 = arith.cmpi ne, %convert_element_type3A_251, %cond3A_252 : i32
        scf.if %cond3A_253 {
          %dma_wait3A_279 = arith.constant 0 : i32
          %dma_wait3A_280 = arith.constant 0 : i32
          %dma_wait3A_281 = tpu.memref_slice %arg9[%dma_wait3A_279, %dma_wait3A_280] : memref<4x128xi32, #tpu.memory_space<vmem>> -> memref<1x128xi32, #tpu.memory_space<vmem>>
          %dma_wait3A_282 = tpu.memref_squeeze %dma_wait3A_281 : memref<1x128xi32, #tpu.memory_space<vmem>> -> memref<128xi32, #tpu.memory_space<vmem>>
          %dma_wait3A_283 = arith.constant 0 : i32
          %dma_wait3A_284 = tpu.memref_slice %arg4[%mul3A_0, %dma_wait3A_283] : memref<2560x128xi32, #tpu.memory_space<hbm>> -> memref<1x128xi32, #tpu.memory_space<hbm>>
          %dma_wait3A_285 = tpu.memref_squeeze %dma_wait3A_284 : memref<1x128xi32, #tpu.memory_space<hbm>> -> memref<128xi32, #tpu.memory_space<hbm>>
          %dma_wait3A_286 = arith.constant 0 : i32
          %dma_wait3A_287 = tpu.memref_slice %arg9[%dma_wait3A_279, %dma_wait3A_286] : memref<4x128xi32, #tpu.memory_space<vmem>> -> memref<1x128xi32, #tpu.memory_space<vmem>>
          %dma_wait3A_288 = tpu.memref_squeeze %dma_wait3A_287 : memref<1x128xi32, #tpu.memory_space<vmem>> -> memref<128xi32, #tpu.memory_space<vmem>>
          %dma_wait3A_289 = arith.constant 0 : i32
          %dma_wait3A_290 = tpu.memref_slice %arg4[%mul3A_0, %dma_wait3A_289] : memref<2560x128xi32, #tpu.memory_space<hbm>> -> memref<1x128xi32, #tpu.memory_space<hbm>>
          %dma_wait3A_291 = tpu.memref_squeeze %dma_wait3A_290 : memref<1x128xi32, #tpu.memory_space<hbm>> -> memref<128xi32, #tpu.memory_space<hbm>>
          tpu.wait_dma2 semaphore(%arg16 : memref<!tpu.dma_semaphore, #tpu.memory_space<semaphore_mem>>) src(%dma_wait3A_291 : memref<128xi32, #tpu.memory_space<hbm>>) dst(%dma_wait3A_288 : memref<128xi32, #tpu.memory_space<vmem>>)
          %dma_wait3A_292 = arith.constant 0 : i32
          %dma_wait3A_293 = tpu.memref_slice %arg5[%mul3A_0, %dma_wait3A_292] : memref<2560x128xi32, #tpu.memory_space<hbm>> -> memref<1x128xi32, #tpu.memory_space<hbm>>
          %dma_wait3A_294 = tpu.memref_squeeze %dma_wait3A_293 : memref<1x128xi32, #tpu.memory_space<hbm>> -> memref<128xi32, #tpu.memory_space<hbm>>
          %dma_wait3A_295 = arith.constant 0 : i32
          %dma_wait3A_296 = tpu.memref_slice %arg5[%mul3A_0, %dma_wait3A_295] : memref<2560x128xi32, #tpu.memory_space<hbm>> -> memref<1x128xi32, #tpu.memory_space<hbm>>
          %dma_wait3A_297 = tpu.memref_squeeze %dma_wait3A_296 : memref<1x128xi32, #tpu.memory_space<hbm>> -> memref<128xi32, #tpu.memory_space<hbm>>
          tpu.wait_dma2 semaphore(%arg16 : memref<!tpu.dma_semaphore, #tpu.memory_space<semaphore_mem>>) src(%dma_wait3A_297 : memref<128xi32, #tpu.memory_space<hbm>>) dst(%arg10 : memref<128xi32, #tpu.memory_space<vmem>>)
          %dma_start3A_298 = arith.constant 0 : i32
          %dma_start3A_299 = arith.constant 0 : i32
          %dma_start3A_300 = tpu.memref_slice %arg9[%dma_start3A_298, %dma_start3A_299] : memref<4x128xi32, #tpu.memory_space<vmem>> -> memref<1x128xi32, #tpu.memory_space<vmem>>
          %dma_start3A_301 = tpu.memref_squeeze %dma_start3A_300 : memref<1x128xi32, #tpu.memory_space<vmem>> -> memref<128xi32, #tpu.memory_space<vmem>>
          %dma_start3A_302 = arith.constant 0 : i32
          %dma_start3A_303 = arith.constant 0 : i32
          %dma_start3A_304 = tpu.memref_slice %arg2[%dma_start3A_302, %dma_start3A_303] : memref<10000x128xf32, #tpu.memory_space<hbm>> -> memref<10000x128xf32, #tpu.memory_space<hbm>>
          tpu.enqueue_indirect_dma source(%dma_start3A_304 : memref<10000x128xf32, #tpu.memory_space<hbm>>) target(%arg14 : memref<128x128xf32, #tpu.memory_space<vmem>>) offsets(%dma_start3A_301 : memref<128xi32, #tpu.memory_space<vmem>>) semaphore(%arg20 : memref<!tpu.dma_semaphore, #tpu.memory_space<semaphore_mem>>)
        } else {
        }
        %mul3A_254 = arith.constant 4 : i32
        %mul3A_255 = arith.muli %mul3A_254, %scan3A_179 : i32
        %add3A_256 = arith.constant 3 : i32
        %add3A_257 = arith.addi %mul3A_255, %add3A_256 : i32
        %dma_wait3A_258 = arith.constant 0 : i32
        %dma_wait3A_259 = arith.constant 0 : i32
        %dma_wait3A_260 = tpu.memref_slice %arg9[%dma_wait3A_258, %dma_wait3A_259] : memref<4x128xi32, #tpu.memory_space<vmem>> -> memref<1x128xi32, #tpu.memory_space<vmem>>
        %dma_wait3A_261 = tpu.memref_squeeze %dma_wait3A_260 : memref<1x128xi32, #tpu.memory_space<vmem>> -> memref<128xi32, #tpu.memory_space<vmem>>
        %dma_wait3A_262 = arith.constant 0 : i32
        %dma_wait3A_263 = arith.constant 0 : i32
        %dma_wait3A_264 = tpu.memref_slice %arg2[%dma_wait3A_262, %dma_wait3A_263] : memref<10000x128xf32, #tpu.memory_space<hbm>> -> memref<10000x128xf32, #tpu.memory_space<hbm>>
        tpu.wait_indirect_dma semaphore(%arg21 : memref<!tpu.dma_semaphore, #tpu.memory_space<semaphore_mem>>) src(%dma_wait3A_264 : memref<10000x128xf32, #tpu.memory_space<hbm>>) dst(%arg15 : memref<128x128xf32, #tpu.memory_space<vmem>>)
        "tpu.region"() ({
          %run_scoped3A = tpu.sem_alloc : memref<!tpu.dma_semaphore, #tpu.memory_space<semaphore_mem>>
          %dma_start3A_279 = arith.constant 0 : i32
          %dma_start3A_280 = arith.constant 0 : i32
          %dma_start3A_281 = tpu.memref_slice %arg22[%dma_start3A_279, %dma_start3A_280] : memref<10240x128xf32, #tpu.memory_space<vmem_shared>> -> memref<10240x128xf32, #tpu.memory_space<vmem_shared>>
          tpu.enqueue_indirect_dma source(%arg15 : memref<128x128xf32, #tpu.memory_space<vmem>>) target(%dma_start3A_281 : memref<10240x128xf32, #tpu.memory_space<vmem_shared>>) offsets(%arg13 : memref<128xi32, #tpu.memory_space<vmem>>) semaphore(%run_scoped3A : memref<!tpu.dma_semaphore, #tpu.memory_space<semaphore_mem>>) {add = true}
          %dma_wait3A_282 = arith.constant 0 : i32
          %dma_wait3A_283 = arith.constant 0 : i32
          %dma_wait3A_284 = tpu.memref_slice %arg22[%dma_wait3A_282, %dma_wait3A_283] : memref<10240x128xf32, #tpu.memory_space<vmem_shared>> -> memref<10240x128xf32, #tpu.memory_space<vmem_shared>>
          tpu.wait_indirect_dma semaphore(%run_scoped3A : memref<!tpu.dma_semaphore, #tpu.memory_space<semaphore_mem>>) src(%arg15 : memref<128x128xf32, #tpu.memory_space<vmem>>) dst(%dma_wait3A_284 : memref<10240x128xf32, #tpu.memory_space<vmem_shared>>)
          tpu.yield
        }) : () -> ()
        %add3A_265 = arith.constant 4 : i32
        %add3A_266 = arith.addi %add3A_257, %add3A_265 : i32
        %lt3A_267 = arith.constant 160 : i32
        %lt3A_268 = arith.cmpi slt, %add3A_266, %lt3A_267 : i32
        %convert_element_type3A_269 = arith.extui %lt3A_268 : i1 to i32
        %cond3A_270 = arith.constant 0 : i32
        %cond3A_271 = arith.cmpi ne, %convert_element_type3A_269, %cond3A_270 : i32
        scf.if %cond3A_271 {
          %add3A_279 = arith.constant 4 : i32
          %add3A_280 = arith.addi %add3A_257, %add3A_279 : i32
          %add3A_281 = arith.addi %mul3A_0, %add3A_280 : i32
          %dma_start3A_282 = arith.constant 3 : i32
          %dma_start3A_283 = arith.constant 0 : i32
          %dma_start3A_284 = tpu.memref_slice %arg9[%dma_start3A_282, %dma_start3A_283] : memref<4x128xi32, #tpu.memory_space<vmem>> -> memref<1x128xi32, #tpu.memory_space<vmem>>
          %dma_start3A_285 = tpu.memref_squeeze %dma_start3A_284 : memref<1x128xi32, #tpu.memory_space<vmem>> -> memref<128xi32, #tpu.memory_space<vmem>>
          %dma_start3A_286 = arith.constant 0 : i32
          %dma_start3A_287 = tpu.memref_slice %arg4[%add3A_281, %dma_start3A_286] : memref<2560x128xi32, #tpu.memory_space<hbm>> -> memref<1x128xi32, #tpu.memory_space<hbm>>
          %dma_start3A_288 = tpu.memref_squeeze %dma_start3A_287 : memref<1x128xi32, #tpu.memory_space<hbm>> -> memref<128xi32, #tpu.memory_space<hbm>>
          %dma_start3A_289 = arith.constant 0 : i32
          %dma_start3A_290 = tpu.memref_slice %arg9[%dma_start3A_282, %dma_start3A_289] : memref<4x128xi32, #tpu.memory_space<vmem>> -> memref<1x128xi32, #tpu.memory_space<vmem>>
          %dma_start3A_291 = tpu.memref_squeeze %dma_start3A_290 : memref<1x128xi32, #tpu.memory_space<vmem>> -> memref<128xi32, #tpu.memory_space<vmem>>
          %dma_start3A_292 = arith.constant 0 : i32
          %dma_start3A_293 = tpu.memref_slice %arg4[%add3A_281, %dma_start3A_292] : memref<2560x128xi32, #tpu.memory_space<hbm>> -> memref<1x128xi32, #tpu.memory_space<hbm>>
          %dma_start3A_294 = tpu.memref_squeeze %dma_start3A_293 : memref<1x128xi32, #tpu.memory_space<hbm>> -> memref<128xi32, #tpu.memory_space<hbm>>
          tpu.enqueue_dma source(%dma_start3A_294 : memref<128xi32, #tpu.memory_space<hbm>>) target(%dma_start3A_291 : memref<128xi32, #tpu.memory_space<vmem>>) target_semaphore(%arg19 : memref<!tpu.dma_semaphore, #tpu.memory_space<semaphore_mem>>)
          %add3A_295 = arith.addi %mul3A_0, %add3A_280 : i32
          %dma_start3A_296 = arith.constant 0 : i32
          %dma_start3A_297 = tpu.memref_slice %arg5[%add3A_295, %dma_start3A_296] : memref<2560x128xi32, #tpu.memory_space<hbm>> -> memref<1x128xi32, #tpu.memory_space<hbm>>
          %dma_start3A_298 = tpu.memref_squeeze %dma_start3A_297 : memref<1x128xi32, #tpu.memory_space<hbm>> -> memref<128xi32, #tpu.memory_space<hbm>>
          %dma_start3A_299 = arith.constant 0 : i32
          %dma_start3A_300 = tpu.memref_slice %arg5[%add3A_295, %dma_start3A_299] : memref<2560x128xi32, #tpu.memory_space<hbm>> -> memref<1x128xi32, #tpu.memory_space<hbm>>
          %dma_start3A_301 = tpu.memref_squeeze %dma_start3A_300 : memref<1x128xi32, #tpu.memory_space<hbm>> -> memref<128xi32, #tpu.memory_space<hbm>>
          tpu.enqueue_dma source(%dma_start3A_301 : memref<128xi32, #tpu.memory_space<hbm>>) target(%arg13 : memref<128xi32, #tpu.memory_space<vmem>>) target_semaphore(%arg19 : memref<!tpu.dma_semaphore, #tpu.memory_space<semaphore_mem>>)
        } else {
        }
        %add3A_272 = arith.constant 2 : i32
        %add3A_273 = arith.addi %add3A_257, %add3A_272 : i32
        %lt3A_274 = arith.constant 160 : i32
        %lt3A_275 = arith.cmpi slt, %add3A_273, %lt3A_274 : i32
        %convert_element_type3A_276 = arith.extui %lt3A_275 : i1 to i32
        %cond3A_277 = arith.constant 0 : i32
        %cond3A_278 = arith.cmpi ne, %convert_element_type3A_276, %cond3A_277 : i32
        scf.if %cond3A_278 {
          %dma_wait3A_279 = arith.constant 1 : i32
          %dma_wait3A_280 = arith.constant 0 : i32
          %dma_wait3A_281 = tpu.memref_slice %arg9[%dma_wait3A_279, %dma_wait3A_280] : memref<4x128xi32, #tpu.memory_space<vmem>> -> memref<1x128xi32, #tpu.memory_space<vmem>>
          %dma_wait3A_282 = tpu.memref_squeeze %dma_wait3A_281 : memref<1x128xi32, #tpu.memory_space<vmem>> -> memref<128xi32, #tpu.memory_space<vmem>>
          %dma_wait3A_283 = arith.constant 0 : i32
          %dma_wait3A_284 = tpu.memref_slice %arg4[%mul3A_0, %dma_wait3A_283] : memref<2560x128xi32, #tpu.memory_space<hbm>> -> memref<1x128xi32, #tpu.memory_space<hbm>>
          %dma_wait3A_285 = tpu.memref_squeeze %dma_wait3A_284 : memref<1x128xi32, #tpu.memory_space<hbm>> -> memref<128xi32, #tpu.memory_space<hbm>>
          %dma_wait3A_286 = arith.constant 0 : i32
          %dma_wait3A_287 = tpu.memref_slice %arg9[%dma_wait3A_279, %dma_wait3A_286] : memref<4x128xi32, #tpu.memory_space<vmem>> -> memref<1x128xi32, #tpu.memory_space<vmem>>
          %dma_wait3A_288 = tpu.memref_squeeze %dma_wait3A_287 : memref<1x128xi32, #tpu.memory_space<vmem>> -> memref<128xi32, #tpu.memory_space<vmem>>
          %dma_wait3A_289 = arith.constant 0 : i32
          %dma_wait3A_290 = tpu.memref_slice %arg4[%mul3A_0, %dma_wait3A_289] : memref<2560x128xi32, #tpu.memory_space<hbm>> -> memref<1x128xi32, #tpu.memory_space<hbm>>
          %dma_wait3A_291 = tpu.memref_squeeze %dma_wait3A_290 : memref<1x128xi32, #tpu.memory_space<hbm>> -> memref<128xi32, #tpu.memory_space<hbm>>
          tpu.wait_dma2 semaphore(%arg17 : memref<!tpu.dma_semaphore, #tpu.memory_space<semaphore_mem>>) src(%dma_wait3A_291 : memref<128xi32, #tpu.memory_space<hbm>>) dst(%dma_wait3A_288 : memref<128xi32, #tpu.memory_space<vmem>>)
          %dma_wait3A_292 = arith.constant 0 : i32
          %dma_wait3A_293 = tpu.memref_slice %arg5[%mul3A_0, %dma_wait3A_292] : memref<2560x128xi32, #tpu.memory_space<hbm>> -> memref<1x128xi32, #tpu.memory_space<hbm>>
          %dma_wait3A_294 = tpu.memref_squeeze %dma_wait3A_293 : memref<1x128xi32, #tpu.memory_space<hbm>> -> memref<128xi32, #tpu.memory_space<hbm>>
          %dma_wait3A_295 = arith.constant 0 : i32
          %dma_wait3A_296 = tpu.memref_slice %arg5[%mul3A_0, %dma_wait3A_295] : memref<2560x128xi32, #tpu.memory_space<hbm>> -> memref<1x128xi32, #tpu.memory_space<hbm>>
          %dma_wait3A_297 = tpu.memref_squeeze %dma_wait3A_296 : memref<1x128xi32, #tpu.memory_space<hbm>> -> memref<128xi32, #tpu.memory_space<hbm>>
          tpu.wait_dma2 semaphore(%arg17 : memref<!tpu.dma_semaphore, #tpu.memory_space<semaphore_mem>>) src(%dma_wait3A_297 : memref<128xi32, #tpu.memory_space<hbm>>) dst(%arg11 : memref<128xi32, #tpu.memory_space<vmem>>)
          %dma_start3A_298 = arith.constant 1 : i32
          %dma_start3A_299 = arith.constant 0 : i32
          %dma_start3A_300 = tpu.memref_slice %arg9[%dma_start3A_298, %dma_start3A_299] : memref<4x128xi32, #tpu.memory_space<vmem>> -> memref<1x128xi32, #tpu.memory_space<vmem>>
          %dma_start3A_301 = tpu.memref_squeeze %dma_start3A_300 : memref<1x128xi32, #tpu.memory_space<vmem>> -> memref<128xi32, #tpu.memory_space<vmem>>
          %dma_start3A_302 = arith.constant 0 : i32
          %dma_start3A_303 = arith.constant 0 : i32
          %dma_start3A_304 = tpu.memref_slice %arg2[%dma_start3A_302, %dma_start3A_303] : memref<10000x128xf32, #tpu.memory_space<hbm>> -> memref<10000x128xf32, #tpu.memory_space<hbm>>
          tpu.enqueue_indirect_dma source(%dma_start3A_304 : memref<10000x128xf32, #tpu.memory_space<hbm>>) target(%arg15 : memref<128x128xf32, #tpu.memory_space<vmem>>) offsets(%dma_start3A_301 : memref<128xi32, #tpu.memory_space<vmem>>) semaphore(%arg21 : memref<!tpu.dma_semaphore, #tpu.memory_space<semaphore_mem>>)
        } else {
        }
      }
      %scan3A_173 = arith.constant 40 : i32
      %barrier3A_174 = arith.constant 0 : index
      tpu.barrier barrier_id(%barrier3A_174)
      %mul3A_175 = arith.constant 640 : i32
      %mul3A_176 = arith.muli %arg1, %mul3A_175 : i32
      %mul3A_177 = arith.constant 640 : i32
      %mul3A_178 = arith.muli %arg1, %mul3A_177 : i32
      "tpu.region"() ({
        %run_scoped3A = tpu.sem_alloc : memref<!tpu.dma_semaphore, #tpu.memory_space<semaphore_mem>>
        %dma_start3A_179 = arith.constant 0 : i32
        %dma_start3A_180 = tpu.memref_slice %arg7[%mul3A_178, %dma_start3A_179] : memref<10240x128xf32, #tpu.memory_space<hbm>> -> memref<640x128xf32, #tpu.memory_space<hbm>>
        %dma_start3A_181 = arith.constant 0 : i32
        %dma_start3A_182 = tpu.memref_slice %arg22[%mul3A_176, %dma_start3A_181] : memref<10240x128xf32, #tpu.memory_space<vmem_shared>> -> memref<640x128xf32, #tpu.memory_space<vmem_shared>>
        tpu.enqueue_dma source(%dma_start3A_182 : memref<640x128xf32, #tpu.memory_space<vmem_shared>>) target(%dma_start3A_180 : memref<640x128xf32, #tpu.memory_space<hbm>>) target_semaphore(%run_scoped3A : memref<!tpu.dma_semaphore, #tpu.memory_space<semaphore_mem>>)
        %dma_wait3A_183 = arith.constant 0 : i32
        %dma_wait3A_184 = tpu.memref_slice %arg7[%mul3A_178, %dma_wait3A_183] : memref<10240x128xf32, #tpu.memory_space<hbm>> -> memref<640x128xf32, #tpu.memory_space<hbm>>
        %dma_wait3A_185 = arith.constant 0 : i32
        %dma_wait3A_186 = tpu.memref_slice %arg22[%mul3A_176, %dma_wait3A_185] : memref<10240x128xf32, #tpu.memory_space<vmem_shared>> -> memref<640x128xf32, #tpu.memory_space<vmem_shared>>
        tpu.wait_dma2 semaphore(%run_scoped3A : memref<!tpu.dma_semaphore, #tpu.memory_space<semaphore_mem>>) src(%dma_wait3A_186 : memref<640x128xf32, #tpu.memory_space<vmem_shared>>) dst(%dma_wait3A_184 : memref<640x128xf32, #tpu.memory_space<hbm>>)
        tpu.yield
      }) : () -> ()
    } else {
    }
    %eq3A_22 = arith.constant 1 : i32
    %eq3A_23 = arith.cmpi eq, %arg0, %eq3A_22 : i32
    %convert_element_type3A_24 = arith.extui %eq3A_23 : i1 to i32
    %cond3A_25 = arith.constant 0 : i32
    %cond3A_26 = arith.cmpi ne, %convert_element_type3A_24, %cond3A_25 : i32
    scf.if %cond3A_26 {
      %add3A_27 = arith.constant 0 : i32
      %add3A_28 = arith.addi %mul3A_0, %add3A_27 : i32
      %dma_start3A = arith.constant 0 : i32
      %dma_start3A_29 = arith.constant 0 : i32
      %dma_start3A_30 = tpu.memref_slice %arg9[%dma_start3A, %dma_start3A_29] : memref<4x128xi32, #tpu.memory_space<vmem>> -> memref<1x128xi32, #tpu.memory_space<vmem>>
      %dma_start3A_31 = tpu.memref_squeeze %dma_start3A_30 : memref<1x128xi32, #tpu.memory_space<vmem>> -> memref<128xi32, #tpu.memory_space<vmem>>
      %dma_start3A_32 = arith.constant 0 : i32
      %dma_start3A_33 = tpu.memref_slice %arg4[%add3A_28, %dma_start3A_32] : memref<2560x128xi32, #tpu.memory_space<hbm>> -> memref<1x128xi32, #tpu.memory_space<hbm>>
      %dma_start3A_34 = tpu.memref_squeeze %dma_start3A_33 : memref<1x128xi32, #tpu.memory_space<hbm>> -> memref<128xi32, #tpu.memory_space<hbm>>
      %dma_start3A_35 = arith.constant 0 : i32
      %dma_start3A_36 = tpu.memref_slice %arg9[%dma_start3A, %dma_start3A_35] : memref<4x128xi32, #tpu.memory_space<vmem>> -> memref<1x128xi32, #tpu.memory_space<vmem>>
      %dma_start3A_37 = tpu.memref_squeeze %dma_start3A_36 : memref<1x128xi32, #tpu.memory_space<vmem>> -> memref<128xi32, #tpu.memory_space<vmem>>
      %dma_start3A_38 = arith.constant 0 : i32
      %dma_start3A_39 = tpu.memref_slice %arg4[%add3A_28, %dma_start3A_38] : memref<2560x128xi32, #tpu.memory_space<hbm>> -> memref<1x128xi32, #tpu.memory_space<hbm>>
      %dma_start3A_40 = tpu.memref_squeeze %dma_start3A_39 : memref<1x128xi32, #tpu.memory_space<hbm>> -> memref<128xi32, #tpu.memory_space<hbm>>
      tpu.enqueue_dma source(%dma_start3A_40 : memref<128xi32, #tpu.memory_space<hbm>>) target(%dma_start3A_37 : memref<128xi32, #tpu.memory_space<vmem>>) target_semaphore(%arg16 : memref<!tpu.dma_semaphore, #tpu.memory_space<semaphore_mem>>)
      %add3A_41 = arith.constant 0 : i32
      %add3A_42 = arith.addi %mul3A_0, %add3A_41 : i32
      %dma_start3A_43 = arith.constant 0 : i32
      %dma_start3A_44 = tpu.memref_slice %arg5[%add3A_42, %dma_start3A_43] : memref<2560x128xi32, #tpu.memory_space<hbm>> -> memref<1x128xi32, #tpu.memory_space<hbm>>
      %dma_start3A_45 = tpu.memref_squeeze %dma_start3A_44 : memref<1x128xi32, #tpu.memory_space<hbm>> -> memref<128xi32, #tpu.memory_space<hbm>>
      %dma_start3A_46 = arith.constant 0 : i32
      %dma_start3A_47 = tpu.memref_slice %arg5[%add3A_42, %dma_start3A_46] : memref<2560x128xi32, #tpu.memory_space<hbm>> -> memref<1x128xi32, #tpu.memory_space<hbm>>
      %dma_start3A_48 = tpu.memref_squeeze %dma_start3A_47 : memref<1x128xi32, #tpu.memory_space<hbm>> -> memref<128xi32, #tpu.memory_space<hbm>>
      tpu.enqueue_dma source(%dma_start3A_48 : memref<128xi32, #tpu.memory_space<hbm>>) target(%arg10 : memref<128xi32, #tpu.memory_space<vmem>>) target_semaphore(%arg16 : memref<!tpu.dma_semaphore, #tpu.memory_space<semaphore_mem>>)
      %add3A_49 = arith.constant 1 : i32
      %add3A_50 = arith.addi %mul3A_0, %add3A_49 : i32
      %dma_start3A_51 = arith.constant 1 : i32
      %dma_start3A_52 = arith.constant 0 : i32
      %dma_start3A_53 = tpu.memref_slice %arg9[%dma_start3A_51, %dma_start3A_52] : memref<4x128xi32, #tpu.memory_space<vmem>> -> memref<1x128xi32, #tpu.memory_space<vmem>>
      %dma_start3A_54 = tpu.memref_squeeze %dma_start3A_53 : memref<1x128xi32, #tpu.memory_space<vmem>> -> memref<128xi32, #tpu.memory_space<vmem>>
      %dma_start3A_55 = arith.constant 0 : i32
      %dma_start3A_56 = tpu.memref_slice %arg4[%add3A_50, %dma_start3A_55] : memref<2560x128xi32, #tpu.memory_space<hbm>> -> memref<1x128xi32, #tpu.memory_space<hbm>>
      %dma_start3A_57 = tpu.memref_squeeze %dma_start3A_56 : memref<1x128xi32, #tpu.memory_space<hbm>> -> memref<128xi32, #tpu.memory_space<hbm>>
      %dma_start3A_58 = arith.constant 0 : i32
      %dma_start3A_59 = tpu.memref_slice %arg9[%dma_start3A_51, %dma_start3A_58] : memref<4x128xi32, #tpu.memory_space<vmem>> -> memref<1x128xi32, #tpu.memory_space<vmem>>
      %dma_start3A_60 = tpu.memref_squeeze %dma_start3A_59 : memref<1x128xi32, #tpu.memory_space<vmem>> -> memref<128xi32, #tpu.memory_space<vmem>>
      %dma_start3A_61 = arith.constant 0 : i32
      %dma_start3A_62 = tpu.memref_slice %arg4[%add3A_50, %dma_start3A_61] : memref<2560x128xi32, #tpu.memory_space<hbm>> -> memref<1x128xi32, #tpu.memory_space<hbm>>
      %dma_start3A_63 = tpu.memref_squeeze %dma_start3A_62 : memref<1x128xi32, #tpu.memory_space<hbm>> -> memref<128xi32, #tpu.memory_space<hbm>>
      tpu.enqueue_dma source(%dma_start3A_63 : memref<128xi32, #tpu.memory_space<hbm>>) target(%dma_start3A_60 : memref<128xi32, #tpu.memory_space<vmem>>) target_semaphore(%arg17 : memref<!tpu.dma_semaphore, #tpu.memory_space<semaphore_mem>>)
      %add3A_64 = arith.constant 1 : i32
      %add3A_65 = arith.addi %mul3A_0, %add3A_64 : i32
      %dma_start3A_66 = arith.constant 0 : i32
      %dma_start3A_67 = tpu.memref_slice %arg5[%add3A_65, %dma_start3A_66] : memref<2560x128xi32, #tpu.memory_space<hbm>> -> memref<1x128xi32, #tpu.memory_space<hbm>>
      %dma_start3A_68 = tpu.memref_squeeze %dma_start3A_67 : memref<1x128xi32, #tpu.memory_space<hbm>> -> memref<128xi32, #tpu.memory_space<hbm>>
      %dma_start3A_69 = arith.constant 0 : i32
      %dma_start3A_70 = tpu.memref_slice %arg5[%add3A_65, %dma_start3A_69] : memref<2560x128xi32, #tpu.memory_space<hbm>> -> memref<1x128xi32, #tpu.memory_space<hbm>>
      %dma_start3A_71 = tpu.memref_squeeze %dma_start3A_70 : memref<1x128xi32, #tpu.memory_space<hbm>> -> memref<128xi32, #tpu.memory_space<hbm>>
      tpu.enqueue_dma source(%dma_start3A_71 : memref<128xi32, #tpu.memory_space<hbm>>) target(%arg11 : memref<128xi32, #tpu.memory_space<vmem>>) target_semaphore(%arg17 : memref<!tpu.dma_semaphore, #tpu.memory_space<semaphore_mem>>)
      %add3A_72 = arith.constant 2 : i32
      %add3A_73 = arith.addi %mul3A_0, %add3A_72 : i32
      %dma_start3A_74 = arith.constant 2 : i32
      %dma_start3A_75 = arith.constant 0 : i32
      %dma_start3A_76 = tpu.memref_slice %arg9[%dma_start3A_74, %dma_start3A_75] : memref<4x128xi32, #tpu.memory_space<vmem>> -> memref<1x128xi32, #tpu.memory_space<vmem>>
      %dma_start3A_77 = tpu.memref_squeeze %dma_start3A_76 : memref<1x128xi32, #tpu.memory_space<vmem>> -> memref<128xi32, #tpu.memory_space<vmem>>
      %dma_start3A_78 = arith.constant 0 : i32
      %dma_start3A_79 = tpu.memref_slice %arg4[%add3A_73, %dma_start3A_78] : memref<2560x128xi32, #tpu.memory_space<hbm>> -> memref<1x128xi32, #tpu.memory_space<hbm>>
      %dma_start3A_80 = tpu.memref_squeeze %dma_start3A_79 : memref<1x128xi32, #tpu.memory_space<hbm>> -> memref<128xi32, #tpu.memory_space<hbm>>
      %dma_start3A_81 = arith.constant 0 : i32
      %dma_start3A_82 = tpu.memref_slice %arg9[%dma_start3A_74, %dma_start3A_81] : memref<4x128xi32, #tpu.memory_space<vmem>> -> memref<1x128xi32, #tpu.memory_space<vmem>>
      %dma_start3A_83 = tpu.memref_squeeze %dma_start3A_82 : memref<1x128xi32, #tpu.memory_space<vmem>> -> memref<128xi32, #tpu.memory_space<vmem>>
      %dma_start3A_84 = arith.constant 0 : i32
      %dma_start3A_85 = tpu.memref_slice %arg4[%add3A_73, %dma_start3A_84] : memref<2560x128xi32, #tpu.memory_space<hbm>> -> memref<1x128xi32, #tpu.memory_space<hbm>>
      %dma_start3A_86 = tpu.memref_squeeze %dma_start3A_85 : memref<1x128xi32, #tpu.memory_space<hbm>> -> memref<128xi32, #tpu.memory_space<hbm>>
      tpu.enqueue_dma source(%dma_start3A_86 : memref<128xi32, #tpu.memory_space<hbm>>) target(%dma_start3A_83 : memref<128xi32, #tpu.memory_space<vmem>>) target_semaphore(%arg18 : memref<!tpu.dma_semaphore, #tpu.memory_space<semaphore_mem>>)
      %add3A_87 = arith.constant 2 : i32
      %add3A_88 = arith.addi %mul3A_0, %add3A_87 : i32
      %dma_start3A_89 = arith.constant 0 : i32
      %dma_start3A_90 = tpu.memref_slice %arg5[%add3A_88, %dma_start3A_89] : memref<2560x128xi32, #tpu.memory_space<hbm>> -> memref<1x128xi32, #tpu.memory_space<hbm>>
      %dma_start3A_91 = tpu.memref_squeeze %dma_start3A_90 : memref<1x128xi32, #tpu.memory_space<hbm>> -> memref<128xi32, #tpu.memory_space<hbm>>
      %dma_start3A_92 = arith.constant 0 : i32
      %dma_start3A_93 = tpu.memref_slice %arg5[%add3A_88, %dma_start3A_92] : memref<2560x128xi32, #tpu.memory_space<hbm>> -> memref<1x128xi32, #tpu.memory_space<hbm>>
      %dma_start3A_94 = tpu.memref_squeeze %dma_start3A_93 : memref<1x128xi32, #tpu.memory_space<hbm>> -> memref<128xi32, #tpu.memory_space<hbm>>
      tpu.enqueue_dma source(%dma_start3A_94 : memref<128xi32, #tpu.memory_space<hbm>>) target(%arg12 : memref<128xi32, #tpu.memory_space<vmem>>) target_semaphore(%arg18 : memref<!tpu.dma_semaphore, #tpu.memory_space<semaphore_mem>>)
      %add3A_95 = arith.constant 3 : i32
      %add3A_96 = arith.addi %mul3A_0, %add3A_95 : i32
      %dma_start3A_97 = arith.constant 3 : i32
      %dma_start3A_98 = arith.constant 0 : i32
      %dma_start3A_99 = tpu.memref_slice %arg9[%dma_start3A_97, %dma_start3A_98] : memref<4x128xi32, #tpu.memory_space<vmem>> -> memref<1x128xi32, #tpu.memory_space<vmem>>
      %dma_start3A_100 = tpu.memref_squeeze %dma_start3A_99 : memref<1x128xi32, #tpu.memory_space<vmem>> -> memref<128xi32, #tpu.memory_space<vmem>>
      %dma_start3A_101 = arith.constant 0 : i32
      %dma_start3A_102 = tpu.memref_slice %arg4[%add3A_96, %dma_start3A_101] : memref<2560x128xi32, #tpu.memory_space<hbm>> -> memref<1x128xi32, #tpu.memory_space<hbm>>
      %dma_start3A_103 = tpu.memref_squeeze %dma_start3A_102 : memref<1x128xi32, #tpu.memory_space<hbm>> -> memref<128xi32, #tpu.memory_space<hbm>>
      %dma_start3A_104 = arith.constant 0 : i32
      %dma_start3A_105 = tpu.memref_slice %arg9[%dma_start3A_97, %dma_start3A_104] : memref<4x128xi32, #tpu.memory_space<vmem>> -> memref<1x128xi32, #tpu.memory_space<vmem>>
      %dma_start3A_106 = tpu.memref_squeeze %dma_start3A_105 : memref<1x128xi32, #tpu.memory_space<vmem>> -> memref<128xi32, #tpu.memory_space<vmem>>
      %dma_start3A_107 = arith.constant 0 : i32
      %dma_start3A_108 = tpu.memref_slice %arg4[%add3A_96, %dma_start3A_107] : memref<2560x128xi32, #tpu.memory_space<hbm>> -> memref<1x128xi32, #tpu.memory_space<hbm>>
      %dma_start3A_109 = tpu.memref_squeeze %dma_start3A_108 : memref<1x128xi32, #tpu.memory_space<hbm>> -> memref<128xi32, #tpu.memory_space<hbm>>
      tpu.enqueue_dma source(%dma_start3A_109 : memref<128xi32, #tpu.memory_space<hbm>>) target(%dma_start3A_106 : memref<128xi32, #tpu.memory_space<vmem>>) target_semaphore(%arg19 : memref<!tpu.dma_semaphore, #tpu.memory_space<semaphore_mem>>)
      %add3A_110 = arith.constant 3 : i32
      %add3A_111 = arith.addi %mul3A_0, %add3A_110 : i32
      %dma_start3A_112 = arith.constant 0 : i32
      %dma_start3A_113 = tpu.memref_slice %arg5[%add3A_111, %dma_start3A_112] : memref<2560x128xi32, #tpu.memory_space<hbm>> -> memref<1x128xi32, #tpu.memory_space<hbm>>
      %dma_start3A_114 = tpu.memref_squeeze %dma_start3A_113 : memref<1x128xi32, #tpu.memory_space<hbm>> -> memref<128xi32, #tpu.memory_space<hbm>>
      %dma_start3A_115 = arith.constant 0 : i32
      %dma_start3A_116 = tpu.memref_slice %arg5[%add3A_111, %dma_start3A_115] : memref<2560x128xi32, #tpu.memory_space<hbm>> -> memref<1x128xi32, #tpu.memory_space<hbm>>
      %dma_start3A_117 = tpu.memref_squeeze %dma_start3A_116 : memref<1x128xi32, #tpu.memory_space<hbm>> -> memref<128xi32, #tpu.memory_space<hbm>>
      tpu.enqueue_dma source(%dma_start3A_117 : memref<128xi32, #tpu.memory_space<hbm>>) target(%arg13 : memref<128xi32, #tpu.memory_space<vmem>>) target_semaphore(%arg19 : memref<!tpu.dma_semaphore, #tpu.memory_space<semaphore_mem>>)
      %dma_wait3A = arith.constant 0 : i32
      %dma_wait3A_118 = arith.constant 0 : i32
      %dma_wait3A_119 = tpu.memref_slice %arg9[%dma_wait3A, %dma_wait3A_118] : memref<4x128xi32, #tpu.memory_space<vmem>> -> memref<1x128xi32, #tpu.memory_space<vmem>>
      %dma_wait3A_120 = tpu.memref_squeeze %dma_wait3A_119 : memref<1x128xi32, #tpu.memory_space<vmem>> -> memref<128xi32, #tpu.memory_space<vmem>>
      %dma_wait3A_121 = arith.constant 0 : i32
      %dma_wait3A_122 = tpu.memref_slice %arg4[%mul3A_0, %dma_wait3A_121] : memref<2560x128xi32, #tpu.memory_space<hbm>> -> memref<1x128xi32, #tpu.memory_space<hbm>>
      %dma_wait3A_123 = tpu.memref_squeeze %dma_wait3A_122 : memref<1x128xi32, #tpu.memory_space<hbm>> -> memref<128xi32, #tpu.memory_space<hbm>>
      %dma_wait3A_124 = arith.constant 0 : i32
      %dma_wait3A_125 = tpu.memref_slice %arg9[%dma_wait3A, %dma_wait3A_124] : memref<4x128xi32, #tpu.memory_space<vmem>> -> memref<1x128xi32, #tpu.memory_space<vmem>>
      %dma_wait3A_126 = tpu.memref_squeeze %dma_wait3A_125 : memref<1x128xi32, #tpu.memory_space<vmem>> -> memref<128xi32, #tpu.memory_space<vmem>>
      %dma_wait3A_127 = arith.constant 0 : i32
      %dma_wait3A_128 = tpu.memref_slice %arg4[%mul3A_0, %dma_wait3A_127] : memref<2560x128xi32, #tpu.memory_space<hbm>> -> memref<1x128xi32, #tpu.memory_space<hbm>>
      %dma_wait3A_129 = tpu.memref_squeeze %dma_wait3A_128 : memref<1x128xi32, #tpu.memory_space<hbm>> -> memref<128xi32, #tpu.memory_space<hbm>>
      tpu.wait_dma2 semaphore(%arg16 : memref<!tpu.dma_semaphore, #tpu.memory_space<semaphore_mem>>) src(%dma_wait3A_129 : memref<128xi32, #tpu.memory_space<hbm>>) dst(%dma_wait3A_126 : memref<128xi32, #tpu.memory_space<vmem>>)
      %dma_wait3A_130 = arith.constant 0 : i32
      %dma_wait3A_131 = tpu.memref_slice %arg5[%mul3A_0, %dma_wait3A_130] : memref<2560x128xi32, #tpu.memory_space<hbm>> -> memref<1x128xi32, #tpu.memory_space<hbm>>
      %dma_wait3A_132 = tpu.memref_squeeze %dma_wait3A_131 : memref<1x128xi32, #tpu.memory_space<hbm>> -> memref<128xi32, #tpu.memory_space<hbm>>
      %dma_wait3A_133 = arith.constant 0 : i32
      %dma_wait3A_134 = tpu.memref_slice %arg5[%mul3A_0, %dma_wait3A_133] : memref<2560x128xi32, #tpu.memory_space<hbm>> -> memref<1x128xi32, #tpu.memory_space<hbm>>
      %dma_wait3A_135 = tpu.memref_squeeze %dma_wait3A_134 : memref<1x128xi32, #tpu.memory_space<hbm>> -> memref<128xi32, #tpu.memory_space<hbm>>
      tpu.wait_dma2 semaphore(%arg16 : memref<!tpu.dma_semaphore, #tpu.memory_space<semaphore_mem>>) src(%dma_wait3A_135 : memref<128xi32, #tpu.memory_space<hbm>>) dst(%arg10 : memref<128xi32, #tpu.memory_space<vmem>>)
      %dma_start3A_136 = arith.constant 0 : i32
      %dma_start3A_137 = arith.constant 0 : i32
      %dma_start3A_138 = tpu.memref_slice %arg9[%dma_start3A_136, %dma_start3A_137] : memref<4x128xi32, #tpu.memory_space<vmem>> -> memref<1x128xi32, #tpu.memory_space<vmem>>
      %dma_start3A_139 = tpu.memref_squeeze %dma_start3A_138 : memref<1x128xi32, #tpu.memory_space<vmem>> -> memref<128xi32, #tpu.memory_space<vmem>>
      %dma_start3A_140 = arith.constant 0 : i32
      %dma_start3A_141 = arith.constant 0 : i32
      %dma_start3A_142 = tpu.memref_slice %arg3[%dma_start3A_140, %dma_start3A_141] : memref<10000x128xf32, #tpu.memory_space<hbm>> -> memref<10000x128xf32, #tpu.memory_space<hbm>>
      tpu.enqueue_indirect_dma source(%dma_start3A_142 : memref<10000x128xf32, #tpu.memory_space<hbm>>) target(%arg14 : memref<128x128xf32, #tpu.memory_space<vmem>>) offsets(%dma_start3A_139 : memref<128xi32, #tpu.memory_space<vmem>>) semaphore(%arg20 : memref<!tpu.dma_semaphore, #tpu.memory_space<semaphore_mem>>)
      %dma_wait3A_143 = arith.constant 1 : i32
      %dma_wait3A_144 = arith.constant 0 : i32
      %dma_wait3A_145 = tpu.memref_slice %arg9[%dma_wait3A_143, %dma_wait3A_144] : memref<4x128xi32, #tpu.memory_space<vmem>> -> memref<1x128xi32, #tpu.memory_space<vmem>>
      %dma_wait3A_146 = tpu.memref_squeeze %dma_wait3A_145 : memref<1x128xi32, #tpu.memory_space<vmem>> -> memref<128xi32, #tpu.memory_space<vmem>>
      %dma_wait3A_147 = arith.constant 0 : i32
      %dma_wait3A_148 = tpu.memref_slice %arg4[%mul3A_0, %dma_wait3A_147] : memref<2560x128xi32, #tpu.memory_space<hbm>> -> memref<1x128xi32, #tpu.memory_space<hbm>>
      %dma_wait3A_149 = tpu.memref_squeeze %dma_wait3A_148 : memref<1x128xi32, #tpu.memory_space<hbm>> -> memref<128xi32, #tpu.memory_space<hbm>>
      %dma_wait3A_150 = arith.constant 0 : i32
      %dma_wait3A_151 = tpu.memref_slice %arg9[%dma_wait3A_143, %dma_wait3A_150] : memref<4x128xi32, #tpu.memory_space<vmem>> -> memref<1x128xi32, #tpu.memory_space<vmem>>
      %dma_wait3A_152 = tpu.memref_squeeze %dma_wait3A_151 : memref<1x128xi32, #tpu.memory_space<vmem>> -> memref<128xi32, #tpu.memory_space<vmem>>
      %dma_wait3A_153 = arith.constant 0 : i32
      %dma_wait3A_154 = tpu.memref_slice %arg4[%mul3A_0, %dma_wait3A_153] : memref<2560x128xi32, #tpu.memory_space<hbm>> -> memref<1x128xi32, #tpu.memory_space<hbm>>
      %dma_wait3A_155 = tpu.memref_squeeze %dma_wait3A_154 : memref<1x128xi32, #tpu.memory_space<hbm>> -> memref<128xi32, #tpu.memory_space<hbm>>
      tpu.wait_dma2 semaphore(%arg17 : memref<!tpu.dma_semaphore, #tpu.memory_space<semaphore_mem>>) src(%dma_wait3A_155 : memref<128xi32, #tpu.memory_space<hbm>>) dst(%dma_wait3A_152 : memref<128xi32, #tpu.memory_space<vmem>>)
      %dma_wait3A_156 = arith.constant 0 : i32
      %dma_wait3A_157 = tpu.memref_slice %arg5[%mul3A_0, %dma_wait3A_156] : memref<2560x128xi32, #tpu.memory_space<hbm>> -> memref<1x128xi32, #tpu.memory_space<hbm>>
      %dma_wait3A_158 = tpu.memref_squeeze %dma_wait3A_157 : memref<1x128xi32, #tpu.memory_space<hbm>> -> memref<128xi32, #tpu.memory_space<hbm>>
      %dma_wait3A_159 = arith.constant 0 : i32
      %dma_wait3A_160 = tpu.memref_slice %arg5[%mul3A_0, %dma_wait3A_159] : memref<2560x128xi32, #tpu.memory_space<hbm>> -> memref<1x128xi32, #tpu.memory_space<hbm>>
      %dma_wait3A_161 = tpu.memref_squeeze %dma_wait3A_160 : memref<1x128xi32, #tpu.memory_space<hbm>> -> memref<128xi32, #tpu.memory_space<hbm>>
      tpu.wait_dma2 semaphore(%arg17 : memref<!tpu.dma_semaphore, #tpu.memory_space<semaphore_mem>>) src(%dma_wait3A_161 : memref<128xi32, #tpu.memory_space<hbm>>) dst(%arg11 : memref<128xi32, #tpu.memory_space<vmem>>)
      %dma_start3A_162 = arith.constant 1 : i32
      %dma_start3A_163 = arith.constant 0 : i32
      %dma_start3A_164 = tpu.memref_slice %arg9[%dma_start3A_162, %dma_start3A_163] : memref<4x128xi32, #tpu.memory_space<vmem>> -> memref<1x128xi32, #tpu.memory_space<vmem>>
      %dma_start3A_165 = tpu.memref_squeeze %dma_start3A_164 : memref<1x128xi32, #tpu.memory_space<vmem>> -> memref<128xi32, #tpu.memory_space<vmem>>
      %dma_start3A_166 = arith.constant 0 : i32
      %dma_start3A_167 = arith.constant 0 : i32
      %dma_start3A_168 = tpu.memref_slice %arg3[%dma_start3A_166, %dma_start3A_167] : memref<10000x128xf32, #tpu.memory_space<hbm>> -> memref<10000x128xf32, #tpu.memory_space<hbm>>
      tpu.enqueue_indirect_dma source(%dma_start3A_168 : memref<10000x128xf32, #tpu.memory_space<hbm>>) target(%arg15 : memref<128x128xf32, #tpu.memory_space<vmem>>) offsets(%dma_start3A_165 : memref<128xi32, #tpu.memory_space<vmem>>) semaphore(%arg21 : memref<!tpu.dma_semaphore, #tpu.memory_space<semaphore_mem>>)
      %barrier3A = arith.constant 0 : index
      tpu.barrier barrier_id(%barrier3A)
      %scan3A = arith.constant 0 : i32
      %scan3A_169 = arith.constant 0 : i32
      %scan3A_170 = arith.constant 40 : i32
      %scan3A_171 = arith.addi %scan3A_169, %scan3A_170 : i32
      %scan3A_172 = arith.constant 1 : i32
      scf.for %scan3A_179 = %scan3A_169 to %scan3A_171 step %scan3A_172  : i32 {
        %mul3A_180 = arith.constant 4 : i32
        %mul3A_181 = arith.muli %mul3A_180, %scan3A_179 : i32
        %add3A_182 = arith.constant 0 : i32
        %add3A_183 = arith.addi %mul3A_181, %add3A_182 : i32
        %dma_wait3A_184 = arith.constant 0 : i32
        %dma_wait3A_185 = arith.constant 0 : i32
        %dma_wait3A_186 = tpu.memref_slice %arg9[%dma_wait3A_184, %dma_wait3A_185] : memref<4x128xi32, #tpu.memory_space<vmem>> -> memref<1x128xi32, #tpu.memory_space<vmem>>
        %dma_wait3A_187 = tpu.memref_squeeze %dma_wait3A_186 : memref<1x128xi32, #tpu.memory_space<vmem>> -> memref<128xi32, #tpu.memory_space<vmem>>
        %dma_wait3A_188 = arith.constant 0 : i32
        %dma_wait3A_189 = arith.constant 0 : i32
        %dma_wait3A_190 = tpu.memref_slice %arg3[%dma_wait3A_188, %dma_wait3A_189] : memref<10000x128xf32, #tpu.memory_space<hbm>> -> memref<10000x128xf32, #tpu.memory_space<hbm>>
        tpu.wait_indirect_dma semaphore(%arg20 : memref<!tpu.dma_semaphore, #tpu.memory_space<semaphore_mem>>) src(%dma_wait3A_190 : memref<10000x128xf32, #tpu.memory_space<hbm>>) dst(%arg14 : memref<128x128xf32, #tpu.memory_space<vmem>>)
        "tpu.region"() ({
          %run_scoped3A = tpu.sem_alloc : memref<!tpu.dma_semaphore, #tpu.memory_space<semaphore_mem>>
          %dma_start3A_279 = arith.constant 0 : i32
          %dma_start3A_280 = arith.constant 0 : i32
          %dma_start3A_281 = tpu.memref_slice %arg22[%dma_start3A_279, %dma_start3A_280] : memref<10240x128xf32, #tpu.memory_space<vmem_shared>> -> memref<10240x128xf32, #tpu.memory_space<vmem_shared>>
          tpu.enqueue_indirect_dma source(%arg14 : memref<128x128xf32, #tpu.memory_space<vmem>>) target(%dma_start3A_281 : memref<10240x128xf32, #tpu.memory_space<vmem_shared>>) offsets(%arg10 : memref<128xi32, #tpu.memory_space<vmem>>) semaphore(%run_scoped3A : memref<!tpu.dma_semaphore, #tpu.memory_space<semaphore_mem>>) {add = true}
          %dma_wait3A_282 = arith.constant 0 : i32
          %dma_wait3A_283 = arith.constant 0 : i32
          %dma_wait3A_284 = tpu.memref_slice %arg22[%dma_wait3A_282, %dma_wait3A_283] : memref<10240x128xf32, #tpu.memory_space<vmem_shared>> -> memref<10240x128xf32, #tpu.memory_space<vmem_shared>>
          tpu.wait_indirect_dma semaphore(%run_scoped3A : memref<!tpu.dma_semaphore, #tpu.memory_space<semaphore_mem>>) src(%arg14 : memref<128x128xf32, #tpu.memory_space<vmem>>) dst(%dma_wait3A_284 : memref<10240x128xf32, #tpu.memory_space<vmem_shared>>)
          tpu.yield
        }) : () -> ()
        %add3A_191 = arith.constant 4 : i32
        %add3A_192 = arith.addi %add3A_183, %add3A_191 : i32
        %lt3A = arith.constant 160 : i32
        %lt3A_193 = arith.cmpi slt, %add3A_192, %lt3A : i32
        %convert_element_type3A_194 = arith.extui %lt3A_193 : i1 to i32
        %cond3A_195 = arith.constant 0 : i32
        %cond3A_196 = arith.cmpi ne, %convert_element_type3A_194, %cond3A_195 : i32
        scf.if %cond3A_196 {
          %add3A_279 = arith.constant 4 : i32
          %add3A_280 = arith.addi %add3A_183, %add3A_279 : i32
          %add3A_281 = arith.addi %mul3A_0, %add3A_280 : i32
          %dma_start3A_282 = arith.constant 0 : i32
          %dma_start3A_283 = arith.constant 0 : i32
          %dma_start3A_284 = tpu.memref_slice %arg9[%dma_start3A_282, %dma_start3A_283] : memref<4x128xi32, #tpu.memory_space<vmem>> -> memref<1x128xi32, #tpu.memory_space<vmem>>
          %dma_start3A_285 = tpu.memref_squeeze %dma_start3A_284 : memref<1x128xi32, #tpu.memory_space<vmem>> -> memref<128xi32, #tpu.memory_space<vmem>>
          %dma_start3A_286 = arith.constant 0 : i32
          %dma_start3A_287 = tpu.memref_slice %arg4[%add3A_281, %dma_start3A_286] : memref<2560x128xi32, #tpu.memory_space<hbm>> -> memref<1x128xi32, #tpu.memory_space<hbm>>
          %dma_start3A_288 = tpu.memref_squeeze %dma_start3A_287 : memref<1x128xi32, #tpu.memory_space<hbm>> -> memref<128xi32, #tpu.memory_space<hbm>>
          %dma_start3A_289 = arith.constant 0 : i32
          %dma_start3A_290 = tpu.memref_slice %arg9[%dma_start3A_282, %dma_start3A_289] : memref<4x128xi32, #tpu.memory_space<vmem>> -> memref<1x128xi32, #tpu.memory_space<vmem>>
          %dma_start3A_291 = tpu.memref_squeeze %dma_start3A_290 : memref<1x128xi32, #tpu.memory_space<vmem>> -> memref<128xi32, #tpu.memory_space<vmem>>
          %dma_start3A_292 = arith.constant 0 : i32
          %dma_start3A_293 = tpu.memref_slice %arg4[%add3A_281, %dma_start3A_292] : memref<2560x128xi32, #tpu.memory_space<hbm>> -> memref<1x128xi32, #tpu.memory_space<hbm>>
          %dma_start3A_294 = tpu.memref_squeeze %dma_start3A_293 : memref<1x128xi32, #tpu.memory_space<hbm>> -> memref<128xi32, #tpu.memory_space<hbm>>
          tpu.enqueue_dma source(%dma_start3A_294 : memref<128xi32, #tpu.memory_space<hbm>>) target(%dma_start3A_291 : memref<128xi32, #tpu.memory_space<vmem>>) target_semaphore(%arg16 : memref<!tpu.dma_semaphore, #tpu.memory_space<semaphore_mem>>)
          %add3A_295 = arith.addi %mul3A_0, %add3A_280 : i32
          %dma_start3A_296 = arith.constant 0 : i32
          %dma_start3A_297 = tpu.memref_slice %arg5[%add3A_295, %dma_start3A_296] : memref<2560x128xi32, #tpu.memory_space<hbm>> -> memref<1x128xi32, #tpu.memory_space<hbm>>
          %dma_start3A_298 = tpu.memref_squeeze %dma_start3A_297 : memref<1x128xi32, #tpu.memory_space<hbm>> -> memref<128xi32, #tpu.memory_space<hbm>>
          %dma_start3A_299 = arith.constant 0 : i32
          %dma_start3A_300 = tpu.memref_slice %arg5[%add3A_295, %dma_start3A_299] : memref<2560x128xi32, #tpu.memory_space<hbm>> -> memref<1x128xi32, #tpu.memory_space<hbm>>
          %dma_start3A_301 = tpu.memref_squeeze %dma_start3A_300 : memref<1x128xi32, #tpu.memory_space<hbm>> -> memref<128xi32, #tpu.memory_space<hbm>>
          tpu.enqueue_dma source(%dma_start3A_301 : memref<128xi32, #tpu.memory_space<hbm>>) target(%arg10 : memref<128xi32, #tpu.memory_space<vmem>>) target_semaphore(%arg16 : memref<!tpu.dma_semaphore, #tpu.memory_space<semaphore_mem>>)
        } else {
        }
        %add3A_197 = arith.constant 2 : i32
        %add3A_198 = arith.addi %add3A_183, %add3A_197 : i32
        %lt3A_199 = arith.constant 160 : i32
        %lt3A_200 = arith.cmpi slt, %add3A_198, %lt3A_199 : i32
        %convert_element_type3A_201 = arith.extui %lt3A_200 : i1 to i32
        %cond3A_202 = arith.constant 0 : i32
        %cond3A_203 = arith.cmpi ne, %convert_element_type3A_201, %cond3A_202 : i32
        scf.if %cond3A_203 {
          %dma_wait3A_279 = arith.constant 2 : i32
          %dma_wait3A_280 = arith.constant 0 : i32
          %dma_wait3A_281 = tpu.memref_slice %arg9[%dma_wait3A_279, %dma_wait3A_280] : memref<4x128xi32, #tpu.memory_space<vmem>> -> memref<1x128xi32, #tpu.memory_space<vmem>>
          %dma_wait3A_282 = tpu.memref_squeeze %dma_wait3A_281 : memref<1x128xi32, #tpu.memory_space<vmem>> -> memref<128xi32, #tpu.memory_space<vmem>>
          %dma_wait3A_283 = arith.constant 0 : i32
          %dma_wait3A_284 = tpu.memref_slice %arg4[%mul3A_0, %dma_wait3A_283] : memref<2560x128xi32, #tpu.memory_space<hbm>> -> memref<1x128xi32, #tpu.memory_space<hbm>>
          %dma_wait3A_285 = tpu.memref_squeeze %dma_wait3A_284 : memref<1x128xi32, #tpu.memory_space<hbm>> -> memref<128xi32, #tpu.memory_space<hbm>>
          %dma_wait3A_286 = arith.constant 0 : i32
          %dma_wait3A_287 = tpu.memref_slice %arg9[%dma_wait3A_279, %dma_wait3A_286] : memref<4x128xi32, #tpu.memory_space<vmem>> -> memref<1x128xi32, #tpu.memory_space<vmem>>
          %dma_wait3A_288 = tpu.memref_squeeze %dma_wait3A_287 : memref<1x128xi32, #tpu.memory_space<vmem>> -> memref<128xi32, #tpu.memory_space<vmem>>
          %dma_wait3A_289 = arith.constant 0 : i32
          %dma_wait3A_290 = tpu.memref_slice %arg4[%mul3A_0, %dma_wait3A_289] : memref<2560x128xi32, #tpu.memory_space<hbm>> -> memref<1x128xi32, #tpu.memory_space<hbm>>
          %dma_wait3A_291 = tpu.memref_squeeze %dma_wait3A_290 : memref<1x128xi32, #tpu.memory_space<hbm>> -> memref<128xi32, #tpu.memory_space<hbm>>
          tpu.wait_dma2 semaphore(%arg18 : memref<!tpu.dma_semaphore, #tpu.memory_space<semaphore_mem>>) src(%dma_wait3A_291 : memref<128xi32, #tpu.memory_space<hbm>>) dst(%dma_wait3A_288 : memref<128xi32, #tpu.memory_space<vmem>>)
          %dma_wait3A_292 = arith.constant 0 : i32
          %dma_wait3A_293 = tpu.memref_slice %arg5[%mul3A_0, %dma_wait3A_292] : memref<2560x128xi32, #tpu.memory_space<hbm>> -> memref<1x128xi32, #tpu.memory_space<hbm>>
          %dma_wait3A_294 = tpu.memref_squeeze %dma_wait3A_293 : memref<1x128xi32, #tpu.memory_space<hbm>> -> memref<128xi32, #tpu.memory_space<hbm>>
          %dma_wait3A_295 = arith.constant 0 : i32
          %dma_wait3A_296 = tpu.memref_slice %arg5[%mul3A_0, %dma_wait3A_295] : memref<2560x128xi32, #tpu.memory_space<hbm>> -> memref<1x128xi32, #tpu.memory_space<hbm>>
          %dma_wait3A_297 = tpu.memref_squeeze %dma_wait3A_296 : memref<1x128xi32, #tpu.memory_space<hbm>> -> memref<128xi32, #tpu.memory_space<hbm>>
          tpu.wait_dma2 semaphore(%arg18 : memref<!tpu.dma_semaphore, #tpu.memory_space<semaphore_mem>>) src(%dma_wait3A_297 : memref<128xi32, #tpu.memory_space<hbm>>) dst(%arg12 : memref<128xi32, #tpu.memory_space<vmem>>)
          %dma_start3A_298 = arith.constant 2 : i32
          %dma_start3A_299 = arith.constant 0 : i32
          %dma_start3A_300 = tpu.memref_slice %arg9[%dma_start3A_298, %dma_start3A_299] : memref<4x128xi32, #tpu.memory_space<vmem>> -> memref<1x128xi32, #tpu.memory_space<vmem>>
          %dma_start3A_301 = tpu.memref_squeeze %dma_start3A_300 : memref<1x128xi32, #tpu.memory_space<vmem>> -> memref<128xi32, #tpu.memory_space<vmem>>
          %dma_start3A_302 = arith.constant 0 : i32
          %dma_start3A_303 = arith.constant 0 : i32
          %dma_start3A_304 = tpu.memref_slice %arg3[%dma_start3A_302, %dma_start3A_303] : memref<10000x128xf32, #tpu.memory_space<hbm>> -> memref<10000x128xf32, #tpu.memory_space<hbm>>
          tpu.enqueue_indirect_dma source(%dma_start3A_304 : memref<10000x128xf32, #tpu.memory_space<hbm>>) target(%arg14 : memref<128x128xf32, #tpu.memory_space<vmem>>) offsets(%dma_start3A_301 : memref<128xi32, #tpu.memory_space<vmem>>) semaphore(%arg20 : memref<!tpu.dma_semaphore, #tpu.memory_space<semaphore_mem>>)
        } else {
        }
        %mul3A_204 = arith.constant 4 : i32
        %mul3A_205 = arith.muli %mul3A_204, %scan3A_179 : i32
        %add3A_206 = arith.constant 1 : i32
        %add3A_207 = arith.addi %mul3A_205, %add3A_206 : i32
        %dma_wait3A_208 = arith.constant 0 : i32
        %dma_wait3A_209 = arith.constant 0 : i32
        %dma_wait3A_210 = tpu.memref_slice %arg9[%dma_wait3A_208, %dma_wait3A_209] : memref<4x128xi32, #tpu.memory_space<vmem>> -> memref<1x128xi32, #tpu.memory_space<vmem>>
        %dma_wait3A_211 = tpu.memref_squeeze %dma_wait3A_210 : memref<1x128xi32, #tpu.memory_space<vmem>> -> memref<128xi32, #tpu.memory_space<vmem>>
        %dma_wait3A_212 = arith.constant 0 : i32
        %dma_wait3A_213 = arith.constant 0 : i32
        %dma_wait3A_214 = tpu.memref_slice %arg3[%dma_wait3A_212, %dma_wait3A_213] : memref<10000x128xf32, #tpu.memory_space<hbm>> -> memref<10000x128xf32, #tpu.memory_space<hbm>>
        tpu.wait_indirect_dma semaphore(%arg21 : memref<!tpu.dma_semaphore, #tpu.memory_space<semaphore_mem>>) src(%dma_wait3A_214 : memref<10000x128xf32, #tpu.memory_space<hbm>>) dst(%arg15 : memref<128x128xf32, #tpu.memory_space<vmem>>)
        "tpu.region"() ({
          %run_scoped3A = tpu.sem_alloc : memref<!tpu.dma_semaphore, #tpu.memory_space<semaphore_mem>>
          %dma_start3A_279 = arith.constant 0 : i32
          %dma_start3A_280 = arith.constant 0 : i32
          %dma_start3A_281 = tpu.memref_slice %arg22[%dma_start3A_279, %dma_start3A_280] : memref<10240x128xf32, #tpu.memory_space<vmem_shared>> -> memref<10240x128xf32, #tpu.memory_space<vmem_shared>>
          tpu.enqueue_indirect_dma source(%arg15 : memref<128x128xf32, #tpu.memory_space<vmem>>) target(%dma_start3A_281 : memref<10240x128xf32, #tpu.memory_space<vmem_shared>>) offsets(%arg11 : memref<128xi32, #tpu.memory_space<vmem>>) semaphore(%run_scoped3A : memref<!tpu.dma_semaphore, #tpu.memory_space<semaphore_mem>>) {add = true}
          %dma_wait3A_282 = arith.constant 0 : i32
          %dma_wait3A_283 = arith.constant 0 : i32
          %dma_wait3A_284 = tpu.memref_slice %arg22[%dma_wait3A_282, %dma_wait3A_283] : memref<10240x128xf32, #tpu.memory_space<vmem_shared>> -> memref<10240x128xf32, #tpu.memory_space<vmem_shared>>
          tpu.wait_indirect_dma semaphore(%run_scoped3A : memref<!tpu.dma_semaphore, #tpu.memory_space<semaphore_mem>>) src(%arg15 : memref<128x128xf32, #tpu.memory_space<vmem>>) dst(%dma_wait3A_284 : memref<10240x128xf32, #tpu.memory_space<vmem_shared>>)
          tpu.yield
        }) : () -> ()
        %add3A_215 = arith.constant 4 : i32
        %add3A_216 = arith.addi %add3A_207, %add3A_215 : i32
        %lt3A_217 = arith.constant 160 : i32
        %lt3A_218 = arith.cmpi slt, %add3A_216, %lt3A_217 : i32
        %convert_element_type3A_219 = arith.extui %lt3A_218 : i1 to i32
        %cond3A_220 = arith.constant 0 : i32
        %cond3A_221 = arith.cmpi ne, %convert_element_type3A_219, %cond3A_220 : i32
        scf.if %cond3A_221 {
          %add3A_279 = arith.constant 4 : i32
          %add3A_280 = arith.addi %add3A_207, %add3A_279 : i32
          %add3A_281 = arith.addi %mul3A_0, %add3A_280 : i32
          %dma_start3A_282 = arith.constant 1 : i32
          %dma_start3A_283 = arith.constant 0 : i32
          %dma_start3A_284 = tpu.memref_slice %arg9[%dma_start3A_282, %dma_start3A_283] : memref<4x128xi32, #tpu.memory_space<vmem>> -> memref<1x128xi32, #tpu.memory_space<vmem>>
          %dma_start3A_285 = tpu.memref_squeeze %dma_start3A_284 : memref<1x128xi32, #tpu.memory_space<vmem>> -> memref<128xi32, #tpu.memory_space<vmem>>
          %dma_start3A_286 = arith.constant 0 : i32
          %dma_start3A_287 = tpu.memref_slice %arg4[%add3A_281, %dma_start3A_286] : memref<2560x128xi32, #tpu.memory_space<hbm>> -> memref<1x128xi32, #tpu.memory_space<hbm>>
          %dma_start3A_288 = tpu.memref_squeeze %dma_start3A_287 : memref<1x128xi32, #tpu.memory_space<hbm>> -> memref<128xi32, #tpu.memory_space<hbm>>
          %dma_start3A_289 = arith.constant 0 : i32
          %dma_start3A_290 = tpu.memref_slice %arg9[%dma_start3A_282, %dma_start3A_289] : memref<4x128xi32, #tpu.memory_space<vmem>> -> memref<1x128xi32, #tpu.memory_space<vmem>>
          %dma_start3A_291 = tpu.memref_squeeze %dma_start3A_290 : memref<1x128xi32, #tpu.memory_space<vmem>> -> memref<128xi32, #tpu.memory_space<vmem>>
          %dma_start3A_292 = arith.constant 0 : i32
          %dma_start3A_293 = tpu.memref_slice %arg4[%add3A_281, %dma_start3A_292] : memref<2560x128xi32, #tpu.memory_space<hbm>> -> memref<1x128xi32, #tpu.memory_space<hbm>>
          %dma_start3A_294 = tpu.memref_squeeze %dma_start3A_293 : memref<1x128xi32, #tpu.memory_space<hbm>> -> memref<128xi32, #tpu.memory_space<hbm>>
          tpu.enqueue_dma source(%dma_start3A_294 : memref<128xi32, #tpu.memory_space<hbm>>) target(%dma_start3A_291 : memref<128xi32, #tpu.memory_space<vmem>>) target_semaphore(%arg17 : memref<!tpu.dma_semaphore, #tpu.memory_space<semaphore_mem>>)
          %add3A_295 = arith.addi %mul3A_0, %add3A_280 : i32
          %dma_start3A_296 = arith.constant 0 : i32
          %dma_start3A_297 = tpu.memref_slice %arg5[%add3A_295, %dma_start3A_296] : memref<2560x128xi32, #tpu.memory_space<hbm>> -> memref<1x128xi32, #tpu.memory_space<hbm>>
          %dma_start3A_298 = tpu.memref_squeeze %dma_start3A_297 : memref<1x128xi32, #tpu.memory_space<hbm>> -> memref<128xi32, #tpu.memory_space<hbm>>
          %dma_start3A_299 = arith.constant 0 : i32
          %dma_start3A_300 = tpu.memref_slice %arg5[%add3A_295, %dma_start3A_299] : memref<2560x128xi32, #tpu.memory_space<hbm>> -> memref<1x128xi32, #tpu.memory_space<hbm>>
          %dma_start3A_301 = tpu.memref_squeeze %dma_start3A_300 : memref<1x128xi32, #tpu.memory_space<hbm>> -> memref<128xi32, #tpu.memory_space<hbm>>
          tpu.enqueue_dma source(%dma_start3A_301 : memref<128xi32, #tpu.memory_space<hbm>>) target(%arg11 : memref<128xi32, #tpu.memory_space<vmem>>) target_semaphore(%arg17 : memref<!tpu.dma_semaphore, #tpu.memory_space<semaphore_mem>>)
        } else {
        }
        %add3A_222 = arith.constant 2 : i32
        %add3A_223 = arith.addi %add3A_207, %add3A_222 : i32
        %lt3A_224 = arith.constant 160 : i32
        %lt3A_225 = arith.cmpi slt, %add3A_223, %lt3A_224 : i32
        %convert_element_type3A_226 = arith.extui %lt3A_225 : i1 to i32
        %cond3A_227 = arith.constant 0 : i32
        %cond3A_228 = arith.cmpi ne, %convert_element_type3A_226, %cond3A_227 : i32
        scf.if %cond3A_228 {
          %dma_wait3A_279 = arith.constant 3 : i32
          %dma_wait3A_280 = arith.constant 0 : i32
          %dma_wait3A_281 = tpu.memref_slice %arg9[%dma_wait3A_279, %dma_wait3A_280] : memref<4x128xi32, #tpu.memory_space<vmem>> -> memref<1x128xi32, #tpu.memory_space<vmem>>
          %dma_wait3A_282 = tpu.memref_squeeze %dma_wait3A_281 : memref<1x128xi32, #tpu.memory_space<vmem>> -> memref<128xi32, #tpu.memory_space<vmem>>
          %dma_wait3A_283 = arith.constant 0 : i32
          %dma_wait3A_284 = tpu.memref_slice %arg4[%mul3A_0, %dma_wait3A_283] : memref<2560x128xi32, #tpu.memory_space<hbm>> -> memref<1x128xi32, #tpu.memory_space<hbm>>
          %dma_wait3A_285 = tpu.memref_squeeze %dma_wait3A_284 : memref<1x128xi32, #tpu.memory_space<hbm>> -> memref<128xi32, #tpu.memory_space<hbm>>
          %dma_wait3A_286 = arith.constant 0 : i32
          %dma_wait3A_287 = tpu.memref_slice %arg9[%dma_wait3A_279, %dma_wait3A_286] : memref<4x128xi32, #tpu.memory_space<vmem>> -> memref<1x128xi32, #tpu.memory_space<vmem>>
          %dma_wait3A_288 = tpu.memref_squeeze %dma_wait3A_287 : memref<1x128xi32, #tpu.memory_space<vmem>> -> memref<128xi32, #tpu.memory_space<vmem>>
          %dma_wait3A_289 = arith.constant 0 : i32
          %dma_wait3A_290 = tpu.memref_slice %arg4[%mul3A_0, %dma_wait3A_289] : memref<2560x128xi32, #tpu.memory_space<hbm>> -> memref<1x128xi32, #tpu.memory_space<hbm>>
          %dma_wait3A_291 = tpu.memref_squeeze %dma_wait3A_290 : memref<1x128xi32, #tpu.memory_space<hbm>> -> memref<128xi32, #tpu.memory_space<hbm>>
          tpu.wait_dma2 semaphore(%arg19 : memref<!tpu.dma_semaphore, #tpu.memory_space<semaphore_mem>>) src(%dma_wait3A_291 : memref<128xi32, #tpu.memory_space<hbm>>) dst(%dma_wait3A_288 : memref<128xi32, #tpu.memory_space<vmem>>)
          %dma_wait3A_292 = arith.constant 0 : i32
          %dma_wait3A_293 = tpu.memref_slice %arg5[%mul3A_0, %dma_wait3A_292] : memref<2560x128xi32, #tpu.memory_space<hbm>> -> memref<1x128xi32, #tpu.memory_space<hbm>>
          %dma_wait3A_294 = tpu.memref_squeeze %dma_wait3A_293 : memref<1x128xi32, #tpu.memory_space<hbm>> -> memref<128xi32, #tpu.memory_space<hbm>>
          %dma_wait3A_295 = arith.constant 0 : i32
          %dma_wait3A_296 = tpu.memref_slice %arg5[%mul3A_0, %dma_wait3A_295] : memref<2560x128xi32, #tpu.memory_space<hbm>> -> memref<1x128xi32, #tpu.memory_space<hbm>>
          %dma_wait3A_297 = tpu.memref_squeeze %dma_wait3A_296 : memref<1x128xi32, #tpu.memory_space<hbm>> -> memref<128xi32, #tpu.memory_space<hbm>>
          tpu.wait_dma2 semaphore(%arg19 : memref<!tpu.dma_semaphore, #tpu.memory_space<semaphore_mem>>) src(%dma_wait3A_297 : memref<128xi32, #tpu.memory_space<hbm>>) dst(%arg13 : memref<128xi32, #tpu.memory_space<vmem>>)
          %dma_start3A_298 = arith.constant 3 : i32
          %dma_start3A_299 = arith.constant 0 : i32
          %dma_start3A_300 = tpu.memref_slice %arg9[%dma_start3A_298, %dma_start3A_299] : memref<4x128xi32, #tpu.memory_space<vmem>> -> memref<1x128xi32, #tpu.memory_space<vmem>>
          %dma_start3A_301 = tpu.memref_squeeze %dma_start3A_300 : memref<1x128xi32, #tpu.memory_space<vmem>> -> memref<128xi32, #tpu.memory_space<vmem>>
          %dma_start3A_302 = arith.constant 0 : i32
          %dma_start3A_303 = arith.constant 0 : i32
          %dma_start3A_304 = tpu.memref_slice %arg3[%dma_start3A_302, %dma_start3A_303] : memref<10000x128xf32, #tpu.memory_space<hbm>> -> memref<10000x128xf32, #tpu.memory_space<hbm>>
          tpu.enqueue_indirect_dma source(%dma_start3A_304 : memref<10000x128xf32, #tpu.memory_space<hbm>>) target(%arg15 : memref<128x128xf32, #tpu.memory_space<vmem>>) offsets(%dma_start3A_301 : memref<128xi32, #tpu.memory_space<vmem>>) semaphore(%arg21 : memref<!tpu.dma_semaphore, #tpu.memory_space<semaphore_mem>>)
        } else {
        }
        %mul3A_229 = arith.constant 4 : i32
        %mul3A_230 = arith.muli %mul3A_229, %scan3A_179 : i32
        %add3A_231 = arith.constant 2 : i32
        %add3A_232 = arith.addi %mul3A_230, %add3A_231 : i32
        %dma_wait3A_233 = arith.constant 0 : i32
        %dma_wait3A_234 = arith.constant 0 : i32
        %dma_wait3A_235 = tpu.memref_slice %arg9[%dma_wait3A_233, %dma_wait3A_234] : memref<4x128xi32, #tpu.memory_space<vmem>> -> memref<1x128xi32, #tpu.memory_space<vmem>>
        %dma_wait3A_236 = tpu.memref_squeeze %dma_wait3A_235 : memref<1x128xi32, #tpu.memory_space<vmem>> -> memref<128xi32, #tpu.memory_space<vmem>>
        %dma_wait3A_237 = arith.constant 0 : i32
        %dma_wait3A_238 = arith.constant 0 : i32
        %dma_wait3A_239 = tpu.memref_slice %arg3[%dma_wait3A_237, %dma_wait3A_238] : memref<10000x128xf32, #tpu.memory_space<hbm>> -> memref<10000x128xf32, #tpu.memory_space<hbm>>
        tpu.wait_indirect_dma semaphore(%arg20 : memref<!tpu.dma_semaphore, #tpu.memory_space<semaphore_mem>>) src(%dma_wait3A_239 : memref<10000x128xf32, #tpu.memory_space<hbm>>) dst(%arg14 : memref<128x128xf32, #tpu.memory_space<vmem>>)
        "tpu.region"() ({
          %run_scoped3A = tpu.sem_alloc : memref<!tpu.dma_semaphore, #tpu.memory_space<semaphore_mem>>
          %dma_start3A_279 = arith.constant 0 : i32
          %dma_start3A_280 = arith.constant 0 : i32
          %dma_start3A_281 = tpu.memref_slice %arg22[%dma_start3A_279, %dma_start3A_280] : memref<10240x128xf32, #tpu.memory_space<vmem_shared>> -> memref<10240x128xf32, #tpu.memory_space<vmem_shared>>
          tpu.enqueue_indirect_dma source(%arg14 : memref<128x128xf32, #tpu.memory_space<vmem>>) target(%dma_start3A_281 : memref<10240x128xf32, #tpu.memory_space<vmem_shared>>) offsets(%arg12 : memref<128xi32, #tpu.memory_space<vmem>>) semaphore(%run_scoped3A : memref<!tpu.dma_semaphore, #tpu.memory_space<semaphore_mem>>) {add = true}
          %dma_wait3A_282 = arith.constant 0 : i32
          %dma_wait3A_283 = arith.constant 0 : i32
          %dma_wait3A_284 = tpu.memref_slice %arg22[%dma_wait3A_282, %dma_wait3A_283] : memref<10240x128xf32, #tpu.memory_space<vmem_shared>> -> memref<10240x128xf32, #tpu.memory_space<vmem_shared>>
          tpu.wait_indirect_dma semaphore(%run_scoped3A : memref<!tpu.dma_semaphore, #tpu.memory_space<semaphore_mem>>) src(%arg14 : memref<128x128xf32, #tpu.memory_space<vmem>>) dst(%dma_wait3A_284 : memref<10240x128xf32, #tpu.memory_space<vmem_shared>>)
          tpu.yield
        }) : () -> ()
        %add3A_240 = arith.constant 4 : i32
        %add3A_241 = arith.addi %add3A_232, %add3A_240 : i32
        %lt3A_242 = arith.constant 160 : i32
        %lt3A_243 = arith.cmpi slt, %add3A_241, %lt3A_242 : i32
        %convert_element_type3A_244 = arith.extui %lt3A_243 : i1 to i32
        %cond3A_245 = arith.constant 0 : i32
        %cond3A_246 = arith.cmpi ne, %convert_element_type3A_244, %cond3A_245 : i32
        scf.if %cond3A_246 {
          %add3A_279 = arith.constant 4 : i32
          %add3A_280 = arith.addi %add3A_232, %add3A_279 : i32
          %add3A_281 = arith.addi %mul3A_0, %add3A_280 : i32
          %dma_start3A_282 = arith.constant 2 : i32
          %dma_start3A_283 = arith.constant 0 : i32
          %dma_start3A_284 = tpu.memref_slice %arg9[%dma_start3A_282, %dma_start3A_283] : memref<4x128xi32, #tpu.memory_space<vmem>> -> memref<1x128xi32, #tpu.memory_space<vmem>>
          %dma_start3A_285 = tpu.memref_squeeze %dma_start3A_284 : memref<1x128xi32, #tpu.memory_space<vmem>> -> memref<128xi32, #tpu.memory_space<vmem>>
          %dma_start3A_286 = arith.constant 0 : i32
          %dma_start3A_287 = tpu.memref_slice %arg4[%add3A_281, %dma_start3A_286] : memref<2560x128xi32, #tpu.memory_space<hbm>> -> memref<1x128xi32, #tpu.memory_space<hbm>>
          %dma_start3A_288 = tpu.memref_squeeze %dma_start3A_287 : memref<1x128xi32, #tpu.memory_space<hbm>> -> memref<128xi32, #tpu.memory_space<hbm>>
          %dma_start3A_289 = arith.constant 0 : i32
          %dma_start3A_290 = tpu.memref_slice %arg9[%dma_start3A_282, %dma_start3A_289] : memref<4x128xi32, #tpu.memory_space<vmem>> -> memref<1x128xi32, #tpu.memory_space<vmem>>
          %dma_start3A_291 = tpu.memref_squeeze %dma_start3A_290 : memref<1x128xi32, #tpu.memory_space<vmem>> -> memref<128xi32, #tpu.memory_space<vmem>>
          %dma_start3A_292 = arith.constant 0 : i32
          %dma_start3A_293 = tpu.memref_slice %arg4[%add3A_281, %dma_start3A_292] : memref<2560x128xi32, #tpu.memory_space<hbm>> -> memref<1x128xi32, #tpu.memory_space<hbm>>
          %dma_start3A_294 = tpu.memref_squeeze %dma_start3A_293 : memref<1x128xi32, #tpu.memory_space<hbm>> -> memref<128xi32, #tpu.memory_space<hbm>>
          tpu.enqueue_dma source(%dma_start3A_294 : memref<128xi32, #tpu.memory_space<hbm>>) target(%dma_start3A_291 : memref<128xi32, #tpu.memory_space<vmem>>) target_semaphore(%arg18 : memref<!tpu.dma_semaphore, #tpu.memory_space<semaphore_mem>>)
          %add3A_295 = arith.addi %mul3A_0, %add3A_280 : i32
          %dma_start3A_296 = arith.constant 0 : i32
          %dma_start3A_297 = tpu.memref_slice %arg5[%add3A_295, %dma_start3A_296] : memref<2560x128xi32, #tpu.memory_space<hbm>> -> memref<1x128xi32, #tpu.memory_space<hbm>>
          %dma_start3A_298 = tpu.memref_squeeze %dma_start3A_297 : memref<1x128xi32, #tpu.memory_space<hbm>> -> memref<128xi32, #tpu.memory_space<hbm>>
          %dma_start3A_299 = arith.constant 0 : i32
          %dma_start3A_300 = tpu.memref_slice %arg5[%add3A_295, %dma_start3A_299] : memref<2560x128xi32, #tpu.memory_space<hbm>> -> memref<1x128xi32, #tpu.memory_space<hbm>>
          %dma_start3A_301 = tpu.memref_squeeze %dma_start3A_300 : memref<1x128xi32, #tpu.memory_space<hbm>> -> memref<128xi32, #tpu.memory_space<hbm>>
          tpu.enqueue_dma source(%dma_start3A_301 : memref<128xi32, #tpu.memory_space<hbm>>) target(%arg12 : memref<128xi32, #tpu.memory_space<vmem>>) target_semaphore(%arg18 : memref<!tpu.dma_semaphore, #tpu.memory_space<semaphore_mem>>)
        } else {
        }
        %add3A_247 = arith.constant 2 : i32
        %add3A_248 = arith.addi %add3A_232, %add3A_247 : i32
        %lt3A_249 = arith.constant 160 : i32
        %lt3A_250 = arith.cmpi slt, %add3A_248, %lt3A_249 : i32
        %convert_element_type3A_251 = arith.extui %lt3A_250 : i1 to i32
        %cond3A_252 = arith.constant 0 : i32
        %cond3A_253 = arith.cmpi ne, %convert_element_type3A_251, %cond3A_252 : i32
        scf.if %cond3A_253 {
          %dma_wait3A_279 = arith.constant 0 : i32
          %dma_wait3A_280 = arith.constant 0 : i32
          %dma_wait3A_281 = tpu.memref_slice %arg9[%dma_wait3A_279, %dma_wait3A_280] : memref<4x128xi32, #tpu.memory_space<vmem>> -> memref<1x128xi32, #tpu.memory_space<vmem>>
          %dma_wait3A_282 = tpu.memref_squeeze %dma_wait3A_281 : memref<1x128xi32, #tpu.memory_space<vmem>> -> memref<128xi32, #tpu.memory_space<vmem>>
          %dma_wait3A_283 = arith.constant 0 : i32
          %dma_wait3A_284 = tpu.memref_slice %arg4[%mul3A_0, %dma_wait3A_283] : memref<2560x128xi32, #tpu.memory_space<hbm>> -> memref<1x128xi32, #tpu.memory_space<hbm>>
          %dma_wait3A_285 = tpu.memref_squeeze %dma_wait3A_284 : memref<1x128xi32, #tpu.memory_space<hbm>> -> memref<128xi32, #tpu.memory_space<hbm>>
          %dma_wait3A_286 = arith.constant 0 : i32
          %dma_wait3A_287 = tpu.memref_slice %arg9[%dma_wait3A_279, %dma_wait3A_286] : memref<4x128xi32, #tpu.memory_space<vmem>> -> memref<1x128xi32, #tpu.memory_space<vmem>>
          %dma_wait3A_288 = tpu.memref_squeeze %dma_wait3A_287 : memref<1x128xi32, #tpu.memory_space<vmem>> -> memref<128xi32, #tpu.memory_space<vmem>>
          %dma_wait3A_289 = arith.constant 0 : i32
          %dma_wait3A_290 = tpu.memref_slice %arg4[%mul3A_0, %dma_wait3A_289] : memref<2560x128xi32, #tpu.memory_space<hbm>> -> memref<1x128xi32, #tpu.memory_space<hbm>>
          %dma_wait3A_291 = tpu.memref_squeeze %dma_wait3A_290 : memref<1x128xi32, #tpu.memory_space<hbm>> -> memref<128xi32, #tpu.memory_space<hbm>>
          tpu.wait_dma2 semaphore(%arg16 : memref<!tpu.dma_semaphore, #tpu.memory_space<semaphore_mem>>) src(%dma_wait3A_291 : memref<128xi32, #tpu.memory_space<hbm>>) dst(%dma_wait3A_288 : memref<128xi32, #tpu.memory_space<vmem>>)
          %dma_wait3A_292 = arith.constant 0 : i32
          %dma_wait3A_293 = tpu.memref_slice %arg5[%mul3A_0, %dma_wait3A_292] : memref<2560x128xi32, #tpu.memory_space<hbm>> -> memref<1x128xi32, #tpu.memory_space<hbm>>
          %dma_wait3A_294 = tpu.memref_squeeze %dma_wait3A_293 : memref<1x128xi32, #tpu.memory_space<hbm>> -> memref<128xi32, #tpu.memory_space<hbm>>
          %dma_wait3A_295 = arith.constant 0 : i32
          %dma_wait3A_296 = tpu.memref_slice %arg5[%mul3A_0, %dma_wait3A_295] : memref<2560x128xi32, #tpu.memory_space<hbm>> -> memref<1x128xi32, #tpu.memory_space<hbm>>
          %dma_wait3A_297 = tpu.memref_squeeze %dma_wait3A_296 : memref<1x128xi32, #tpu.memory_space<hbm>> -> memref<128xi32, #tpu.memory_space<hbm>>
          tpu.wait_dma2 semaphore(%arg16 : memref<!tpu.dma_semaphore, #tpu.memory_space<semaphore_mem>>) src(%dma_wait3A_297 : memref<128xi32, #tpu.memory_space<hbm>>) dst(%arg10 : memref<128xi32, #tpu.memory_space<vmem>>)
          %dma_start3A_298 = arith.constant 0 : i32
          %dma_start3A_299 = arith.constant 0 : i32
          %dma_start3A_300 = tpu.memref_slice %arg9[%dma_start3A_298, %dma_start3A_299] : memref<4x128xi32, #tpu.memory_space<vmem>> -> memref<1x128xi32, #tpu.memory_space<vmem>>
          %dma_start3A_301 = tpu.memref_squeeze %dma_start3A_300 : memref<1x128xi32, #tpu.memory_space<vmem>> -> memref<128xi32, #tpu.memory_space<vmem>>
          %dma_start3A_302 = arith.constant 0 : i32
          %dma_start3A_303 = arith.constant 0 : i32
          %dma_start3A_304 = tpu.memref_slice %arg3[%dma_start3A_302, %dma_start3A_303] : memref<10000x128xf32, #tpu.memory_space<hbm>> -> memref<10000x128xf32, #tpu.memory_space<hbm>>
          tpu.enqueue_indirect_dma source(%dma_start3A_304 : memref<10000x128xf32, #tpu.memory_space<hbm>>) target(%arg14 : memref<128x128xf32, #tpu.memory_space<vmem>>) offsets(%dma_start3A_301 : memref<128xi32, #tpu.memory_space<vmem>>) semaphore(%arg20 : memref<!tpu.dma_semaphore, #tpu.memory_space<semaphore_mem>>)
        } else {
        }
        %mul3A_254 = arith.constant 4 : i32
        %mul3A_255 = arith.muli %mul3A_254, %scan3A_179 : i32
        %add3A_256 = arith.constant 3 : i32
        %add3A_257 = arith.addi %mul3A_255, %add3A_256 : i32
        %dma_wait3A_258 = arith.constant 0 : i32
        %dma_wait3A_259 = arith.constant 0 : i32
        %dma_wait3A_260 = tpu.memref_slice %arg9[%dma_wait3A_258, %dma_wait3A_259] : memref<4x128xi32, #tpu.memory_space<vmem>> -> memref<1x128xi32, #tpu.memory_space<vmem>>
        %dma_wait3A_261 = tpu.memref_squeeze %dma_wait3A_260 : memref<1x128xi32, #tpu.memory_space<vmem>> -> memref<128xi32, #tpu.memory_space<vmem>>
        %dma_wait3A_262 = arith.constant 0 : i32
        %dma_wait3A_263 = arith.constant 0 : i32
        %dma_wait3A_264 = tpu.memref_slice %arg3[%dma_wait3A_262, %dma_wait3A_263] : memref<10000x128xf32, #tpu.memory_space<hbm>> -> memref<10000x128xf32, #tpu.memory_space<hbm>>
        tpu.wait_indirect_dma semaphore(%arg21 : memref<!tpu.dma_semaphore, #tpu.memory_space<semaphore_mem>>) src(%dma_wait3A_264 : memref<10000x128xf32, #tpu.memory_space<hbm>>) dst(%arg15 : memref<128x128xf32, #tpu.memory_space<vmem>>)
        "tpu.region"() ({
          %run_scoped3A = tpu.sem_alloc : memref<!tpu.dma_semaphore, #tpu.memory_space<semaphore_mem>>
          %dma_start3A_279 = arith.constant 0 : i32
          %dma_start3A_280 = arith.constant 0 : i32
          %dma_start3A_281 = tpu.memref_slice %arg22[%dma_start3A_279, %dma_start3A_280] : memref<10240x128xf32, #tpu.memory_space<vmem_shared>> -> memref<10240x128xf32, #tpu.memory_space<vmem_shared>>
          tpu.enqueue_indirect_dma source(%arg15 : memref<128x128xf32, #tpu.memory_space<vmem>>) target(%dma_start3A_281 : memref<10240x128xf32, #tpu.memory_space<vmem_shared>>) offsets(%arg13 : memref<128xi32, #tpu.memory_space<vmem>>) semaphore(%run_scoped3A : memref<!tpu.dma_semaphore, #tpu.memory_space<semaphore_mem>>) {add = true}
          %dma_wait3A_282 = arith.constant 0 : i32
          %dma_wait3A_283 = arith.constant 0 : i32
          %dma_wait3A_284 = tpu.memref_slice %arg22[%dma_wait3A_282, %dma_wait3A_283] : memref<10240x128xf32, #tpu.memory_space<vmem_shared>> -> memref<10240x128xf32, #tpu.memory_space<vmem_shared>>
          tpu.wait_indirect_dma semaphore(%run_scoped3A : memref<!tpu.dma_semaphore, #tpu.memory_space<semaphore_mem>>) src(%arg15 : memref<128x128xf32, #tpu.memory_space<vmem>>) dst(%dma_wait3A_284 : memref<10240x128xf32, #tpu.memory_space<vmem_shared>>)
          tpu.yield
        }) : () -> ()
        %add3A_265 = arith.constant 4 : i32
        %add3A_266 = arith.addi %add3A_257, %add3A_265 : i32
        %lt3A_267 = arith.constant 160 : i32
        %lt3A_268 = arith.cmpi slt, %add3A_266, %lt3A_267 : i32
        %convert_element_type3A_269 = arith.extui %lt3A_268 : i1 to i32
        %cond3A_270 = arith.constant 0 : i32
        %cond3A_271 = arith.cmpi ne, %convert_element_type3A_269, %cond3A_270 : i32
        scf.if %cond3A_271 {
          %add3A_279 = arith.constant 4 : i32
          %add3A_280 = arith.addi %add3A_257, %add3A_279 : i32
          %add3A_281 = arith.addi %mul3A_0, %add3A_280 : i32
          %dma_start3A_282 = arith.constant 3 : i32
          %dma_start3A_283 = arith.constant 0 : i32
          %dma_start3A_284 = tpu.memref_slice %arg9[%dma_start3A_282, %dma_start3A_283] : memref<4x128xi32, #tpu.memory_space<vmem>> -> memref<1x128xi32, #tpu.memory_space<vmem>>
          %dma_start3A_285 = tpu.memref_squeeze %dma_start3A_284 : memref<1x128xi32, #tpu.memory_space<vmem>> -> memref<128xi32, #tpu.memory_space<vmem>>
          %dma_start3A_286 = arith.constant 0 : i32
          %dma_start3A_287 = tpu.memref_slice %arg4[%add3A_281, %dma_start3A_286] : memref<2560x128xi32, #tpu.memory_space<hbm>> -> memref<1x128xi32, #tpu.memory_space<hbm>>
          %dma_start3A_288 = tpu.memref_squeeze %dma_start3A_287 : memref<1x128xi32, #tpu.memory_space<hbm>> -> memref<128xi32, #tpu.memory_space<hbm>>
          %dma_start3A_289 = arith.constant 0 : i32
          %dma_start3A_290 = tpu.memref_slice %arg9[%dma_start3A_282, %dma_start3A_289] : memref<4x128xi32, #tpu.memory_space<vmem>> -> memref<1x128xi32, #tpu.memory_space<vmem>>
          %dma_start3A_291 = tpu.memref_squeeze %dma_start3A_290 : memref<1x128xi32, #tpu.memory_space<vmem>> -> memref<128xi32, #tpu.memory_space<vmem>>
          %dma_start3A_292 = arith.constant 0 : i32
          %dma_start3A_293 = tpu.memref_slice %arg4[%add3A_281, %dma_start3A_292] : memref<2560x128xi32, #tpu.memory_space<hbm>> -> memref<1x128xi32, #tpu.memory_space<hbm>>
          %dma_start3A_294 = tpu.memref_squeeze %dma_start3A_293 : memref<1x128xi32, #tpu.memory_space<hbm>> -> memref<128xi32, #tpu.memory_space<hbm>>
          tpu.enqueue_dma source(%dma_start3A_294 : memref<128xi32, #tpu.memory_space<hbm>>) target(%dma_start3A_291 : memref<128xi32, #tpu.memory_space<vmem>>) target_semaphore(%arg19 : memref<!tpu.dma_semaphore, #tpu.memory_space<semaphore_mem>>)
          %add3A_295 = arith.addi %mul3A_0, %add3A_280 : i32
          %dma_start3A_296 = arith.constant 0 : i32
          %dma_start3A_297 = tpu.memref_slice %arg5[%add3A_295, %dma_start3A_296] : memref<2560x128xi32, #tpu.memory_space<hbm>> -> memref<1x128xi32, #tpu.memory_space<hbm>>
          %dma_start3A_298 = tpu.memref_squeeze %dma_start3A_297 : memref<1x128xi32, #tpu.memory_space<hbm>> -> memref<128xi32, #tpu.memory_space<hbm>>
          %dma_start3A_299 = arith.constant 0 : i32
          %dma_start3A_300 = tpu.memref_slice %arg5[%add3A_295, %dma_start3A_299] : memref<2560x128xi32, #tpu.memory_space<hbm>> -> memref<1x128xi32, #tpu.memory_space<hbm>>
          %dma_start3A_301 = tpu.memref_squeeze %dma_start3A_300 : memref<1x128xi32, #tpu.memory_space<hbm>> -> memref<128xi32, #tpu.memory_space<hbm>>
          tpu.enqueue_dma source(%dma_start3A_301 : memref<128xi32, #tpu.memory_space<hbm>>) target(%arg13 : memref<128xi32, #tpu.memory_space<vmem>>) target_semaphore(%arg19 : memref<!tpu.dma_semaphore, #tpu.memory_space<semaphore_mem>>)
        } else {
        }
        %add3A_272 = arith.constant 2 : i32
        %add3A_273 = arith.addi %add3A_257, %add3A_272 : i32
        %lt3A_274 = arith.constant 160 : i32
        %lt3A_275 = arith.cmpi slt, %add3A_273, %lt3A_274 : i32
        %convert_element_type3A_276 = arith.extui %lt3A_275 : i1 to i32
        %cond3A_277 = arith.constant 0 : i32
        %cond3A_278 = arith.cmpi ne, %convert_element_type3A_276, %cond3A_277 : i32
        scf.if %cond3A_278 {
          %dma_wait3A_279 = arith.constant 1 : i32
          %dma_wait3A_280 = arith.constant 0 : i32
          %dma_wait3A_281 = tpu.memref_slice %arg9[%dma_wait3A_279, %dma_wait3A_280] : memref<4x128xi32, #tpu.memory_space<vmem>> -> memref<1x128xi32, #tpu.memory_space<vmem>>
          %dma_wait3A_282 = tpu.memref_squeeze %dma_wait3A_281 : memref<1x128xi32, #tpu.memory_space<vmem>> -> memref<128xi32, #tpu.memory_space<vmem>>
          %dma_wait3A_283 = arith.constant 0 : i32
          %dma_wait3A_284 = tpu.memref_slice %arg4[%mul3A_0, %dma_wait3A_283] : memref<2560x128xi32, #tpu.memory_space<hbm>> -> memref<1x128xi32, #tpu.memory_space<hbm>>
          %dma_wait3A_285 = tpu.memref_squeeze %dma_wait3A_284 : memref<1x128xi32, #tpu.memory_space<hbm>> -> memref<128xi32, #tpu.memory_space<hbm>>
          %dma_wait3A_286 = arith.constant 0 : i32
          %dma_wait3A_287 = tpu.memref_slice %arg9[%dma_wait3A_279, %dma_wait3A_286] : memref<4x128xi32, #tpu.memory_space<vmem>> -> memref<1x128xi32, #tpu.memory_space<vmem>>
          %dma_wait3A_288 = tpu.memref_squeeze %dma_wait3A_287 : memref<1x128xi32, #tpu.memory_space<vmem>> -> memref<128xi32, #tpu.memory_space<vmem>>
          %dma_wait3A_289 = arith.constant 0 : i32
          %dma_wait3A_290 = tpu.memref_slice %arg4[%mul3A_0, %dma_wait3A_289] : memref<2560x128xi32, #tpu.memory_space<hbm>> -> memref<1x128xi32, #tpu.memory_space<hbm>>
          %dma_wait3A_291 = tpu.memref_squeeze %dma_wait3A_290 : memref<1x128xi32, #tpu.memory_space<hbm>> -> memref<128xi32, #tpu.memory_space<hbm>>
          tpu.wait_dma2 semaphore(%arg17 : memref<!tpu.dma_semaphore, #tpu.memory_space<semaphore_mem>>) src(%dma_wait3A_291 : memref<128xi32, #tpu.memory_space<hbm>>) dst(%dma_wait3A_288 : memref<128xi32, #tpu.memory_space<vmem>>)
          %dma_wait3A_292 = arith.constant 0 : i32
          %dma_wait3A_293 = tpu.memref_slice %arg5[%mul3A_0, %dma_wait3A_292] : memref<2560x128xi32, #tpu.memory_space<hbm>> -> memref<1x128xi32, #tpu.memory_space<hbm>>
          %dma_wait3A_294 = tpu.memref_squeeze %dma_wait3A_293 : memref<1x128xi32, #tpu.memory_space<hbm>> -> memref<128xi32, #tpu.memory_space<hbm>>
          %dma_wait3A_295 = arith.constant 0 : i32
          %dma_wait3A_296 = tpu.memref_slice %arg5[%mul3A_0, %dma_wait3A_295] : memref<2560x128xi32, #tpu.memory_space<hbm>> -> memref<1x128xi32, #tpu.memory_space<hbm>>
          %dma_wait3A_297 = tpu.memref_squeeze %dma_wait3A_296 : memref<1x128xi32, #tpu.memory_space<hbm>> -> memref<128xi32, #tpu.memory_space<hbm>>
          tpu.wait_dma2 semaphore(%arg17 : memref<!tpu.dma_semaphore, #tpu.memory_space<semaphore_mem>>) src(%dma_wait3A_297 : memref<128xi32, #tpu.memory_space<hbm>>) dst(%arg11 : memref<128xi32, #tpu.memory_space<vmem>>)
          %dma_start3A_298 = arith.constant 1 : i32
          %dma_start3A_299 = arith.constant 0 : i32
          %dma_start3A_300 = tpu.memref_slice %arg9[%dma_start3A_298, %dma_start3A_299] : memref<4x128xi32, #tpu.memory_space<vmem>> -> memref<1x128xi32, #tpu.memory_space<vmem>>
          %dma_start3A_301 = tpu.memref_squeeze %dma_start3A_300 : memref<1x128xi32, #tpu.memory_space<vmem>> -> memref<128xi32, #tpu.memory_space<vmem>>
          %dma_start3A_302 = arith.constant 0 : i32
          %dma_start3A_303 = arith.constant 0 : i32
          %dma_start3A_304 = tpu.memref_slice %arg3[%dma_start3A_302, %dma_start3A_303] : memref<10000x128xf32, #tpu.memory_space<hbm>> -> memref<10000x128xf32, #tpu.memory_space<hbm>>
          tpu.enqueue_indirect_dma source(%dma_start3A_304 : memref<10000x128xf32, #tpu.memory_space<hbm>>) target(%arg15 : memref<128x128xf32, #tpu.memory_space<vmem>>) offsets(%dma_start3A_301 : memref<128xi32, #tpu.memory_space<vmem>>) semaphore(%arg21 : memref<!tpu.dma_semaphore, #tpu.memory_space<semaphore_mem>>)
        } else {
        }
      }
      %scan3A_173 = arith.constant 40 : i32
      %barrier3A_174 = arith.constant 0 : index
      tpu.barrier barrier_id(%barrier3A_174)
      %mul3A_175 = arith.constant 640 : i32
      %mul3A_176 = arith.muli %arg1, %mul3A_175 : i32
      %mul3A_177 = arith.constant 640 : i32
      %mul3A_178 = arith.muli %arg1, %mul3A_177 : i32
      "tpu.region"() ({
        %run_scoped3A = tpu.sem_alloc : memref<!tpu.dma_semaphore, #tpu.memory_space<semaphore_mem>>
        %dma_start3A_179 = arith.constant 0 : i32
        %dma_start3A_180 = tpu.memref_slice %arg8[%mul3A_178, %dma_start3A_179] : memref<10240x128xf32, #tpu.memory_space<hbm>> -> memref<640x128xf32, #tpu.memory_space<hbm>>
        %dma_start3A_181 = arith.constant 0 : i32
        %dma_start3A_182 = tpu.memref_slice %arg22[%mul3A_176, %dma_start3A_181] : memref<10240x128xf32, #tpu.memory_space<vmem_shared>> -> memref<640x128xf32, #tpu.memory_space<vmem_shared>>
        tpu.enqueue_dma source(%dma_start3A_182 : memref<640x128xf32, #tpu.memory_space<vmem_shared>>) target(%dma_start3A_180 : memref<640x128xf32, #tpu.memory_space<hbm>>) target_semaphore(%run_scoped3A : memref<!tpu.dma_semaphore, #tpu.memory_space<semaphore_mem>>)
        %dma_wait3A_183 = arith.constant 0 : i32
        %dma_wait3A_184 = tpu.memref_slice %arg8[%mul3A_178, %dma_wait3A_183] : memref<10240x128xf32, #tpu.memory_space<hbm>> -> memref<640x128xf32, #tpu.memory_space<hbm>>
        %dma_wait3A_185 = arith.constant 0 : i32
        %dma_wait3A_186 = tpu.memref_slice %arg22[%mul3A_176, %dma_wait3A_185] : memref<10240x128xf32, #tpu.memory_space<vmem_shared>> -> memref<640x128xf32, #tpu.memory_space<vmem_shared>>
        tpu.wait_dma2 semaphore(%run_scoped3A : memref<!tpu.dma_semaphore, #tpu.memory_space<semaphore_mem>>) src(%dma_wait3A_186 : memref<640x128xf32, #tpu.memory_space<vmem_shared>>) dst(%dma_wait3A_184 : memref<640x128xf32, #tpu.memory_space<hbm>>)
        tpu.yield
      }) : () -> ()
    } else {
    }
    return
  }
}

#map = affine_map<(d0, d1) -> (0, 0)>
module attributes {stable_mosaic.version = 14 : i64} {
  func.func @k(%arg0: i32, %arg1: i32, %arg2: memref<10000x128xf32, #tpu.memory_space<hbm>>, %arg3: memref<10000x128xf32, #tpu.memory_space<hbm>>, %arg4: memref<2560x128xi32, #tpu.memory_space<hbm>>, %arg5: memref<2560x128xi32, #tpu.memory_space<hbm>>, %arg6: memref<128x128xf32, #tpu.memory_space<hbm>>, %arg7: memref<10240x128xf32, #tpu.memory_space<hbm>>, %arg8: memref<10240x128xf32, #tpu.memory_space<hbm>>, %arg9: memref<4x128xi32, #tpu.memory_space<vmem>>, %arg10: memref<128xi32, #tpu.memory_space<vmem>>, %arg11: memref<128xi32, #tpu.memory_space<vmem>>, %arg12: memref<128xi32, #tpu.memory_space<vmem>>, %arg13: memref<128xi32, #tpu.memory_space<vmem>>, %arg14: memref<128x128xf32, #tpu.memory_space<vmem>>, %arg15: memref<128x128xf32, #tpu.memory_space<vmem>>, %arg16: memref<!tpu.dma_semaphore, #tpu.memory_space<semaphore_mem>>, %arg17: memref<!tpu.dma_semaphore, #tpu.memory_space<semaphore_mem>>, %arg18: memref<!tpu.dma_semaphore, #tpu.memory_space<semaphore_mem>>, %arg19: memref<!tpu.dma_semaphore, #tpu.memory_space<semaphore_mem>>, %arg20: memref<!tpu.dma_semaphore, #tpu.memory_space<semaphore_mem>>, %arg21: memref<!tpu.dma_semaphore, #tpu.memory_space<semaphore_mem>>, %arg22: memref<10240x128xf32, #tpu.memory_space<vmem_shared>>) attributes {dimension_semantics = [#tpu.dimension_semantics<core_parallel>, #tpu.dimension_semantics<subcore_parallel>], iteration_bounds = array<i64: 2, 16>, scalar_prefetch = 0 : i64, scratch_operands = 14 : i64, tpu.core_type = #tpu.core_type<sc_vector_subcore>, window_params = [{transform_indices = #map}, {transform_indices = #map}, {transform_indices = #map}, {transform_indices = #map}, {transform_indices = #map}, {transform_indices = #map}, {transform_indices = #map}]} {
    %mul3A = arith.constant 160 : i32
    %mul3A_0 = arith.muli %arg1, %mul3A : i32
    %mul3A_1 = arith.constant 640 : i32
    %mul3A_2 = arith.muli %arg1, %mul3A_1 : i32
    %add3A = arith.constant 0 : i32
    %add3A_3 = arith.addi %mul3A_2, %add3A : i32
    "tpu.region"() ({
      %run_scoped3A = tpu.sem_alloc : memref<!tpu.dma_semaphore, #tpu.memory_space<semaphore_mem>>
      %dma_start3A = arith.constant 0 : i32
      %dma_start3A_27 = tpu.memref_slice %arg22[%add3A_3, %dma_start3A] : memref<10240x128xf32, #tpu.memory_space<vmem_shared>> -> memref<128x128xf32, #tpu.memory_space<vmem_shared>>
      tpu.enqueue_dma source(%arg6 : memref<128x128xf32, #tpu.memory_space<hbm>>) target(%dma_start3A_27 : memref<128x128xf32, #tpu.memory_space<vmem_shared>>) target_semaphore(%run_scoped3A : memref<!tpu.dma_semaphore, #tpu.memory_space<semaphore_mem>>)
      %dma_wait3A = arith.constant 0 : i32
      %dma_wait3A_28 = tpu.memref_slice %arg22[%add3A_3, %dma_wait3A] : memref<10240x128xf32, #tpu.memory_space<vmem_shared>> -> memref<128x128xf32, #tpu.memory_space<vmem_shared>>
      tpu.wait_dma2 semaphore(%run_scoped3A : memref<!tpu.dma_semaphore, #tpu.memory_space<semaphore_mem>>) src(%arg6 : memref<128x128xf32, #tpu.memory_space<hbm>>) dst(%dma_wait3A_28 : memref<128x128xf32, #tpu.memory_space<vmem_shared>>)
      tpu.yield
    }) : () -> ()
    %mul3A_4 = arith.constant 640 : i32
    %mul3A_5 = arith.muli %arg1, %mul3A_4 : i32
    %add3A_6 = arith.constant 128 : i32
    %add3A_7 = arith.addi %mul3A_5, %add3A_6 : i32
    "tpu.region"() ({
      %run_scoped3A = tpu.sem_alloc : memref<!tpu.dma_semaphore, #tpu.memory_space<semaphore_mem>>
      %dma_start3A = arith.constant 0 : i32
      %dma_start3A_27 = tpu.memref_slice %arg22[%add3A_7, %dma_start3A] : memref<10240x128xf32, #tpu.memory_space<vmem_shared>> -> memref<128x128xf32, #tpu.memory_space<vmem_shared>>
      tpu.enqueue_dma source(%arg6 : memref<128x128xf32, #tpu.memory_space<hbm>>) target(%dma_start3A_27 : memref<128x128xf32, #tpu.memory_space<vmem_shared>>) target_semaphore(%run_scoped3A : memref<!tpu.dma_semaphore, #tpu.memory_space<semaphore_mem>>)
      %dma_wait3A = arith.constant 0 : i32
      %dma_wait3A_28 = tpu.memref_slice %arg22[%add3A_7, %dma_wait3A] : memref<10240x128xf32, #tpu.memory_space<vmem_shared>> -> memref<128x128xf32, #tpu.memory_space<vmem_shared>>
      tpu.wait_dma2 semaphore(%run_scoped3A : memref<!tpu.dma_semaphore, #tpu.memory_space<semaphore_mem>>) src(%arg6 : memref<128x128xf32, #tpu.memory_space<hbm>>) dst(%dma_wait3A_28 : memref<128x128xf32, #tpu.memory_space<vmem_shared>>)
      tpu.yield
    }) : () -> ()
    %mul3A_8 = arith.constant 640 : i32
    %mul3A_9 = arith.muli %arg1, %mul3A_8 : i32
    %add3A_10 = arith.constant 256 : i32
    %add3A_11 = arith.addi %mul3A_9, %add3A_10 : i32
    "tpu.region"() ({
      %run_scoped3A = tpu.sem_alloc : memref<!tpu.dma_semaphore, #tpu.memory_space<semaphore_mem>>
      %dma_start3A = arith.constant 0 : i32
      %dma_start3A_27 = tpu.memref_slice %arg22[%add3A_11, %dma_start3A] : memref<10240x128xf32, #tpu.memory_space<vmem_shared>> -> memref<128x128xf32, #tpu.memory_space<vmem_shared>>
      tpu.enqueue_dma source(%arg6 : memref<128x128xf32, #tpu.memory_space<hbm>>) target(%dma_start3A_27 : memref<128x128xf32, #tpu.memory_space<vmem_shared>>) target_semaphore(%run_scoped3A : memref<!tpu.dma_semaphore, #tpu.memory_space<semaphore_mem>>)
      %dma_wait3A = arith.constant 0 : i32
      %dma_wait3A_28 = tpu.memref_slice %arg22[%add3A_11, %dma_wait3A] : memref<10240x128xf32, #tpu.memory_space<vmem_shared>> -> memref<128x128xf32, #tpu.memory_space<vmem_shared>>
      tpu.wait_dma2 semaphore(%run_scoped3A : memref<!tpu.dma_semaphore, #tpu.memory_space<semaphore_mem>>) src(%arg6 : memref<128x128xf32, #tpu.memory_space<hbm>>) dst(%dma_wait3A_28 : memref<128x128xf32, #tpu.memory_space<vmem_shared>>)
      tpu.yield
    }) : () -> ()
    %mul3A_12 = arith.constant 640 : i32
    %mul3A_13 = arith.muli %arg1, %mul3A_12 : i32
    %add3A_14 = arith.constant 384 : i32
    %add3A_15 = arith.addi %mul3A_13, %add3A_14 : i32
    "tpu.region"() ({
      %run_scoped3A = tpu.sem_alloc : memref<!tpu.dma_semaphore, #tpu.memory_space<semaphore_mem>>
      %dma_start3A = arith.constant 0 : i32
      %dma_start3A_27 = tpu.memref_slice %arg22[%add3A_15, %dma_start3A] : memref<10240x128xf32, #tpu.memory_space<vmem_shared>> -> memref<128x128xf32, #tpu.memory_space<vmem_shared>>
      tpu.enqueue_dma source(%arg6 : memref<128x128xf32, #tpu.memory_space<hbm>>) target(%dma_start3A_27 : memref<128x128xf32, #tpu.memory_space<vmem_shared>>) target_semaphore(%run_scoped3A : memref<!tpu.dma_semaphore, #tpu.memory_space<semaphore_mem>>)
      %dma_wait3A = arith.constant 0 : i32
      %dma_wait3A_28 = tpu.memref_slice %arg22[%add3A_15, %dma_wait3A] : memref<10240x128xf32, #tpu.memory_space<vmem_shared>> -> memref<128x128xf32, #tpu.memory_space<vmem_shared>>
      tpu.wait_dma2 semaphore(%run_scoped3A : memref<!tpu.dma_semaphore, #tpu.memory_space<semaphore_mem>>) src(%arg6 : memref<128x128xf32, #tpu.memory_space<hbm>>) dst(%dma_wait3A_28 : memref<128x128xf32, #tpu.memory_space<vmem_shared>>)
      tpu.yield
    }) : () -> ()
    %mul3A_16 = arith.constant 640 : i32
    %mul3A_17 = arith.muli %arg1, %mul3A_16 : i32
    %add3A_18 = arith.constant 512 : i32
    %add3A_19 = arith.addi %mul3A_17, %add3A_18 : i32
    "tpu.region"() ({
      %run_scoped3A = tpu.sem_alloc : memref<!tpu.dma_semaphore, #tpu.memory_space<semaphore_mem>>
      %dma_start3A = arith.constant 0 : i32
      %dma_start3A_27 = tpu.memref_slice %arg22[%add3A_19, %dma_start3A] : memref<10240x128xf32, #tpu.memory_space<vmem_shared>> -> memref<128x128xf32, #tpu.memory_space<vmem_shared>>
      tpu.enqueue_dma source(%arg6 : memref<128x128xf32, #tpu.memory_space<hbm>>) target(%dma_start3A_27 : memref<128x128xf32, #tpu.memory_space<vmem_shared>>) target_semaphore(%run_scoped3A : memref<!tpu.dma_semaphore, #tpu.memory_space<semaphore_mem>>)
      %dma_wait3A = arith.constant 0 : i32
      %dma_wait3A_28 = tpu.memref_slice %arg22[%add3A_19, %dma_wait3A] : memref<10240x128xf32, #tpu.memory_space<vmem_shared>> -> memref<128x128xf32, #tpu.memory_space<vmem_shared>>
      tpu.wait_dma2 semaphore(%run_scoped3A : memref<!tpu.dma_semaphore, #tpu.memory_space<semaphore_mem>>) src(%arg6 : memref<128x128xf32, #tpu.memory_space<hbm>>) dst(%dma_wait3A_28 : memref<128x128xf32, #tpu.memory_space<vmem_shared>>)
      tpu.yield
    }) : () -> ()
    %eq3A = arith.constant 0 : i32
    %eq3A_20 = arith.cmpi eq, %arg0, %eq3A : i32
    %convert_element_type3A = arith.extui %eq3A_20 : i1 to i32
    %cond3A = arith.constant 0 : i32
    %cond3A_21 = arith.cmpi ne, %convert_element_type3A, %cond3A : i32
    scf.if %cond3A_21 {
      %add3A_27 = arith.constant 0 : i32
      %add3A_28 = arith.addi %mul3A_0, %add3A_27 : i32
      %dma_start3A = arith.constant 0 : i32
      %dma_start3A_29 = arith.constant 0 : i32
      %dma_start3A_30 = tpu.memref_slice %arg9[%dma_start3A, %dma_start3A_29] : memref<4x128xi32, #tpu.memory_space<vmem>> -> memref<1x128xi32, #tpu.memory_space<vmem>>
      %dma_start3A_31 = tpu.memref_squeeze %dma_start3A_30 : memref<1x128xi32, #tpu.memory_space<vmem>> -> memref<128xi32, #tpu.memory_space<vmem>>
      %dma_start3A_32 = arith.constant 0 : i32
      %dma_start3A_33 = tpu.memref_slice %arg4[%add3A_28, %dma_start3A_32] : memref<2560x128xi32, #tpu.memory_space<hbm>> -> memref<1x128xi32, #tpu.memory_space<hbm>>
      %dma_start3A_34 = tpu.memref_squeeze %dma_start3A_33 : memref<1x128xi32, #tpu.memory_space<hbm>> -> memref<128xi32, #tpu.memory_space<hbm>>
      %dma_start3A_35 = arith.constant 0 : i32
      %dma_start3A_36 = tpu.memref_slice %arg9[%dma_start3A, %dma_start3A_35] : memref<4x128xi32, #tpu.memory_space<vmem>> -> memref<1x128xi32, #tpu.memory_space<vmem>>
      %dma_start3A_37 = tpu.memref_squeeze %dma_start3A_36 : memref<1x128xi32, #tpu.memory_space<vmem>> -> memref<128xi32, #tpu.memory_space<vmem>>
      %dma_start3A_38 = arith.constant 0 : i32
      %dma_start3A_39 = tpu.memref_slice %arg4[%add3A_28, %dma_start3A_38] : memref<2560x128xi32, #tpu.memory_space<hbm>> -> memref<1x128xi32, #tpu.memory_space<hbm>>
      %dma_start3A_40 = tpu.memref_squeeze %dma_start3A_39 : memref<1x128xi32, #tpu.memory_space<hbm>> -> memref<128xi32, #tpu.memory_space<hbm>>
      tpu.enqueue_dma source(%dma_start3A_40 : memref<128xi32, #tpu.memory_space<hbm>>) target(%dma_start3A_37 : memref<128xi32, #tpu.memory_space<vmem>>) target_semaphore(%arg16 : memref<!tpu.dma_semaphore, #tpu.memory_space<semaphore_mem>>)
      %add3A_41 = arith.constant 0 : i32
      %add3A_42 = arith.addi %mul3A_0, %add3A_41 : i32
      %dma_start3A_43 = arith.constant 0 : i32
      %dma_start3A_44 = tpu.memref_slice %arg5[%add3A_42, %dma_start3A_43] : memref<2560x128xi32, #tpu.memory_space<hbm>> -> memref<1x128xi32, #tpu.memory_space<hbm>>
      %dma_start3A_45 = tpu.memref_squeeze %dma_start3A_44 : memref<1x128xi32, #tpu.memory_space<hbm>> -> memref<128xi32, #tpu.memory_space<hbm>>
      %dma_start3A_46 = arith.constant 0 : i32
      %dma_start3A_47 = tpu.memref_slice %arg5[%add3A_42, %dma_start3A_46] : memref<2560x128xi32, #tpu.memory_space<hbm>> -> memref<1x128xi32, #tpu.memory_space<hbm>>
      %dma_start3A_48 = tpu.memref_squeeze %dma_start3A_47 : memref<1x128xi32, #tpu.memory_space<hbm>> -> memref<128xi32, #tpu.memory_space<hbm>>
      tpu.enqueue_dma source(%dma_start3A_48 : memref<128xi32, #tpu.memory_space<hbm>>) target(%arg10 : memref<128xi32, #tpu.memory_space<vmem>>) target_semaphore(%arg16 : memref<!tpu.dma_semaphore, #tpu.memory_space<semaphore_mem>>)
      %add3A_49 = arith.constant 1 : i32
      %add3A_50 = arith.addi %mul3A_0, %add3A_49 : i32
      %dma_start3A_51 = arith.constant 1 : i32
      %dma_start3A_52 = arith.constant 0 : i32
      %dma_start3A_53 = tpu.memref_slice %arg9[%dma_start3A_51, %dma_start3A_52] : memref<4x128xi32, #tpu.memory_space<vmem>> -> memref<1x128xi32, #tpu.memory_space<vmem>>
      %dma_start3A_54 = tpu.memref_squeeze %dma_start3A_53 : memref<1x128xi32, #tpu.memory_space<vmem>> -> memref<128xi32, #tpu.memory_space<vmem>>
      %dma_start3A_55 = arith.constant 0 : i32
      %dma_start3A_56 = tpu.memref_slice %arg4[%add3A_50, %dma_start3A_55] : memref<2560x128xi32, #tpu.memory_space<hbm>> -> memref<1x128xi32, #tpu.memory_space<hbm>>
      %dma_start3A_57 = tpu.memref_squeeze %dma_start3A_56 : memref<1x128xi32, #tpu.memory_space<hbm>> -> memref<128xi32, #tpu.memory_space<hbm>>
      %dma_start3A_58 = arith.constant 0 : i32
      %dma_start3A_59 = tpu.memref_slice %arg9[%dma_start3A_51, %dma_start3A_58] : memref<4x128xi32, #tpu.memory_space<vmem>> -> memref<1x128xi32, #tpu.memory_space<vmem>>
      %dma_start3A_60 = tpu.memref_squeeze %dma_start3A_59 : memref<1x128xi32, #tpu.memory_space<vmem>> -> memref<128xi32, #tpu.memory_space<vmem>>
      %dma_start3A_61 = arith.constant 0 : i32
      %dma_start3A_62 = tpu.memref_slice %arg4[%add3A_50, %dma_start3A_61] : memref<2560x128xi32, #tpu.memory_space<hbm>> -> memref<1x128xi32, #tpu.memory_space<hbm>>
      %dma_start3A_63 = tpu.memref_squeeze %dma_start3A_62 : memref<1x128xi32, #tpu.memory_space<hbm>> -> memref<128xi32, #tpu.memory_space<hbm>>
      tpu.enqueue_dma source(%dma_start3A_63 : memref<128xi32, #tpu.memory_space<hbm>>) target(%dma_start3A_60 : memref<128xi32, #tpu.memory_space<vmem>>) target_semaphore(%arg17 : memref<!tpu.dma_semaphore, #tpu.memory_space<semaphore_mem>>)
      %add3A_64 = arith.constant 1 : i32
      %add3A_65 = arith.addi %mul3A_0, %add3A_64 : i32
      %dma_start3A_66 = arith.constant 0 : i32
      %dma_start3A_67 = tpu.memref_slice %arg5[%add3A_65, %dma_start3A_66] : memref<2560x128xi32, #tpu.memory_space<hbm>> -> memref<1x128xi32, #tpu.memory_space<hbm>>
      %dma_start3A_68 = tpu.memref_squeeze %dma_start3A_67 : memref<1x128xi32, #tpu.memory_space<hbm>> -> memref<128xi32, #tpu.memory_space<hbm>>
      %dma_start3A_69 = arith.constant 0 : i32
      %dma_start3A_70 = tpu.memref_slice %arg5[%add3A_65, %dma_start3A_69] : memref<2560x128xi32, #tpu.memory_space<hbm>> -> memref<1x128xi32, #tpu.memory_space<hbm>>
      %dma_start3A_71 = tpu.memref_squeeze %dma_start3A_70 : memref<1x128xi32, #tpu.memory_space<hbm>> -> memref<128xi32, #tpu.memory_space<hbm>>
      tpu.enqueue_dma source(%dma_start3A_71 : memref<128xi32, #tpu.memory_space<hbm>>) target(%arg11 : memref<128xi32, #tpu.memory_space<vmem>>) target_semaphore(%arg17 : memref<!tpu.dma_semaphore, #tpu.memory_space<semaphore_mem>>)
      %add3A_72 = arith.constant 2 : i32
      %add3A_73 = arith.addi %mul3A_0, %add3A_72 : i32
      %dma_start3A_74 = arith.constant 2 : i32
      %dma_start3A_75 = arith.constant 0 : i32
      %dma_start3A_76 = tpu.memref_slice %arg9[%dma_start3A_74, %dma_start3A_75] : memref<4x128xi32, #tpu.memory_space<vmem>> -> memref<1x128xi32, #tpu.memory_space<vmem>>
      %dma_start3A_77 = tpu.memref_squeeze %dma_start3A_76 : memref<1x128xi32, #tpu.memory_space<vmem>> -> memref<128xi32, #tpu.memory_space<vmem>>
      %dma_start3A_78 = arith.constant 0 : i32
      %dma_start3A_79 = tpu.memref_slice %arg4[%add3A_73, %dma_start3A_78] : memref<2560x128xi32, #tpu.memory_space<hbm>> -> memref<1x128xi32, #tpu.memory_space<hbm>>
      %dma_start3A_80 = tpu.memref_squeeze %dma_start3A_79 : memref<1x128xi32, #tpu.memory_space<hbm>> -> memref<128xi32, #tpu.memory_space<hbm>>
      %dma_start3A_81 = arith.constant 0 : i32
      %dma_start3A_82 = tpu.memref_slice %arg9[%dma_start3A_74, %dma_start3A_81] : memref<4x128xi32, #tpu.memory_space<vmem>> -> memref<1x128xi32, #tpu.memory_space<vmem>>
      %dma_start3A_83 = tpu.memref_squeeze %dma_start3A_82 : memref<1x128xi32, #tpu.memory_space<vmem>> -> memref<128xi32, #tpu.memory_space<vmem>>
      %dma_start3A_84 = arith.constant 0 : i32
      %dma_start3A_85 = tpu.memref_slice %arg4[%add3A_73, %dma_start3A_84] : memref<2560x128xi32, #tpu.memory_space<hbm>> -> memref<1x128xi32, #tpu.memory_space<hbm>>
      %dma_start3A_86 = tpu.memref_squeeze %dma_start3A_85 : memref<1x128xi32, #tpu.memory_space<hbm>> -> memref<128xi32, #tpu.memory_space<hbm>>
      tpu.enqueue_dma source(%dma_start3A_86 : memref<128xi32, #tpu.memory_space<hbm>>) target(%dma_start3A_83 : memref<128xi32, #tpu.memory_space<vmem>>) target_semaphore(%arg18 : memref<!tpu.dma_semaphore, #tpu.memory_space<semaphore_mem>>)
      %add3A_87 = arith.constant 2 : i32
      %add3A_88 = arith.addi %mul3A_0, %add3A_87 : i32
      %dma_start3A_89 = arith.constant 0 : i32
      %dma_start3A_90 = tpu.memref_slice %arg5[%add3A_88, %dma_start3A_89] : memref<2560x128xi32, #tpu.memory_space<hbm>> -> memref<1x128xi32, #tpu.memory_space<hbm>>
      %dma_start3A_91 = tpu.memref_squeeze %dma_start3A_90 : memref<1x128xi32, #tpu.memory_space<hbm>> -> memref<128xi32, #tpu.memory_space<hbm>>
      %dma_start3A_92 = arith.constant 0 : i32
      %dma_start3A_93 = tpu.memref_slice %arg5[%add3A_88, %dma_start3A_92] : memref<2560x128xi32, #tpu.memory_space<hbm>> -> memref<1x128xi32, #tpu.memory_space<hbm>>
      %dma_start3A_94 = tpu.memref_squeeze %dma_start3A_93 : memref<1x128xi32, #tpu.memory_space<hbm>> -> memref<128xi32, #tpu.memory_space<hbm>>
      tpu.enqueue_dma source(%dma_start3A_94 : memref<128xi32, #tpu.memory_space<hbm>>) target(%arg12 : memref<128xi32, #tpu.memory_space<vmem>>) target_semaphore(%arg18 : memref<!tpu.dma_semaphore, #tpu.memory_space<semaphore_mem>>)
      %add3A_95 = arith.constant 3 : i32
      %add3A_96 = arith.addi %mul3A_0, %add3A_95 : i32
      %dma_start3A_97 = arith.constant 3 : i32
      %dma_start3A_98 = arith.constant 0 : i32
      %dma_start3A_99 = tpu.memref_slice %arg9[%dma_start3A_97, %dma_start3A_98] : memref<4x128xi32, #tpu.memory_space<vmem>> -> memref<1x128xi32, #tpu.memory_space<vmem>>
      %dma_start3A_100 = tpu.memref_squeeze %dma_start3A_99 : memref<1x128xi32, #tpu.memory_space<vmem>> -> memref<128xi32, #tpu.memory_space<vmem>>
      %dma_start3A_101 = arith.constant 0 : i32
      %dma_start3A_102 = tpu.memref_slice %arg4[%add3A_96, %dma_start3A_101] : memref<2560x128xi32, #tpu.memory_space<hbm>> -> memref<1x128xi32, #tpu.memory_space<hbm>>
      %dma_start3A_103 = tpu.memref_squeeze %dma_start3A_102 : memref<1x128xi32, #tpu.memory_space<hbm>> -> memref<128xi32, #tpu.memory_space<hbm>>
      %dma_start3A_104 = arith.constant 0 : i32
      %dma_start3A_105 = tpu.memref_slice %arg9[%dma_start3A_97, %dma_start3A_104] : memref<4x128xi32, #tpu.memory_space<vmem>> -> memref<1x128xi32, #tpu.memory_space<vmem>>
      %dma_start3A_106 = tpu.memref_squeeze %dma_start3A_105 : memref<1x128xi32, #tpu.memory_space<vmem>> -> memref<128xi32, #tpu.memory_space<vmem>>
      %dma_start3A_107 = arith.constant 0 : i32
      %dma_start3A_108 = tpu.memref_slice %arg4[%add3A_96, %dma_start3A_107] : memref<2560x128xi32, #tpu.memory_space<hbm>> -> memref<1x128xi32, #tpu.memory_space<hbm>>
      %dma_start3A_109 = tpu.memref_squeeze %dma_start3A_108 : memref<1x128xi32, #tpu.memory_space<hbm>> -> memref<128xi32, #tpu.memory_space<hbm>>
      tpu.enqueue_dma source(%dma_start3A_109 : memref<128xi32, #tpu.memory_space<hbm>>) target(%dma_start3A_106 : memref<128xi32, #tpu.memory_space<vmem>>) target_semaphore(%arg19 : memref<!tpu.dma_semaphore, #tpu.memory_space<semaphore_mem>>)
      %add3A_110 = arith.constant 3 : i32
      %add3A_111 = arith.addi %mul3A_0, %add3A_110 : i32
      %dma_start3A_112 = arith.constant 0 : i32
      %dma_start3A_113 = tpu.memref_slice %arg5[%add3A_111, %dma_start3A_112] : memref<2560x128xi32, #tpu.memory_space<hbm>> -> memref<1x128xi32, #tpu.memory_space<hbm>>
      %dma_start3A_114 = tpu.memref_squeeze %dma_start3A_113 : memref<1x128xi32, #tpu.memory_space<hbm>> -> memref<128xi32, #tpu.memory_space<hbm>>
      %dma_start3A_115 = arith.constant 0 : i32
      %dma_start3A_116 = tpu.memref_slice %arg5[%add3A_111, %dma_start3A_115] : memref<2560x128xi32, #tpu.memory_space<hbm>> -> memref<1x128xi32, #tpu.memory_space<hbm>>
      %dma_start3A_117 = tpu.memref_squeeze %dma_start3A_116 : memref<1x128xi32, #tpu.memory_space<hbm>> -> memref<128xi32, #tpu.memory_space<hbm>>
      tpu.enqueue_dma source(%dma_start3A_117 : memref<128xi32, #tpu.memory_space<hbm>>) target(%arg13 : memref<128xi32, #tpu.memory_space<vmem>>) target_semaphore(%arg19 : memref<!tpu.dma_semaphore, #tpu.memory_space<semaphore_mem>>)
      %dma_wait3A = arith.constant 0 : i32
      %dma_wait3A_118 = arith.constant 0 : i32
      %dma_wait3A_119 = tpu.memref_slice %arg9[%dma_wait3A, %dma_wait3A_118] : memref<4x128xi32, #tpu.memory_space<vmem>> -> memref<1x128xi32, #tpu.memory_space<vmem>>
      %dma_wait3A_120 = tpu.memref_squeeze %dma_wait3A_119 : memref<1x128xi32, #tpu.memory_space<vmem>> -> memref<128xi32, #tpu.memory_space<vmem>>
      %dma_wait3A_121 = arith.constant 0 : i32
      %dma_wait3A_122 = tpu.memref_slice %arg4[%mul3A_0, %dma_wait3A_121] : memref<2560x128xi32, #tpu.memory_space<hbm>> -> memref<1x128xi32, #tpu.memory_space<hbm>>
      %dma_wait3A_123 = tpu.memref_squeeze %dma_wait3A_122 : memref<1x128xi32, #tpu.memory_space<hbm>> -> memref<128xi32, #tpu.memory_space<hbm>>
      %dma_wait3A_124 = arith.constant 0 : i32
      %dma_wait3A_125 = tpu.memref_slice %arg9[%dma_wait3A, %dma_wait3A_124] : memref<4x128xi32, #tpu.memory_space<vmem>> -> memref<1x128xi32, #tpu.memory_space<vmem>>
      %dma_wait3A_126 = tpu.memref_squeeze %dma_wait3A_125 : memref<1x128xi32, #tpu.memory_space<vmem>> -> memref<128xi32, #tpu.memory_space<vmem>>
      %dma_wait3A_127 = arith.constant 0 : i32
      %dma_wait3A_128 = tpu.memref_slice %arg4[%mul3A_0, %dma_wait3A_127] : memref<2560x128xi32, #tpu.memory_space<hbm>> -> memref<1x128xi32, #tpu.memory_space<hbm>>
      %dma_wait3A_129 = tpu.memref_squeeze %dma_wait3A_128 : memref<1x128xi32, #tpu.memory_space<hbm>> -> memref<128xi32, #tpu.memory_space<hbm>>
      tpu.wait_dma2 semaphore(%arg16 : memref<!tpu.dma_semaphore, #tpu.memory_space<semaphore_mem>>) src(%dma_wait3A_129 : memref<128xi32, #tpu.memory_space<hbm>>) dst(%dma_wait3A_126 : memref<128xi32, #tpu.memory_space<vmem>>)
      %dma_wait3A_130 = arith.constant 0 : i32
      %dma_wait3A_131 = tpu.memref_slice %arg5[%mul3A_0, %dma_wait3A_130] : memref<2560x128xi32, #tpu.memory_space<hbm>> -> memref<1x128xi32, #tpu.memory_space<hbm>>
      %dma_wait3A_132 = tpu.memref_squeeze %dma_wait3A_131 : memref<1x128xi32, #tpu.memory_space<hbm>> -> memref<128xi32, #tpu.memory_space<hbm>>
      %dma_wait3A_133 = arith.constant 0 : i32
      %dma_wait3A_134 = tpu.memref_slice %arg5[%mul3A_0, %dma_wait3A_133] : memref<2560x128xi32, #tpu.memory_space<hbm>> -> memref<1x128xi32, #tpu.memory_space<hbm>>
      %dma_wait3A_135 = tpu.memref_squeeze %dma_wait3A_134 : memref<1x128xi32, #tpu.memory_space<hbm>> -> memref<128xi32, #tpu.memory_space<hbm>>
      tpu.wait_dma2 semaphore(%arg16 : memref<!tpu.dma_semaphore, #tpu.memory_space<semaphore_mem>>) src(%dma_wait3A_135 : memref<128xi32, #tpu.memory_space<hbm>>) dst(%arg10 : memref<128xi32, #tpu.memory_space<vmem>>)
      %dma_start3A_136 = arith.constant 0 : i32
      %dma_start3A_137 = arith.constant 0 : i32
      %dma_start3A_138 = tpu.memref_slice %arg9[%dma_start3A_136, %dma_start3A_137] : memref<4x128xi32, #tpu.memory_space<vmem>> -> memref<1x128xi32, #tpu.memory_space<vmem>>
      %dma_start3A_139 = tpu.memref_squeeze %dma_start3A_138 : memref<1x128xi32, #tpu.memory_space<vmem>> -> memref<128xi32, #tpu.memory_space<vmem>>
      %dma_start3A_140 = arith.constant 0 : i32
      %dma_start3A_141 = arith.constant 0 : i32
      %dma_start3A_142 = tpu.memref_slice %arg2[%dma_start3A_140, %dma_start3A_141] : memref<10000x128xf32, #tpu.memory_space<hbm>> -> memref<10000x128xf32, #tpu.memory_space<hbm>>
      tpu.enqueue_indirect_dma source(%dma_start3A_142 : memref<10000x128xf32, #tpu.memory_space<hbm>>) target(%arg14 : memref<128x128xf32, #tpu.memory_space<vmem>>) offsets(%dma_start3A_139 : memref<128xi32, #tpu.memory_space<vmem>>) semaphore(%arg20 : memref<!tpu.dma_semaphore, #tpu.memory_space<semaphore_mem>>)
      %dma_wait3A_143 = arith.constant 1 : i32
      %dma_wait3A_144 = arith.constant 0 : i32
      %dma_wait3A_145 = tpu.memref_slice %arg9[%dma_wait3A_143, %dma_wait3A_144] : memref<4x128xi32, #tpu.memory_space<vmem>> -> memref<1x128xi32, #tpu.memory_space<vmem>>
      %dma_wait3A_146 = tpu.memref_squeeze %dma_wait3A_145 : memref<1x128xi32, #tpu.memory_space<vmem>> -> memref<128xi32, #tpu.memory_space<vmem>>
      %dma_wait3A_147 = arith.constant 0 : i32
      %dma_wait3A_148 = tpu.memref_slice %arg4[%mul3A_0, %dma_wait3A_147] : memref<2560x128xi32, #tpu.memory_space<hbm>> -> memref<1x128xi32, #tpu.memory_space<hbm>>
      %dma_wait3A_149 = tpu.memref_squeeze %dma_wait3A_148 : memref<1x128xi32, #tpu.memory_space<hbm>> -> memref<128xi32, #tpu.memory_space<hbm>>
      %dma_wait3A_150 = arith.constant 0 : i32
      %dma_wait3A_151 = tpu.memref_slice %arg9[%dma_wait3A_143, %dma_wait3A_150] : memref<4x128xi32, #tpu.memory_space<vmem>> -> memref<1x128xi32, #tpu.memory_space<vmem>>
      %dma_wait3A_152 = tpu.memref_squeeze %dma_wait3A_151 : memref<1x128xi32, #tpu.memory_space<vmem>> -> memref<128xi32, #tpu.memory_space<vmem>>
      %dma_wait3A_153 = arith.constant 0 : i32
      %dma_wait3A_154 = tpu.memref_slice %arg4[%mul3A_0, %dma_wait3A_153] : memref<2560x128xi32, #tpu.memory_space<hbm>> -> memref<1x128xi32, #tpu.memory_space<hbm>>
      %dma_wait3A_155 = tpu.memref_squeeze %dma_wait3A_154 : memref<1x128xi32, #tpu.memory_space<hbm>> -> memref<128xi32, #tpu.memory_space<hbm>>
      tpu.wait_dma2 semaphore(%arg17 : memref<!tpu.dma_semaphore, #tpu.memory_space<semaphore_mem>>) src(%dma_wait3A_155 : memref<128xi32, #tpu.memory_space<hbm>>) dst(%dma_wait3A_152 : memref<128xi32, #tpu.memory_space<vmem>>)
      %dma_wait3A_156 = arith.constant 0 : i32
      %dma_wait3A_157 = tpu.memref_slice %arg5[%mul3A_0, %dma_wait3A_156] : memref<2560x128xi32, #tpu.memory_space<hbm>> -> memref<1x128xi32, #tpu.memory_space<hbm>>
      %dma_wait3A_158 = tpu.memref_squeeze %dma_wait3A_157 : memref<1x128xi32, #tpu.memory_space<hbm>> -> memref<128xi32, #tpu.memory_space<hbm>>
      %dma_wait3A_159 = arith.constant 0 : i32
      %dma_wait3A_160 = tpu.memref_slice %arg5[%mul3A_0, %dma_wait3A_159] : memref<2560x128xi32, #tpu.memory_space<hbm>> -> memref<1x128xi32, #tpu.memory_space<hbm>>
      %dma_wait3A_161 = tpu.memref_squeeze %dma_wait3A_160 : memref<1x128xi32, #tpu.memory_space<hbm>> -> memref<128xi32, #tpu.memory_space<hbm>>
      tpu.wait_dma2 semaphore(%arg17 : memref<!tpu.dma_semaphore, #tpu.memory_space<semaphore_mem>>) src(%dma_wait3A_161 : memref<128xi32, #tpu.memory_space<hbm>>) dst(%arg11 : memref<128xi32, #tpu.memory_space<vmem>>)
      %dma_start3A_162 = arith.constant 1 : i32
      %dma_start3A_163 = arith.constant 0 : i32
      %dma_start3A_164 = tpu.memref_slice %arg9[%dma_start3A_162, %dma_start3A_163] : memref<4x128xi32, #tpu.memory_space<vmem>> -> memref<1x128xi32, #tpu.memory_space<vmem>>
      %dma_start3A_165 = tpu.memref_squeeze %dma_start3A_164 : memref<1x128xi32, #tpu.memory_space<vmem>> -> memref<128xi32, #tpu.memory_space<vmem>>
      %dma_start3A_166 = arith.constant 0 : i32
      %dma_start3A_167 = arith.constant 0 : i32
      %dma_start3A_168 = tpu.memref_slice %arg2[%dma_start3A_166, %dma_start3A_167] : memref<10000x128xf32, #tpu.memory_space<hbm>> -> memref<10000x128xf32, #tpu.memory_space<hbm>>
      tpu.enqueue_indirect_dma source(%dma_start3A_168 : memref<10000x128xf32, #tpu.memory_space<hbm>>) target(%arg15 : memref<128x128xf32, #tpu.memory_space<vmem>>) offsets(%dma_start3A_165 : memref<128xi32, #tpu.memory_space<vmem>>) semaphore(%arg21 : memref<!tpu.dma_semaphore, #tpu.memory_space<semaphore_mem>>)
      %barrier3A = arith.constant 0 : index
      tpu.barrier barrier_id(%barrier3A)
      %scan3A = arith.constant 0 : i32
      %scan3A_169 = arith.constant 0 : i32
      %scan3A_170 = arith.constant 40 : i32
      %scan3A_171 = arith.addi %scan3A_169, %scan3A_170 : i32
      %scan3A_172 = arith.constant 1 : i32
      scf.for %scan3A_179 = %scan3A_169 to %scan3A_171 step %scan3A_172  : i32 {
        %mul3A_180 = arith.constant 4 : i32
        %mul3A_181 = arith.muli %mul3A_180, %scan3A_179 : i32
        %add3A_182 = arith.constant 0 : i32
        %add3A_183 = arith.addi %mul3A_181, %add3A_182 : i32
        %dma_wait3A_184 = arith.constant 0 : i32
        %dma_wait3A_185 = arith.constant 0 : i32
        %dma_wait3A_186 = tpu.memref_slice %arg9[%dma_wait3A_184, %dma_wait3A_185] : memref<4x128xi32, #tpu.memory_space<vmem>> -> memref<1x128xi32, #tpu.memory_space<vmem>>
        %dma_wait3A_187 = tpu.memref_squeeze %dma_wait3A_186 : memref<1x128xi32, #tpu.memory_space<vmem>> -> memref<128xi32, #tpu.memory_space<vmem>>
        %dma_wait3A_188 = arith.constant 0 : i32
        %dma_wait3A_189 = arith.constant 0 : i32
        %dma_wait3A_190 = tpu.memref_slice %arg2[%dma_wait3A_188, %dma_wait3A_189] : memref<10000x128xf32, #tpu.memory_space<hbm>> -> memref<10000x128xf32, #tpu.memory_space<hbm>>
        tpu.wait_indirect_dma semaphore(%arg20 : memref<!tpu.dma_semaphore, #tpu.memory_space<semaphore_mem>>) src(%dma_wait3A_190 : memref<10000x128xf32, #tpu.memory_space<hbm>>) dst(%arg14 : memref<128x128xf32, #tpu.memory_space<vmem>>)
        "tpu.region"() ({
          %run_scoped3A = tpu.sem_alloc : memref<!tpu.dma_semaphore, #tpu.memory_space<semaphore_mem>>
          %dma_start3A_279 = arith.constant 0 : i32
          %dma_start3A_280 = arith.constant 0 : i32
          %dma_start3A_281 = tpu.memref_slice %arg22[%dma_start3A_279, %dma_start3A_280] : memref<10240x128xf32, #tpu.memory_space<vmem_shared>> -> memref<10240x128xf32, #tpu.memory_space<vmem_shared>>
          tpu.enqueue_indirect_dma source(%arg14 : memref<128x128xf32, #tpu.memory_space<vmem>>) target(%dma_start3A_281 : memref<10240x128xf32, #tpu.memory_space<vmem_shared>>) offsets(%arg10 : memref<128xi32, #tpu.memory_space<vmem>>) semaphore(%run_scoped3A : memref<!tpu.dma_semaphore, #tpu.memory_space<semaphore_mem>>) {add = true}
          %dma_wait3A_282 = arith.constant 0 : i32
          %dma_wait3A_283 = arith.constant 0 : i32
          %dma_wait3A_284 = tpu.memref_slice %arg22[%dma_wait3A_282, %dma_wait3A_283] : memref<10240x128xf32, #tpu.memory_space<vmem_shared>> -> memref<10240x128xf32, #tpu.memory_space<vmem_shared>>
          tpu.wait_indirect_dma semaphore(%run_scoped3A : memref<!tpu.dma_semaphore, #tpu.memory_space<semaphore_mem>>) src(%arg14 : memref<128x128xf32, #tpu.memory_space<vmem>>) dst(%dma_wait3A_284 : memref<10240x128xf32, #tpu.memory_space<vmem_shared>>)
          tpu.yield
        }) : () -> ()
        %add3A_191 = arith.constant 4 : i32
        %add3A_192 = arith.addi %add3A_183, %add3A_191 : i32
        %lt3A = arith.constant 160 : i32
        %lt3A_193 = arith.cmpi slt, %add3A_192, %lt3A : i32
        %convert_element_type3A_194 = arith.extui %lt3A_193 : i1 to i32
        %cond3A_195 = arith.constant 0 : i32
        %cond3A_196 = arith.cmpi ne, %convert_element_type3A_194, %cond3A_195 : i32
        scf.if %cond3A_196 {
          %add3A_279 = arith.constant 4 : i32
          %add3A_280 = arith.addi %add3A_183, %add3A_279 : i32
          %add3A_281 = arith.addi %mul3A_0, %add3A_280 : i32
          %dma_start3A_282 = arith.constant 0 : i32
          %dma_start3A_283 = arith.constant 0 : i32
          %dma_start3A_284 = tpu.memref_slice %arg9[%dma_start3A_282, %dma_start3A_283] : memref<4x128xi32, #tpu.memory_space<vmem>> -> memref<1x128xi32, #tpu.memory_space<vmem>>
          %dma_start3A_285 = tpu.memref_squeeze %dma_start3A_284 : memref<1x128xi32, #tpu.memory_space<vmem>> -> memref<128xi32, #tpu.memory_space<vmem>>
          %dma_start3A_286 = arith.constant 0 : i32
          %dma_start3A_287 = tpu.memref_slice %arg4[%add3A_281, %dma_start3A_286] : memref<2560x128xi32, #tpu.memory_space<hbm>> -> memref<1x128xi32, #tpu.memory_space<hbm>>
          %dma_start3A_288 = tpu.memref_squeeze %dma_start3A_287 : memref<1x128xi32, #tpu.memory_space<hbm>> -> memref<128xi32, #tpu.memory_space<hbm>>
          %dma_start3A_289 = arith.constant 0 : i32
          %dma_start3A_290 = tpu.memref_slice %arg9[%dma_start3A_282, %dma_start3A_289] : memref<4x128xi32, #tpu.memory_space<vmem>> -> memref<1x128xi32, #tpu.memory_space<vmem>>
          %dma_start3A_291 = tpu.memref_squeeze %dma_start3A_290 : memref<1x128xi32, #tpu.memory_space<vmem>> -> memref<128xi32, #tpu.memory_space<vmem>>
          %dma_start3A_292 = arith.constant 0 : i32
          %dma_start3A_293 = tpu.memref_slice %arg4[%add3A_281, %dma_start3A_292] : memref<2560x128xi32, #tpu.memory_space<hbm>> -> memref<1x128xi32, #tpu.memory_space<hbm>>
          %dma_start3A_294 = tpu.memref_squeeze %dma_start3A_293 : memref<1x128xi32, #tpu.memory_space<hbm>> -> memref<128xi32, #tpu.memory_space<hbm>>
          tpu.enqueue_dma source(%dma_start3A_294 : memref<128xi32, #tpu.memory_space<hbm>>) target(%dma_start3A_291 : memref<128xi32, #tpu.memory_space<vmem>>) target_semaphore(%arg16 : memref<!tpu.dma_semaphore, #tpu.memory_space<semaphore_mem>>)
          %add3A_295 = arith.addi %mul3A_0, %add3A_280 : i32
          %dma_start3A_296 = arith.constant 0 : i32
          %dma_start3A_297 = tpu.memref_slice %arg5[%add3A_295, %dma_start3A_296] : memref<2560x128xi32, #tpu.memory_space<hbm>> -> memref<1x128xi32, #tpu.memory_space<hbm>>
          %dma_start3A_298 = tpu.memref_squeeze %dma_start3A_297 : memref<1x128xi32, #tpu.memory_space<hbm>> -> memref<128xi32, #tpu.memory_space<hbm>>
          %dma_start3A_299 = arith.constant 0 : i32
          %dma_start3A_300 = tpu.memref_slice %arg5[%add3A_295, %dma_start3A_299] : memref<2560x128xi32, #tpu.memory_space<hbm>> -> memref<1x128xi32, #tpu.memory_space<hbm>>
          %dma_start3A_301 = tpu.memref_squeeze %dma_start3A_300 : memref<1x128xi32, #tpu.memory_space<hbm>> -> memref<128xi32, #tpu.memory_space<hbm>>
          tpu.enqueue_dma source(%dma_start3A_301 : memref<128xi32, #tpu.memory_space<hbm>>) target(%arg10 : memref<128xi32, #tpu.memory_space<vmem>>) target_semaphore(%arg16 : memref<!tpu.dma_semaphore, #tpu.memory_space<semaphore_mem>>)
        } else {
        }
        %add3A_197 = arith.constant 2 : i32
        %add3A_198 = arith.addi %add3A_183, %add3A_197 : i32
        %lt3A_199 = arith.constant 160 : i32
        %lt3A_200 = arith.cmpi slt, %add3A_198, %lt3A_199 : i32
        %convert_element_type3A_201 = arith.extui %lt3A_200 : i1 to i32
        %cond3A_202 = arith.constant 0 : i32
        %cond3A_203 = arith.cmpi ne, %convert_element_type3A_201, %cond3A_202 : i32
        scf.if %cond3A_203 {
          %dma_wait3A_279 = arith.constant 2 : i32
          %dma_wait3A_280 = arith.constant 0 : i32
          %dma_wait3A_281 = tpu.memref_slice %arg9[%dma_wait3A_279, %dma_wait3A_280] : memref<4x128xi32, #tpu.memory_space<vmem>> -> memref<1x128xi32, #tpu.memory_space<vmem>>
          %dma_wait3A_282 = tpu.memref_squeeze %dma_wait3A_281 : memref<1x128xi32, #tpu.memory_space<vmem>> -> memref<128xi32, #tpu.memory_space<vmem>>
          %dma_wait3A_283 = arith.constant 0 : i32
          %dma_wait3A_284 = tpu.memref_slice %arg4[%mul3A_0, %dma_wait3A_283] : memref<2560x128xi32, #tpu.memory_space<hbm>> -> memref<1x128xi32, #tpu.memory_space<hbm>>
          %dma_wait3A_285 = tpu.memref_squeeze %dma_wait3A_284 : memref<1x128xi32, #tpu.memory_space<hbm>> -> memref<128xi32, #tpu.memory_space<hbm>>
          %dma_wait3A_286 = arith.constant 0 : i32
          %dma_wait3A_287 = tpu.memref_slice %arg9[%dma_wait3A_279, %dma_wait3A_286] : memref<4x128xi32, #tpu.memory_space<vmem>> -> memref<1x128xi32, #tpu.memory_space<vmem>>
          %dma_wait3A_288 = tpu.memref_squeeze %dma_wait3A_287 : memref<1x128xi32, #tpu.memory_space<vmem>> -> memref<128xi32, #tpu.memory_space<vmem>>
          %dma_wait3A_289 = arith.constant 0 : i32
          %dma_wait3A_290 = tpu.memref_slice %arg4[%mul3A_0, %dma_wait3A_289] : memref<2560x128xi32, #tpu.memory_space<hbm>> -> memref<1x128xi32, #tpu.memory_space<hbm>>
          %dma_wait3A_291 = tpu.memref_squeeze %dma_wait3A_290 : memref<1x128xi32, #tpu.memory_space<hbm>> -> memref<128xi32, #tpu.memory_space<hbm>>
          tpu.wait_dma2 semaphore(%arg18 : memref<!tpu.dma_semaphore, #tpu.memory_space<semaphore_mem>>) src(%dma_wait3A_291 : memref<128xi32, #tpu.memory_space<hbm>>) dst(%dma_wait3A_288 : memref<128xi32, #tpu.memory_space<vmem>>)
          %dma_wait3A_292 = arith.constant 0 : i32
          %dma_wait3A_293 = tpu.memref_slice %arg5[%mul3A_0, %dma_wait3A_292] : memref<2560x128xi32, #tpu.memory_space<hbm>> -> memref<1x128xi32, #tpu.memory_space<hbm>>
          %dma_wait3A_294 = tpu.memref_squeeze %dma_wait3A_293 : memref<1x128xi32, #tpu.memory_space<hbm>> -> memref<128xi32, #tpu.memory_space<hbm>>
          %dma_wait3A_295 = arith.constant 0 : i32
          %dma_wait3A_296 = tpu.memref_slice %arg5[%mul3A_0, %dma_wait3A_295] : memref<2560x128xi32, #tpu.memory_space<hbm>> -> memref<1x128xi32, #tpu.memory_space<hbm>>
          %dma_wait3A_297 = tpu.memref_squeeze %dma_wait3A_296 : memref<1x128xi32, #tpu.memory_space<hbm>> -> memref<128xi32, #tpu.memory_space<hbm>>
          tpu.wait_dma2 semaphore(%arg18 : memref<!tpu.dma_semaphore, #tpu.memory_space<semaphore_mem>>) src(%dma_wait3A_297 : memref<128xi32, #tpu.memory_space<hbm>>) dst(%arg12 : memref<128xi32, #tpu.memory_space<vmem>>)
          %dma_start3A_298 = arith.constant 2 : i32
          %dma_start3A_299 = arith.constant 0 : i32
          %dma_start3A_300 = tpu.memref_slice %arg9[%dma_start3A_298, %dma_start3A_299] : memref<4x128xi32, #tpu.memory_space<vmem>> -> memref<1x128xi32, #tpu.memory_space<vmem>>
          %dma_start3A_301 = tpu.memref_squeeze %dma_start3A_300 : memref<1x128xi32, #tpu.memory_space<vmem>> -> memref<128xi32, #tpu.memory_space<vmem>>
          %dma_start3A_302 = arith.constant 0 : i32
          %dma_start3A_303 = arith.constant 0 : i32
          %dma_start3A_304 = tpu.memref_slice %arg2[%dma_start3A_302, %dma_start3A_303] : memref<10000x128xf32, #tpu.memory_space<hbm>> -> memref<10000x128xf32, #tpu.memory_space<hbm>>
          tpu.enqueue_indirect_dma source(%dma_start3A_304 : memref<10000x128xf32, #tpu.memory_space<hbm>>) target(%arg14 : memref<128x128xf32, #tpu.memory_space<vmem>>) offsets(%dma_start3A_301 : memref<128xi32, #tpu.memory_space<vmem>>) semaphore(%arg20 : memref<!tpu.dma_semaphore, #tpu.memory_space<semaphore_mem>>)
        } else {
        }
        %mul3A_204 = arith.constant 4 : i32
        %mul3A_205 = arith.muli %mul3A_204, %scan3A_179 : i32
        %add3A_206 = arith.constant 1 : i32
        %add3A_207 = arith.addi %mul3A_205, %add3A_206 : i32
        %dma_wait3A_208 = arith.constant 0 : i32
        %dma_wait3A_209 = arith.constant 0 : i32
        %dma_wait3A_210 = tpu.memref_slice %arg9[%dma_wait3A_208, %dma_wait3A_209] : memref<4x128xi32, #tpu.memory_space<vmem>> -> memref<1x128xi32, #tpu.memory_space<vmem>>
        %dma_wait3A_211 = tpu.memref_squeeze %dma_wait3A_210 : memref<1x128xi32, #tpu.memory_space<vmem>> -> memref<128xi32, #tpu.memory_space<vmem>>
        %dma_wait3A_212 = arith.constant 0 : i32
        %dma_wait3A_213 = arith.constant 0 : i32
        %dma_wait3A_214 = tpu.memref_slice %arg2[%dma_wait3A_212, %dma_wait3A_213] : memref<10000x128xf32, #tpu.memory_space<hbm>> -> memref<10000x128xf32, #tpu.memory_space<hbm>>
        tpu.wait_indirect_dma semaphore(%arg21 : memref<!tpu.dma_semaphore, #tpu.memory_space<semaphore_mem>>) src(%dma_wait3A_214 : memref<10000x128xf32, #tpu.memory_space<hbm>>) dst(%arg15 : memref<128x128xf32, #tpu.memory_space<vmem>>)
        "tpu.region"() ({
          %run_scoped3A = tpu.sem_alloc : memref<!tpu.dma_semaphore, #tpu.memory_space<semaphore_mem>>
          %dma_start3A_279 = arith.constant 0 : i32
          %dma_start3A_280 = arith.constant 0 : i32
          %dma_start3A_281 = tpu.memref_slice %arg22[%dma_start3A_279, %dma_start3A_280] : memref<10240x128xf32, #tpu.memory_space<vmem_shared>> -> memref<10240x128xf32, #tpu.memory_space<vmem_shared>>
          tpu.enqueue_indirect_dma source(%arg15 : memref<128x128xf32, #tpu.memory_space<vmem>>) target(%dma_start3A_281 : memref<10240x128xf32, #tpu.memory_space<vmem_shared>>) offsets(%arg11 : memref<128xi32, #tpu.memory_space<vmem>>) semaphore(%run_scoped3A : memref<!tpu.dma_semaphore, #tpu.memory_space<semaphore_mem>>) {add = true}
          %dma_wait3A_282 = arith.constant 0 : i32
          %dma_wait3A_283 = arith.constant 0 : i32
          %dma_wait3A_284 = tpu.memref_slice %arg22[%dma_wait3A_282, %dma_wait3A_283] : memref<10240x128xf32, #tpu.memory_space<vmem_shared>> -> memref<10240x128xf32, #tpu.memory_space<vmem_shared>>
          tpu.wait_indirect_dma semaphore(%run_scoped3A : memref<!tpu.dma_semaphore, #tpu.memory_space<semaphore_mem>>) src(%arg15 : memref<128x128xf32, #tpu.memory_space<vmem>>) dst(%dma_wait3A_284 : memref<10240x128xf32, #tpu.memory_space<vmem_shared>>)
          tpu.yield
        }) : () -> ()
        %add3A_215 = arith.constant 4 : i32
        %add3A_216 = arith.addi %add3A_207, %add3A_215 : i32
        %lt3A_217 = arith.constant 160 : i32
        %lt3A_218 = arith.cmpi slt, %add3A_216, %lt3A_217 : i32
        %convert_element_type3A_219 = arith.extui %lt3A_218 : i1 to i32
        %cond3A_220 = arith.constant 0 : i32
        %cond3A_221 = arith.cmpi ne, %convert_element_type3A_219, %cond3A_220 : i32
        scf.if %cond3A_221 {
          %add3A_279 = arith.constant 4 : i32
          %add3A_280 = arith.addi %add3A_207, %add3A_279 : i32
          %add3A_281 = arith.addi %mul3A_0, %add3A_280 : i32
          %dma_start3A_282 = arith.constant 1 : i32
          %dma_start3A_283 = arith.constant 0 : i32
          %dma_start3A_284 = tpu.memref_slice %arg9[%dma_start3A_282, %dma_start3A_283] : memref<4x128xi32, #tpu.memory_space<vmem>> -> memref<1x128xi32, #tpu.memory_space<vmem>>
          %dma_start3A_285 = tpu.memref_squeeze %dma_start3A_284 : memref<1x128xi32, #tpu.memory_space<vmem>> -> memref<128xi32, #tpu.memory_space<vmem>>
          %dma_start3A_286 = arith.constant 0 : i32
          %dma_start3A_287 = tpu.memref_slice %arg4[%add3A_281, %dma_start3A_286] : memref<2560x128xi32, #tpu.memory_space<hbm>> -> memref<1x128xi32, #tpu.memory_space<hbm>>
          %dma_start3A_288 = tpu.memref_squeeze %dma_start3A_287 : memref<1x128xi32, #tpu.memory_space<hbm>> -> memref<128xi32, #tpu.memory_space<hbm>>
          %dma_start3A_289 = arith.constant 0 : i32
          %dma_start3A_290 = tpu.memref_slice %arg9[%dma_start3A_282, %dma_start3A_289] : memref<4x128xi32, #tpu.memory_space<vmem>> -> memref<1x128xi32, #tpu.memory_space<vmem>>
          %dma_start3A_291 = tpu.memref_squeeze %dma_start3A_290 : memref<1x128xi32, #tpu.memory_space<vmem>> -> memref<128xi32, #tpu.memory_space<vmem>>
          %dma_start3A_292 = arith.constant 0 : i32
          %dma_start3A_293 = tpu.memref_slice %arg4[%add3A_281, %dma_start3A_292] : memref<2560x128xi32, #tpu.memory_space<hbm>> -> memref<1x128xi32, #tpu.memory_space<hbm>>
          %dma_start3A_294 = tpu.memref_squeeze %dma_start3A_293 : memref<1x128xi32, #tpu.memory_space<hbm>> -> memref<128xi32, #tpu.memory_space<hbm>>
          tpu.enqueue_dma source(%dma_start3A_294 : memref<128xi32, #tpu.memory_space<hbm>>) target(%dma_start3A_291 : memref<128xi32, #tpu.memory_space<vmem>>) target_semaphore(%arg17 : memref<!tpu.dma_semaphore, #tpu.memory_space<semaphore_mem>>)
          %add3A_295 = arith.addi %mul3A_0, %add3A_280 : i32
          %dma_start3A_296 = arith.constant 0 : i32
          %dma_start3A_297 = tpu.memref_slice %arg5[%add3A_295, %dma_start3A_296] : memref<2560x128xi32, #tpu.memory_space<hbm>> -> memref<1x128xi32, #tpu.memory_space<hbm>>
          %dma_start3A_298 = tpu.memref_squeeze %dma_start3A_297 : memref<1x128xi32, #tpu.memory_space<hbm>> -> memref<128xi32, #tpu.memory_space<hbm>>
          %dma_start3A_299 = arith.constant 0 : i32
          %dma_start3A_300 = tpu.memref_slice %arg5[%add3A_295, %dma_start3A_299] : memref<2560x128xi32, #tpu.memory_space<hbm>> -> memref<1x128xi32, #tpu.memory_space<hbm>>
          %dma_start3A_301 = tpu.memref_squeeze %dma_start3A_300 : memref<1x128xi32, #tpu.memory_space<hbm>> -> memref<128xi32, #tpu.memory_space<hbm>>
          tpu.enqueue_dma source(%dma_start3A_301 : memref<128xi32, #tpu.memory_space<hbm>>) target(%arg11 : memref<128xi32, #tpu.memory_space<vmem>>) target_semaphore(%arg17 : memref<!tpu.dma_semaphore, #tpu.memory_space<semaphore_mem>>)
        } else {
        }
        %add3A_222 = arith.constant 2 : i32
        %add3A_223 = arith.addi %add3A_207, %add3A_222 : i32
        %lt3A_224 = arith.constant 160 : i32
        %lt3A_225 = arith.cmpi slt, %add3A_223, %lt3A_224 : i32
        %convert_element_type3A_226 = arith.extui %lt3A_225 : i1 to i32
        %cond3A_227 = arith.constant 0 : i32
        %cond3A_228 = arith.cmpi ne, %convert_element_type3A_226, %cond3A_227 : i32
        scf.if %cond3A_228 {
          %dma_wait3A_279 = arith.constant 3 : i32
          %dma_wait3A_280 = arith.constant 0 : i32
          %dma_wait3A_281 = tpu.memref_slice %arg9[%dma_wait3A_279, %dma_wait3A_280] : memref<4x128xi32, #tpu.memory_space<vmem>> -> memref<1x128xi32, #tpu.memory_space<vmem>>
          %dma_wait3A_282 = tpu.memref_squeeze %dma_wait3A_281 : memref<1x128xi32, #tpu.memory_space<vmem>> -> memref<128xi32, #tpu.memory_space<vmem>>
          %dma_wait3A_283 = arith.constant 0 : i32
          %dma_wait3A_284 = tpu.memref_slice %arg4[%mul3A_0, %dma_wait3A_283] : memref<2560x128xi32, #tpu.memory_space<hbm>> -> memref<1x128xi32, #tpu.memory_space<hbm>>
          %dma_wait3A_285 = tpu.memref_squeeze %dma_wait3A_284 : memref<1x128xi32, #tpu.memory_space<hbm>> -> memref<128xi32, #tpu.memory_space<hbm>>
          %dma_wait3A_286 = arith.constant 0 : i32
          %dma_wait3A_287 = tpu.memref_slice %arg9[%dma_wait3A_279, %dma_wait3A_286] : memref<4x128xi32, #tpu.memory_space<vmem>> -> memref<1x128xi32, #tpu.memory_space<vmem>>
          %dma_wait3A_288 = tpu.memref_squeeze %dma_wait3A_287 : memref<1x128xi32, #tpu.memory_space<vmem>> -> memref<128xi32, #tpu.memory_space<vmem>>
          %dma_wait3A_289 = arith.constant 0 : i32
          %dma_wait3A_290 = tpu.memref_slice %arg4[%mul3A_0, %dma_wait3A_289] : memref<2560x128xi32, #tpu.memory_space<hbm>> -> memref<1x128xi32, #tpu.memory_space<hbm>>
          %dma_wait3A_291 = tpu.memref_squeeze %dma_wait3A_290 : memref<1x128xi32, #tpu.memory_space<hbm>> -> memref<128xi32, #tpu.memory_space<hbm>>
          tpu.wait_dma2 semaphore(%arg19 : memref<!tpu.dma_semaphore, #tpu.memory_space<semaphore_mem>>) src(%dma_wait3A_291 : memref<128xi32, #tpu.memory_space<hbm>>) dst(%dma_wait3A_288 : memref<128xi32, #tpu.memory_space<vmem>>)
          %dma_wait3A_292 = arith.constant 0 : i32
          %dma_wait3A_293 = tpu.memref_slice %arg5[%mul3A_0, %dma_wait3A_292] : memref<2560x128xi32, #tpu.memory_space<hbm>> -> memref<1x128xi32, #tpu.memory_space<hbm>>
          %dma_wait3A_294 = tpu.memref_squeeze %dma_wait3A_293 : memref<1x128xi32, #tpu.memory_space<hbm>> -> memref<128xi32, #tpu.memory_space<hbm>>
          %dma_wait3A_295 = arith.constant 0 : i32
          %dma_wait3A_296 = tpu.memref_slice %arg5[%mul3A_0, %dma_wait3A_295] : memref<2560x128xi32, #tpu.memory_space<hbm>> -> memref<1x128xi32, #tpu.memory_space<hbm>>
          %dma_wait3A_297 = tpu.memref_squeeze %dma_wait3A_296 : memref<1x128xi32, #tpu.memory_space<hbm>> -> memref<128xi32, #tpu.memory_space<hbm>>
          tpu.wait_dma2 semaphore(%arg19 : memref<!tpu.dma_semaphore, #tpu.memory_space<semaphore_mem>>) src(%dma_wait3A_297 : memref<128xi32, #tpu.memory_space<hbm>>) dst(%arg13 : memref<128xi32, #tpu.memory_space<vmem>>)
          %dma_start3A_298 = arith.constant 3 : i32
          %dma_start3A_299 = arith.constant 0 : i32
          %dma_start3A_300 = tpu.memref_slice %arg9[%dma_start3A_298, %dma_start3A_299] : memref<4x128xi32, #tpu.memory_space<vmem>> -> memref<1x128xi32, #tpu.memory_space<vmem>>
          %dma_start3A_301 = tpu.memref_squeeze %dma_start3A_300 : memref<1x128xi32, #tpu.memory_space<vmem>> -> memref<128xi32, #tpu.memory_space<vmem>>
          %dma_start3A_302 = arith.constant 0 : i32
          %dma_start3A_303 = arith.constant 0 : i32
          %dma_start3A_304 = tpu.memref_slice %arg2[%dma_start3A_302, %dma_start3A_303] : memref<10000x128xf32, #tpu.memory_space<hbm>> -> memref<10000x128xf32, #tpu.memory_space<hbm>>
          tpu.enqueue_indirect_dma source(%dma_start3A_304 : memref<10000x128xf32, #tpu.memory_space<hbm>>) target(%arg15 : memref<128x128xf32, #tpu.memory_space<vmem>>) offsets(%dma_start3A_301 : memref<128xi32, #tpu.memory_space<vmem>>) semaphore(%arg21 : memref<!tpu.dma_semaphore, #tpu.memory_space<semaphore_mem>>)
        } else {
        }
        %mul3A_229 = arith.constant 4 : i32
        %mul3A_230 = arith.muli %mul3A_229, %scan3A_179 : i32
        %add3A_231 = arith.constant 2 : i32
        %add3A_232 = arith.addi %mul3A_230, %add3A_231 : i32
        %dma_wait3A_233 = arith.constant 0 : i32
        %dma_wait3A_234 = arith.constant 0 : i32
        %dma_wait3A_235 = tpu.memref_slice %arg9[%dma_wait3A_233, %dma_wait3A_234] : memref<4x128xi32, #tpu.memory_space<vmem>> -> memref<1x128xi32, #tpu.memory_space<vmem>>
        %dma_wait3A_236 = tpu.memref_squeeze %dma_wait3A_235 : memref<1x128xi32, #tpu.memory_space<vmem>> -> memref<128xi32, #tpu.memory_space<vmem>>
        %dma_wait3A_237 = arith.constant 0 : i32
        %dma_wait3A_238 = arith.constant 0 : i32
        %dma_wait3A_239 = tpu.memref_slice %arg2[%dma_wait3A_237, %dma_wait3A_238] : memref<10000x128xf32, #tpu.memory_space<hbm>> -> memref<10000x128xf32, #tpu.memory_space<hbm>>
        tpu.wait_indirect_dma semaphore(%arg20 : memref<!tpu.dma_semaphore, #tpu.memory_space<semaphore_mem>>) src(%dma_wait3A_239 : memref<10000x128xf32, #tpu.memory_space<hbm>>) dst(%arg14 : memref<128x128xf32, #tpu.memory_space<vmem>>)
        "tpu.region"() ({
          %run_scoped3A = tpu.sem_alloc : memref<!tpu.dma_semaphore, #tpu.memory_space<semaphore_mem>>
          %dma_start3A_279 = arith.constant 0 : i32
          %dma_start3A_280 = arith.constant 0 : i32
          %dma_start3A_281 = tpu.memref_slice %arg22[%dma_start3A_279, %dma_start3A_280] : memref<10240x128xf32, #tpu.memory_space<vmem_shared>> -> memref<10240x128xf32, #tpu.memory_space<vmem_shared>>
          tpu.enqueue_indirect_dma source(%arg14 : memref<128x128xf32, #tpu.memory_space<vmem>>) target(%dma_start3A_281 : memref<10240x128xf32, #tpu.memory_space<vmem_shared>>) offsets(%arg12 : memref<128xi32, #tpu.memory_space<vmem>>) semaphore(%run_scoped3A : memref<!tpu.dma_semaphore, #tpu.memory_space<semaphore_mem>>) {add = true}
          %dma_wait3A_282 = arith.constant 0 : i32
          %dma_wait3A_283 = arith.constant 0 : i32
          %dma_wait3A_284 = tpu.memref_slice %arg22[%dma_wait3A_282, %dma_wait3A_283] : memref<10240x128xf32, #tpu.memory_space<vmem_shared>> -> memref<10240x128xf32, #tpu.memory_space<vmem_shared>>
          tpu.wait_indirect_dma semaphore(%run_scoped3A : memref<!tpu.dma_semaphore, #tpu.memory_space<semaphore_mem>>) src(%arg14 : memref<128x128xf32, #tpu.memory_space<vmem>>) dst(%dma_wait3A_284 : memref<10240x128xf32, #tpu.memory_space<vmem_shared>>)
          tpu.yield
        }) : () -> ()
        %add3A_240 = arith.constant 4 : i32
        %add3A_241 = arith.addi %add3A_232, %add3A_240 : i32
        %lt3A_242 = arith.constant 160 : i32
        %lt3A_243 = arith.cmpi slt, %add3A_241, %lt3A_242 : i32
        %convert_element_type3A_244 = arith.extui %lt3A_243 : i1 to i32
        %cond3A_245 = arith.constant 0 : i32
        %cond3A_246 = arith.cmpi ne, %convert_element_type3A_244, %cond3A_245 : i32
        scf.if %cond3A_246 {
          %add3A_279 = arith.constant 4 : i32
          %add3A_280 = arith.addi %add3A_232, %add3A_279 : i32
          %add3A_281 = arith.addi %mul3A_0, %add3A_280 : i32
          %dma_start3A_282 = arith.constant 2 : i32
          %dma_start3A_283 = arith.constant 0 : i32
          %dma_start3A_284 = tpu.memref_slice %arg9[%dma_start3A_282, %dma_start3A_283] : memref<4x128xi32, #tpu.memory_space<vmem>> -> memref<1x128xi32, #tpu.memory_space<vmem>>
          %dma_start3A_285 = tpu.memref_squeeze %dma_start3A_284 : memref<1x128xi32, #tpu.memory_space<vmem>> -> memref<128xi32, #tpu.memory_space<vmem>>
          %dma_start3A_286 = arith.constant 0 : i32
          %dma_start3A_287 = tpu.memref_slice %arg4[%add3A_281, %dma_start3A_286] : memref<2560x128xi32, #tpu.memory_space<hbm>> -> memref<1x128xi32, #tpu.memory_space<hbm>>
          %dma_start3A_288 = tpu.memref_squeeze %dma_start3A_287 : memref<1x128xi32, #tpu.memory_space<hbm>> -> memref<128xi32, #tpu.memory_space<hbm>>
          %dma_start3A_289 = arith.constant 0 : i32
          %dma_start3A_290 = tpu.memref_slice %arg9[%dma_start3A_282, %dma_start3A_289] : memref<4x128xi32, #tpu.memory_space<vmem>> -> memref<1x128xi32, #tpu.memory_space<vmem>>
          %dma_start3A_291 = tpu.memref_squeeze %dma_start3A_290 : memref<1x128xi32, #tpu.memory_space<vmem>> -> memref<128xi32, #tpu.memory_space<vmem>>
          %dma_start3A_292 = arith.constant 0 : i32
          %dma_start3A_293 = tpu.memref_slice %arg4[%add3A_281, %dma_start3A_292] : memref<2560x128xi32, #tpu.memory_space<hbm>> -> memref<1x128xi32, #tpu.memory_space<hbm>>
          %dma_start3A_294 = tpu.memref_squeeze %dma_start3A_293 : memref<1x128xi32, #tpu.memory_space<hbm>> -> memref<128xi32, #tpu.memory_space<hbm>>
          tpu.enqueue_dma source(%dma_start3A_294 : memref<128xi32, #tpu.memory_space<hbm>>) target(%dma_start3A_291 : memref<128xi32, #tpu.memory_space<vmem>>) target_semaphore(%arg18 : memref<!tpu.dma_semaphore, #tpu.memory_space<semaphore_mem>>)
          %add3A_295 = arith.addi %mul3A_0, %add3A_280 : i32
          %dma_start3A_296 = arith.constant 0 : i32
          %dma_start3A_297 = tpu.memref_slice %arg5[%add3A_295, %dma_start3A_296] : memref<2560x128xi32, #tpu.memory_space<hbm>> -> memref<1x128xi32, #tpu.memory_space<hbm>>
          %dma_start3A_298 = tpu.memref_squeeze %dma_start3A_297 : memref<1x128xi32, #tpu.memory_space<hbm>> -> memref<128xi32, #tpu.memory_space<hbm>>
          %dma_start3A_299 = arith.constant 0 : i32
          %dma_start3A_300 = tpu.memref_slice %arg5[%add3A_295, %dma_start3A_299] : memref<2560x128xi32, #tpu.memory_space<hbm>> -> memref<1x128xi32, #tpu.memory_space<hbm>>
          %dma_start3A_301 = tpu.memref_squeeze %dma_start3A_300 : memref<1x128xi32, #tpu.memory_space<hbm>> -> memref<128xi32, #tpu.memory_space<hbm>>
          tpu.enqueue_dma source(%dma_start3A_301 : memref<128xi32, #tpu.memory_space<hbm>>) target(%arg12 : memref<128xi32, #tpu.memory_space<vmem>>) target_semaphore(%arg18 : memref<!tpu.dma_semaphore, #tpu.memory_space<semaphore_mem>>)
        } else {
        }
        %add3A_247 = arith.constant 2 : i32
        %add3A_248 = arith.addi %add3A_232, %add3A_247 : i32
        %lt3A_249 = arith.constant 160 : i32
        %lt3A_250 = arith.cmpi slt, %add3A_248, %lt3A_249 : i32
        %convert_element_type3A_251 = arith.extui %lt3A_250 : i1 to i32
        %cond3A_252 = arith.constant 0 : i32
        %cond3A_253 = arith.cmpi ne, %convert_element_type3A_251, %cond3A_252 : i32
        scf.if %cond3A_253 {
          %dma_wait3A_279 = arith.constant 0 : i32
          %dma_wait3A_280 = arith.constant 0 : i32
          %dma_wait3A_281 = tpu.memref_slice %arg9[%dma_wait3A_279, %dma_wait3A_280] : memref<4x128xi32, #tpu.memory_space<vmem>> -> memref<1x128xi32, #tpu.memory_space<vmem>>
          %dma_wait3A_282 = tpu.memref_squeeze %dma_wait3A_281 : memref<1x128xi32, #tpu.memory_space<vmem>> -> memref<128xi32, #tpu.memory_space<vmem>>
          %dma_wait3A_283 = arith.constant 0 : i32
          %dma_wait3A_284 = tpu.memref_slice %arg4[%mul3A_0, %dma_wait3A_283] : memref<2560x128xi32, #tpu.memory_space<hbm>> -> memref<1x128xi32, #tpu.memory_space<hbm>>
          %dma_wait3A_285 = tpu.memref_squeeze %dma_wait3A_284 : memref<1x128xi32, #tpu.memory_space<hbm>> -> memref<128xi32, #tpu.memory_space<hbm>>
          %dma_wait3A_286 = arith.constant 0 : i32
          %dma_wait3A_287 = tpu.memref_slice %arg9[%dma_wait3A_279, %dma_wait3A_286] : memref<4x128xi32, #tpu.memory_space<vmem>> -> memref<1x128xi32, #tpu.memory_space<vmem>>
          %dma_wait3A_288 = tpu.memref_squeeze %dma_wait3A_287 : memref<1x128xi32, #tpu.memory_space<vmem>> -> memref<128xi32, #tpu.memory_space<vmem>>
          %dma_wait3A_289 = arith.constant 0 : i32
          %dma_wait3A_290 = tpu.memref_slice %arg4[%mul3A_0, %dma_wait3A_289] : memref<2560x128xi32, #tpu.memory_space<hbm>> -> memref<1x128xi32, #tpu.memory_space<hbm>>
          %dma_wait3A_291 = tpu.memref_squeeze %dma_wait3A_290 : memref<1x128xi32, #tpu.memory_space<hbm>> -> memref<128xi32, #tpu.memory_space<hbm>>
          tpu.wait_dma2 semaphore(%arg16 : memref<!tpu.dma_semaphore, #tpu.memory_space<semaphore_mem>>) src(%dma_wait3A_291 : memref<128xi32, #tpu.memory_space<hbm>>) dst(%dma_wait3A_288 : memref<128xi32, #tpu.memory_space<vmem>>)
          %dma_wait3A_292 = arith.constant 0 : i32
          %dma_wait3A_293 = tpu.memref_slice %arg5[%mul3A_0, %dma_wait3A_292] : memref<2560x128xi32, #tpu.memory_space<hbm>> -> memref<1x128xi32, #tpu.memory_space<hbm>>
          %dma_wait3A_294 = tpu.memref_squeeze %dma_wait3A_293 : memref<1x128xi32, #tpu.memory_space<hbm>> -> memref<128xi32, #tpu.memory_space<hbm>>
          %dma_wait3A_295 = arith.constant 0 : i32
          %dma_wait3A_296 = tpu.memref_slice %arg5[%mul3A_0, %dma_wait3A_295] : memref<2560x128xi32, #tpu.memory_space<hbm>> -> memref<1x128xi32, #tpu.memory_space<hbm>>
          %dma_wait3A_297 = tpu.memref_squeeze %dma_wait3A_296 : memref<1x128xi32, #tpu.memory_space<hbm>> -> memref<128xi32, #tpu.memory_space<hbm>>
          tpu.wait_dma2 semaphore(%arg16 : memref<!tpu.dma_semaphore, #tpu.memory_space<semaphore_mem>>) src(%dma_wait3A_297 : memref<128xi32, #tpu.memory_space<hbm>>) dst(%arg10 : memref<128xi32, #tpu.memory_space<vmem>>)
          %dma_start3A_298 = arith.constant 0 : i32
          %dma_start3A_299 = arith.constant 0 : i32
          %dma_start3A_300 = tpu.memref_slice %arg9[%dma_start3A_298, %dma_start3A_299] : memref<4x128xi32, #tpu.memory_space<vmem>> -> memref<1x128xi32, #tpu.memory_space<vmem>>
          %dma_start3A_301 = tpu.memref_squeeze %dma_start3A_300 : memref<1x128xi32, #tpu.memory_space<vmem>> -> memref<128xi32, #tpu.memory_space<vmem>>
          %dma_start3A_302 = arith.constant 0 : i32
          %dma_start3A_303 = arith.constant 0 : i32
          %dma_start3A_304 = tpu.memref_slice %arg2[%dma_start3A_302, %dma_start3A_303] : memref<10000x128xf32, #tpu.memory_space<hbm>> -> memref<10000x128xf32, #tpu.memory_space<hbm>>
          tpu.enqueue_indirect_dma source(%dma_start3A_304 : memref<10000x128xf32, #tpu.memory_space<hbm>>) target(%arg14 : memref<128x128xf32, #tpu.memory_space<vmem>>) offsets(%dma_start3A_301 : memref<128xi32, #tpu.memory_space<vmem>>) semaphore(%arg20 : memref<!tpu.dma_semaphore, #tpu.memory_space<semaphore_mem>>)
        } else {
        }
        %mul3A_254 = arith.constant 4 : i32
        %mul3A_255 = arith.muli %mul3A_254, %scan3A_179 : i32
        %add3A_256 = arith.constant 3 : i32
        %add3A_257 = arith.addi %mul3A_255, %add3A_256 : i32
        %dma_wait3A_258 = arith.constant 0 : i32
        %dma_wait3A_259 = arith.constant 0 : i32
        %dma_wait3A_260 = tpu.memref_slice %arg9[%dma_wait3A_258, %dma_wait3A_259] : memref<4x128xi32, #tpu.memory_space<vmem>> -> memref<1x128xi32, #tpu.memory_space<vmem>>
        %dma_wait3A_261 = tpu.memref_squeeze %dma_wait3A_260 : memref<1x128xi32, #tpu.memory_space<vmem>> -> memref<128xi32, #tpu.memory_space<vmem>>
        %dma_wait3A_262 = arith.constant 0 : i32
        %dma_wait3A_263 = arith.constant 0 : i32
        %dma_wait3A_264 = tpu.memref_slice %arg2[%dma_wait3A_262, %dma_wait3A_263] : memref<10000x128xf32, #tpu.memory_space<hbm>> -> memref<10000x128xf32, #tpu.memory_space<hbm>>
        tpu.wait_indirect_dma semaphore(%arg21 : memref<!tpu.dma_semaphore, #tpu.memory_space<semaphore_mem>>) src(%dma_wait3A_264 : memref<10000x128xf32, #tpu.memory_space<hbm>>) dst(%arg15 : memref<128x128xf32, #tpu.memory_space<vmem>>)
        "tpu.region"() ({
          %run_scoped3A = tpu.sem_alloc : memref<!tpu.dma_semaphore, #tpu.memory_space<semaphore_mem>>
          %dma_start3A_279 = arith.constant 0 : i32
          %dma_start3A_280 = arith.constant 0 : i32
          %dma_start3A_281 = tpu.memref_slice %arg22[%dma_start3A_279, %dma_start3A_280] : memref<10240x128xf32, #tpu.memory_space<vmem_shared>> -> memref<10240x128xf32, #tpu.memory_space<vmem_shared>>
          tpu.enqueue_indirect_dma source(%arg15 : memref<128x128xf32, #tpu.memory_space<vmem>>) target(%dma_start3A_281 : memref<10240x128xf32, #tpu.memory_space<vmem_shared>>) offsets(%arg13 : memref<128xi32, #tpu.memory_space<vmem>>) semaphore(%run_scoped3A : memref<!tpu.dma_semaphore, #tpu.memory_space<semaphore_mem>>) {add = true}
          %dma_wait3A_282 = arith.constant 0 : i32
          %dma_wait3A_283 = arith.constant 0 : i32
          %dma_wait3A_284 = tpu.memref_slice %arg22[%dma_wait3A_282, %dma_wait3A_283] : memref<10240x128xf32, #tpu.memory_space<vmem_shared>> -> memref<10240x128xf32, #tpu.memory_space<vmem_shared>>
          tpu.wait_indirect_dma semaphore(%run_scoped3A : memref<!tpu.dma_semaphore, #tpu.memory_space<semaphore_mem>>) src(%arg15 : memref<128x128xf32, #tpu.memory_space<vmem>>) dst(%dma_wait3A_284 : memref<10240x128xf32, #tpu.memory_space<vmem_shared>>)
          tpu.yield
        }) : () -> ()
        %add3A_265 = arith.constant 4 : i32
        %add3A_266 = arith.addi %add3A_257, %add3A_265 : i32
        %lt3A_267 = arith.constant 160 : i32
        %lt3A_268 = arith.cmpi slt, %add3A_266, %lt3A_267 : i32
        %convert_element_type3A_269 = arith.extui %lt3A_268 : i1 to i32
        %cond3A_270 = arith.constant 0 : i32
        %cond3A_271 = arith.cmpi ne, %convert_element_type3A_269, %cond3A_270 : i32
        scf.if %cond3A_271 {
          %add3A_279 = arith.constant 4 : i32
          %add3A_280 = arith.addi %add3A_257, %add3A_279 : i32
          %add3A_281 = arith.addi %mul3A_0, %add3A_280 : i32
          %dma_start3A_282 = arith.constant 3 : i32
          %dma_start3A_283 = arith.constant 0 : i32
          %dma_start3A_284 = tpu.memref_slice %arg9[%dma_start3A_282, %dma_start3A_283] : memref<4x128xi32, #tpu.memory_space<vmem>> -> memref<1x128xi32, #tpu.memory_space<vmem>>
          %dma_start3A_285 = tpu.memref_squeeze %dma_start3A_284 : memref<1x128xi32, #tpu.memory_space<vmem>> -> memref<128xi32, #tpu.memory_space<vmem>>
          %dma_start3A_286 = arith.constant 0 : i32
          %dma_start3A_287 = tpu.memref_slice %arg4[%add3A_281, %dma_start3A_286] : memref<2560x128xi32, #tpu.memory_space<hbm>> -> memref<1x128xi32, #tpu.memory_space<hbm>>
          %dma_start3A_288 = tpu.memref_squeeze %dma_start3A_287 : memref<1x128xi32, #tpu.memory_space<hbm>> -> memref<128xi32, #tpu.memory_space<hbm>>
          %dma_start3A_289 = arith.constant 0 : i32
          %dma_start3A_290 = tpu.memref_slice %arg9[%dma_start3A_282, %dma_start3A_289] : memref<4x128xi32, #tpu.memory_space<vmem>> -> memref<1x128xi32, #tpu.memory_space<vmem>>
          %dma_start3A_291 = tpu.memref_squeeze %dma_start3A_290 : memref<1x128xi32, #tpu.memory_space<vmem>> -> memref<128xi32, #tpu.memory_space<vmem>>
          %dma_start3A_292 = arith.constant 0 : i32
          %dma_start3A_293 = tpu.memref_slice %arg4[%add3A_281, %dma_start3A_292] : memref<2560x128xi32, #tpu.memory_space<hbm>> -> memref<1x128xi32, #tpu.memory_space<hbm>>
          %dma_start3A_294 = tpu.memref_squeeze %dma_start3A_293 : memref<1x128xi32, #tpu.memory_space<hbm>> -> memref<128xi32, #tpu.memory_space<hbm>>
          tpu.enqueue_dma source(%dma_start3A_294 : memref<128xi32, #tpu.memory_space<hbm>>) target(%dma_start3A_291 : memref<128xi32, #tpu.memory_space<vmem>>) target_semaphore(%arg19 : memref<!tpu.dma_semaphore, #tpu.memory_space<semaphore_mem>>)
          %add3A_295 = arith.addi %mul3A_0, %add3A_280 : i32
          %dma_start3A_296 = arith.constant 0 : i32
          %dma_start3A_297 = tpu.memref_slice %arg5[%add3A_295, %dma_start3A_296] : memref<2560x128xi32, #tpu.memory_space<hbm>> -> memref<1x128xi32, #tpu.memory_space<hbm>>
          %dma_start3A_298 = tpu.memref_squeeze %dma_start3A_297 : memref<1x128xi32, #tpu.memory_space<hbm>> -> memref<128xi32, #tpu.memory_space<hbm>>
          %dma_start3A_299 = arith.constant 0 : i32
          %dma_start3A_300 = tpu.memref_slice %arg5[%add3A_295, %dma_start3A_299] : memref<2560x128xi32, #tpu.memory_space<hbm>> -> memref<1x128xi32, #tpu.memory_space<hbm>>
          %dma_start3A_301 = tpu.memref_squeeze %dma_start3A_300 : memref<1x128xi32, #tpu.memory_space<hbm>> -> memref<128xi32, #tpu.memory_space<hbm>>
          tpu.enqueue_dma source(%dma_start3A_301 : memref<128xi32, #tpu.memory_space<hbm>>) target(%arg13 : memref<128xi32, #tpu.memory_space<vmem>>) target_semaphore(%arg19 : memref<!tpu.dma_semaphore, #tpu.memory_space<semaphore_mem>>)
        } else {
        }
        %add3A_272 = arith.constant 2 : i32
        %add3A_273 = arith.addi %add3A_257, %add3A_272 : i32
        %lt3A_274 = arith.constant 160 : i32
        %lt3A_275 = arith.cmpi slt, %add3A_273, %lt3A_274 : i32
        %convert_element_type3A_276 = arith.extui %lt3A_275 : i1 to i32
        %cond3A_277 = arith.constant 0 : i32
        %cond3A_278 = arith.cmpi ne, %convert_element_type3A_276, %cond3A_277 : i32
        scf.if %cond3A_278 {
          %dma_wait3A_279 = arith.constant 1 : i32
          %dma_wait3A_280 = arith.constant 0 : i32
          %dma_wait3A_281 = tpu.memref_slice %arg9[%dma_wait3A_279, %dma_wait3A_280] : memref<4x128xi32, #tpu.memory_space<vmem>> -> memref<1x128xi32, #tpu.memory_space<vmem>>
          %dma_wait3A_282 = tpu.memref_squeeze %dma_wait3A_281 : memref<1x128xi32, #tpu.memory_space<vmem>> -> memref<128xi32, #tpu.memory_space<vmem>>
          %dma_wait3A_283 = arith.constant 0 : i32
          %dma_wait3A_284 = tpu.memref_slice %arg4[%mul3A_0, %dma_wait3A_283] : memref<2560x128xi32, #tpu.memory_space<hbm>> -> memref<1x128xi32, #tpu.memory_space<hbm>>
          %dma_wait3A_285 = tpu.memref_squeeze %dma_wait3A_284 : memref<1x128xi32, #tpu.memory_space<hbm>> -> memref<128xi32, #tpu.memory_space<hbm>>
          %dma_wait3A_286 = arith.constant 0 : i32
          %dma_wait3A_287 = tpu.memref_slice %arg9[%dma_wait3A_279, %dma_wait3A_286] : memref<4x128xi32, #tpu.memory_space<vmem>> -> memref<1x128xi32, #tpu.memory_space<vmem>>
          %dma_wait3A_288 = tpu.memref_squeeze %dma_wait3A_287 : memref<1x128xi32, #tpu.memory_space<vmem>> -> memref<128xi32, #tpu.memory_space<vmem>>
          %dma_wait3A_289 = arith.constant 0 : i32
          %dma_wait3A_290 = tpu.memref_slice %arg4[%mul3A_0, %dma_wait3A_289] : memref<2560x128xi32, #tpu.memory_space<hbm>> -> memref<1x128xi32, #tpu.memory_space<hbm>>
          %dma_wait3A_291 = tpu.memref_squeeze %dma_wait3A_290 : memref<1x128xi32, #tpu.memory_space<hbm>> -> memref<128xi32, #tpu.memory_space<hbm>>
          tpu.wait_dma2 semaphore(%arg17 : memref<!tpu.dma_semaphore, #tpu.memory_space<semaphore_mem>>) src(%dma_wait3A_291 : memref<128xi32, #tpu.memory_space<hbm>>) dst(%dma_wait3A_288 : memref<128xi32, #tpu.memory_space<vmem>>)
          %dma_wait3A_292 = arith.constant 0 : i32
          %dma_wait3A_293 = tpu.memref_slice %arg5[%mul3A_0, %dma_wait3A_292] : memref<2560x128xi32, #tpu.memory_space<hbm>> -> memref<1x128xi32, #tpu.memory_space<hbm>>
          %dma_wait3A_294 = tpu.memref_squeeze %dma_wait3A_293 : memref<1x128xi32, #tpu.memory_space<hbm>> -> memref<128xi32, #tpu.memory_space<hbm>>
          %dma_wait3A_295 = arith.constant 0 : i32
          %dma_wait3A_296 = tpu.memref_slice %arg5[%mul3A_0, %dma_wait3A_295] : memref<2560x128xi32, #tpu.memory_space<hbm>> -> memref<1x128xi32, #tpu.memory_space<hbm>>
          %dma_wait3A_297 = tpu.memref_squeeze %dma_wait3A_296 : memref<1x128xi32, #tpu.memory_space<hbm>> -> memref<128xi32, #tpu.memory_space<hbm>>
          tpu.wait_dma2 semaphore(%arg17 : memref<!tpu.dma_semaphore, #tpu.memory_space<semaphore_mem>>) src(%dma_wait3A_297 : memref<128xi32, #tpu.memory_space<hbm>>) dst(%arg11 : memref<128xi32, #tpu.memory_space<vmem>>)
          %dma_start3A_298 = arith.constant 1 : i32
          %dma_start3A_299 = arith.constant 0 : i32
          %dma_start3A_300 = tpu.memref_slice %arg9[%dma_start3A_298, %dma_start3A_299] : memref<4x128xi32, #tpu.memory_space<vmem>> -> memref<1x128xi32, #tpu.memory_space<vmem>>
          %dma_start3A_301 = tpu.memref_squeeze %dma_start3A_300 : memref<1x128xi32, #tpu.memory_space<vmem>> -> memref<128xi32, #tpu.memory_space<vmem>>
          %dma_start3A_302 = arith.constant 0 : i32
          %dma_start3A_303 = arith.constant 0 : i32
          %dma_start3A_304 = tpu.memref_slice %arg2[%dma_start3A_302, %dma_start3A_303] : memref<10000x128xf32, #tpu.memory_space<hbm>> -> memref<10000x128xf32, #tpu.memory_space<hbm>>
          tpu.enqueue_indirect_dma source(%dma_start3A_304 : memref<10000x128xf32, #tpu.memory_space<hbm>>) target(%arg15 : memref<128x128xf32, #tpu.memory_space<vmem>>) offsets(%dma_start3A_301 : memref<128xi32, #tpu.memory_space<vmem>>) semaphore(%arg21 : memref<!tpu.dma_semaphore, #tpu.memory_space<semaphore_mem>>)
        } else {
        }
      }
      %scan3A_173 = arith.constant 40 : i32
      %barrier3A_174 = arith.constant 0 : index
      tpu.barrier barrier_id(%barrier3A_174)
      %mul3A_175 = arith.constant 640 : i32
      %mul3A_176 = arith.muli %arg1, %mul3A_175 : i32
      %mul3A_177 = arith.constant 640 : i32
      %mul3A_178 = arith.muli %arg1, %mul3A_177 : i32
      "tpu.region"() ({
        %run_scoped3A = tpu.sem_alloc : memref<!tpu.dma_semaphore, #tpu.memory_space<semaphore_mem>>
        %dma_start3A_179 = arith.constant 0 : i32
        %dma_start3A_180 = tpu.memref_slice %arg7[%mul3A_178, %dma_start3A_179] : memref<10240x128xf32, #tpu.memory_space<hbm>> -> memref<640x128xf32, #tpu.memory_space<hbm>>
        %dma_start3A_181 = arith.constant 0 : i32
        %dma_start3A_182 = tpu.memref_slice %arg22[%mul3A_176, %dma_start3A_181] : memref<10240x128xf32, #tpu.memory_space<vmem_shared>> -> memref<640x128xf32, #tpu.memory_space<vmem_shared>>
        tpu.enqueue_dma source(%dma_start3A_182 : memref<640x128xf32, #tpu.memory_space<vmem_shared>>) target(%dma_start3A_180 : memref<640x128xf32, #tpu.memory_space<hbm>>) target_semaphore(%run_scoped3A : memref<!tpu.dma_semaphore, #tpu.memory_space<semaphore_mem>>)
        %dma_wait3A_183 = arith.constant 0 : i32
        %dma_wait3A_184 = tpu.memref_slice %arg7[%mul3A_178, %dma_wait3A_183] : memref<10240x128xf32, #tpu.memory_space<hbm>> -> memref<640x128xf32, #tpu.memory_space<hbm>>
        %dma_wait3A_185 = arith.constant 0 : i32
        %dma_wait3A_186 = tpu.memref_slice %arg22[%mul3A_176, %dma_wait3A_185] : memref<10240x128xf32, #tpu.memory_space<vmem_shared>> -> memref<640x128xf32, #tpu.memory_space<vmem_shared>>
        tpu.wait_dma2 semaphore(%run_scoped3A : memref<!tpu.dma_semaphore, #tpu.memory_space<semaphore_mem>>) src(%dma_wait3A_186 : memref<640x128xf32, #tpu.memory_space<vmem_shared>>) dst(%dma_wait3A_184 : memref<640x128xf32, #tpu.memory_space<hbm>>)
        tpu.yield
      }) : () -> ()
    } else {
    }
    %eq3A_22 = arith.constant 1 : i32
    %eq3A_23 = arith.cmpi eq, %arg0, %eq3A_22 : i32
    %convert_element_type3A_24 = arith.extui %eq3A_23 : i1 to i32
    %cond3A_25 = arith.constant 0 : i32
    %cond3A_26 = arith.cmpi ne, %convert_element_type3A_24, %cond3A_25 : i32
    scf.if %cond3A_26 {
      %add3A_27 = arith.constant 0 : i32
      %add3A_28 = arith.addi %mul3A_0, %add3A_27 : i32
      %dma_start3A = arith.constant 0 : i32
      %dma_start3A_29 = arith.constant 0 : i32
      %dma_start3A_30 = tpu.memref_slice %arg9[%dma_start3A, %dma_start3A_29] : memref<4x128xi32, #tpu.memory_space<vmem>> -> memref<1x128xi32, #tpu.memory_space<vmem>>
      %dma_start3A_31 = tpu.memref_squeeze %dma_start3A_30 : memref<1x128xi32, #tpu.memory_space<vmem>> -> memref<128xi32, #tpu.memory_space<vmem>>
      %dma_start3A_32 = arith.constant 0 : i32
      %dma_start3A_33 = tpu.memref_slice %arg4[%add3A_28, %dma_start3A_32] : memref<2560x128xi32, #tpu.memory_space<hbm>> -> memref<1x128xi32, #tpu.memory_space<hbm>>
      %dma_start3A_34 = tpu.memref_squeeze %dma_start3A_33 : memref<1x128xi32, #tpu.memory_space<hbm>> -> memref<128xi32, #tpu.memory_space<hbm>>
      %dma_start3A_35 = arith.constant 0 : i32
      %dma_start3A_36 = tpu.memref_slice %arg9[%dma_start3A, %dma_start3A_35] : memref<4x128xi32, #tpu.memory_space<vmem>> -> memref<1x128xi32, #tpu.memory_space<vmem>>
      %dma_start3A_37 = tpu.memref_squeeze %dma_start3A_36 : memref<1x128xi32, #tpu.memory_space<vmem>> -> memref<128xi32, #tpu.memory_space<vmem>>
      %dma_start3A_38 = arith.constant 0 : i32
      %dma_start3A_39 = tpu.memref_slice %arg4[%add3A_28, %dma_start3A_38] : memref<2560x128xi32, #tpu.memory_space<hbm>> -> memref<1x128xi32, #tpu.memory_space<hbm>>
      %dma_start3A_40 = tpu.memref_squeeze %dma_start3A_39 : memref<1x128xi32, #tpu.memory_space<hbm>> -> memref<128xi32, #tpu.memory_space<hbm>>
      tpu.enqueue_dma source(%dma_start3A_40 : memref<128xi32, #tpu.memory_space<hbm>>) target(%dma_start3A_37 : memref<128xi32, #tpu.memory_space<vmem>>) target_semaphore(%arg16 : memref<!tpu.dma_semaphore, #tpu.memory_space<semaphore_mem>>)
      %add3A_41 = arith.constant 0 : i32
      %add3A_42 = arith.addi %mul3A_0, %add3A_41 : i32
      %dma_start3A_43 = arith.constant 0 : i32
      %dma_start3A_44 = tpu.memref_slice %arg5[%add3A_42, %dma_start3A_43] : memref<2560x128xi32, #tpu.memory_space<hbm>> -> memref<1x128xi32, #tpu.memory_space<hbm>>
      %dma_start3A_45 = tpu.memref_squeeze %dma_start3A_44 : memref<1x128xi32, #tpu.memory_space<hbm>> -> memref<128xi32, #tpu.memory_space<hbm>>
      %dma_start3A_46 = arith.constant 0 : i32
      %dma_start3A_47 = tpu.memref_slice %arg5[%add3A_42, %dma_start3A_46] : memref<2560x128xi32, #tpu.memory_space<hbm>> -> memref<1x128xi32, #tpu.memory_space<hbm>>
      %dma_start3A_48 = tpu.memref_squeeze %dma_start3A_47 : memref<1x128xi32, #tpu.memory_space<hbm>> -> memref<128xi32, #tpu.memory_space<hbm>>
      tpu.enqueue_dma source(%dma_start3A_48 : memref<128xi32, #tpu.memory_space<hbm>>) target(%arg10 : memref<128xi32, #tpu.memory_space<vmem>>) target_semaphore(%arg16 : memref<!tpu.dma_semaphore, #tpu.memory_space<semaphore_mem>>)
      %add3A_49 = arith.constant 1 : i32
      %add3A_50 = arith.addi %mul3A_0, %add3A_49 : i32
      %dma_start3A_51 = arith.constant 1 : i32
      %dma_start3A_52 = arith.constant 0 : i32
      %dma_start3A_53 = tpu.memref_slice %arg9[%dma_start3A_51, %dma_start3A_52] : memref<4x128xi32, #tpu.memory_space<vmem>> -> memref<1x128xi32, #tpu.memory_space<vmem>>
      %dma_start3A_54 = tpu.memref_squeeze %dma_start3A_53 : memref<1x128xi32, #tpu.memory_space<vmem>> -> memref<128xi32, #tpu.memory_space<vmem>>
      %dma_start3A_55 = arith.constant 0 : i32
      %dma_start3A_56 = tpu.memref_slice %arg4[%add3A_50, %dma_start3A_55] : memref<2560x128xi32, #tpu.memory_space<hbm>> -> memref<1x128xi32, #tpu.memory_space<hbm>>
      %dma_start3A_57 = tpu.memref_squeeze %dma_start3A_56 : memref<1x128xi32, #tpu.memory_space<hbm>> -> memref<128xi32, #tpu.memory_space<hbm>>
      %dma_start3A_58 = arith.constant 0 : i32
      %dma_start3A_59 = tpu.memref_slice %arg9[%dma_start3A_51, %dma_start3A_58] : memref<4x128xi32, #tpu.memory_space<vmem>> -> memref<1x128xi32, #tpu.memory_space<vmem>>
      %dma_start3A_60 = tpu.memref_squeeze %dma_start3A_59 : memref<1x128xi32, #tpu.memory_space<vmem>> -> memref<128xi32, #tpu.memory_space<vmem>>
      %dma_start3A_61 = arith.constant 0 : i32
      %dma_start3A_62 = tpu.memref_slice %arg4[%add3A_50, %dma_start3A_61] : memref<2560x128xi32, #tpu.memory_space<hbm>> -> memref<1x128xi32, #tpu.memory_space<hbm>>
      %dma_start3A_63 = tpu.memref_squeeze %dma_start3A_62 : memref<1x128xi32, #tpu.memory_space<hbm>> -> memref<128xi32, #tpu.memory_space<hbm>>
      tpu.enqueue_dma source(%dma_start3A_63 : memref<128xi32, #tpu.memory_space<hbm>>) target(%dma_start3A_60 : memref<128xi32, #tpu.memory_space<vmem>>) target_semaphore(%arg17 : memref<!tpu.dma_semaphore, #tpu.memory_space<semaphore_mem>>)
      %add3A_64 = arith.constant 1 : i32
      %add3A_65 = arith.addi %mul3A_0, %add3A_64 : i32
      %dma_start3A_66 = arith.constant 0 : i32
      %dma_start3A_67 = tpu.memref_slice %arg5[%add3A_65, %dma_start3A_66] : memref<2560x128xi32, #tpu.memory_space<hbm>> -> memref<1x128xi32, #tpu.memory_space<hbm>>
      %dma_start3A_68 = tpu.memref_squeeze %dma_start3A_67 : memref<1x128xi32, #tpu.memory_space<hbm>> -> memref<128xi32, #tpu.memory_space<hbm>>
      %dma_start3A_69 = arith.constant 0 : i32
      %dma_start3A_70 = tpu.memref_slice %arg5[%add3A_65, %dma_start3A_69] : memref<2560x128xi32, #tpu.memory_space<hbm>> -> memref<1x128xi32, #tpu.memory_space<hbm>>
      %dma_start3A_71 = tpu.memref_squeeze %dma_start3A_70 : memref<1x128xi32, #tpu.memory_space<hbm>> -> memref<128xi32, #tpu.memory_space<hbm>>
      tpu.enqueue_dma source(%dma_start3A_71 : memref<128xi32, #tpu.memory_space<hbm>>) target(%arg11 : memref<128xi32, #tpu.memory_space<vmem>>) target_semaphore(%arg17 : memref<!tpu.dma_semaphore, #tpu.memory_space<semaphore_mem>>)
      %add3A_72 = arith.constant 2 : i32
      %add3A_73 = arith.addi %mul3A_0, %add3A_72 : i32
      %dma_start3A_74 = arith.constant 2 : i32
      %dma_start3A_75 = arith.constant 0 : i32
      %dma_start3A_76 = tpu.memref_slice %arg9[%dma_start3A_74, %dma_start3A_75] : memref<4x128xi32, #tpu.memory_space<vmem>> -> memref<1x128xi32, #tpu.memory_space<vmem>>
      %dma_start3A_77 = tpu.memref_squeeze %dma_start3A_76 : memref<1x128xi32, #tpu.memory_space<vmem>> -> memref<128xi32, #tpu.memory_space<vmem>>
      %dma_start3A_78 = arith.constant 0 : i32
      %dma_start3A_79 = tpu.memref_slice %arg4[%add3A_73, %dma_start3A_78] : memref<2560x128xi32, #tpu.memory_space<hbm>> -> memref<1x128xi32, #tpu.memory_space<hbm>>
      %dma_start3A_80 = tpu.memref_squeeze %dma_start3A_79 : memref<1x128xi32, #tpu.memory_space<hbm>> -> memref<128xi32, #tpu.memory_space<hbm>>
      %dma_start3A_81 = arith.constant 0 : i32
      %dma_start3A_82 = tpu.memref_slice %arg9[%dma_start3A_74, %dma_start3A_81] : memref<4x128xi32, #tpu.memory_space<vmem>> -> memref<1x128xi32, #tpu.memory_space<vmem>>
      %dma_start3A_83 = tpu.memref_squeeze %dma_start3A_82 : memref<1x128xi32, #tpu.memory_space<vmem>> -> memref<128xi32, #tpu.memory_space<vmem>>
      %dma_start3A_84 = arith.constant 0 : i32
      %dma_start3A_85 = tpu.memref_slice %arg4[%add3A_73, %dma_start3A_84] : memref<2560x128xi32, #tpu.memory_space<hbm>> -> memref<1x128xi32, #tpu.memory_space<hbm>>
      %dma_start3A_86 = tpu.memref_squeeze %dma_start3A_85 : memref<1x128xi32, #tpu.memory_space<hbm>> -> memref<128xi32, #tpu.memory_space<hbm>>
      tpu.enqueue_dma source(%dma_start3A_86 : memref<128xi32, #tpu.memory_space<hbm>>) target(%dma_start3A_83 : memref<128xi32, #tpu.memory_space<vmem>>) target_semaphore(%arg18 : memref<!tpu.dma_semaphore, #tpu.memory_space<semaphore_mem>>)
      %add3A_87 = arith.constant 2 : i32
      %add3A_88 = arith.addi %mul3A_0, %add3A_87 : i32
      %dma_start3A_89 = arith.constant 0 : i32
      %dma_start3A_90 = tpu.memref_slice %arg5[%add3A_88, %dma_start3A_89] : memref<2560x128xi32, #tpu.memory_space<hbm>> -> memref<1x128xi32, #tpu.memory_space<hbm>>
      %dma_start3A_91 = tpu.memref_squeeze %dma_start3A_90 : memref<1x128xi32, #tpu.memory_space<hbm>> -> memref<128xi32, #tpu.memory_space<hbm>>
      %dma_start3A_92 = arith.constant 0 : i32
      %dma_start3A_93 = tpu.memref_slice %arg5[%add3A_88, %dma_start3A_92] : memref<2560x128xi32, #tpu.memory_space<hbm>> -> memref<1x128xi32, #tpu.memory_space<hbm>>
      %dma_start3A_94 = tpu.memref_squeeze %dma_start3A_93 : memref<1x128xi32, #tpu.memory_space<hbm>> -> memref<128xi32, #tpu.memory_space<hbm>>
      tpu.enqueue_dma source(%dma_start3A_94 : memref<128xi32, #tpu.memory_space<hbm>>) target(%arg12 : memref<128xi32, #tpu.memory_space<vmem>>) target_semaphore(%arg18 : memref<!tpu.dma_semaphore, #tpu.memory_space<semaphore_mem>>)
      %add3A_95 = arith.constant 3 : i32
      %add3A_96 = arith.addi %mul3A_0, %add3A_95 : i32
      %dma_start3A_97 = arith.constant 3 : i32
      %dma_start3A_98 = arith.constant 0 : i32
      %dma_start3A_99 = tpu.memref_slice %arg9[%dma_start3A_97, %dma_start3A_98] : memref<4x128xi32, #tpu.memory_space<vmem>> -> memref<1x128xi32, #tpu.memory_space<vmem>>
      %dma_start3A_100 = tpu.memref_squeeze %dma_start3A_99 : memref<1x128xi32, #tpu.memory_space<vmem>> -> memref<128xi32, #tpu.memory_space<vmem>>
      %dma_start3A_101 = arith.constant 0 : i32
      %dma_start3A_102 = tpu.memref_slice %arg4[%add3A_96, %dma_start3A_101] : memref<2560x128xi32, #tpu.memory_space<hbm>> -> memref<1x128xi32, #tpu.memory_space<hbm>>
      %dma_start3A_103 = tpu.memref_squeeze %dma_start3A_102 : memref<1x128xi32, #tpu.memory_space<hbm>> -> memref<128xi32, #tpu.memory_space<hbm>>
      %dma_start3A_104 = arith.constant 0 : i32
      %dma_start3A_105 = tpu.memref_slice %arg9[%dma_start3A_97, %dma_start3A_104] : memref<4x128xi32, #tpu.memory_space<vmem>> -> memref<1x128xi32, #tpu.memory_space<vmem>>
      %dma_start3A_106 = tpu.memref_squeeze %dma_start3A_105 : memref<1x128xi32, #tpu.memory_space<vmem>> -> memref<128xi32, #tpu.memory_space<vmem>>
      %dma_start3A_107 = arith.constant 0 : i32
      %dma_start3A_108 = tpu.memref_slice %arg4[%add3A_96, %dma_start3A_107] : memref<2560x128xi32, #tpu.memory_space<hbm>> -> memref<1x128xi32, #tpu.memory_space<hbm>>
      %dma_start3A_109 = tpu.memref_squeeze %dma_start3A_108 : memref<1x128xi32, #tpu.memory_space<hbm>> -> memref<128xi32, #tpu.memory_space<hbm>>
      tpu.enqueue_dma source(%dma_start3A_109 : memref<128xi32, #tpu.memory_space<hbm>>) target(%dma_start3A_106 : memref<128xi32, #tpu.memory_space<vmem>>) target_semaphore(%arg19 : memref<!tpu.dma_semaphore, #tpu.memory_space<semaphore_mem>>)
      %add3A_110 = arith.constant 3 : i32
      %add3A_111 = arith.addi %mul3A_0, %add3A_110 : i32
      %dma_start3A_112 = arith.constant 0 : i32
      %dma_start3A_113 = tpu.memref_slice %arg5[%add3A_111, %dma_start3A_112] : memref<2560x128xi32, #tpu.memory_space<hbm>> -> memref<1x128xi32, #tpu.memory_space<hbm>>
      %dma_start3A_114 = tpu.memref_squeeze %dma_start3A_113 : memref<1x128xi32, #tpu.memory_space<hbm>> -> memref<128xi32, #tpu.memory_space<hbm>>
      %dma_start3A_115 = arith.constant 0 : i32
      %dma_start3A_116 = tpu.memref_slice %arg5[%add3A_111, %dma_start3A_115] : memref<2560x128xi32, #tpu.memory_space<hbm>> -> memref<1x128xi32, #tpu.memory_space<hbm>>
      %dma_start3A_117 = tpu.memref_squeeze %dma_start3A_116 : memref<1x128xi32, #tpu.memory_space<hbm>> -> memref<128xi32, #tpu.memory_space<hbm>>
      tpu.enqueue_dma source(%dma_start3A_117 : memref<128xi32, #tpu.memory_space<hbm>>) target(%arg13 : memref<128xi32, #tpu.memory_space<vmem>>) target_semaphore(%arg19 : memref<!tpu.dma_semaphore, #tpu.memory_space<semaphore_mem>>)
      %dma_wait3A = arith.constant 0 : i32
      %dma_wait3A_118 = arith.constant 0 : i32
      %dma_wait3A_119 = tpu.memref_slice %arg9[%dma_wait3A, %dma_wait3A_118] : memref<4x128xi32, #tpu.memory_space<vmem>> -> memref<1x128xi32, #tpu.memory_space<vmem>>
      %dma_wait3A_120 = tpu.memref_squeeze %dma_wait3A_119 : memref<1x128xi32, #tpu.memory_space<vmem>> -> memref<128xi32, #tpu.memory_space<vmem>>
      %dma_wait3A_121 = arith.constant 0 : i32
      %dma_wait3A_122 = tpu.memref_slice %arg4[%mul3A_0, %dma_wait3A_121] : memref<2560x128xi32, #tpu.memory_space<hbm>> -> memref<1x128xi32, #tpu.memory_space<hbm>>
      %dma_wait3A_123 = tpu.memref_squeeze %dma_wait3A_122 : memref<1x128xi32, #tpu.memory_space<hbm>> -> memref<128xi32, #tpu.memory_space<hbm>>
      %dma_wait3A_124 = arith.constant 0 : i32
      %dma_wait3A_125 = tpu.memref_slice %arg9[%dma_wait3A, %dma_wait3A_124] : memref<4x128xi32, #tpu.memory_space<vmem>> -> memref<1x128xi32, #tpu.memory_space<vmem>>
      %dma_wait3A_126 = tpu.memref_squeeze %dma_wait3A_125 : memref<1x128xi32, #tpu.memory_space<vmem>> -> memref<128xi32, #tpu.memory_space<vmem>>
      %dma_wait3A_127 = arith.constant 0 : i32
      %dma_wait3A_128 = tpu.memref_slice %arg4[%mul3A_0, %dma_wait3A_127] : memref<2560x128xi32, #tpu.memory_space<hbm>> -> memref<1x128xi32, #tpu.memory_space<hbm>>
      %dma_wait3A_129 = tpu.memref_squeeze %dma_wait3A_128 : memref<1x128xi32, #tpu.memory_space<hbm>> -> memref<128xi32, #tpu.memory_space<hbm>>
      tpu.wait_dma2 semaphore(%arg16 : memref<!tpu.dma_semaphore, #tpu.memory_space<semaphore_mem>>) src(%dma_wait3A_129 : memref<128xi32, #tpu.memory_space<hbm>>) dst(%dma_wait3A_126 : memref<128xi32, #tpu.memory_space<vmem>>)
      %dma_wait3A_130 = arith.constant 0 : i32
      %dma_wait3A_131 = tpu.memref_slice %arg5[%mul3A_0, %dma_wait3A_130] : memref<2560x128xi32, #tpu.memory_space<hbm>> -> memref<1x128xi32, #tpu.memory_space<hbm>>
      %dma_wait3A_132 = tpu.memref_squeeze %dma_wait3A_131 : memref<1x128xi32, #tpu.memory_space<hbm>> -> memref<128xi32, #tpu.memory_space<hbm>>
      %dma_wait3A_133 = arith.constant 0 : i32
      %dma_wait3A_134 = tpu.memref_slice %arg5[%mul3A_0, %dma_wait3A_133] : memref<2560x128xi32, #tpu.memory_space<hbm>> -> memref<1x128xi32, #tpu.memory_space<hbm>>
      %dma_wait3A_135 = tpu.memref_squeeze %dma_wait3A_134 : memref<1x128xi32, #tpu.memory_space<hbm>> -> memref<128xi32, #tpu.memory_space<hbm>>
      tpu.wait_dma2 semaphore(%arg16 : memref<!tpu.dma_semaphore, #tpu.memory_space<semaphore_mem>>) src(%dma_wait3A_135 : memref<128xi32, #tpu.memory_space<hbm>>) dst(%arg10 : memref<128xi32, #tpu.memory_space<vmem>>)
      %dma_start3A_136 = arith.constant 0 : i32
      %dma_start3A_137 = arith.constant 0 : i32
      %dma_start3A_138 = tpu.memref_slice %arg9[%dma_start3A_136, %dma_start3A_137] : memref<4x128xi32, #tpu.memory_space<vmem>> -> memref<1x128xi32, #tpu.memory_space<vmem>>
      %dma_start3A_139 = tpu.memref_squeeze %dma_start3A_138 : memref<1x128xi32, #tpu.memory_space<vmem>> -> memref<128xi32, #tpu.memory_space<vmem>>
      %dma_start3A_140 = arith.constant 0 : i32
      %dma_start3A_141 = arith.constant 0 : i32
      %dma_start3A_142 = tpu.memref_slice %arg3[%dma_start3A_140, %dma_start3A_141] : memref<10000x128xf32, #tpu.memory_space<hbm>> -> memref<10000x128xf32, #tpu.memory_space<hbm>>
      tpu.enqueue_indirect_dma source(%dma_start3A_142 : memref<10000x128xf32, #tpu.memory_space<hbm>>) target(%arg14 : memref<128x128xf32, #tpu.memory_space<vmem>>) offsets(%dma_start3A_139 : memref<128xi32, #tpu.memory_space<vmem>>) semaphore(%arg20 : memref<!tpu.dma_semaphore, #tpu.memory_space<semaphore_mem>>)
      %dma_wait3A_143 = arith.constant 1 : i32
      %dma_wait3A_144 = arith.constant 0 : i32
      %dma_wait3A_145 = tpu.memref_slice %arg9[%dma_wait3A_143, %dma_wait3A_144] : memref<4x128xi32, #tpu.memory_space<vmem>> -> memref<1x128xi32, #tpu.memory_space<vmem>>
      %dma_wait3A_146 = tpu.memref_squeeze %dma_wait3A_145 : memref<1x128xi32, #tpu.memory_space<vmem>> -> memref<128xi32, #tpu.memory_space<vmem>>
      %dma_wait3A_147 = arith.constant 0 : i32
      %dma_wait3A_148 = tpu.memref_slice %arg4[%mul3A_0, %dma_wait3A_147] : memref<2560x128xi32, #tpu.memory_space<hbm>> -> memref<1x128xi32, #tpu.memory_space<hbm>>
      %dma_wait3A_149 = tpu.memref_squeeze %dma_wait3A_148 : memref<1x128xi32, #tpu.memory_space<hbm>> -> memref<128xi32, #tpu.memory_space<hbm>>
      %dma_wait3A_150 = arith.constant 0 : i32
      %dma_wait3A_151 = tpu.memref_slice %arg9[%dma_wait3A_143, %dma_wait3A_150] : memref<4x128xi32, #tpu.memory_space<vmem>> -> memref<1x128xi32, #tpu.memory_space<vmem>>
      %dma_wait3A_152 = tpu.memref_squeeze %dma_wait3A_151 : memref<1x128xi32, #tpu.memory_space<vmem>> -> memref<128xi32, #tpu.memory_space<vmem>>
      %dma_wait3A_153 = arith.constant 0 : i32
      %dma_wait3A_154 = tpu.memref_slice %arg4[%mul3A_0, %dma_wait3A_153] : memref<2560x128xi32, #tpu.memory_space<hbm>> -> memref<1x128xi32, #tpu.memory_space<hbm>>
      %dma_wait3A_155 = tpu.memref_squeeze %dma_wait3A_154 : memref<1x128xi32, #tpu.memory_space<hbm>> -> memref<128xi32, #tpu.memory_space<hbm>>
      tpu.wait_dma2 semaphore(%arg17 : memref<!tpu.dma_semaphore, #tpu.memory_space<semaphore_mem>>) src(%dma_wait3A_155 : memref<128xi32, #tpu.memory_space<hbm>>) dst(%dma_wait3A_152 : memref<128xi32, #tpu.memory_space<vmem>>)
      %dma_wait3A_156 = arith.constant 0 : i32
      %dma_wait3A_157 = tpu.memref_slice %arg5[%mul3A_0, %dma_wait3A_156] : memref<2560x128xi32, #tpu.memory_space<hbm>> -> memref<1x128xi32, #tpu.memory_space<hbm>>
      %dma_wait3A_158 = tpu.memref_squeeze %dma_wait3A_157 : memref<1x128xi32, #tpu.memory_space<hbm>> -> memref<128xi32, #tpu.memory_space<hbm>>
      %dma_wait3A_159 = arith.constant 0 : i32
      %dma_wait3A_160 = tpu.memref_slice %arg5[%mul3A_0, %dma_wait3A_159] : memref<2560x128xi32, #tpu.memory_space<hbm>> -> memref<1x128xi32, #tpu.memory_space<hbm>>
      %dma_wait3A_161 = tpu.memref_squeeze %dma_wait3A_160 : memref<1x128xi32, #tpu.memory_space<hbm>> -> memref<128xi32, #tpu.memory_space<hbm>>
      tpu.wait_dma2 semaphore(%arg17 : memref<!tpu.dma_semaphore, #tpu.memory_space<semaphore_mem>>) src(%dma_wait3A_161 : memref<128xi32, #tpu.memory_space<hbm>>) dst(%arg11 : memref<128xi32, #tpu.memory_space<vmem>>)
      %dma_start3A_162 = arith.constant 1 : i32
      %dma_start3A_163 = arith.constant 0 : i32
      %dma_start3A_164 = tpu.memref_slice %arg9[%dma_start3A_162, %dma_start3A_163] : memref<4x128xi32, #tpu.memory_space<vmem>> -> memref<1x128xi32, #tpu.memory_space<vmem>>
      %dma_start3A_165 = tpu.memref_squeeze %dma_start3A_164 : memref<1x128xi32, #tpu.memory_space<vmem>> -> memref<128xi32, #tpu.memory_space<vmem>>
      %dma_start3A_166 = arith.constant 0 : i32
      %dma_start3A_167 = arith.constant 0 : i32
      %dma_start3A_168 = tpu.memref_slice %arg3[%dma_start3A_166, %dma_start3A_167] : memref<10000x128xf32, #tpu.memory_space<hbm>> -> memref<10000x128xf32, #tpu.memory_space<hbm>>
      tpu.enqueue_indirect_dma source(%dma_start3A_168 : memref<10000x128xf32, #tpu.memory_space<hbm>>) target(%arg15 : memref<128x128xf32, #tpu.memory_space<vmem>>) offsets(%dma_start3A_165 : memref<128xi32, #tpu.memory_space<vmem>>) semaphore(%arg21 : memref<!tpu.dma_semaphore, #tpu.memory_space<semaphore_mem>>)
      %barrier3A = arith.constant 0 : index
      tpu.barrier barrier_id(%barrier3A)
      %scan3A = arith.constant 0 : i32
      %scan3A_169 = arith.constant 0 : i32
      %scan3A_170 = arith.constant 40 : i32
      %scan3A_171 = arith.addi %scan3A_169, %scan3A_170 : i32
      %scan3A_172 = arith.constant 1 : i32
      scf.for %scan3A_179 = %scan3A_169 to %scan3A_171 step %scan3A_172  : i32 {
        %mul3A_180 = arith.constant 4 : i32
        %mul3A_181 = arith.muli %mul3A_180, %scan3A_179 : i32
        %add3A_182 = arith.constant 0 : i32
        %add3A_183 = arith.addi %mul3A_181, %add3A_182 : i32
        %dma_wait3A_184 = arith.constant 0 : i32
        %dma_wait3A_185 = arith.constant 0 : i32
        %dma_wait3A_186 = tpu.memref_slice %arg9[%dma_wait3A_184, %dma_wait3A_185] : memref<4x128xi32, #tpu.memory_space<vmem>> -> memref<1x128xi32, #tpu.memory_space<vmem>>
        %dma_wait3A_187 = tpu.memref_squeeze %dma_wait3A_186 : memref<1x128xi32, #tpu.memory_space<vmem>> -> memref<128xi32, #tpu.memory_space<vmem>>
        %dma_wait3A_188 = arith.constant 0 : i32
        %dma_wait3A_189 = arith.constant 0 : i32
        %dma_wait3A_190 = tpu.memref_slice %arg3[%dma_wait3A_188, %dma_wait3A_189] : memref<10000x128xf32, #tpu.memory_space<hbm>> -> memref<10000x128xf32, #tpu.memory_space<hbm>>
        tpu.wait_indirect_dma semaphore(%arg20 : memref<!tpu.dma_semaphore, #tpu.memory_space<semaphore_mem>>) src(%dma_wait3A_190 : memref<10000x128xf32, #tpu.memory_space<hbm>>) dst(%arg14 : memref<128x128xf32, #tpu.memory_space<vmem>>)
        "tpu.region"() ({
          %run_scoped3A = tpu.sem_alloc : memref<!tpu.dma_semaphore, #tpu.memory_space<semaphore_mem>>
          %dma_start3A_279 = arith.constant 0 : i32
          %dma_start3A_280 = arith.constant 0 : i32
          %dma_start3A_281 = tpu.memref_slice %arg22[%dma_start3A_279, %dma_start3A_280] : memref<10240x128xf32, #tpu.memory_space<vmem_shared>> -> memref<10240x128xf32, #tpu.memory_space<vmem_shared>>
          tpu.enqueue_indirect_dma source(%arg14 : memref<128x128xf32, #tpu.memory_space<vmem>>) target(%dma_start3A_281 : memref<10240x128xf32, #tpu.memory_space<vmem_shared>>) offsets(%arg10 : memref<128xi32, #tpu.memory_space<vmem>>) semaphore(%run_scoped3A : memref<!tpu.dma_semaphore, #tpu.memory_space<semaphore_mem>>) {add = true}
          %dma_wait3A_282 = arith.constant 0 : i32
          %dma_wait3A_283 = arith.constant 0 : i32
          %dma_wait3A_284 = tpu.memref_slice %arg22[%dma_wait3A_282, %dma_wait3A_283] : memref<10240x128xf32, #tpu.memory_space<vmem_shared>> -> memref<10240x128xf32, #tpu.memory_space<vmem_shared>>
          tpu.wait_indirect_dma semaphore(%run_scoped3A : memref<!tpu.dma_semaphore, #tpu.memory_space<semaphore_mem>>) src(%arg14 : memref<128x128xf32, #tpu.memory_space<vmem>>) dst(%dma_wait3A_284 : memref<10240x128xf32, #tpu.memory_space<vmem_shared>>)
          tpu.yield
        }) : () -> ()
        %add3A_191 = arith.constant 4 : i32
        %add3A_192 = arith.addi %add3A_183, %add3A_191 : i32
        %lt3A = arith.constant 160 : i32
        %lt3A_193 = arith.cmpi slt, %add3A_192, %lt3A : i32
        %convert_element_type3A_194 = arith.extui %lt3A_193 : i1 to i32
        %cond3A_195 = arith.constant 0 : i32
        %cond3A_196 = arith.cmpi ne, %convert_element_type3A_194, %cond3A_195 : i32
        scf.if %cond3A_196 {
          %add3A_279 = arith.constant 4 : i32
          %add3A_280 = arith.addi %add3A_183, %add3A_279 : i32
          %add3A_281 = arith.addi %mul3A_0, %add3A_280 : i32
          %dma_start3A_282 = arith.constant 0 : i32
          %dma_start3A_283 = arith.constant 0 : i32
          %dma_start3A_284 = tpu.memref_slice %arg9[%dma_start3A_282, %dma_start3A_283] : memref<4x128xi32, #tpu.memory_space<vmem>> -> memref<1x128xi32, #tpu.memory_space<vmem>>
          %dma_start3A_285 = tpu.memref_squeeze %dma_start3A_284 : memref<1x128xi32, #tpu.memory_space<vmem>> -> memref<128xi32, #tpu.memory_space<vmem>>
          %dma_start3A_286 = arith.constant 0 : i32
          %dma_start3A_287 = tpu.memref_slice %arg4[%add3A_281, %dma_start3A_286] : memref<2560x128xi32, #tpu.memory_space<hbm>> -> memref<1x128xi32, #tpu.memory_space<hbm>>
          %dma_start3A_288 = tpu.memref_squeeze %dma_start3A_287 : memref<1x128xi32, #tpu.memory_space<hbm>> -> memref<128xi32, #tpu.memory_space<hbm>>
          %dma_start3A_289 = arith.constant 0 : i32
          %dma_start3A_290 = tpu.memref_slice %arg9[%dma_start3A_282, %dma_start3A_289] : memref<4x128xi32, #tpu.memory_space<vmem>> -> memref<1x128xi32, #tpu.memory_space<vmem>>
          %dma_start3A_291 = tpu.memref_squeeze %dma_start3A_290 : memref<1x128xi32, #tpu.memory_space<vmem>> -> memref<128xi32, #tpu.memory_space<vmem>>
          %dma_start3A_292 = arith.constant 0 : i32
          %dma_start3A_293 = tpu.memref_slice %arg4[%add3A_281, %dma_start3A_292] : memref<2560x128xi32, #tpu.memory_space<hbm>> -> memref<1x128xi32, #tpu.memory_space<hbm>>
          %dma_start3A_294 = tpu.memref_squeeze %dma_start3A_293 : memref<1x128xi32, #tpu.memory_space<hbm>> -> memref<128xi32, #tpu.memory_space<hbm>>
          tpu.enqueue_dma source(%dma_start3A_294 : memref<128xi32, #tpu.memory_space<hbm>>) target(%dma_start3A_291 : memref<128xi32, #tpu.memory_space<vmem>>) target_semaphore(%arg16 : memref<!tpu.dma_semaphore, #tpu.memory_space<semaphore_mem>>)
          %add3A_295 = arith.addi %mul3A_0, %add3A_280 : i32
          %dma_start3A_296 = arith.constant 0 : i32
          %dma_start3A_297 = tpu.memref_slice %arg5[%add3A_295, %dma_start3A_296] : memref<2560x128xi32, #tpu.memory_space<hbm>> -> memref<1x128xi32, #tpu.memory_space<hbm>>
          %dma_start3A_298 = tpu.memref_squeeze %dma_start3A_297 : memref<1x128xi32, #tpu.memory_space<hbm>> -> memref<128xi32, #tpu.memory_space<hbm>>
          %dma_start3A_299 = arith.constant 0 : i32
          %dma_start3A_300 = tpu.memref_slice %arg5[%add3A_295, %dma_start3A_299] : memref<2560x128xi32, #tpu.memory_space<hbm>> -> memref<1x128xi32, #tpu.memory_space<hbm>>
          %dma_start3A_301 = tpu.memref_squeeze %dma_start3A_300 : memref<1x128xi32, #tpu.memory_space<hbm>> -> memref<128xi32, #tpu.memory_space<hbm>>
          tpu.enqueue_dma source(%dma_start3A_301 : memref<128xi32, #tpu.memory_space<hbm>>) target(%arg10 : memref<128xi32, #tpu.memory_space<vmem>>) target_semaphore(%arg16 : memref<!tpu.dma_semaphore, #tpu.memory_space<semaphore_mem>>)
        } else {
        }
        %add3A_197 = arith.constant 2 : i32
        %add3A_198 = arith.addi %add3A_183, %add3A_197 : i32
        %lt3A_199 = arith.constant 160 : i32
        %lt3A_200 = arith.cmpi slt, %add3A_198, %lt3A_199 : i32
        %convert_element_type3A_201 = arith.extui %lt3A_200 : i1 to i32
        %cond3A_202 = arith.constant 0 : i32
        %cond3A_203 = arith.cmpi ne, %convert_element_type3A_201, %cond3A_202 : i32
        scf.if %cond3A_203 {
          %dma_wait3A_279 = arith.constant 2 : i32
          %dma_wait3A_280 = arith.constant 0 : i32
          %dma_wait3A_281 = tpu.memref_slice %arg9[%dma_wait3A_279, %dma_wait3A_280] : memref<4x128xi32, #tpu.memory_space<vmem>> -> memref<1x128xi32, #tpu.memory_space<vmem>>
          %dma_wait3A_282 = tpu.memref_squeeze %dma_wait3A_281 : memref<1x128xi32, #tpu.memory_space<vmem>> -> memref<128xi32, #tpu.memory_space<vmem>>
          %dma_wait3A_283 = arith.constant 0 : i32
          %dma_wait3A_284 = tpu.memref_slice %arg4[%mul3A_0, %dma_wait3A_283] : memref<2560x128xi32, #tpu.memory_space<hbm>> -> memref<1x128xi32, #tpu.memory_space<hbm>>
          %dma_wait3A_285 = tpu.memref_squeeze %dma_wait3A_284 : memref<1x128xi32, #tpu.memory_space<hbm>> -> memref<128xi32, #tpu.memory_space<hbm>>
          %dma_wait3A_286 = arith.constant 0 : i32
          %dma_wait3A_287 = tpu.memref_slice %arg9[%dma_wait3A_279, %dma_wait3A_286] : memref<4x128xi32, #tpu.memory_space<vmem>> -> memref<1x128xi32, #tpu.memory_space<vmem>>
          %dma_wait3A_288 = tpu.memref_squeeze %dma_wait3A_287 : memref<1x128xi32, #tpu.memory_space<vmem>> -> memref<128xi32, #tpu.memory_space<vmem>>
          %dma_wait3A_289 = arith.constant 0 : i32
          %dma_wait3A_290 = tpu.memref_slice %arg4[%mul3A_0, %dma_wait3A_289] : memref<2560x128xi32, #tpu.memory_space<hbm>> -> memref<1x128xi32, #tpu.memory_space<hbm>>
          %dma_wait3A_291 = tpu.memref_squeeze %dma_wait3A_290 : memref<1x128xi32, #tpu.memory_space<hbm>> -> memref<128xi32, #tpu.memory_space<hbm>>
          tpu.wait_dma2 semaphore(%arg18 : memref<!tpu.dma_semaphore, #tpu.memory_space<semaphore_mem>>) src(%dma_wait3A_291 : memref<128xi32, #tpu.memory_space<hbm>>) dst(%dma_wait3A_288 : memref<128xi32, #tpu.memory_space<vmem>>)
          %dma_wait3A_292 = arith.constant 0 : i32
          %dma_wait3A_293 = tpu.memref_slice %arg5[%mul3A_0, %dma_wait3A_292] : memref<2560x128xi32, #tpu.memory_space<hbm>> -> memref<1x128xi32, #tpu.memory_space<hbm>>
          %dma_wait3A_294 = tpu.memref_squeeze %dma_wait3A_293 : memref<1x128xi32, #tpu.memory_space<hbm>> -> memref<128xi32, #tpu.memory_space<hbm>>
          %dma_wait3A_295 = arith.constant 0 : i32
          %dma_wait3A_296 = tpu.memref_slice %arg5[%mul3A_0, %dma_wait3A_295] : memref<2560x128xi32, #tpu.memory_space<hbm>> -> memref<1x128xi32, #tpu.memory_space<hbm>>
          %dma_wait3A_297 = tpu.memref_squeeze %dma_wait3A_296 : memref<1x128xi32, #tpu.memory_space<hbm>> -> memref<128xi32, #tpu.memory_space<hbm>>
          tpu.wait_dma2 semaphore(%arg18 : memref<!tpu.dma_semaphore, #tpu.memory_space<semaphore_mem>>) src(%dma_wait3A_297 : memref<128xi32, #tpu.memory_space<hbm>>) dst(%arg12 : memref<128xi32, #tpu.memory_space<vmem>>)
          %dma_start3A_298 = arith.constant 2 : i32
          %dma_start3A_299 = arith.constant 0 : i32
          %dma_start3A_300 = tpu.memref_slice %arg9[%dma_start3A_298, %dma_start3A_299] : memref<4x128xi32, #tpu.memory_space<vmem>> -> memref<1x128xi32, #tpu.memory_space<vmem>>
          %dma_start3A_301 = tpu.memref_squeeze %dma_start3A_300 : memref<1x128xi32, #tpu.memory_space<vmem>> -> memref<128xi32, #tpu.memory_space<vmem>>
          %dma_start3A_302 = arith.constant 0 : i32
          %dma_start3A_303 = arith.constant 0 : i32
          %dma_start3A_304 = tpu.memref_slice %arg3[%dma_start3A_302, %dma_start3A_303] : memref<10000x128xf32, #tpu.memory_space<hbm>> -> memref<10000x128xf32, #tpu.memory_space<hbm>>
          tpu.enqueue_indirect_dma source(%dma_start3A_304 : memref<10000x128xf32, #tpu.memory_space<hbm>>) target(%arg14 : memref<128x128xf32, #tpu.memory_space<vmem>>) offsets(%dma_start3A_301 : memref<128xi32, #tpu.memory_space<vmem>>) semaphore(%arg20 : memref<!tpu.dma_semaphore, #tpu.memory_space<semaphore_mem>>)
        } else {
        }
        %mul3A_204 = arith.constant 4 : i32
        %mul3A_205 = arith.muli %mul3A_204, %scan3A_179 : i32
        %add3A_206 = arith.constant 1 : i32
        %add3A_207 = arith.addi %mul3A_205, %add3A_206 : i32
        %dma_wait3A_208 = arith.constant 0 : i32
        %dma_wait3A_209 = arith.constant 0 : i32
        %dma_wait3A_210 = tpu.memref_slice %arg9[%dma_wait3A_208, %dma_wait3A_209] : memref<4x128xi32, #tpu.memory_space<vmem>> -> memref<1x128xi32, #tpu.memory_space<vmem>>
        %dma_wait3A_211 = tpu.memref_squeeze %dma_wait3A_210 : memref<1x128xi32, #tpu.memory_space<vmem>> -> memref<128xi32, #tpu.memory_space<vmem>>
        %dma_wait3A_212 = arith.constant 0 : i32
        %dma_wait3A_213 = arith.constant 0 : i32
        %dma_wait3A_214 = tpu.memref_slice %arg3[%dma_wait3A_212, %dma_wait3A_213] : memref<10000x128xf32, #tpu.memory_space<hbm>> -> memref<10000x128xf32, #tpu.memory_space<hbm>>
        tpu.wait_indirect_dma semaphore(%arg21 : memref<!tpu.dma_semaphore, #tpu.memory_space<semaphore_mem>>) src(%dma_wait3A_214 : memref<10000x128xf32, #tpu.memory_space<hbm>>) dst(%arg15 : memref<128x128xf32, #tpu.memory_space<vmem>>)
        "tpu.region"() ({
          %run_scoped3A = tpu.sem_alloc : memref<!tpu.dma_semaphore, #tpu.memory_space<semaphore_mem>>
          %dma_start3A_279 = arith.constant 0 : i32
          %dma_start3A_280 = arith.constant 0 : i32
          %dma_start3A_281 = tpu.memref_slice %arg22[%dma_start3A_279, %dma_start3A_280] : memref<10240x128xf32, #tpu.memory_space<vmem_shared>> -> memref<10240x128xf32, #tpu.memory_space<vmem_shared>>
          tpu.enqueue_indirect_dma source(%arg15 : memref<128x128xf32, #tpu.memory_space<vmem>>) target(%dma_start3A_281 : memref<10240x128xf32, #tpu.memory_space<vmem_shared>>) offsets(%arg11 : memref<128xi32, #tpu.memory_space<vmem>>) semaphore(%run_scoped3A : memref<!tpu.dma_semaphore, #tpu.memory_space<semaphore_mem>>) {add = true}
          %dma_wait3A_282 = arith.constant 0 : i32
          %dma_wait3A_283 = arith.constant 0 : i32
          %dma_wait3A_284 = tpu.memref_slice %arg22[%dma_wait3A_282, %dma_wait3A_283] : memref<10240x128xf32, #tpu.memory_space<vmem_shared>> -> memref<10240x128xf32, #tpu.memory_space<vmem_shared>>
          tpu.wait_indirect_dma semaphore(%run_scoped3A : memref<!tpu.dma_semaphore, #tpu.memory_space<semaphore_mem>>) src(%arg15 : memref<128x128xf32, #tpu.memory_space<vmem>>) dst(%dma_wait3A_284 : memref<10240x128xf32, #tpu.memory_space<vmem_shared>>)
          tpu.yield
        }) : () -> ()
        %add3A_215 = arith.constant 4 : i32
        %add3A_216 = arith.addi %add3A_207, %add3A_215 : i32
        %lt3A_217 = arith.constant 160 : i32
        %lt3A_218 = arith.cmpi slt, %add3A_216, %lt3A_217 : i32
        %convert_element_type3A_219 = arith.extui %lt3A_218 : i1 to i32
        %cond3A_220 = arith.constant 0 : i32
        %cond3A_221 = arith.cmpi ne, %convert_element_type3A_219, %cond3A_220 : i32
        scf.if %cond3A_221 {
          %add3A_279 = arith.constant 4 : i32
          %add3A_280 = arith.addi %add3A_207, %add3A_279 : i32
          %add3A_281 = arith.addi %mul3A_0, %add3A_280 : i32
          %dma_start3A_282 = arith.constant 1 : i32
          %dma_start3A_283 = arith.constant 0 : i32
          %dma_start3A_284 = tpu.memref_slice %arg9[%dma_start3A_282, %dma_start3A_283] : memref<4x128xi32, #tpu.memory_space<vmem>> -> memref<1x128xi32, #tpu.memory_space<vmem>>
          %dma_start3A_285 = tpu.memref_squeeze %dma_start3A_284 : memref<1x128xi32, #tpu.memory_space<vmem>> -> memref<128xi32, #tpu.memory_space<vmem>>
          %dma_start3A_286 = arith.constant 0 : i32
          %dma_start3A_287 = tpu.memref_slice %arg4[%add3A_281, %dma_start3A_286] : memref<2560x128xi32, #tpu.memory_space<hbm>> -> memref<1x128xi32, #tpu.memory_space<hbm>>
          %dma_start3A_288 = tpu.memref_squeeze %dma_start3A_287 : memref<1x128xi32, #tpu.memory_space<hbm>> -> memref<128xi32, #tpu.memory_space<hbm>>
          %dma_start3A_289 = arith.constant 0 : i32
          %dma_start3A_290 = tpu.memref_slice %arg9[%dma_start3A_282, %dma_start3A_289] : memref<4x128xi32, #tpu.memory_space<vmem>> -> memref<1x128xi32, #tpu.memory_space<vmem>>
          %dma_start3A_291 = tpu.memref_squeeze %dma_start3A_290 : memref<1x128xi32, #tpu.memory_space<vmem>> -> memref<128xi32, #tpu.memory_space<vmem>>
          %dma_start3A_292 = arith.constant 0 : i32
          %dma_start3A_293 = tpu.memref_slice %arg4[%add3A_281, %dma_start3A_292] : memref<2560x128xi32, #tpu.memory_space<hbm>> -> memref<1x128xi32, #tpu.memory_space<hbm>>
          %dma_start3A_294 = tpu.memref_squeeze %dma_start3A_293 : memref<1x128xi32, #tpu.memory_space<hbm>> -> memref<128xi32, #tpu.memory_space<hbm>>
          tpu.enqueue_dma source(%dma_start3A_294 : memref<128xi32, #tpu.memory_space<hbm>>) target(%dma_start3A_291 : memref<128xi32, #tpu.memory_space<vmem>>) target_semaphore(%arg17 : memref<!tpu.dma_semaphore, #tpu.memory_space<semaphore_mem>>)
          %add3A_295 = arith.addi %mul3A_0, %add3A_280 : i32
          %dma_start3A_296 = arith.constant 0 : i32
          %dma_start3A_297 = tpu.memref_slice %arg5[%add3A_295, %dma_start3A_296] : memref<2560x128xi32, #tpu.memory_space<hbm>> -> memref<1x128xi32, #tpu.memory_space<hbm>>
          %dma_start3A_298 = tpu.memref_squeeze %dma_start3A_297 : memref<1x128xi32, #tpu.memory_space<hbm>> -> memref<128xi32, #tpu.memory_space<hbm>>
          %dma_start3A_299 = arith.constant 0 : i32
          %dma_start3A_300 = tpu.memref_slice %arg5[%add3A_295, %dma_start3A_299] : memref<2560x128xi32, #tpu.memory_space<hbm>> -> memref<1x128xi32, #tpu.memory_space<hbm>>
          %dma_start3A_301 = tpu.memref_squeeze %dma_start3A_300 : memref<1x128xi32, #tpu.memory_space<hbm>> -> memref<128xi32, #tpu.memory_space<hbm>>
          tpu.enqueue_dma source(%dma_start3A_301 : memref<128xi32, #tpu.memory_space<hbm>>) target(%arg11 : memref<128xi32, #tpu.memory_space<vmem>>) target_semaphore(%arg17 : memref<!tpu.dma_semaphore, #tpu.memory_space<semaphore_mem>>)
        } else {
        }
        %add3A_222 = arith.constant 2 : i32
        %add3A_223 = arith.addi %add3A_207, %add3A_222 : i32
        %lt3A_224 = arith.constant 160 : i32
        %lt3A_225 = arith.cmpi slt, %add3A_223, %lt3A_224 : i32
        %convert_element_type3A_226 = arith.extui %lt3A_225 : i1 to i32
        %cond3A_227 = arith.constant 0 : i32
        %cond3A_228 = arith.cmpi ne, %convert_element_type3A_226, %cond3A_227 : i32
        scf.if %cond3A_228 {
          %dma_wait3A_279 = arith.constant 3 : i32
          %dma_wait3A_280 = arith.constant 0 : i32
          %dma_wait3A_281 = tpu.memref_slice %arg9[%dma_wait3A_279, %dma_wait3A_280] : memref<4x128xi32, #tpu.memory_space<vmem>> -> memref<1x128xi32, #tpu.memory_space<vmem>>
          %dma_wait3A_282 = tpu.memref_squeeze %dma_wait3A_281 : memref<1x128xi32, #tpu.memory_space<vmem>> -> memref<128xi32, #tpu.memory_space<vmem>>
          %dma_wait3A_283 = arith.constant 0 : i32
          %dma_wait3A_284 = tpu.memref_slice %arg4[%mul3A_0, %dma_wait3A_283] : memref<2560x128xi32, #tpu.memory_space<hbm>> -> memref<1x128xi32, #tpu.memory_space<hbm>>
          %dma_wait3A_285 = tpu.memref_squeeze %dma_wait3A_284 : memref<1x128xi32, #tpu.memory_space<hbm>> -> memref<128xi32, #tpu.memory_space<hbm>>
          %dma_wait3A_286 = arith.constant 0 : i32
          %dma_wait3A_287 = tpu.memref_slice %arg9[%dma_wait3A_279, %dma_wait3A_286] : memref<4x128xi32, #tpu.memory_space<vmem>> -> memref<1x128xi32, #tpu.memory_space<vmem>>
          %dma_wait3A_288 = tpu.memref_squeeze %dma_wait3A_287 : memref<1x128xi32, #tpu.memory_space<vmem>> -> memref<128xi32, #tpu.memory_space<vmem>>
          %dma_wait3A_289 = arith.constant 0 : i32
          %dma_wait3A_290 = tpu.memref_slice %arg4[%mul3A_0, %dma_wait3A_289] : memref<2560x128xi32, #tpu.memory_space<hbm>> -> memref<1x128xi32, #tpu.memory_space<hbm>>
          %dma_wait3A_291 = tpu.memref_squeeze %dma_wait3A_290 : memref<1x128xi32, #tpu.memory_space<hbm>> -> memref<128xi32, #tpu.memory_space<hbm>>
          tpu.wait_dma2 semaphore(%arg19 : memref<!tpu.dma_semaphore, #tpu.memory_space<semaphore_mem>>) src(%dma_wait3A_291 : memref<128xi32, #tpu.memory_space<hbm>>) dst(%dma_wait3A_288 : memref<128xi32, #tpu.memory_space<vmem>>)
          %dma_wait3A_292 = arith.constant 0 : i32
          %dma_wait3A_293 = tpu.memref_slice %arg5[%mul3A_0, %dma_wait3A_292] : memref<2560x128xi32, #tpu.memory_space<hbm>> -> memref<1x128xi32, #tpu.memory_space<hbm>>
          %dma_wait3A_294 = tpu.memref_squeeze %dma_wait3A_293 : memref<1x128xi32, #tpu.memory_space<hbm>> -> memref<128xi32, #tpu.memory_space<hbm>>
          %dma_wait3A_295 = arith.constant 0 : i32
          %dma_wait3A_296 = tpu.memref_slice %arg5[%mul3A_0, %dma_wait3A_295] : memref<2560x128xi32, #tpu.memory_space<hbm>> -> memref<1x128xi32, #tpu.memory_space<hbm>>
          %dma_wait3A_297 = tpu.memref_squeeze %dma_wait3A_296 : memref<1x128xi32, #tpu.memory_space<hbm>> -> memref<128xi32, #tpu.memory_space<hbm>>
          tpu.wait_dma2 semaphore(%arg19 : memref<!tpu.dma_semaphore, #tpu.memory_space<semaphore_mem>>) src(%dma_wait3A_297 : memref<128xi32, #tpu.memory_space<hbm>>) dst(%arg13 : memref<128xi32, #tpu.memory_space<vmem>>)
          %dma_start3A_298 = arith.constant 3 : i32
          %dma_start3A_299 = arith.constant 0 : i32
          %dma_start3A_300 = tpu.memref_slice %arg9[%dma_start3A_298, %dma_start3A_299] : memref<4x128xi32, #tpu.memory_space<vmem>> -> memref<1x128xi32, #tpu.memory_space<vmem>>
          %dma_start3A_301 = tpu.memref_squeeze %dma_start3A_300 : memref<1x128xi32, #tpu.memory_space<vmem>> -> memref<128xi32, #tpu.memory_space<vmem>>
          %dma_start3A_302 = arith.constant 0 : i32
          %dma_start3A_303 = arith.constant 0 : i32
          %dma_start3A_304 = tpu.memref_slice %arg3[%dma_start3A_302, %dma_start3A_303] : memref<10000x128xf32, #tpu.memory_space<hbm>> -> memref<10000x128xf32, #tpu.memory_space<hbm>>
          tpu.enqueue_indirect_dma source(%dma_start3A_304 : memref<10000x128xf32, #tpu.memory_space<hbm>>) target(%arg15 : memref<128x128xf32, #tpu.memory_space<vmem>>) offsets(%dma_start3A_301 : memref<128xi32, #tpu.memory_space<vmem>>) semaphore(%arg21 : memref<!tpu.dma_semaphore, #tpu.memory_space<semaphore_mem>>)
        } else {
        }
        %mul3A_229 = arith.constant 4 : i32
        %mul3A_230 = arith.muli %mul3A_229, %scan3A_179 : i32
        %add3A_231 = arith.constant 2 : i32
        %add3A_232 = arith.addi %mul3A_230, %add3A_231 : i32
        %dma_wait3A_233 = arith.constant 0 : i32
        %dma_wait3A_234 = arith.constant 0 : i32
        %dma_wait3A_235 = tpu.memref_slice %arg9[%dma_wait3A_233, %dma_wait3A_234] : memref<4x128xi32, #tpu.memory_space<vmem>> -> memref<1x128xi32, #tpu.memory_space<vmem>>
        %dma_wait3A_236 = tpu.memref_squeeze %dma_wait3A_235 : memref<1x128xi32, #tpu.memory_space<vmem>> -> memref<128xi32, #tpu.memory_space<vmem>>
        %dma_wait3A_237 = arith.constant 0 : i32
        %dma_wait3A_238 = arith.constant 0 : i32
        %dma_wait3A_239 = tpu.memref_slice %arg3[%dma_wait3A_237, %dma_wait3A_238] : memref<10000x128xf32, #tpu.memory_space<hbm>> -> memref<10000x128xf32, #tpu.memory_space<hbm>>
        tpu.wait_indirect_dma semaphore(%arg20 : memref<!tpu.dma_semaphore, #tpu.memory_space<semaphore_mem>>) src(%dma_wait3A_239 : memref<10000x128xf32, #tpu.memory_space<hbm>>) dst(%arg14 : memref<128x128xf32, #tpu.memory_space<vmem>>)
        "tpu.region"() ({
          %run_scoped3A = tpu.sem_alloc : memref<!tpu.dma_semaphore, #tpu.memory_space<semaphore_mem>>
          %dma_start3A_279 = arith.constant 0 : i32
          %dma_start3A_280 = arith.constant 0 : i32
          %dma_start3A_281 = tpu.memref_slice %arg22[%dma_start3A_279, %dma_start3A_280] : memref<10240x128xf32, #tpu.memory_space<vmem_shared>> -> memref<10240x128xf32, #tpu.memory_space<vmem_shared>>
          tpu.enqueue_indirect_dma source(%arg14 : memref<128x128xf32, #tpu.memory_space<vmem>>) target(%dma_start3A_281 : memref<10240x128xf32, #tpu.memory_space<vmem_shared>>) offsets(%arg12 : memref<128xi32, #tpu.memory_space<vmem>>) semaphore(%run_scoped3A : memref<!tpu.dma_semaphore, #tpu.memory_space<semaphore_mem>>) {add = true}
          %dma_wait3A_282 = arith.constant 0 : i32
          %dma_wait3A_283 = arith.constant 0 : i32
          %dma_wait3A_284 = tpu.memref_slice %arg22[%dma_wait3A_282, %dma_wait3A_283] : memref<10240x128xf32, #tpu.memory_space<vmem_shared>> -> memref<10240x128xf32, #tpu.memory_space<vmem_shared>>
          tpu.wait_indirect_dma semaphore(%run_scoped3A : memref<!tpu.dma_semaphore, #tpu.memory_space<semaphore_mem>>) src(%arg14 : memref<128x128xf32, #tpu.memory_space<vmem>>) dst(%dma_wait3A_284 : memref<10240x128xf32, #tpu.memory_space<vmem_shared>>)
          tpu.yield
        }) : () -> ()
        %add3A_240 = arith.constant 4 : i32
        %add3A_241 = arith.addi %add3A_232, %add3A_240 : i32
        %lt3A_242 = arith.constant 160 : i32
        %lt3A_243 = arith.cmpi slt, %add3A_241, %lt3A_242 : i32
        %convert_element_type3A_244 = arith.extui %lt3A_243 : i1 to i32
        %cond3A_245 = arith.constant 0 : i32
        %cond3A_246 = arith.cmpi ne, %convert_element_type3A_244, %cond3A_245 : i32
        scf.if %cond3A_246 {
          %add3A_279 = arith.constant 4 : i32
          %add3A_280 = arith.addi %add3A_232, %add3A_279 : i32
          %add3A_281 = arith.addi %mul3A_0, %add3A_280 : i32
          %dma_start3A_282 = arith.constant 2 : i32
          %dma_start3A_283 = arith.constant 0 : i32
          %dma_start3A_284 = tpu.memref_slice %arg9[%dma_start3A_282, %dma_start3A_283] : memref<4x128xi32, #tpu.memory_space<vmem>> -> memref<1x128xi32, #tpu.memory_space<vmem>>
          %dma_start3A_285 = tpu.memref_squeeze %dma_start3A_284 : memref<1x128xi32, #tpu.memory_space<vmem>> -> memref<128xi32, #tpu.memory_space<vmem>>
          %dma_start3A_286 = arith.constant 0 : i32
          %dma_start3A_287 = tpu.memref_slice %arg4[%add3A_281, %dma_start3A_286] : memref<2560x128xi32, #tpu.memory_space<hbm>> -> memref<1x128xi32, #tpu.memory_space<hbm>>
          %dma_start3A_288 = tpu.memref_squeeze %dma_start3A_287 : memref<1x128xi32, #tpu.memory_space<hbm>> -> memref<128xi32, #tpu.memory_space<hbm>>
          %dma_start3A_289 = arith.constant 0 : i32
          %dma_start3A_290 = tpu.memref_slice %arg9[%dma_start3A_282, %dma_start3A_289] : memref<4x128xi32, #tpu.memory_space<vmem>> -> memref<1x128xi32, #tpu.memory_space<vmem>>
          %dma_start3A_291 = tpu.memref_squeeze %dma_start3A_290 : memref<1x128xi32, #tpu.memory_space<vmem>> -> memref<128xi32, #tpu.memory_space<vmem>>
          %dma_start3A_292 = arith.constant 0 : i32
          %dma_start3A_293 = tpu.memref_slice %arg4[%add3A_281, %dma_start3A_292] : memref<2560x128xi32, #tpu.memory_space<hbm>> -> memref<1x128xi32, #tpu.memory_space<hbm>>
          %dma_start3A_294 = tpu.memref_squeeze %dma_start3A_293 : memref<1x128xi32, #tpu.memory_space<hbm>> -> memref<128xi32, #tpu.memory_space<hbm>>
          tpu.enqueue_dma source(%dma_start3A_294 : memref<128xi32, #tpu.memory_space<hbm>>) target(%dma_start3A_291 : memref<128xi32, #tpu.memory_space<vmem>>) target_semaphore(%arg18 : memref<!tpu.dma_semaphore, #tpu.memory_space<semaphore_mem>>)
          %add3A_295 = arith.addi %mul3A_0, %add3A_280 : i32
          %dma_start3A_296 = arith.constant 0 : i32
          %dma_start3A_297 = tpu.memref_slice %arg5[%add3A_295, %dma_start3A_296] : memref<2560x128xi32, #tpu.memory_space<hbm>> -> memref<1x128xi32, #tpu.memory_space<hbm>>
          %dma_start3A_298 = tpu.memref_squeeze %dma_start3A_297 : memref<1x128xi32, #tpu.memory_space<hbm>> -> memref<128xi32, #tpu.memory_space<hbm>>
          %dma_start3A_299 = arith.constant 0 : i32
          %dma_start3A_300 = tpu.memref_slice %arg5[%add3A_295, %dma_start3A_299] : memref<2560x128xi32, #tpu.memory_space<hbm>> -> memref<1x128xi32, #tpu.memory_space<hbm>>
          %dma_start3A_301 = tpu.memref_squeeze %dma_start3A_300 : memref<1x128xi32, #tpu.memory_space<hbm>> -> memref<128xi32, #tpu.memory_space<hbm>>
          tpu.enqueue_dma source(%dma_start3A_301 : memref<128xi32, #tpu.memory_space<hbm>>) target(%arg12 : memref<128xi32, #tpu.memory_space<vmem>>) target_semaphore(%arg18 : memref<!tpu.dma_semaphore, #tpu.memory_space<semaphore_mem>>)
        } else {
        }
        %add3A_247 = arith.constant 2 : i32
        %add3A_248 = arith.addi %add3A_232, %add3A_247 : i32
        %lt3A_249 = arith.constant 160 : i32
        %lt3A_250 = arith.cmpi slt, %add3A_248, %lt3A_249 : i32
        %convert_element_type3A_251 = arith.extui %lt3A_250 : i1 to i32
        %cond3A_252 = arith.constant 0 : i32
        %cond3A_253 = arith.cmpi ne, %convert_element_type3A_251, %cond3A_252 : i32
        scf.if %cond3A_253 {
          %dma_wait3A_279 = arith.constant 0 : i32
          %dma_wait3A_280 = arith.constant 0 : i32
          %dma_wait3A_281 = tpu.memref_slice %arg9[%dma_wait3A_279, %dma_wait3A_280] : memref<4x128xi32, #tpu.memory_space<vmem>> -> memref<1x128xi32, #tpu.memory_space<vmem>>
          %dma_wait3A_282 = tpu.memref_squeeze %dma_wait3A_281 : memref<1x128xi32, #tpu.memory_space<vmem>> -> memref<128xi32, #tpu.memory_space<vmem>>
          %dma_wait3A_283 = arith.constant 0 : i32
          %dma_wait3A_284 = tpu.memref_slice %arg4[%mul3A_0, %dma_wait3A_283] : memref<2560x128xi32, #tpu.memory_space<hbm>> -> memref<1x128xi32, #tpu.memory_space<hbm>>
          %dma_wait3A_285 = tpu.memref_squeeze %dma_wait3A_284 : memref<1x128xi32, #tpu.memory_space<hbm>> -> memref<128xi32, #tpu.memory_space<hbm>>
          %dma_wait3A_286 = arith.constant 0 : i32
          %dma_wait3A_287 = tpu.memref_slice %arg9[%dma_wait3A_279, %dma_wait3A_286] : memref<4x128xi32, #tpu.memory_space<vmem>> -> memref<1x128xi32, #tpu.memory_space<vmem>>
          %dma_wait3A_288 = tpu.memref_squeeze %dma_wait3A_287 : memref<1x128xi32, #tpu.memory_space<vmem>> -> memref<128xi32, #tpu.memory_space<vmem>>
          %dma_wait3A_289 = arith.constant 0 : i32
          %dma_wait3A_290 = tpu.memref_slice %arg4[%mul3A_0, %dma_wait3A_289] : memref<2560x128xi32, #tpu.memory_space<hbm>> -> memref<1x128xi32, #tpu.memory_space<hbm>>
          %dma_wait3A_291 = tpu.memref_squeeze %dma_wait3A_290 : memref<1x128xi32, #tpu.memory_space<hbm>> -> memref<128xi32, #tpu.memory_space<hbm>>
          tpu.wait_dma2 semaphore(%arg16 : memref<!tpu.dma_semaphore, #tpu.memory_space<semaphore_mem>>) src(%dma_wait3A_291 : memref<128xi32, #tpu.memory_space<hbm>>) dst(%dma_wait3A_288 : memref<128xi32, #tpu.memory_space<vmem>>)
          %dma_wait3A_292 = arith.constant 0 : i32
          %dma_wait3A_293 = tpu.memref_slice %arg5[%mul3A_0, %dma_wait3A_292] : memref<2560x128xi32, #tpu.memory_space<hbm>> -> memref<1x128xi32, #tpu.memory_space<hbm>>
          %dma_wait3A_294 = tpu.memref_squeeze %dma_wait3A_293 : memref<1x128xi32, #tpu.memory_space<hbm>> -> memref<128xi32, #tpu.memory_space<hbm>>
          %dma_wait3A_295 = arith.constant 0 : i32
          %dma_wait3A_296 = tpu.memref_slice %arg5[%mul3A_0, %dma_wait3A_295] : memref<2560x128xi32, #tpu.memory_space<hbm>> -> memref<1x128xi32, #tpu.memory_space<hbm>>
          %dma_wait3A_297 = tpu.memref_squeeze %dma_wait3A_296 : memref<1x128xi32, #tpu.memory_space<hbm>> -> memref<128xi32, #tpu.memory_space<hbm>>
          tpu.wait_dma2 semaphore(%arg16 : memref<!tpu.dma_semaphore, #tpu.memory_space<semaphore_mem>>) src(%dma_wait3A_297 : memref<128xi32, #tpu.memory_space<hbm>>) dst(%arg10 : memref<128xi32, #tpu.memory_space<vmem>>)
          %dma_start3A_298 = arith.constant 0 : i32
          %dma_start3A_299 = arith.constant 0 : i32
          %dma_start3A_300 = tpu.memref_slice %arg9[%dma_start3A_298, %dma_start3A_299] : memref<4x128xi32, #tpu.memory_space<vmem>> -> memref<1x128xi32, #tpu.memory_space<vmem>>
          %dma_start3A_301 = tpu.memref_squeeze %dma_start3A_300 : memref<1x128xi32, #tpu.memory_space<vmem>> -> memref<128xi32, #tpu.memory_space<vmem>>
          %dma_start3A_302 = arith.constant 0 : i32
          %dma_start3A_303 = arith.constant 0 : i32
          %dma_start3A_304 = tpu.memref_slice %arg3[%dma_start3A_302, %dma_start3A_303] : memref<10000x128xf32, #tpu.memory_space<hbm>> -> memref<10000x128xf32, #tpu.memory_space<hbm>>
          tpu.enqueue_indirect_dma source(%dma_start3A_304 : memref<10000x128xf32, #tpu.memory_space<hbm>>) target(%arg14 : memref<128x128xf32, #tpu.memory_space<vmem>>) offsets(%dma_start3A_301 : memref<128xi32, #tpu.memory_space<vmem>>) semaphore(%arg20 : memref<!tpu.dma_semaphore, #tpu.memory_space<semaphore_mem>>)
        } else {
        }
        %mul3A_254 = arith.constant 4 : i32
        %mul3A_255 = arith.muli %mul3A_254, %scan3A_179 : i32
        %add3A_256 = arith.constant 3 : i32
        %add3A_257 = arith.addi %mul3A_255, %add3A_256 : i32
        %dma_wait3A_258 = arith.constant 0 : i32
        %dma_wait3A_259 = arith.constant 0 : i32
        %dma_wait3A_260 = tpu.memref_slice %arg9[%dma_wait3A_258, %dma_wait3A_259] : memref<4x128xi32, #tpu.memory_space<vmem>> -> memref<1x128xi32, #tpu.memory_space<vmem>>
        %dma_wait3A_261 = tpu.memref_squeeze %dma_wait3A_260 : memref<1x128xi32, #tpu.memory_space<vmem>> -> memref<128xi32, #tpu.memory_space<vmem>>
        %dma_wait3A_262 = arith.constant 0 : i32
        %dma_wait3A_263 = arith.constant 0 : i32
        %dma_wait3A_264 = tpu.memref_slice %arg3[%dma_wait3A_262, %dma_wait3A_263] : memref<10000x128xf32, #tpu.memory_space<hbm>> -> memref<10000x128xf32, #tpu.memory_space<hbm>>
        tpu.wait_indirect_dma semaphore(%arg21 : memref<!tpu.dma_semaphore, #tpu.memory_space<semaphore_mem>>) src(%dma_wait3A_264 : memref<10000x128xf32, #tpu.memory_space<hbm>>) dst(%arg15 : memref<128x128xf32, #tpu.memory_space<vmem>>)
        "tpu.region"() ({
          %run_scoped3A = tpu.sem_alloc : memref<!tpu.dma_semaphore, #tpu.memory_space<semaphore_mem>>
          %dma_start3A_279 = arith.constant 0 : i32
          %dma_start3A_280 = arith.constant 0 : i32
          %dma_start3A_281 = tpu.memref_slice %arg22[%dma_start3A_279, %dma_start3A_280] : memref<10240x128xf32, #tpu.memory_space<vmem_shared>> -> memref<10240x128xf32, #tpu.memory_space<vmem_shared>>
          tpu.enqueue_indirect_dma source(%arg15 : memref<128x128xf32, #tpu.memory_space<vmem>>) target(%dma_start3A_281 : memref<10240x128xf32, #tpu.memory_space<vmem_shared>>) offsets(%arg13 : memref<128xi32, #tpu.memory_space<vmem>>) semaphore(%run_scoped3A : memref<!tpu.dma_semaphore, #tpu.memory_space<semaphore_mem>>) {add = true}
          %dma_wait3A_282 = arith.constant 0 : i32
          %dma_wait3A_283 = arith.constant 0 : i32
          %dma_wait3A_284 = tpu.memref_slice %arg22[%dma_wait3A_282, %dma_wait3A_283] : memref<10240x128xf32, #tpu.memory_space<vmem_shared>> -> memref<10240x128xf32, #tpu.memory_space<vmem_shared>>
          tpu.wait_indirect_dma semaphore(%run_scoped3A : memref<!tpu.dma_semaphore, #tpu.memory_space<semaphore_mem>>) src(%arg15 : memref<128x128xf32, #tpu.memory_space<vmem>>) dst(%dma_wait3A_284 : memref<10240x128xf32, #tpu.memory_space<vmem_shared>>)
          tpu.yield
        }) : () -> ()
        %add3A_265 = arith.constant 4 : i32
        %add3A_266 = arith.addi %add3A_257, %add3A_265 : i32
        %lt3A_267 = arith.constant 160 : i32
        %lt3A_268 = arith.cmpi slt, %add3A_266, %lt3A_267 : i32
        %convert_element_type3A_269 = arith.extui %lt3A_268 : i1 to i32
        %cond3A_270 = arith.constant 0 : i32
        %cond3A_271 = arith.cmpi ne, %convert_element_type3A_269, %cond3A_270 : i32
        scf.if %cond3A_271 {
          %add3A_279 = arith.constant 4 : i32
          %add3A_280 = arith.addi %add3A_257, %add3A_279 : i32
          %add3A_281 = arith.addi %mul3A_0, %add3A_280 : i32
          %dma_start3A_282 = arith.constant 3 : i32
          %dma_start3A_283 = arith.constant 0 : i32
          %dma_start3A_284 = tpu.memref_slice %arg9[%dma_start3A_282, %dma_start3A_283] : memref<4x128xi32, #tpu.memory_space<vmem>> -> memref<1x128xi32, #tpu.memory_space<vmem>>
          %dma_start3A_285 = tpu.memref_squeeze %dma_start3A_284 : memref<1x128xi32, #tpu.memory_space<vmem>> -> memref<128xi32, #tpu.memory_space<vmem>>
          %dma_start3A_286 = arith.constant 0 : i32
          %dma_start3A_287 = tpu.memref_slice %arg4[%add3A_281, %dma_start3A_286] : memref<2560x128xi32, #tpu.memory_space<hbm>> -> memref<1x128xi32, #tpu.memory_space<hbm>>
          %dma_start3A_288 = tpu.memref_squeeze %dma_start3A_287 : memref<1x128xi32, #tpu.memory_space<hbm>> -> memref<128xi32, #tpu.memory_space<hbm>>
          %dma_start3A_289 = arith.constant 0 : i32
          %dma_start3A_290 = tpu.memref_slice %arg9[%dma_start3A_282, %dma_start3A_289] : memref<4x128xi32, #tpu.memory_space<vmem>> -> memref<1x128xi32, #tpu.memory_space<vmem>>
          %dma_start3A_291 = tpu.memref_squeeze %dma_start3A_290 : memref<1x128xi32, #tpu.memory_space<vmem>> -> memref<128xi32, #tpu.memory_space<vmem>>
          %dma_start3A_292 = arith.constant 0 : i32
          %dma_start3A_293 = tpu.memref_slice %arg4[%add3A_281, %dma_start3A_292] : memref<2560x128xi32, #tpu.memory_space<hbm>> -> memref<1x128xi32, #tpu.memory_space<hbm>>
          %dma_start3A_294 = tpu.memref_squeeze %dma_start3A_293 : memref<1x128xi32, #tpu.memory_space<hbm>> -> memref<128xi32, #tpu.memory_space<hbm>>
          tpu.enqueue_dma source(%dma_start3A_294 : memref<128xi32, #tpu.memory_space<hbm>>) target(%dma_start3A_291 : memref<128xi32, #tpu.memory_space<vmem>>) target_semaphore(%arg19 : memref<!tpu.dma_semaphore, #tpu.memory_space<semaphore_mem>>)
          %add3A_295 = arith.addi %mul3A_0, %add3A_280 : i32
          %dma_start3A_296 = arith.constant 0 : i32
          %dma_start3A_297 = tpu.memref_slice %arg5[%add3A_295, %dma_start3A_296] : memref<2560x128xi32, #tpu.memory_space<hbm>> -> memref<1x128xi32, #tpu.memory_space<hbm>>
          %dma_start3A_298 = tpu.memref_squeeze %dma_start3A_297 : memref<1x128xi32, #tpu.memory_space<hbm>> -> memref<128xi32, #tpu.memory_space<hbm>>
          %dma_start3A_299 = arith.constant 0 : i32
          %dma_start3A_300 = tpu.memref_slice %arg5[%add3A_295, %dma_start3A_299] : memref<2560x128xi32, #tpu.memory_space<hbm>> -> memref<1x128xi32, #tpu.memory_space<hbm>>
          %dma_start3A_301 = tpu.memref_squeeze %dma_start3A_300 : memref<1x128xi32, #tpu.memory_space<hbm>> -> memref<128xi32, #tpu.memory_space<hbm>>
          tpu.enqueue_dma source(%dma_start3A_301 : memref<128xi32, #tpu.memory_space<hbm>>) target(%arg13 : memref<128xi32, #tpu.memory_space<vmem>>) target_semaphore(%arg19 : memref<!tpu.dma_semaphore, #tpu.memory_space<semaphore_mem>>)
        } else {
        }
        %add3A_272 = arith.constant 2 : i32
        %add3A_273 = arith.addi %add3A_257, %add3A_272 : i32
        %lt3A_274 = arith.constant 160 : i32
        %lt3A_275 = arith.cmpi slt, %add3A_273, %lt3A_274 : i32
        %convert_element_type3A_276 = arith.extui %lt3A_275 : i1 to i32
        %cond3A_277 = arith.constant 0 : i32
        %cond3A_278 = arith.cmpi ne, %convert_element_type3A_276, %cond3A_277 : i32
        scf.if %cond3A_278 {
          %dma_wait3A_279 = arith.constant 1 : i32
          %dma_wait3A_280 = arith.constant 0 : i32
          %dma_wait3A_281 = tpu.memref_slice %arg9[%dma_wait3A_279, %dma_wait3A_280] : memref<4x128xi32, #tpu.memory_space<vmem>> -> memref<1x128xi32, #tpu.memory_space<vmem>>
          %dma_wait3A_282 = tpu.memref_squeeze %dma_wait3A_281 : memref<1x128xi32, #tpu.memory_space<vmem>> -> memref<128xi32, #tpu.memory_space<vmem>>
          %dma_wait3A_283 = arith.constant 0 : i32
          %dma_wait3A_284 = tpu.memref_slice %arg4[%mul3A_0, %dma_wait3A_283] : memref<2560x128xi32, #tpu.memory_space<hbm>> -> memref<1x128xi32, #tpu.memory_space<hbm>>
          %dma_wait3A_285 = tpu.memref_squeeze %dma_wait3A_284 : memref<1x128xi32, #tpu.memory_space<hbm>> -> memref<128xi32, #tpu.memory_space<hbm>>
          %dma_wait3A_286 = arith.constant 0 : i32
          %dma_wait3A_287 = tpu.memref_slice %arg9[%dma_wait3A_279, %dma_wait3A_286] : memref<4x128xi32, #tpu.memory_space<vmem>> -> memref<1x128xi32, #tpu.memory_space<vmem>>
          %dma_wait3A_288 = tpu.memref_squeeze %dma_wait3A_287 : memref<1x128xi32, #tpu.memory_space<vmem>> -> memref<128xi32, #tpu.memory_space<vmem>>
          %dma_wait3A_289 = arith.constant 0 : i32
          %dma_wait3A_290 = tpu.memref_slice %arg4[%mul3A_0, %dma_wait3A_289] : memref<2560x128xi32, #tpu.memory_space<hbm>> -> memref<1x128xi32, #tpu.memory_space<hbm>>
          %dma_wait3A_291 = tpu.memref_squeeze %dma_wait3A_290 : memref<1x128xi32, #tpu.memory_space<hbm>> -> memref<128xi32, #tpu.memory_space<hbm>>
          tpu.wait_dma2 semaphore(%arg17 : memref<!tpu.dma_semaphore, #tpu.memory_space<semaphore_mem>>) src(%dma_wait3A_291 : memref<128xi32, #tpu.memory_space<hbm>>) dst(%dma_wait3A_288 : memref<128xi32, #tpu.memory_space<vmem>>)
          %dma_wait3A_292 = arith.constant 0 : i32
          %dma_wait3A_293 = tpu.memref_slice %arg5[%mul3A_0, %dma_wait3A_292] : memref<2560x128xi32, #tpu.memory_space<hbm>> -> memref<1x128xi32, #tpu.memory_space<hbm>>
          %dma_wait3A_294 = tpu.memref_squeeze %dma_wait3A_293 : memref<1x128xi32, #tpu.memory_space<hbm>> -> memref<128xi32, #tpu.memory_space<hbm>>
          %dma_wait3A_295 = arith.constant 0 : i32
          %dma_wait3A_296 = tpu.memref_slice %arg5[%mul3A_0, %dma_wait3A_295] : memref<2560x128xi32, #tpu.memory_space<hbm>> -> memref<1x128xi32, #tpu.memory_space<hbm>>
          %dma_wait3A_297 = tpu.memref_squeeze %dma_wait3A_296 : memref<1x128xi32, #tpu.memory_space<hbm>> -> memref<128xi32, #tpu.memory_space<hbm>>
          tpu.wait_dma2 semaphore(%arg17 : memref<!tpu.dma_semaphore, #tpu.memory_space<semaphore_mem>>) src(%dma_wait3A_297 : memref<128xi32, #tpu.memory_space<hbm>>) dst(%arg11 : memref<128xi32, #tpu.memory_space<vmem>>)
          %dma_start3A_298 = arith.constant 1 : i32
          %dma_start3A_299 = arith.constant 0 : i32
          %dma_start3A_300 = tpu.memref_slice %arg9[%dma_start3A_298, %dma_start3A_299] : memref<4x128xi32, #tpu.memory_space<vmem>> -> memref<1x128xi32, #tpu.memory_space<vmem>>
          %dma_start3A_301 = tpu.memref_squeeze %dma_start3A_300 : memref<1x128xi32, #tpu.memory_space<vmem>> -> memref<128xi32, #tpu.memory_space<vmem>>
          %dma_start3A_302 = arith.constant 0 : i32
          %dma_start3A_303 = arith.constant 0 : i32
          %dma_start3A_304 = tpu.memref_slice %arg3[%dma_start3A_302, %dma_start3A_303] : memref<10000x128xf32, #tpu.memory_space<hbm>> -> memref<10000x128xf32, #tpu.memory_space<hbm>>
          tpu.enqueue_indirect_dma source(%dma_start3A_304 : memref<10000x128xf32, #tpu.memory_space<hbm>>) target(%arg15 : memref<128x128xf32, #tpu.memory_space<vmem>>) offsets(%dma_start3A_301 : memref<128xi32, #tpu.memory_space<vmem>>) semaphore(%arg21 : memref<!tpu.dma_semaphore, #tpu.memory_space<semaphore_mem>>)
        } else {
        }
      }
      %scan3A_173 = arith.constant 40 : i32
      %barrier3A_174 = arith.constant 0 : index
      tpu.barrier barrier_id(%barrier3A_174)
      %mul3A_175 = arith.constant 640 : i32
      %mul3A_176 = arith.muli %arg1, %mul3A_175 : i32
      %mul3A_177 = arith.constant 640 : i32
      %mul3A_178 = arith.muli %arg1, %mul3A_177 : i32
      "tpu.region"() ({
        %run_scoped3A = tpu.sem_alloc : memref<!tpu.dma_semaphore, #tpu.memory_space<semaphore_mem>>
        %dma_start3A_179 = arith.constant 0 : i32
        %dma_start3A_180 = tpu.memref_slice %arg8[%mul3A_178, %dma_start3A_179] : memref<10240x128xf32, #tpu.memory_space<hbm>> -> memref<640x128xf32, #tpu.memory_space<hbm>>
        %dma_start3A_181 = arith.constant 0 : i32
        %dma_start3A_182 = tpu.memref_slice %arg22[%mul3A_176, %dma_start3A_181] : memref<10240x128xf32, #tpu.memory_space<vmem_shared>> -> memref<640x128xf32, #tpu.memory_space<vmem_shared>>
        tpu.enqueue_dma source(%dma_start3A_182 : memref<640x128xf32, #tpu.memory_space<vmem_shared>>) target(%dma_start3A_180 : memref<640x128xf32, #tpu.memory_space<hbm>>) target_semaphore(%run_scoped3A : memref<!tpu.dma_semaphore, #tpu.memory_space<semaphore_mem>>)
        %dma_wait3A_183 = arith.constant 0 : i32
        %dma_wait3A_184 = tpu.memref_slice %arg8[%mul3A_178, %dma_wait3A_183] : memref<10240x128xf32, #tpu.memory_space<hbm>> -> memref<640x128xf32, #tpu.memory_space<hbm>>
        %dma_wait3A_185 = arith.constant 0 : i32
        %dma_wait3A_186 = tpu.memref_slice %arg22[%mul3A_176, %dma_wait3A_185] : memref<10240x128xf32, #tpu.memory_space<vmem_shared>> -> memref<640x128xf32, #tpu.memory_space<vmem_shared>>
        tpu.wait_dma2 semaphore(%run_scoped3A : memref<!tpu.dma_semaphore, #tpu.memory_space<semaphore_mem>>) src(%dma_wait3A_186 : memref<640x128xf32, #tpu.memory_space<vmem_shared>>) dst(%dma_wait3A_184 : memref<640x128xf32, #tpu.memory_space<hbm>>)
        tpu.yield
      }) : () -> ()
    } else {
    }
    return
  }
}

module attributes {stable_mosaic.version = 14 : i64} {
  func.func @body(%arg0: memref<10000x128xf32, #tpu.memory_space<vmem>>, %arg1: memref<10000x128xf32, #tpu.memory_space<vmem>>, %arg2: memref<10000x128xf32, #tpu.memory_space<vmem>>) attributes {dimension_semantics = [], scalar_prefetch = 0 : i64, scratch_operands = 0 : i64, tpu.core_type = #tpu.core_type<tc>} {
    %get3A = arith.constant 0 : index
    %get3A_0 = arith.constant 0 : index
    %get3A_1 = vector.load %arg0[%get3A, %get3A_0] : memref<10000x128xf32, #tpu.memory_space<vmem>>, vector<10000x128xf32>
    %max3A = arith.constant 0.000000e+00 : f32
    %max3A_2 = vector.broadcast %max3A : f32 to vector<10000x128xf32>
    %max3A_3 = arith.maximumf %get3A_1, %max3A_2 : vector<10000x128xf32>
    %add3A = arith.constant 1.000000e-07 : f32
    %add3A_4 = vector.broadcast %add3A : f32 to vector<10000x128xf32>
    %add3A_5 = arith.addf %max3A_3, %add3A_4 : vector<10000x128xf32>
    %exp3A = math.exp %add3A_5 : vector<10000x128xf32>
    %mul3A = arith.mulf %add3A_5, %exp3A : vector<10000x128xf32>
    %swap3A = arith.constant 0 : index
    %swap3A_6 = arith.constant 0 : index
    %swap3A_7 = vector.load %arg1[%swap3A, %swap3A_6] : memref<10000x128xf32, #tpu.memory_space<vmem>>, vector<10000x128xf32>
    tpu.vector_store %arg1[%swap3A, %swap3A_6], %mul3A {strides = array<i32>} : memref<10000x128xf32, #tpu.memory_space<vmem>>, vector<10000x128xf32>,
    %swap3A_8 = arith.constant 0 : index
    %swap3A_9 = arith.constant 0 : index
    %swap3A_10 = vector.load %arg2[%swap3A_8, %swap3A_9] : memref<10000x128xf32, #tpu.memory_space<vmem>>, vector<10000x128xf32>
    tpu.vector_store %arg2[%swap3A_8, %swap3A_9], %exp3A {strides = array<i32>} : memref<10000x128xf32, #tpu.memory_space<vmem>>, vector<10000x128xf32>,
    return
  }
}

module attributes {stable_mosaic.version = 14 : i64} {
  func.func @body(%arg0: memref<10000x128xf32, #tpu.memory_space<vmem>>, %arg1: memref<10000x128xf32, #tpu.memory_space<vmem>>, %arg2: memref<10000x128xf32, #tpu.memory_space<vmem>>, %arg3: memref<128x256xf32, #tpu.memory_space<vmem>>, %arg4: memref<1x256xf32, #tpu.memory_space<vmem>>, %arg5: memref<1x256xf32, #tpu.memory_space<vmem>>, %arg6: memref<1x256xf32, #tpu.memory_space<vmem>>, %arg7: memref<256x128xf32, #tpu.memory_space<vmem>>, %arg8: memref<1x128xf32, #tpu.memory_space<vmem>>, %arg9: memref<10000x128xf32, #tpu.memory_space<vmem>>, %arg10: memref<10000x128xf32, #tpu.memory_space<vmem>>, %arg11: memref<10000x128xf32, #tpu.memory_space<vmem>>) attributes {dimension_semantics = [], scalar_prefetch = 0 : i64, scratch_operands = 0 : i64, tpu.core_type = #tpu.core_type<tc>} {
    %get3A = arith.constant 0 : index
    %get3A_0 = arith.constant 0 : index
    %get3A_1 = vector.load %arg0[%get3A, %get3A_0] : memref<10000x128xf32, #tpu.memory_space<vmem>>, vector<10000x128xf32>
    %get3A_2 = arith.constant 0 : index
    %get3A_3 = arith.constant 0 : index
    %get3A_4 = vector.load %arg1[%get3A_2, %get3A_3] : memref<10000x128xf32, #tpu.memory_space<vmem>>, vector<10000x128xf32>
    %max3A = arith.constant 1.000000e-16 : f32
    %max3A_5 = vector.broadcast %max3A : f32 to vector<10000x128xf32>
    %max3A_6 = arith.maximumf %get3A_4, %max3A_5 : vector<10000x128xf32>
    %div3A = arith.divf %get3A_1, %max3A_6 : vector<10000x128xf32>
    %get3A_7 = arith.constant 0 : index
    %get3A_8 = arith.constant 0 : index
    %get3A_9 = vector.load %arg2[%get3A_7, %get3A_8] : memref<10000x128xf32, #tpu.memory_space<vmem>>, vector<10000x128xf32>
    %add3A = arith.addf %div3A, %get3A_9 : vector<10000x128xf32>
    %get3A_10 = arith.constant 0 : index
    %get3A_11 = arith.constant 0 : index
    %get3A_12 = vector.load %arg3[%get3A_10, %get3A_11] : memref<128x256xf32, #tpu.memory_space<vmem>>, vector<128x256xf32>
    %dot_general3A = arith.constant dense<0.000000e+00> : vector<10000x256xf32>
    %dot_general3A_13 = tpu.matmul %add3A, %get3A_12, %dot_general3A {dimension_numbers = #tpu.dot_dimension_numbers<[1], [0], [0], [1], [0, 0, 1, 1], [], []>, transpose_lhs_hint = false} : vector<10000x128xf32>, vector<128x256xf32>, vector<10000x256xf32> -> vector<10000x256xf32>
    %get3A_14 = arith.constant 0 : index
    %get3A_15 = arith.constant 0 : index
    %get3A_16 = vector.load %arg4[%get3A_14, %get3A_15] : memref<1x256xf32, #tpu.memory_space<vmem>>, vector<1x256xf32>
    %add3A_17 = vector.broadcast %get3A_16 : vector<1x256xf32> to vector<10000x256xf32>
    %add3A_18 = arith.addf %dot_general3A_13, %add3A_17 : vector<10000x256xf32>
    %reduce_sum3A = arith.constant dense<0.000000e+00> : vector<256xf32>
    %reduce_sum3A_19 = vector.multi_reduction <add>, %add3A_18, %reduce_sum3A [0] : vector<10000x256xf32> to vector<256xf32>
    %broadcast_in_dim3A = vector.shape_cast %reduce_sum3A_19 : vector<256xf32> to vector<1x256xf32>
    %div3A_20 = arith.constant 1.000000e+04 : f32
    %div3A_21 = vector.broadcast %div3A_20 : f32 to vector<1x256xf32>
    %div3A_22 = arith.divf %broadcast_in_dim3A, %div3A_21 : vector<1x256xf32>
    %sub3A = vector.broadcast %div3A_22 : vector<1x256xf32> to vector<10000x256xf32>
    %sub3A_23 = arith.subf %add3A_18, %sub3A : vector<10000x256xf32>
    %integer_pow3A = arith.mulf %sub3A_23, %sub3A_23 : vector<10000x256xf32>
    %reduce_sum3A_24 = arith.constant dense<0.000000e+00> : vector<256xf32>
    %reduce_sum3A_25 = vector.multi_reduction <add>, %integer_pow3A, %reduce_sum3A_24 [0] : vector<10000x256xf32> to vector<256xf32>
    %broadcast_in_dim3A_26 = vector.shape_cast %reduce_sum3A_25 : vector<256xf32> to vector<1x256xf32>
    %div3A_27 = arith.constant 1.000000e+04 : f32
    %div3A_28 = vector.broadcast %div3A_27 : f32 to vector<1x256xf32>
    %div3A_29 = arith.divf %broadcast_in_dim3A_26, %div3A_28 : vector<1x256xf32>
    %sub3A_30 = vector.broadcast %div3A_22 : vector<1x256xf32> to vector<10000x256xf32>
    %sub3A_31 = arith.subf %add3A_18, %sub3A_30 : vector<10000x256xf32>
    %get3A_32 = arith.constant 0 : index
    %get3A_33 = arith.constant 0 : index
    %get3A_34 = vector.load %arg5[%get3A_32, %get3A_33] : memref<1x256xf32, #tpu.memory_space<vmem>>, vector<1x256xf32>
    %add3A_35 = arith.constant 9.99999974E-6 : f32
    %add3A_36 = vector.broadcast %add3A_35 : f32 to vector<1x256xf32>
    %add3A_37 = arith.addf %div3A_29, %add3A_36 : vector<1x256xf32>
    %rsqrt3A = math.rsqrt %add3A_37 : vector<1x256xf32>
    %mul3A = arith.mulf %get3A_34, %rsqrt3A : vector<1x256xf32>
    %mul3A_38 = vector.broadcast %mul3A : vector<1x256xf32> to vector<10000x256xf32>
    %mul3A_39 = arith.mulf %sub3A_31, %mul3A_38 : vector<10000x256xf32>
    %get3A_40 = arith.constant 0 : index
    %get3A_41 = arith.constant 0 : index
    %get3A_42 = vector.load %arg6[%get3A_40, %get3A_41] : memref<1x256xf32, #tpu.memory_space<vmem>>, vector<1x256xf32>
    %add3A_43 = vector.broadcast %get3A_42 : vector<1x256xf32> to vector<10000x256xf32>
    %add3A_44 = arith.addf %mul3A_39, %add3A_43 : vector<10000x256xf32>
    %max3A_45 = arith.constant 0.000000e+00 : f32
    %max3A_46 = vector.broadcast %max3A_45 : f32 to vector<10000x256xf32>
    %max3A_47 = arith.maximumf %add3A_44, %max3A_46 : vector<10000x256xf32>
    %get3A_48 = arith.constant 0 : index
    %get3A_49 = arith.constant 0 : index
    %get3A_50 = vector.load %arg7[%get3A_48, %get3A_49] : memref<256x128xf32, #tpu.memory_space<vmem>>, vector<256x128xf32>
    %dot_general3A_51 = arith.constant dense<0.000000e+00> : vector<10000x128xf32>
    %dot_general3A_52 = tpu.matmul %max3A_47, %get3A_50, %dot_general3A_51 {dimension_numbers = #tpu.dot_dimension_numbers<[1], [0], [0], [1], [0, 0, 1, 1], [], []>, transpose_lhs_hint = false} : vector<10000x256xf32>, vector<256x128xf32>, vector<10000x128xf32> -> vector<10000x128xf32>
    %get3A_53 = arith.constant 0 : index
    %get3A_54 = arith.constant 0 : index
    %get3A_55 = vector.load %arg8[%get3A_53, %get3A_54] : memref<1x128xf32, #tpu.memory_space<vmem>>, vector<1x128xf32>
    %add3A_56 = vector.broadcast %get3A_55 : vector<1x128xf32> to vector<10000x128xf32>
    %add3A_57 = arith.addf %dot_general3A_52, %add3A_56 : vector<10000x128xf32>
    %ge3A = arith.constant 0.000000e+00 : f32
    %ge3A_58 = vector.broadcast %ge3A : f32 to vector<10000x128xf32>
    %ge3A_59 = arith.cmpf oge, %add3A_57, %ge3A_58 : vector<10000x128xf32>
    %mul3A_60 = arith.constant 0.00999999977 : f32
    %mul3A_61 = vector.broadcast %mul3A_60 : f32 to vector<10000x128xf32>
    %mul3A_62 = arith.mulf %mul3A_61, %add3A_57 : vector<10000x128xf32>
    %select_n3A = arith.select %ge3A_59, %add3A_57, %mul3A_62 : vector<10000x128xi1>, vector<10000x128xf32>
    %swap3A = arith.constant 0 : index
    %swap3A_63 = arith.constant 0 : index
    %swap3A_64 = vector.load %arg9[%swap3A, %swap3A_63] : memref<10000x128xf32, #tpu.memory_space<vmem>>, vector<10000x128xf32>
    tpu.vector_store %arg9[%swap3A, %swap3A_63], %select_n3A {strides = array<i32>} : memref<10000x128xf32, #tpu.memory_space<vmem>>, vector<10000x128xf32>,
    %max3A_65 = arith.constant 0.000000e+00 : f32
    %max3A_66 = vector.broadcast %max3A_65 : f32 to vector<10000x128xf32>
    %max3A_67 = arith.maximumf %add3A_57, %max3A_66 : vector<10000x128xf32>
    %add3A_68 = arith.constant 1.000000e-07 : f32
    %add3A_69 = vector.broadcast %add3A_68 : f32 to vector<10000x128xf32>
    %add3A_70 = arith.addf %max3A_67, %add3A_69 : vector<10000x128xf32>
    %exp3A = math.exp %add3A_70 : vector<10000x128xf32>
    %mul3A_71 = arith.mulf %add3A_70, %exp3A : vector<10000x128xf32>
    %swap3A_72 = arith.constant 0 : index
    %swap3A_73 = arith.constant 0 : index
    %swap3A_74 = vector.load %arg10[%swap3A_72, %swap3A_73] : memref<10000x128xf32, #tpu.memory_space<vmem>>, vector<10000x128xf32>
    tpu.vector_store %arg10[%swap3A_72, %swap3A_73], %mul3A_71 {strides = array<i32>} : memref<10000x128xf32, #tpu.memory_space<vmem>>, vector<10000x128xf32>,
    %swap3A_75 = arith.constant 0 : index
    %swap3A_76 = arith.constant 0 : index
    %swap3A_77 = vector.load %arg11[%swap3A_75, %swap3A_76] : memref<10000x128xf32, #tpu.memory_space<vmem>>, vector<10000x128xf32>
    tpu.vector_store %arg11[%swap3A_75, %swap3A_76], %exp3A {strides = array<i32>} : memref<10000x128xf32, #tpu.memory_space<vmem>>, vector<10000x128xf32>,
    return
  }
}

module attributes {stable_mosaic.version = 14 : i64} {
  func.func @body(%arg0: memref<10000x128xf32, #tpu.memory_space<vmem>>, %arg1: memref<10000x128xf32, #tpu.memory_space<vmem>>, %arg2: memref<10000x128xf32, #tpu.memory_space<vmem>>, %arg3: memref<128x256xf32, #tpu.memory_space<vmem>>, %arg4: memref<1x256xf32, #tpu.memory_space<vmem>>, %arg5: memref<1x256xf32, #tpu.memory_space<vmem>>, %arg6: memref<1x256xf32, #tpu.memory_space<vmem>>, %arg7: memref<256x128xf32, #tpu.memory_space<vmem>>, %arg8: memref<1x128xf32, #tpu.memory_space<vmem>>, %arg9: memref<10000x128xf32, #tpu.memory_space<vmem>>) attributes {dimension_semantics = [], scalar_prefetch = 0 : i64, scratch_operands = 0 : i64, tpu.core_type = #tpu.core_type<tc>} {
    %get3A = arith.constant 0 : index
    %get3A_0 = arith.constant 0 : index
    %get3A_1 = vector.load %arg0[%get3A, %get3A_0] : memref<10000x128xf32, #tpu.memory_space<vmem>>, vector<10000x128xf32>
    %get3A_2 = arith.constant 0 : index
    %get3A_3 = arith.constant 0 : index
    %get3A_4 = vector.load %arg1[%get3A_2, %get3A_3] : memref<10000x128xf32, #tpu.memory_space<vmem>>, vector<10000x128xf32>
    %max3A = arith.constant 1.000000e-16 : f32
    %max3A_5 = vector.broadcast %max3A : f32 to vector<10000x128xf32>
    %max3A_6 = arith.maximumf %get3A_4, %max3A_5 : vector<10000x128xf32>
    %div3A = arith.divf %get3A_1, %max3A_6 : vector<10000x128xf32>
    %get3A_7 = arith.constant 0 : index
    %get3A_8 = arith.constant 0 : index
    %get3A_9 = vector.load %arg2[%get3A_7, %get3A_8] : memref<10000x128xf32, #tpu.memory_space<vmem>>, vector<10000x128xf32>
    %add3A = arith.addf %div3A, %get3A_9 : vector<10000x128xf32>
    %get3A_10 = arith.constant 0 : index
    %get3A_11 = arith.constant 0 : index
    %get3A_12 = vector.load %arg3[%get3A_10, %get3A_11] : memref<128x256xf32, #tpu.memory_space<vmem>>, vector<128x256xf32>
    %dot_general3A = arith.constant dense<0.000000e+00> : vector<10000x256xf32>
    %dot_general3A_13 = tpu.matmul %add3A, %get3A_12, %dot_general3A {dimension_numbers = #tpu.dot_dimension_numbers<[1], [0], [0], [1], [0, 0, 1, 1], [], []>, transpose_lhs_hint = false} : vector<10000x128xf32>, vector<128x256xf32>, vector<10000x256xf32> -> vector<10000x256xf32>
    %get3A_14 = arith.constant 0 : index
    %get3A_15 = arith.constant 0 : index
    %get3A_16 = vector.load %arg4[%get3A_14, %get3A_15] : memref<1x256xf32, #tpu.memory_space<vmem>>, vector<1x256xf32>
    %add3A_17 = vector.broadcast %get3A_16 : vector<1x256xf32> to vector<10000x256xf32>
    %add3A_18 = arith.addf %dot_general3A_13, %add3A_17 : vector<10000x256xf32>
    %reduce_sum3A = arith.constant dense<0.000000e+00> : vector<256xf32>
    %reduce_sum3A_19 = vector.multi_reduction <add>, %add3A_18, %reduce_sum3A [0] : vector<10000x256xf32> to vector<256xf32>
    %broadcast_in_dim3A = vector.shape_cast %reduce_sum3A_19 : vector<256xf32> to vector<1x256xf32>
    %div3A_20 = arith.constant 1.000000e+04 : f32
    %div3A_21 = vector.broadcast %div3A_20 : f32 to vector<1x256xf32>
    %div3A_22 = arith.divf %broadcast_in_dim3A, %div3A_21 : vector<1x256xf32>
    %sub3A = vector.broadcast %div3A_22 : vector<1x256xf32> to vector<10000x256xf32>
    %sub3A_23 = arith.subf %add3A_18, %sub3A : vector<10000x256xf32>
    %integer_pow3A = arith.mulf %sub3A_23, %sub3A_23 : vector<10000x256xf32>
    %reduce_sum3A_24 = arith.constant dense<0.000000e+00> : vector<256xf32>
    %reduce_sum3A_25 = vector.multi_reduction <add>, %integer_pow3A, %reduce_sum3A_24 [0] : vector<10000x256xf32> to vector<256xf32>
    %broadcast_in_dim3A_26 = vector.shape_cast %reduce_sum3A_25 : vector<256xf32> to vector<1x256xf32>
    %div3A_27 = arith.constant 1.000000e+04 : f32
    %div3A_28 = vector.broadcast %div3A_27 : f32 to vector<1x256xf32>
    %div3A_29 = arith.divf %broadcast_in_dim3A_26, %div3A_28 : vector<1x256xf32>
    %sub3A_30 = vector.broadcast %div3A_22 : vector<1x256xf32> to vector<10000x256xf32>
    %sub3A_31 = arith.subf %add3A_18, %sub3A_30 : vector<10000x256xf32>
    %get3A_32 = arith.constant 0 : index
    %get3A_33 = arith.constant 0 : index
    %get3A_34 = vector.load %arg5[%get3A_32, %get3A_33] : memref<1x256xf32, #tpu.memory_space<vmem>>, vector<1x256xf32>
    %add3A_35 = arith.constant 9.99999974E-6 : f32
    %add3A_36 = vector.broadcast %add3A_35 : f32 to vector<1x256xf32>
    %add3A_37 = arith.addf %div3A_29, %add3A_36 : vector<1x256xf32>
    %rsqrt3A = math.rsqrt %add3A_37 : vector<1x256xf32>
    %mul3A = arith.mulf %get3A_34, %rsqrt3A : vector<1x256xf32>
    %mul3A_38 = vector.broadcast %mul3A : vector<1x256xf32> to vector<10000x256xf32>
    %mul3A_39 = arith.mulf %sub3A_31, %mul3A_38 : vector<10000x256xf32>
    %get3A_40 = arith.constant 0 : index
    %get3A_41 = arith.constant 0 : index
    %get3A_42 = vector.load %arg6[%get3A_40, %get3A_41] : memref<1x256xf32, #tpu.memory_space<vmem>>, vector<1x256xf32>
    %add3A_43 = vector.broadcast %get3A_42 : vector<1x256xf32> to vector<10000x256xf32>
    %add3A_44 = arith.addf %mul3A_39, %add3A_43 : vector<10000x256xf32>
    %max3A_45 = arith.constant 0.000000e+00 : f32
    %max3A_46 = vector.broadcast %max3A_45 : f32 to vector<10000x256xf32>
    %max3A_47 = arith.maximumf %add3A_44, %max3A_46 : vector<10000x256xf32>
    %get3A_48 = arith.constant 0 : index
    %get3A_49 = arith.constant 0 : index
    %get3A_50 = vector.load %arg7[%get3A_48, %get3A_49] : memref<256x128xf32, #tpu.memory_space<vmem>>, vector<256x128xf32>
    %dot_general3A_51 = arith.constant dense<0.000000e+00> : vector<10000x128xf32>
    %dot_general3A_52 = tpu.matmul %max3A_47, %get3A_50, %dot_general3A_51 {dimension_numbers = #tpu.dot_dimension_numbers<[1], [0], [0], [1], [0, 0, 1, 1], [], []>, transpose_lhs_hint = false} : vector<10000x256xf32>, vector<256x128xf32>, vector<10000x128xf32> -> vector<10000x128xf32>
    %get3A_53 = arith.constant 0 : index
    %get3A_54 = arith.constant 0 : index
    %get3A_55 = vector.load %arg8[%get3A_53, %get3A_54] : memref<1x128xf32, #tpu.memory_space<vmem>>, vector<1x128xf32>
    %add3A_56 = vector.broadcast %get3A_55 : vector<1x128xf32> to vector<10000x128xf32>
    %add3A_57 = arith.addf %dot_general3A_52, %add3A_56 : vector<10000x128xf32>
    %swap3A = arith.constant 0 : index
    %swap3A_58 = arith.constant 0 : index
    %swap3A_59 = vector.load %arg9[%swap3A, %swap3A_58] : memref<10000x128xf32, #tpu.memory_space<vmem>>, vector<10000x128xf32>
    tpu.vector_store %arg9[%swap3A, %swap3A_58], %add3A_57 {strides = array<i32>} : memref<10000x128xf32, #tpu.memory_space<vmem>>, vector<10000x128xf32>,
    return
  }
}

</mosaic_0001>

<sc_bundles>
// kernel: kernel.10.cloned.1.call-start
scs
__scs_entry_jumppad:
0x0: {  	(pc) =	sbr.rel $0x88, $3  }
0x1: {  	(tag) =	ssettag $0x0;
	lr =	simm.s32 $0x1  }
0x2: {  	[smem:$0x3F93] =	sst lr;
	_ =	strace $0xD0000000  }
0x3: {  	_ = 	snop  }
0x4: {  	_ = 	snop  }
0x5: {  	_ = 	snop  }
0x6: {  	_ = 	snop  }
0x7: {  	_ = 	snop  }
__scs_overlays_trampoline_lowered:
0x8: {  	[smem:$0x3FA2] =	sst s0  }
0x9: {  	[smem:$0x3FA3] =	sst s1  }
0xa: {  	[smem:$0x3FA4] =	sst s2  }
0xb: {  	[smem:$0x3FA5] =	sst s3  }
0xc: {  	[smem:$0x3FA6] =	sst s4  }
0xd: {  	[smem:$0x3FA7] =	sst s5  }
0xe: {  	[smem:$0x3FA8] =	sst s6  }
0xf: {  	[smem:$0x3FA9] =	sst s7  }
0x10: {  	[smem:$0x3FAA] =	sst s8  }
0x11: {  	[smem:$0x3FAB] =	sst s9;
	s0 =	simm.s32 @!p0 $0x0  }
0x12: {  	s1 =	sld [smem:$0x3F91];
	s0 =	simm.s32 @p0 $0x1  }
0x13: {  	[smem:$0x3FAC] =	sst s0;
	s0 =	simm.s32 @!p1 $0x0  }
0x14: {  	s2 =	sld [smem:$0x3F90];
	s0 =	simm.s32 @p1 $0x1  }
0x15: {  	[smem:$0x3FAD] =	sst s0;
	s0 =	simm.s32 @!p2 $0x0  }
0x16: {  	s3 =	sld [smem:$0x3FDB];
	s0 =	simm.s32 @p2 $0x1  }
0x17: {  	s4 =	simm.s32 $0x1BF5;
	[smem:$0x3FAF] =	sst s0  }
0x18: {  	s0 =	sld [smem:$0x3F92];
	_ =	swait.ge [sflag:s4], $0x0  }
0x19: {  	s7 =	sld [smem:$0x3F93]  }
0x1a: {  	s8 =	sadd.s32 $0xFFFFE003, lr  }
0x1b: {  	s9 =	sadd.s32 $0xFFFFFEF7, lr;
	s5 =	simm.s32 $0xFFFFFFFF;
	p2 =	slt.u32 s8, $0xFFFFF086  }
0x1c: {  	p1 =	slt.u32 s9, $0xF7A;
	s5 =	simm.s32 @!p2 $0x0  }
0x1d: {  	s5 =	simm.s32 @p1 $0x1;
	p0 =	seq.s32 s7, s2  }
0x1e: {  	s7 =	smul.u32 @!p0 $0xF7A, s2;
	p2 =	seq.s32 @!p0 s5, $0x0  }
0x1f: {  	s9 =	smul.u32 $0xF7A, s1;
	s8 =	simm.s32 @!p0 $0x1BF5;
	p2 =	por !p2, p0  }
0x20: {  	[sflag:s8] =	ssyncset.s32 @!p0 $0xFFFFF086;
	s6 =	sadd.s32 @!p0 s3, s7;
	s7 =	simm.s32 @!p0 $0x108  }
0x21: {  	s3 =	sadd.s32 s3, s9;
	s6 =	sadd.s32 @!p0 $0x88, s6;
	s7 =	simm.s32 @p2 $0x1082  }
0x22: {  	[simem:s7], [sflag:s8] =	dma.local @!p0 [hbm:s6], $0xF7A  }
0x23: {  	s9 =	sor.u32 $0xD0000000, s2;
	s6 =	simm.s32 $0x108;
	_ =	swait.ge @!p0 [sflag:s8], $0x0  }
0x24: {  	s3 =	sadd.s32 $0x88, s3;
	s6 =	simm.s32 @!p1 $0x1082;
	[sflag:s4] =	ssyncset.s32 $0xFFFFF086  }
0x25: {  	[simem:s6], [sflag:s4] =	dma.local [hbm:s3], $0xF7A  }
0x26: {  	[smem:$0x3F93] =	sst s1;
	(tag) =	ssettag s2;
	_ =	strace s9  }
0x27: {  	s1 =	sld [smem:$0x3FA3]  }
0x28: {  	s2 =	sld [smem:$0x3FA4]  }
0x29: {  	s4 =	sld [smem:$0x3FA6]  }
0x2a: {  	p0 =	seq.s32 s5, $0x0;
	s5 =	sld [smem:$0x3FA7]  }
0x2b: {  	s6 =	sld [smem:$0x3FA8]  }
0x2c: {  	s7 =	sld [smem:$0x3FA9]  }
0x2d: {  	s3 =	simm.s32 $0x108;
	s8 =	sld [smem:$0x3FAA]  }
0x2e: {  	s3 =	simm.s32 @!p0 $0x1082;
	s9 =	sld [smem:$0x3FAB]  }
0x2f: {  	lr =	sadd.s32 s0, s3;
	s0 =	sld [smem:$0x3FA2]  }
0x30: {  	s3 =	sld [smem:$0x3FA5]  }
0x31: {  	[smem:$0x3FAE] =	sst s10  }
0x32: {  	s10 =	sld [smem:$0x3FAC];
	_ =	sdelay $0x3  }
0x33: {  	p0 =	seq.s32 s10, $0x1;
	s10 =	sld [smem:$0x3FAE];
	_ =	sdelay $0x3  }
0x34: {  	[smem:$0x3FAE] =	sst s10  }
0x35: {  	s10 =	sld [smem:$0x3FAD];
	_ =	sdelay $0x3  }
0x36: {  	p1 =	seq.s32 s10, $0x1;
	s10 =	sld [smem:$0x3FAE];
	_ =	sdelay $0x3  }
0x37: {  	[smem:$0x3FAE] =	sst s10  }
0x38: {  	s10 =	sld [smem:$0x3FAF]  }
0x39: {  	_ = 	snop;
	(pc) =	sbr.ind lr, $3  }
0x3a: {  	_ = 	snop  }
0x3b: {  	_ = 	snop  }
0x3c: {  	p2 =	seq.s32 s10, $0x1;
	s10 =	sld [smem:$0x3FAE]  }
0x3d: {  	_ =	shalt  }
0x3e: {  	_ =	shalt  }
0x3f: {  	_ =	shalt  }
0x40: {  	_ =	shalt  }
0x41: {  	_ =	shalt  }
0x42: {  	_ =	shalt  }
0x43: {  	_ =	shalt  }
0x44: {  	_ =	shalt  }
0x45: {  	_ =	shalt  }
0x46: {  	_ =	shalt  }
0x47: {  	_ =	shalt  }
0x48: {  	_ =	shalt  }
0x49: {  	_ =	shalt  }
0x4a: {  	_ =	shalt  }
0x4b: {  	_ =	shalt  }
0x4c: {  	_ =	shalt  }
0x4d: {  	_ =	shalt  }
0x4e: {  	_ =	shalt  }
0x4f: {  	_ =	shalt  }
0x50: {  	_ =	shalt  }
0x51: {  	_ =	shalt  }
0x52: {  	_ =	shalt  }
0x53: {  	_ =	shalt  }
0x54: {  	_ =	shalt  }
0x55: {  	_ =	shalt  }
0x56: {  	_ =	shalt  }
0x57: {  	_ =	shalt  }
0x58: {  	_ =	shalt  }
0x59: {  	_ =	shalt  }
0x5a: {  	_ =	shalt  }
0x5b: {  	_ =	shalt  }
0x5c: {  	_ =	shalt  }
0x5d: {  	_ =	shalt  }
0x5e: {  	_ =	shalt  }
0x5f: {  	_ =	shalt  }
0x60: {  	_ =	shalt  }
0x61: {  	_ =	shalt  }
0x62: {  	_ =	shalt  }
0x63: {  	_ =	shalt  }
0x64: {  	_ =	shalt  }
0x65: {  	_ =	shalt  }
0x66: {  	_ =	shalt  }
0x67: {  	_ =	shalt  }
0x68: {  	_ =	shalt  }
0x69: {  	_ =	shalt  }
0x6a: {  	_ =	shalt  }
0x6b: {  	_ =	shalt  }
0x6c: {  	_ =	shalt  }
0x6d: {  	_ =	shalt  }
0x6e: {  	_ =	shalt  }
0x6f: {  	_ =	shalt  }
0x70: {  	_ =	shalt  }
0x71: {  	_ =	shalt  }
0x72: {  	_ =	shalt  }
0x73: {  	_ =	shalt  }
0x74: {  	_ =	shalt  }
0x75: {  	_ =	shalt  }
0x76: {  	_ =	shalt  }
0x77: {  	_ =	shalt  }
0x78: {  	_ =	shalt  }
0x79: {  	_ =	shalt  }
0x7a: {  	_ =	shalt  }
0x7b: {  	_ =	shalt  }
0x7c: {  	_ =	shalt  }
0x7d: {  	_ =	shalt  }
0x7e: {  	_ =	shalt  }
0x7f: {  	_ =	shalt  }
0x80: {  	_ =	shalt  }
0x81: {  	_ =	shalt  }
0x82: {  	_ =	shalt  }
0x83: {  	_ =	shalt  }
0x84: {  	_ =	shalt  }
0x85: {  	_ =	shalt  }
0x86: {  	_ =	shalt  }
0x87: {  	_ =	shalt  }
.Lfunc_end0:
.L_simem_size_0:
called_computation.1_lowered:
.L_overlay_start_0:
0x88: {  	s2 =	sld [smem:$0x3FD9]  }
0x89: {  	s3 =	sld [smem:$0x3FFE];
	_ =	sdelay $0x1  }
0x8a: {  	s1 =	srdreg.scid  }
0x8b: {  	s0 =	sand.u32 $0x1, s1  }
0x8c: {  	s17 =	sshll.u32 s0, $0xA;
	s2 =	sadd.s32 s3, s2  }
0x8d: {  	s2 =	sadd.s32 s2, s17  }
0x8e: {  	[smem:$0x3FBA] =	sst s2  }
0x8f: {  	_ = 	snop  }
0x90: {  	s2 =	sld [smem:$0x3FD0];
	(tm) =	ssettm $0x1  }
0x91: {  	s18 =	sld [smem:$0x3FFB];
	_ =	sdelay $0x3  }
0x92: {  	_ =	strace s18  }
0x93: {  	s3 =	sld [smem:$0x3FFC];
	_ =	sdelay $0x3  }
0x94: {  	_ =	strace s3  }
0x95: {  	s3 =	sld [smem:$0x3FFD];
	_ =	sdelay $0x3  }
0x96: {  	_ =	strace s3  }
0x97: {  	_ =	strace $0x8FFFFFFF  }
0x98: {  	s19 =	sld [smem:$0x3FDB];
	_ =	sdelay $0x1  }
0x99: {  	s4 =	simm.s32 $_scs_section_size  }
0x9a: {  	s5 =	simm.s32 $_size__tile_overlayer_lowered;
	s6 =	simm.s32 $_tile_overlayer_lowered  }
0x9b: {  	s22 =	simm.s32 $0x1BFF;
	s21 =	sshll.u32 s6, $0x1;
	s3 =	sadd.s32 s4, s19  }
0x9c: {  	s7 =	simm.s32 $0x0;
	s20 =	sshll.u32 s5, $0x1;
	s5 =	sadd.s32 s21, s3  }
0x9d: {  	[timem:s7], [sflag:s22] =	dma.local [hbm:s5], s20  }
0x9e: {  	_ =	swait.ge [sflag:s22], s20  }
0x9f: {  	s4 =	ssub.s32 $0x0, s20;
	[sflag:s22] =	ssyncset.done $0x0  }
0xa0: {  	[sflag:s22] =	ssyncadd.s32 s4;
	_ =	sdelay $0x1  }
0xa1: {  	s23 =	simm.s32 $0x1B8B  }
0xa2: {  	_ =	swait.ge [sflag:s23], $0x1  }
0xa3: {  	[sflag:s23] =	ssyncset.done $0x0  }
0xa4: {  	s25 =	simm.s32 $0x1B8E;
	s24 =	sld [smem:$0x3FFE];
	[sflag:s23] =	ssyncadd.s32 $0xFFFFFFFF  }
0xa5: {  	s26 =	simm.s32 $execute0_lowered;
	[smem:$0x3FD2] =	sst s25  }
0xa6: {  	s5 =	sshll.u32 s26, $0x1;
	_ =	strace $0x80000049;
	[dreg:$0x1] =	wrdreg $0xFFFFFFFF  }
0xa7: {  	s28 =	simm.s32 $_size_execute0_lowered;
	s3 =	sadd.s32 s3, s5;
	[dreg:$0x0] =	wrdreg $0x0  }
0xa8: {  	s5 =	sshll.u32 s28, $0x1;
	[dreg:$0x2] =	wrdreg s3  }
0xa9: {  	[dreg:$0x3] =	wrdreg s5  }
0xaa: {  	[dreg:$0x4] =	wrdreg $0xC0  }
0xab: {  	_ =	task [dreg:s7], $0x5FFFF  }
0xac: {  	[dreg:$0x1] =	wrdreg $0xFFFFFFFF  }
0xad: {  	[dreg:$0x0] =	wrdreg $0x60  }
0xae: {  	[dreg:$0x2] =	wrdreg s2  }
0xaf: {  	[dreg:$0x3] =	wrdreg s24  }
0xb0: {  	[dreg:$0x4] =	wrdreg $0x84000  }
0xb1: {  	[dreg:$0x5] =	wrdreg $0x9  }
0xb2: {  	_ =	task.clear_ibuf [dreg:s7], $0x6FFFF;
	_ =	strace $0x90000049  }
0xb3: {  	s29 =	simm.s32 $0x9;
	_ =	strace $0x8000004B  }
0xb4: {  	_ =	swait.ge [sflag:s29], $0x1  }
0xb5: {  	[sflag:s29] =	ssyncadd.s32 $0xFFFFFFFF  }
0xb6: {  	_ =	strace $0x9000004B  }
0xb7: {  	_ =	sfence  }
0xb8: {  	s30 =	sld [smem:$0x0];
	_ =	sdelay $0x2  }
0xb9: {  	s31 =	sshll.u32 s1, $0xD;
	s1 =	sshrl.u32 s1, $0x2  }
0xba: {  	s3 =	sand.u32 $0x4000, s31;
	s1 =	sadd.s32 s1, s30  }
0xbb: {  	s0 =	sor.u32 s3, s0;
	s1 =	sshll.u32 s1, $0x11  }
0xbc: {  	s0 =	sor.u32 s1, s0  }
0xbd: {  	s0 =	sadd.s32 $0x8F2B, s0  }
0xbe: {  	[sflag:s0] =	ssyncadd.remote.s32 $0x1  }
0xbf: {  	_ =	sfence.sel $0xFFFF  }
0xc0: {  	[dreg:$0x0] =	wrdreg $0xFFFFFFFF;
	(pc) =	sbr.abs _section_cstart, $3  }
0xc1: {  	[dreg:$0x1] =	wrdreg $0xFFFFFFFF  }
0xc2: {  	_ =	task.clear_ibuf [dreg:s7], $0x2FFFF;
	_ =	strace $0x9FFFFFFF  }
0xc3: {  	(tm) =	ssettm $0x7FFFFFFF  }
tec
execute0_lowered:
.L_overlay_start_1:
0x0: {  	(tag) =	ssettag $0x1  }
0x1: {  	s1 =	rddreg [dreg:$0x0]  }
0x2: {  	s0 =	rddreg [dreg:$0x1]  }
0x3: {  	s2 =	rddreg [dreg:$0x2]  }
0x4: {  	s3 =	simm.s32 $0x0;
	s4 =	srdreg.scid;
	s11 =	stileid.u32  }
0x5: {  	s29 =	simm.s32 $0x7;
	s30 =	simm.s32 $0x200;
	s31 =	simm.s32 $0x80  }
0x6: {  	[smem:$0x7FF] =	sst s3;
	s5 =	sadd.s32 $0x3400, s0;
	s6 =	sadd.s32 $0x34600, s0  }
0x7: {  	s7 =	sadd.s32 $0x2A600, s0;
	s4 =	sand.u32 $0x1, s4;
	s8 =	sadd.s32 $0x3E600, s0  }
0x8: {  	s10 =	smul.u32 $0x50000, s11;
	s12 =	sadd.s32 $0x3EE00, s0;
	s0 =	sadd.s32 $0x66E00, s0  }
0x9: {  	s25 =	sshll.u32 s11, $0x6;
	_ =	strace $0x8000004A;
	[dreg:$0x4] =	wrdreg s12  }
0xa: {  	s13 =	smul.u32 $0xA00, s11;
	s9 =	ssub.s32 $0x2, s4;
	[dreg:$0x5] =	wrdreg s0  }
0xb: {  	s12 =	sor.u32 $0x1C07, s25;
	p0 =	seq.s32 s4, $0x1;
	s23 =	sshrl.u32 s9, $0x1  }
0xc: {  	s24 =	sshrl.u32 s10, $0x2;
	s28 =	sor.u32 $0x10, s13;
	s16 =	sadd.s32 s6, s13  }
0xd: {  	s18 =	sor.u32 $0x20, s13;
	s20 =	sor.u32 $0x30, s13;
	s10 =	simm.s32 $0x180  }
0xe: {  	s0 =	ssub.s32 s9, s23;
	s15 =	sadd.s32 s24, s2;
	[dreg:$0x7] =	wrdreg s16  }
0xf: {  	s17 =	sadd.s32 s6, s28;
	s4 =	sadd.s32 s7, s28;
	[dreg:$0x6] =	wrdreg s15  }
0x10: {  	s19 =	sadd.s32 s6, s18;
	s16 =	sadd.s32 s7, s18;
	[dreg:$0x8] =	wrdreg s17  }
0x11: {  	s21 =	sadd.s32 s6, s20;
	s28 =	smul.u32 $0x2800, s11;
	[dreg:$0x9] =	wrdreg s4  }
0x12: {  	s18 =	simm.s32 $0x4400;
	s9 =	sadd.s32 $0x4000, s15;
	[dreg:$0xa] =	wrdreg s19  }
0x13: {  	s26 =	sadd.s32 $0x8000, s15;
	s14 =	sadd.s32 $0xC000, s15;
	[dreg:$0xb] =	wrdreg s16  }
0x14: {  	s15 =	sadd.s32 $0x10000, s15;
	[dreg:$0xc] =	wrdreg s21;
	s4 =	sadd.s32 s7, s20  }
0x15: {  	s0 =	smax.u32 s0, $0x1;
	s16 =	simm.s32 $0x400;
	s17 =	simm.s32 $0x2  }
0x16: {  	s19 =	simm.s32 $0x5;
	s20 =	simm.s32 $0x3;
	[dreg:$0xd] =	wrdreg s4  }
0x17: {  	s21 =	simm.s32 $0x6;
	[dreg:$0xe] =	wrdreg s0;
	s22 =	sshrl.u32 s9, $0x3  }
0x18: {  	s23 =	sshrl.u32 s26, $0x3;
	s24 =	sshrl.u32 s14, $0x3;
	[dreg:$0x14] =	wrdreg s28  }
.Ltmp0:
0x19: {  	s25 =	sshrl.u32 s15, $0x3;
	[dreg:$0xf] =	wrdreg s22;
	(pc) =	sbr.rel .LBB2_1-.Ltmp0, $4  }
0x1a: {  	s26 =	sadd.s32 s7, s13;
	s0 =	simm.s32 $0x280;
	[dreg:$0x10] =	wrdreg s23  }
0x1b: {  	s4 =	simm.s32 $0x100;
	s9 =	simm.s32 $0x300;
	[dreg:$0x11] =	wrdreg s24  }
0x1c: {  	s14 =	simm.s32 $0x380;
	s15 =	simm.s32 $0x1;
	[dreg:$0x12] =	wrdreg s25  }
0x1d: {  	[dreg:$0x13] =	wrdreg s26;
	s22 =	simm.s32 $0x4;
	s23 =	simm.s32 $0x0  }
.LBB2_8:
0x1e: {  	s25 =	rddreg [dreg:$0x5]  }
.LBB2_9:
0x1f: {  	_ =	swait.ge [sflag:s21], $0x4000  }
0x20: {  	[sflag:s21] =	ssyncset.done $0x0  }
0x21: {  	[sflag:s21] =	ssyncadd.s32 $0xFFFFC000  }
0x22: {  	[spmem:s2] =	stream.indirect.scatter.add.f32 [tilespmem:s18], [sflag:$0x7], $0x80, s14, s31, $0xb8;
	[tilespmem:$0x1C400] =	vst v63  }
0x23: {  	_ =	swait.ge [sflag:s29], $0x4000  }
0x24: {  	[sflag:s29] =	ssyncset.done $0x0  }
0x25: {  	[sflag:s29] =	ssyncadd.s32 $0xFFFFC000  }
0x26: {  	s11 =	rddreg [dreg:$0x14];
	[bflag:$0x0] =	sbarrier.arrive $0xFFFF  }
0x27: {  	s11 =	sadd.s32 s25, s11;
	s24 =	rddreg [dreg:$0x15]  }
0x28: {  	[hbm:s11], [sflag:s12] =	dma.local [spmem:s24], $0x2800  }
0x29: {  	_ =	swait.ge [sflag:s29], $0x2800  }
0x2a: {  	s23 =	sadd.s32 $0x1, s23;
	s28 =	rddreg [dreg:$0xe]  }
0x2b: {  	p1 =	sne.s32 s23, s28  }
.Ltmp1:
0x2c: {  	_ = 	snop;
	(pc) =	sbr.rel @!p1 .LBB2_10-.Ltmp1, $3  }
0x2d: {  	_ =	sdelay $0x1  }
0x2e: {  	[sflag:s29] =	ssyncset.done $0x0  }
0x2f: {  	[sflag:s29] =	ssyncadd.s32 $0xFFFFD800  }
.LBB2_1:
0x30: {  	s11 =	rddreg [dreg:$0x6]  }
0x31: {  	s11 =	sshrl.u32 s11, $0x3  }
0x32: {  	[dreg:$0x15] =	wrdreg s11  }
0x33: {  	[spmem:s11], [sflag:s12] =	dma.local [hbm:s8], $0x800  }
0x34: {  	_ =	swait.ge [sflag:s29], $0x800  }
0x35: {  	[sflag:s29] =	ssyncset.done $0x0  }
0x36: {  	s24 =	rddreg [dreg:$0xf];
	[sflag:s29] =	ssyncadd.s32 $0xFFFFF800  }
0x37: {  	[spmem:s24], [sflag:s12] =	dma.local [hbm:s8], $0x800  }
0x38: {  	_ =	swait.ge [sflag:s29], $0x800  }
0x39: {  	[sflag:s29] =	ssyncset.done $0x0  }
0x3a: {  	s25 =	rddreg [dreg:$0x10];
	[sflag:s29] =	ssyncadd.s32 $0xFFFFF800  }
0x3b: {  	[spmem:s25], [sflag:s12] =	dma.local [hbm:s8], $0x800  }
0x3c: {  	_ =	swait.ge [sflag:s29], $0x800  }
0x3d: {  	[sflag:s29] =	ssyncset.done $0x0  }
0x3e: {  	s26 =	rddreg [dreg:$0x11];
	[sflag:s29] =	ssyncadd.s32 $0xFFFFF800  }
0x3f: {  	[spmem:s26], [sflag:s12] =	dma.local [hbm:s8], $0x800  }
0x40: {  	_ =	swait.ge [sflag:s29], $0x800  }
0x41: {  	[sflag:s29] =	ssyncset.done $0x0  }
0x42: {  	s28 =	rddreg [dreg:$0x12];
	[sflag:s29] =	ssyncadd.s32 $0xFFFFF800  }
0x43: {  	[spmem:s28], [sflag:s12] =	dma.local [hbm:s8], $0x800  }
0x44: {  	_ =	swait.ge [sflag:s29], $0x800  }
0x45: {  	[sflag:s29] =	ssyncset.done $0x0  }
0x46: {  	s24 =	rddreg [dreg:$0x7];
	[sflag:s29] =	ssyncadd.s32 $0xFFFFF800  }
0x47: {  	[tilespmem:s3], [sflag:$0x1] =	stream.linear.gather [hbm4b:s24+s3], $0x80, $0x38;
	[tilespmem:$0x1C400] =	vst v63  }
0x48: {  	s25 =	rddreg [dreg:$0x13]  }
0x49: {  	[tilespmem:s30], [sflag:$0x1] =	stream.linear.gather [hbm4b:s25+s3], $0x80, $0x38;
	[tilespmem:$0x1C400] =	vst v63  }
0x4a: {  	s26 =	rddreg [dreg:$0x8]  }
0x4b: {  	[tilespmem:s31], [sflag:$0x2] =	stream.linear.gather [hbm4b:s26+s3], $0x80, $0x38;
	[tilespmem:$0x1C400] =	vst v63  }
0x4c: {  	s28 =	rddreg [dreg:$0x9]  }
0x4d: {  	[tilespmem:s0], [sflag:$0x2] =	stream.linear.gather [hbm4b:s28+s3], $0x80, $0x38;
	[tilespmem:$0x1C400] =	vst v63  }
0x4e: {  	s24 =	rddreg [dreg:$0xa]  }
0x4f: {  	[tilespmem:s4], [sflag:$0x3] =	stream.linear.gather [hbm4b:s24+s3], $0x80, $0x38;
	[tilespmem:$0x1C400] =	vst v63  }
0x50: {  	s25 =	rddreg [dreg:$0xb]  }
0x51: {  	[tilespmem:s9], [sflag:$0x3] =	stream.linear.gather [hbm4b:s25+s3], $0x80, $0x38;
	[tilespmem:$0x1C400] =	vst v63  }
0x52: {  	s26 =	rddreg [dreg:$0xc]  }
0x53: {  	[tilespmem:s10], [sflag:$0x4] =	stream.linear.gather [hbm4b:s26+s3], $0x80, $0x38;
	[tilespmem:$0x1C400] =	vst v63  }
0x54: {  	s28 =	rddreg [dreg:$0xd]  }
0x55: {  	[tilespmem:s14], [sflag:$0x4] =	stream.linear.gather [hbm4b:s28+s3], $0x80, $0x38;
	[tilespmem:$0x1C400] =	vst v63  }
0x56: {  	_ =	swait.ge [sflag:s15], $0x80  }
.Ltmp2:
0x57: {  	[sflag:s15] =	ssyncset.done $0x0;
	(pc) =	sbr.rel @!p0 .LBB2_2-.Ltmp2, $4  }
0x58: {  	[sflag:s15] =	ssyncadd.s32 $0xFFFFFF80  }
0x59: {  	_ =	swait.ge [sflag:s15], $0x80  }
0x5a: {  	[sflag:s15] =	ssyncset.done $0x0  }
0x5b: {  	s25 =	simm.s32 $0x0;
	[sflag:s15] =	ssyncadd.s32 $0xFFFFFF80  }
0x5c: {  	[tilespmem:s16], [sflag:$0x5] =	stream.indirect.gather [hbm4b:s5+s31], $0x80, s25, s31, $0xb8;
	[tilespmem:$0x1C400] =	vst v63  }
0x5d: {  	_ =	swait.ge [sflag:s17], $0x80  }
0x5e: {  	[sflag:s17] =	ssyncset.done $0x0  }
0x5f: {  	[sflag:s17] =	ssyncadd.s32 $0xFFFFFF80  }
0x60: {  	_ =	swait.ge [sflag:s17], $0x80  }
0x61: {  	[sflag:s17] =	ssyncset.done $0x0  }
0x62: {  	[sflag:s17] =	ssyncadd.s32 $0xFFFFFF80  }
0x63: {  	[tilespmem:s18], [sflag:$0x6] =	stream.indirect.gather [hbm4b:s5+s31], $0x80, s31, s31, $0xb8;
	[tilespmem:$0x1C400] =	vst v63  }
0x64: {  	[bflag:$0x0] =	sbarrier.arrive $0xFFFF  }
.LBB2_7:
0x65: {  	_ =	swait.ge [sflag:s19], $0x4000;
	p1 =	seq.s32 s25, $0x9C0  }
0x66: {  	[sflag:s19] =	ssyncset.done $0x0;
	s11 =	sadd.s32 @!p1 s25, s13  }
0x67: {  	s24 =	sxor.u32 @!p1 $0xFFFFFFFF, s25;
	[sflag:s19] =	ssyncadd.s32 $0xFFFFC000;
	s11 =	sadd.s32 @!p1 $0x40, s11  }
0x68: {  	[spmem:s2] =	stream.indirect.scatter.add.f32 [tilespmem:s16], [sflag:$0x7], $0x80, s30, s31, $0xb8;
	[tilespmem:$0x1C400] =	vst v63  }
0x69: {  	s24 =	sand.u32 @!p1 $0x40, s24;
	s11 =	sand.u32 @!p1 $0x1FF80, s11;
	_ =	swait.ge [sflag:s29], $0x4000  }
0x6a: {  	s11 =	sor.u32 @!p1 s24, s11;
	[sflag:s29] =	ssyncset.done $0x0  }
0x6b: {  	s26 =	simm.s32 @!p1 $0x0;
	s24 =	sadd.s32 @!p1 s6, s11;
	[sflag:s29] =	ssyncadd.s32 $0xFFFFC000  }
0x6c: {  	[tilespmem:s26], [sflag:$0x1] =	stream.linear.gather @!p1 [hbm4b:s24+s26], $0x80, $0x38;
	[tilespmem:$0x1C400] =	vst v63  }
0x6d: {  	s11 =	sadd.s32 @!p1 s7, s11;
	s24 =	simm.s32 @!p1 $0x200  }
0x6e: {  	[tilespmem:s24], [sflag:$0x1] =	stream.linear.gather @!p1 [hbm4b:s11+s26], $0x80, $0x38;
	[tilespmem:$0x1C400] =	vst v63  }
0x6f: {  	_ =	swait.ge [sflag:s20], $0x80  }
0x70: {  	[sflag:s20] =	ssyncset.done $0x0  }
0x71: {  	[sflag:s20] =	ssyncadd.s32 $0xFFFFFF80  }
0x72: {  	_ =	swait.ge [sflag:s20], $0x80  }
0x73: {  	[sflag:s20] =	ssyncset.done $0x0  }
0x74: {  	[sflag:s20] =	ssyncadd.s32 $0xFFFFFF80  }
0x75: {  	[tilespmem:s16], [sflag:$0x5] =	stream.indirect.gather [hbm4b:s5+s31], $0x80, s4, s31, $0xb8;
	[tilespmem:$0x1C400] =	vst v63  }
0x76: {  	_ =	swait.ge [sflag:s21], $0x4000  }
0x77: {  	s11 =	sadd.s32 @!p1 $0x50, s25;
	[sflag:s21] =	ssyncset.done $0x0  }
0x78: {  	s24 =	sadd.s32 @!p1 s13, s11;
	[sflag:s21] =	ssyncadd.s32 $0xFFFFC000  }
0x79: {  	[spmem:s2] =	stream.indirect.scatter.add.f32 [tilespmem:s18], [sflag:$0x7], $0x80, s0, s31, $0xb8;
	[tilespmem:$0x1C400] =	vst v63  }
0x7a: {  	s11 =	sand.u32 @!p1 $0x50, s11;
	s24 =	sand.u32 @!p1 $0x1FF80, s24;
	_ =	swait.ge [sflag:s29], $0x4000  }
0x7b: {  	s11 =	sor.u32 @!p1 s11, s24;
	[sflag:s29] =	ssyncset.done $0x0  }
0x7c: {  	s28 =	simm.s32 @!p1 $0x80;
	s24 =	sadd.s32 @!p1 s6, s11;
	[sflag:s29] =	ssyncadd.s32 $0xFFFFC000  }
0x7d: {  	[tilespmem:s28], [sflag:$0x2] =	stream.linear.gather @!p1 [hbm4b:s24+s26], $0x80, $0x38;
	[tilespmem:$0x1C400] =	vst v63  }
0x7e: {  	s11 =	sadd.s32 @!p1 s7, s11;
	s24 =	simm.s32 @!p1 $0x280  }
0x7f: {  	[tilespmem:s24], [sflag:$0x2] =	stream.linear.gather @!p1 [hbm4b:s11+s26], $0x80, $0x38;
	[tilespmem:$0x1C400] =	vst v63  }
0x80: {  	_ =	swait.ge [sflag:s22], $0x80  }
0x81: {  	[sflag:s22] =	ssyncset.done $0x0  }
0x82: {  	[sflag:s22] =	ssyncadd.s32 $0xFFFFFF80  }
0x83: {  	_ =	swait.ge [sflag:s22], $0x80  }
0x84: {  	[sflag:s22] =	ssyncset.done $0x0  }
0x85: {  	[sflag:s22] =	ssyncadd.s32 $0xFFFFFF80  }
0x86: {  	[tilespmem:s18], [sflag:$0x6] =	stream.indirect.gather [hbm4b:s5+s31], $0x80, s10, s31, $0xb8;
	[tilespmem:$0x1C400] =	vst v63  }
0x87: {  	_ =	swait.ge [sflag:s19], $0x4000  }
0x88: {  	[sflag:s19] =	ssyncset.done $0x0  }
.Ltmp3:
0x89: {  	[sflag:s19] =	ssyncadd.s32 $0xFFFFC000;
	(pc) =	sbr.rel @p1 .LBB2_8-.Ltmp3, $4  }
0x8a: {  	[spmem:s2] =	stream.indirect.scatter.add.f32 [tilespmem:s16], [sflag:$0x7], $0x80, s9, s31, $0xb8;
	[tilespmem:$0x1C400] =	vst v63  }
0x8b: {  	_ =	swait.ge [sflag:s29], $0x4000  }
0x8c: {  	[sflag:s29] =	ssyncset.done $0x0  }
0x8d: {  	[sflag:s29] =	ssyncadd.s32 $0xFFFFC000  }
0x8e: {  	s11 =	sadd.s32 s25, s13  }
0x8f: {  	s26 =	sadd.s32 $0x60, s25;
	s24 =	sadd.s32 $0x60, s11  }
0x90: {  	s26 =	sand.u32 $0x60, s26;
	s24 =	sand.u32 $0x1FF80, s24  }
0x91: {  	s24 =	sor.u32 s26, s24  }
0x92: {  	s26 =	sadd.s32 s6, s24  }
0x93: {  	[tilespmem:s4], [sflag:$0x3] =	stream.linear.gather [hbm4b:s26+s3], $0x80, $0x38;
	[tilespmem:$0x1C400] =	vst v63  }
0x94: {  	s24 =	sadd.s32 s7, s24  }
0x95: {  	[tilespmem:s9], [sflag:$0x3] =	stream.linear.gather [hbm4b:s24+s3], $0x80, $0x38;
	[tilespmem:$0x1C400] =	vst v63  }
0x96: {  	_ =	swait.ge [sflag:s15], $0x80  }
0x97: {  	[sflag:s15] =	ssyncset.done $0x0  }
0x98: {  	[sflag:s15] =	ssyncadd.s32 $0xFFFFFF80  }
0x99: {  	_ =	swait.ge [sflag:s15], $0x80  }
0x9a: {  	[sflag:s15] =	ssyncset.done $0x0  }
0x9b: {  	[sflag:s15] =	ssyncadd.s32 $0xFFFFFF80  }
0x9c: {  	[tilespmem:s16], [sflag:$0x5] =	stream.indirect.gather [hbm4b:s5+s31], $0x80, s3, s31, $0xb8;
	[tilespmem:$0x1C400] =	vst v63  }
0x9d: {  	_ =	swait.ge [sflag:s21], $0x4000  }
0x9e: {  	[sflag:s21] =	ssyncset.done $0x0  }
0x9f: {  	s28 =	sadd.s32 $0x70, s25;
	s11 =	sadd.s32 $0x70, s11;
	[sflag:s21] =	ssyncadd.s32 $0xFFFFC000  }
0xa0: {  	[spmem:s2] =	stream.indirect.scatter.add.f32 [tilespmem:s18], [sflag:$0x7], $0x80, s14, s31, $0xb8;
	[tilespmem:$0x1C400] =	vst v63  }
0xa1: {  	s11 =	sand.u32 $0x1FF80, s11;
	s24 =	sand.u32 $0x70, s28;
	_ =	swait.ge [sflag:s29], $0x4000  }
0xa2: {  	s11 =	sor.u32 s24, s11;
	[sflag:s29] =	ssyncset.done $0x0  }
0xa3: {  	s24 =	sadd.s32 s6, s11;
	[sflag:s29] =	ssyncadd.s32 $0xFFFFC000  }
0xa4: {  	[tilespmem:s10], [sflag:$0x4] =	stream.linear.gather [hbm4b:s24+s3], $0x80, $0x38;
	[tilespmem:$0x1C400] =	vst v63  }
0xa5: {  	s11 =	sadd.s32 s7, s11  }
0xa6: {  	[tilespmem:s14], [sflag:$0x4] =	stream.linear.gather [hbm4b:s11+s3], $0x80, $0x38;
	[tilespmem:$0x1C400] =	vst v63  }
0xa7: {  	_ =	swait.ge [sflag:s17], $0x80  }
0xa8: {  	[sflag:s17] =	ssyncset.done $0x0  }
.Ltmp4:
0xa9: {  	[sflag:s17] =	ssyncadd.s32 $0xFFFFFF80;
	(pc) =	sbr.rel .LBB2_7-.Ltmp4, $4  }
0xaa: {  	_ =	swait.ge [sflag:s17], $0x80  }
0xab: {  	[sflag:s17] =	ssyncset.done $0x0  }
0xac: {  	s25 =	sadd.s32 $0x40, s25;
	[sflag:s17] =	ssyncadd.s32 $0xFFFFFF80  }
0xad: {  	[tilespmem:s18], [sflag:$0x6] =	stream.indirect.gather [hbm4b:s5+s31], $0x80, s31, s31, $0xb8;
	[tilespmem:$0x1C400] =	vst v63  }
.LBB2_2:
0xae: {  	[tilespmem:s16], [sflag:$0x5] =	stream.indirect.gather [hbm4b:s1+s31], $0x80, s25, s31, $0xb8;
	[tilespmem:$0x1C400] =	vst v63  }
0xaf: {  	_ =	swait.ge [sflag:s17], $0x80  }
0xb0: {  	[sflag:s17] =	ssyncset.done $0x0  }
0xb1: {  	[sflag:s17] =	ssyncadd.s32 $0xFFFFFF80  }
0xb2: {  	_ =	swait.ge [sflag:s17], $0x80  }
0xb3: {  	[sflag:s17] =	ssyncset.done $0x0  }
0xb4: {  	[sflag:s17] =	ssyncadd.s32 $0xFFFFFF80  }
0xb5: {  	[tilespmem:s18], [sflag:$0x6] =	stream.indirect.gather [hbm4b:s1+s31], $0x80, s31, s31, $0xb8;
	[tilespmem:$0x1C400] =	vst v63  }
0xb6: {  	[bflag:$0x0] =	sbarrier.arrive $0xFFFF  }
.LBB2_3:
0xb7: {  	_ =	swait.ge [sflag:s19], $0x4000;
	p1 =	seq.s32 s25, $0x9C0  }
0xb8: {  	[sflag:s19] =	ssyncset.done $0x0;
	s26 =	sadd.s32 @!p1 s25, s13  }
0xb9: {  	s28 =	sxor.u32 @!p1 $0xFFFFFFFF, s25;
	[sflag:s19] =	ssyncadd.s32 $0xFFFFC000;
	s26 =	sadd.s32 @!p1 $0x40, s26  }
0xba: {  	[spmem:s2] =	stream.indirect.scatter.add.f32 [tilespmem:s16], [sflag:$0x7], $0x80, s30, s31, $0xb8;
	[tilespmem:$0x1C400] =	vst v63  }
0xbb: {  	s28 =	sand.u32 @!p1 $0x40, s28;
	s26 =	sand.u32 @!p1 $0x1FF80, s26;
	_ =	swait.ge [sflag:s29], $0x4000  }
0xbc: {  	s26 =	sor.u32 @!p1 s28, s26;
	[sflag:s29] =	ssyncset.done $0x0  }
0xbd: {  	s11 =	simm.s32 @!p1 $0x0;
	s28 =	sadd.s32 @!p1 s6, s26;
	[sflag:s29] =	ssyncadd.s32 $0xFFFFC000  }
0xbe: {  	[tilespmem:s11], [sflag:$0x1] =	stream.linear.gather @!p1 [hbm4b:s28+s11], $0x80, $0x38;
	[tilespmem:$0x1C400] =	vst v63  }
0xbf: {  	s26 =	sadd.s32 @!p1 s7, s26;
	s28 =	simm.s32 @!p1 $0x200  }
0xc0: {  	[tilespmem:s28], [sflag:$0x1] =	stream.linear.gather @!p1 [hbm4b:s26+s11], $0x80, $0x38;
	[tilespmem:$0x1C400] =	vst v63  }
0xc1: {  	_ =	swait.ge [sflag:s20], $0x80  }
0xc2: {  	[sflag:s20] =	ssyncset.done $0x0  }
0xc3: {  	[sflag:s20] =	ssyncadd.s32 $0xFFFFFF80  }
0xc4: {  	_ =	swait.ge [sflag:s20], $0x80  }
0xc5: {  	[sflag:s20] =	ssyncset.done $0x0  }
0xc6: {  	[sflag:s20] =	ssyncadd.s32 $0xFFFFFF80  }
0xc7: {  	[tilespmem:s16], [sflag:$0x5] =	stream.indirect.gather [hbm4b:s1+s31], $0x80, s4, s31, $0xb8;
	[tilespmem:$0x1C400] =	vst v63  }
0xc8: {  	_ =	swait.ge [sflag:s21], $0x4000  }
0xc9: {  	s26 =	sadd.s32 @!p1 $0x50, s25;
	[sflag:s21] =	ssyncset.done $0x0  }
0xca: {  	s28 =	sadd.s32 @!p1 s13, s26;
	[sflag:s21] =	ssyncadd.s32 $0xFFFFC000  }
0xcb: {  	[spmem:s2] =	stream.indirect.scatter.add.f32 [tilespmem:s18], [sflag:$0x7], $0x80, s0, s31, $0xb8;
	[tilespmem:$0x1C400] =	vst v63  }
0xcc: {  	s26 =	sand.u32 @!p1 $0x50, s26;
	s28 =	sand.u32 @!p1 $0x1FF80, s28;
	_ =	swait.ge [sflag:s29], $0x4000  }
0xcd: {  	s26 =	sor.u32 @!p1 s26, s28;
	[sflag:s29] =	ssyncset.done $0x0  }
0xce: {  	s24 =	simm.s32 @!p1 $0x80;
	s28 =	sadd.s32 @!p1 s6, s26;
	[sflag:s29] =	ssyncadd.s32 $0xFFFFC000  }
0xcf: {  	[tilespmem:s24], [sflag:$0x2] =	stream.linear.gather @!p1 [hbm4b:s28+s11], $0x80, $0x38;
	[tilespmem:$0x1C400] =	vst v63  }
0xd0: {  	s24 =	sadd.s32 @!p1 s7, s26;
	s26 =	simm.s32 @!p1 $0x280  }
0xd1: {  	[tilespmem:s26], [sflag:$0x2] =	stream.linear.gather @!p1 [hbm4b:s24+s11], $0x80, $0x38;
	[tilespmem:$0x1C400] =	vst v63  }
0xd2: {  	_ =	swait.ge [sflag:s22], $0x80  }
0xd3: {  	[sflag:s22] =	ssyncset.done $0x0  }
0xd4: {  	[sflag:s22] =	ssyncadd.s32 $0xFFFFFF80  }
0xd5: {  	_ =	swait.ge [sflag:s22], $0x80  }
0xd6: {  	[sflag:s22] =	ssyncset.done $0x0  }
0xd7: {  	[sflag:s22] =	ssyncadd.s32 $0xFFFFFF80  }
0xd8: {  	[tilespmem:s18], [sflag:$0x6] =	stream.indirect.gather [hbm4b:s1+s31], $0x80, s10, s31, $0xb8;
	[tilespmem:$0x1C400] =	vst v63  }
0xd9: {  	_ =	swait.ge [sflag:s19], $0x4000  }
0xda: {  	[sflag:s19] =	ssyncset.done $0x0  }
.Ltmp5:
0xdb: {  	[sflag:s19] =	ssyncadd.s32 $0xFFFFC000;
	(pc) =	sbr.rel @p1 .LBB2_4-.Ltmp5, $4  }
0xdc: {  	[spmem:s2] =	stream.indirect.scatter.add.f32 [tilespmem:s16], [sflag:$0x7], $0x80, s9, s31, $0xb8;
	[tilespmem:$0x1C400] =	vst v63  }
0xdd: {  	_ =	swait.ge [sflag:s29], $0x4000  }
0xde: {  	[sflag:s29] =	ssyncset.done $0x0  }
0xdf: {  	[sflag:s29] =	ssyncadd.s32 $0xFFFFC000  }
0xe0: {  	s11 =	sadd.s32 s25, s13  }
0xe1: {  	s26 =	sadd.s32 $0x60, s25;
	s24 =	sadd.s32 $0x60, s11  }
0xe2: {  	s26 =	sand.u32 $0x60, s26;
	s24 =	sand.u32 $0x1FF80, s24  }
0xe3: {  	s24 =	sor.u32 s26, s24  }
0xe4: {  	s26 =	sadd.s32 s6, s24  }
0xe5: {  	[tilespmem:s4], [sflag:$0x3] =	stream.linear.gather [hbm4b:s26+s3], $0x80, $0x38;
	[tilespmem:$0x1C400] =	vst v63  }
0xe6: {  	s24 =	sadd.s32 s7, s24  }
0xe7: {  	[tilespmem:s9], [sflag:$0x3] =	stream.linear.gather [hbm4b:s24+s3], $0x80, $0x38;
	[tilespmem:$0x1C400] =	vst v63  }
0xe8: {  	_ =	swait.ge [sflag:s15], $0x80  }
0xe9: {  	[sflag:s15] =	ssyncset.done $0x0  }
0xea: {  	[sflag:s15] =	ssyncadd.s32 $0xFFFFFF80  }
0xeb: {  	_ =	swait.ge [sflag:s15], $0x80  }
0xec: {  	[sflag:s15] =	ssyncset.done $0x0  }
0xed: {  	[sflag:s15] =	ssyncadd.s32 $0xFFFFFF80  }
0xee: {  	[tilespmem:s16], [sflag:$0x5] =	stream.indirect.gather [hbm4b:s1+s31], $0x80, s3, s31, $0xb8;
	[tilespmem:$0x1C400] =	vst v63  }
0xef: {  	_ =	swait.ge [sflag:s21], $0x4000  }
0xf0: {  	[sflag:s21] =	ssyncset.done $0x0  }
0xf1: {  	s28 =	sadd.s32 $0x70, s25;
	s11 =	sadd.s32 $0x70, s11;
	[sflag:s21] =	ssyncadd.s32 $0xFFFFC000  }
0xf2: {  	[spmem:s2] =	stream.indirect.scatter.add.f32 [tilespmem:s18], [sflag:$0x7], $0x80, s14, s31, $0xb8;
	[tilespmem:$0x1C400] =	vst v63  }
0xf3: {  	s11 =	sand.u32 $0x1FF80, s11;
	s24 =	sand.u32 $0x70, s28;
	_ =	swait.ge [sflag:s29], $0x4000  }
0xf4: {  	s11 =	sor.u32 s24, s11;
	[sflag:s29] =	ssyncset.done $0x0  }
0xf5: {  	s24 =	sadd.s32 s6, s11;
	[sflag:s29] =	ssyncadd.s32 $0xFFFFC000  }
0xf6: {  	[tilespmem:s10], [sflag:$0x4] =	stream.linear.gather [hbm4b:s24+s3], $0x80, $0x38;
	[tilespmem:$0x1C400] =	vst v63  }
0xf7: {  	s11 =	sadd.s32 s7, s11  }
0xf8: {  	[tilespmem:s14], [sflag:$0x4] =	stream.linear.gather [hbm4b:s11+s3], $0x80, $0x38;
	[tilespmem:$0x1C400] =	vst v63  }
0xf9: {  	_ =	swait.ge [sflag:s17], $0x80  }
0xfa: {  	[sflag:s17] =	ssyncset.done $0x0  }
.Ltmp6:
0xfb: {  	[sflag:s17] =	ssyncadd.s32 $0xFFFFFF80;
	(pc) =	sbr.rel .LBB2_3-.Ltmp6, $4  }
0xfc: {  	_ =	swait.ge [sflag:s17], $0x80  }
0xfd: {  	[sflag:s17] =	ssyncset.done $0x0  }
0xfe: {  	s25 =	sadd.s32 $0x40, s25;
	[sflag:s17] =	ssyncadd.s32 $0xFFFFFF80  }
0xff: {  	[tilespmem:s18], [sflag:$0x6] =	stream.indirect.gather [hbm4b:s1+s31], $0x80, s31, s31, $0xb8;
	[tilespmem:$0x1C400] =	vst v63  }
.LBB2_4:
.Ltmp7:
0x100: {  	(pc) =	sbr.rel .LBB2_9-.Ltmp7, $2  }
0x101: {  	_ =	sdelay $0x2  }
0x102: {  	s25 =	rddreg [dreg:$0x4]  }
.LBB2_10:
0x103: {  	_ =	sfence.sel $0x180000  }
0x104: {  	[bflag:$0x0] =	sbarrier.arrive $0xFFFF  }
0x105: {  	_ =	strace $0x9000004A  }
0x106: {  	s0 =	stileid.u32;
	[bflag:$0x2] =	sbarrier.arrive $0xFFFF  }
0x107: {  	p0 =	sne.s32 s0, $0x0;
	s0 =	rddreg [dreg:$0x3]  }
0x108: {  	s0 =	sadd.s32 @!p0 $0x100000, s0  }
0x109: {  	[sflag:s0] =	ssyncadd.tile.s32 @!p0 $0x1;
	_ =	shalt  }
.Lfunc_end2:
_tile_overlayer_lowered:
.L_overlay_start_2:
0x10a: {  	(tag) =	ssettag $0x2  }
0x10b: {  	s0 =	rddreg [dreg:$0x0];
	s2 =	stileid.u32  }
0x10c: {  	s1 =	rddreg [dreg:$0x1];
	p0 =	sne.s32 s2, $0x0  }
0x10d: {  	s3 =	rddreg [dreg:$0x2];
	[bflag:$0x3] =	sbarrier.arrive $0xFFFF;
	s2 =	simm.s32 @!p0 $0x1C07  }
0x10e: {  	[timem:s3], [sflag:s2] =	dma.local @!p0 [hbm:s0], s1  }
0x10f: {  	s0 =	simm.s32 @!p0 $0x7  }
0x110: {  	_ =	swait.ge @!p0 [sflag:s0], s1  }
0x111: {  	s1 =	ssub.s32 @!p0 $0x0, s1;
	[sflag:s0] =	ssyncset.done @!p0 $0x0  }
0x112: {  	[sflag:s0] =	ssyncadd.s32 @!p0 s1  }
0x113: {  	[bflag:$0x3] =	sbarrier.arrive $0xFFFF  }
0x114: {  	_ =	shalt  }

// kernel: kernel.7.cloned.1.call-start
scs
__scs_entry_jumppad:
0x0: {  	(pc) =	sbr.rel $0x88, $3  }
0x1: {  	(tag) =	ssettag $0x0;
	lr =	simm.s32 $0x1  }
0x2: {  	[smem:$0x3F93] =	sst lr;
	_ =	strace $0xD0000000  }
0x3: {  	_ = 	snop  }
0x4: {  	_ = 	snop  }
0x5: {  	_ = 	snop  }
0x6: {  	_ = 	snop  }
0x7: {  	_ = 	snop  }
__scs_overlays_trampoline_lowered:
0x8: {  	[smem:$0x3FA2] =	sst s0  }
0x9: {  	[smem:$0x3FA3] =	sst s1  }
0xa: {  	[smem:$0x3FA4] =	sst s2  }
0xb: {  	[smem:$0x3FA5] =	sst s3  }
0xc: {  	[smem:$0x3FA6] =	sst s4  }
0xd: {  	[smem:$0x3FA7] =	sst s5  }
0xe: {  	[smem:$0x3FA8] =	sst s6  }
0xf: {  	[smem:$0x3FA9] =	sst s7  }
0x10: {  	[smem:$0x3FAA] =	sst s8  }
0x11: {  	[smem:$0x3FAB] =	sst s9;
	s0 =	simm.s32 @!p0 $0x0  }
0x12: {  	s1 =	sld [smem:$0x3F91];
	s0 =	simm.s32 @p0 $0x1  }
0x13: {  	[smem:$0x3FAC] =	sst s0;
	s0 =	simm.s32 @!p1 $0x0  }
0x14: {  	s2 =	sld [smem:$0x3F90];
	s0 =	simm.s32 @p1 $0x1  }
0x15: {  	[smem:$0x3FAD] =	sst s0;
	s0 =	simm.s32 @!p2 $0x0  }
0x16: {  	s3 =	sld [smem:$0x3FDB];
	s0 =	simm.s32 @p2 $0x1  }
0x17: {  	s4 =	simm.s32 $0x1BF5;
	[smem:$0x3FAF] =	sst s0  }
0x18: {  	s0 =	sld [smem:$0x3F92];
	_ =	swait.ge [sflag:s4], $0x0  }
0x19: {  	s7 =	sld [smem:$0x3F93]  }
0x1a: {  	s8 =	sadd.s32 $0xFFFFE003, lr  }
0x1b: {  	s9 =	sadd.s32 $0xFFFFFEF7, lr;
	s5 =	simm.s32 $0xFFFFFFFF;
	p2 =	slt.u32 s8, $0xFFFFF086  }
0x1c: {  	p1 =	slt.u32 s9, $0xF7A;
	s5 =	simm.s32 @!p2 $0x0  }
0x1d: {  	s5 =	simm.s32 @p1 $0x1;
	p0 =	seq.s32 s7, s2  }
0x1e: {  	s7 =	smul.u32 @!p0 $0xF7A, s2;
	p2 =	seq.s32 @!p0 s5, $0x0  }
0x1f: {  	s9 =	smul.u32 $0xF7A, s1;
	s8 =	simm.s32 @!p0 $0x1BF5;
	p2 =	por !p2, p0  }
0x20: {  	[sflag:s8] =	ssyncset.s32 @!p0 $0xFFFFF086;
	s6 =	sadd.s32 @!p0 s3, s7;
	s7 =	simm.s32 @!p0 $0x108  }
0x21: {  	s3 =	sadd.s32 s3, s9;
	s6 =	sadd.s32 @!p0 $0x88, s6;
	s7 =	simm.s32 @p2 $0x1082  }
0x22: {  	[simem:s7], [sflag:s8] =	dma.local @!p0 [hbm:s6], $0xF7A  }
0x23: {  	s9 =	sor.u32 $0xD0000000, s2;
	s6 =	simm.s32 $0x108;
	_ =	swait.ge @!p0 [sflag:s8], $0x0  }
0x24: {  	s3 =	sadd.s32 $0x88, s3;
	s6 =	simm.s32 @!p1 $0x1082;
	[sflag:s4] =	ssyncset.s32 $0xFFFFF086  }
0x25: {  	[simem:s6], [sflag:s4] =	dma.local [hbm:s3], $0xF7A  }
0x26: {  	[smem:$0x3F93] =	sst s1;
	(tag) =	ssettag s2;
	_ =	strace s9  }
0x27: {  	s1 =	sld [smem:$0x3FA3]  }
0x28: {  	s2 =	sld [smem:$0x3FA4]  }
0x29: {  	s4 =	sld [smem:$0x3FA6]  }
0x2a: {  	p0 =	seq.s32 s5, $0x0;
	s5 =	sld [smem:$0x3FA7]  }
0x2b: {  	s6 =	sld [smem:$0x3FA8]  }
0x2c: {  	s7 =	sld [smem:$0x3FA9]  }
0x2d: {  	s3 =	simm.s32 $0x108;
	s8 =	sld [smem:$0x3FAA]  }
0x2e: {  	s3 =	simm.s32 @!p0 $0x1082;
	s9 =	sld [smem:$0x3FAB]  }
0x2f: {  	lr =	sadd.s32 s0, s3;
	s0 =	sld [smem:$0x3FA2]  }
0x30: {  	s3 =	sld [smem:$0x3FA5]  }
0x31: {  	[smem:$0x3FAE] =	sst s10  }
0x32: {  	s10 =	sld [smem:$0x3FAC];
	_ =	sdelay $0x3  }
0x33: {  	p0 =	seq.s32 s10, $0x1;
	s10 =	sld [smem:$0x3FAE];
	_ =	sdelay $0x3  }
0x34: {  	[smem:$0x3FAE] =	sst s10  }
0x35: {  	s10 =	sld [smem:$0x3FAD];
	_ =	sdelay $0x3  }
0x36: {  	p1 =	seq.s32 s10, $0x1;
	s10 =	sld [smem:$0x3FAE];
	_ =	sdelay $0x3  }
0x37: {  	[smem:$0x3FAE] =	sst s10  }
0x38: {  	s10 =	sld [smem:$0x3FAF]  }
0x39: {  	_ = 	snop;
	(pc) =	sbr.ind lr, $3  }
0x3a: {  	_ = 	snop  }
0x3b: {  	_ = 	snop  }
0x3c: {  	p2 =	seq.s32 s10, $0x1;
	s10 =	sld [smem:$0x3FAE]  }
0x3d: {  	_ =	shalt  }
0x3e: {  	_ =	shalt  }
0x3f: {  	_ =	shalt  }
0x40: {  	_ =	shalt  }
0x41: {  	_ =	shalt  }
0x42: {  	_ =	shalt  }
0x43: {  	_ =	shalt  }
0x44: {  	_ =	shalt  }
0x45: {  	_ =	shalt  }
0x46: {  	_ =	shalt  }
0x47: {  	_ =	shalt  }
0x48: {  	_ =	shalt  }
0x49: {  	_ =	shalt  }
0x4a: {  	_ =	shalt  }
0x4b: {  	_ =	shalt  }
0x4c: {  	_ =	shalt  }
0x4d: {  	_ =	shalt  }
0x4e: {  	_ =	shalt  }
0x4f: {  	_ =	shalt  }
0x50: {  	_ =	shalt  }
0x51: {  	_ =	shalt  }
0x52: {  	_ =	shalt  }
0x53: {  	_ =	shalt  }
0x54: {  	_ =	shalt  }
0x55: {  	_ =	shalt  }
0x56: {  	_ =	shalt  }
0x57: {  	_ =	shalt  }
0x58: {  	_ =	shalt  }
0x59: {  	_ =	shalt  }
0x5a: {  	_ =	shalt  }
0x5b: {  	_ =	shalt  }
0x5c: {  	_ =	shalt  }
0x5d: {  	_ =	shalt  }
0x5e: {  	_ =	shalt  }
0x5f: {  	_ =	shalt  }
0x60: {  	_ =	shalt  }
0x61: {  	_ =	shalt  }
0x62: {  	_ =	shalt  }
0x63: {  	_ =	shalt  }
0x64: {  	_ =	shalt  }
0x65: {  	_ =	shalt  }
0x66: {  	_ =	shalt  }
0x67: {  	_ =	shalt  }
0x68: {  	_ =	shalt  }
0x69: {  	_ =	shalt  }
0x6a: {  	_ =	shalt  }
0x6b: {  	_ =	shalt  }
0x6c: {  	_ =	shalt  }
0x6d: {  	_ =	shalt  }
0x6e: {  	_ =	shalt  }
0x6f: {  	_ =	shalt  }
0x70: {  	_ =	shalt  }
0x71: {  	_ =	shalt  }
0x72: {  	_ =	shalt  }
0x73: {  	_ =	shalt  }
0x74: {  	_ =	shalt  }
0x75: {  	_ =	shalt  }
0x76: {  	_ =	shalt  }
0x77: {  	_ =	shalt  }
0x78: {  	_ =	shalt  }
0x79: {  	_ =	shalt  }
0x7a: {  	_ =	shalt  }
0x7b: {  	_ =	shalt  }
0x7c: {  	_ =	shalt  }
0x7d: {  	_ =	shalt  }
0x7e: {  	_ =	shalt  }
0x7f: {  	_ =	shalt  }
0x80: {  	_ =	shalt  }
0x81: {  	_ =	shalt  }
0x82: {  	_ =	shalt  }
0x83: {  	_ =	shalt  }
0x84: {  	_ =	shalt  }
0x85: {  	_ =	shalt  }
0x86: {  	_ =	shalt  }
0x87: {  	_ =	shalt  }
.Lfunc_end0:
.L_simem_size_0:
called_computation_lowered:
.L_overlay_start_0:
0x88: {  	s2 =	sld [smem:$0x3FD9]  }
0x89: {  	s3 =	sld [smem:$0x3FFE];
	_ =	sdelay $0x1  }
0x8a: {  	s1 =	srdreg.scid  }
0x8b: {  	s0 =	sand.u32 $0x1, s1  }
0x8c: {  	s17 =	sshll.u32 s0, $0xA;
	s2 =	sadd.s32 s3, s2  }
0x8d: {  	s2 =	sadd.s32 s2, s17  }
0x8e: {  	[smem:$0x3FBA] =	sst s2  }
0x8f: {  	_ = 	snop  }
0x90: {  	s2 =	sld [smem:$0x3FD0];
	(tm) =	ssettm $0x1  }
0x91: {  	s18 =	sld [smem:$0x3FFB];
	_ =	sdelay $0x3  }
0x92: {  	_ =	strace s18  }
0x93: {  	s3 =	sld [smem:$0x3FFC];
	_ =	sdelay $0x3  }
0x94: {  	_ =	strace s3  }
0x95: {  	s3 =	sld [smem:$0x3FFD];
	_ =	sdelay $0x3  }
0x96: {  	_ =	strace s3  }
0x97: {  	_ =	strace $0x8FFFFFFF  }
0x98: {  	s19 =	sld [smem:$0x3FDB];
	_ =	sdelay $0x1  }
0x99: {  	s4 =	simm.s32 $_scs_section_size  }
0x9a: {  	s5 =	simm.s32 $_size__tile_overlayer_lowered;
	s6 =	simm.s32 $_tile_overlayer_lowered  }
0x9b: {  	s22 =	simm.s32 $0x1BFF;
	s21 =	sshll.u32 s6, $0x1;
	s3 =	sadd.s32 s4, s19  }
0x9c: {  	s7 =	simm.s32 $0x0;
	s20 =	sshll.u32 s5, $0x1;
	s5 =	sadd.s32 s21, s3  }
0x9d: {  	[timem:s7], [sflag:s22] =	dma.local [hbm:s5], s20  }
0x9e: {  	_ =	swait.ge [sflag:s22], s20  }
0x9f: {  	s4 =	ssub.s32 $0x0, s20;
	[sflag:s22] =	ssyncset.done $0x0  }
0xa0: {  	[sflag:s22] =	ssyncadd.s32 s4;
	_ =	sdelay $0x1  }
0xa1: {  	s23 =	simm.s32 $0x1B8B  }
0xa2: {  	_ =	swait.ge [sflag:s23], $0x1  }
0xa3: {  	[sflag:s23] =	ssyncset.done $0x0  }
0xa4: {  	s25 =	simm.s32 $0x1B8E;
	s24 =	sld [smem:$0x3FFE];
	[sflag:s23] =	ssyncadd.s32 $0xFFFFFFFF  }
0xa5: {  	s26 =	simm.s32 $execute0_lowered;
	[smem:$0x3FD2] =	sst s25  }
0xa6: {  	s5 =	sshll.u32 s26, $0x1;
	_ =	strace $0x80000046;
	[dreg:$0x1] =	wrdreg $0xFFFFFFFF  }
0xa7: {  	s28 =	simm.s32 $_size_execute0_lowered;
	s3 =	sadd.s32 s3, s5;
	[dreg:$0x0] =	wrdreg $0x0  }
0xa8: {  	s5 =	sshll.u32 s28, $0x1;
	[dreg:$0x2] =	wrdreg s3  }
0xa9: {  	[dreg:$0x3] =	wrdreg s5  }
0xaa: {  	[dreg:$0x4] =	wrdreg $0xC0  }
0xab: {  	_ =	task [dreg:s7], $0x5FFFF  }
0xac: {  	[dreg:$0x1] =	wrdreg $0xFFFFFFFF  }
0xad: {  	[dreg:$0x0] =	wrdreg $0x60  }
0xae: {  	[dreg:$0x2] =	wrdreg s2  }
0xaf: {  	[dreg:$0x3] =	wrdreg s24  }
0xb0: {  	[dreg:$0x4] =	wrdreg $0x84000  }
0xb1: {  	[dreg:$0x5] =	wrdreg $0x9  }
0xb2: {  	_ =	task.clear_ibuf [dreg:s7], $0x6FFFF;
	_ =	strace $0x90000046  }
0xb3: {  	s29 =	simm.s32 $0x9;
	_ =	strace $0x80000048  }
0xb4: {  	_ =	swait.ge [sflag:s29], $0x1  }
0xb5: {  	[sflag:s29] =	ssyncadd.s32 $0xFFFFFFFF  }
0xb6: {  	_ =	strace $0x90000048  }
0xb7: {  	_ =	sfence  }
0xb8: {  	s30 =	sld [smem:$0x0];
	_ =	sdelay $0x2  }
0xb9: {  	s31 =	sshll.u32 s1, $0xD;
	s1 =	sshrl.u32 s1, $0x2  }
0xba: {  	s3 =	sand.u32 $0x4000, s31;
	s1 =	sadd.s32 s1, s30  }
0xbb: {  	s0 =	sor.u32 s3, s0;
	s1 =	sshll.u32 s1, $0x11  }
0xbc: {  	s0 =	sor.u32 s1, s0  }
0xbd: {  	s0 =	sadd.s32 $0x8F2B, s0  }
0xbe: {  	[sflag:s0] =	ssyncadd.remote.s32 $0x1  }
0xbf: {  	_ =	sfence.sel $0xFFFF  }
0xc0: {  	[dreg:$0x0] =	wrdreg $0xFFFFFFFF;
	(pc) =	sbr.abs _section_cstart, $3  }
0xc1: {  	[dreg:$0x1] =	wrdreg $0xFFFFFFFF  }
0xc2: {  	_ =	task.clear_ibuf [dreg:s7], $0x2FFFF;
	_ =	strace $0x9FFFFFFF  }
0xc3: {  	(tm) =	ssettm $0x7FFFFFFF  }
tec
execute0_lowered:
.L_overlay_start_1:
0x0: {  	(tag) =	ssettag $0x1  }
0x1: {  	s1 =	rddreg [dreg:$0x0]  }
0x2: {  	s0 =	rddreg [dreg:$0x1]  }
0x3: {  	s2 =	rddreg [dreg:$0x2]  }
0x4: {  	s3 =	simm.s32 $0x0;
	s4 =	srdreg.scid;
	s11 =	stileid.u32  }
0x5: {  	s29 =	simm.s32 $0x7;
	s30 =	simm.s32 $0x200;
	s31 =	simm.s32 $0x80  }
0x6: {  	[smem:$0x7FF] =	sst s3;
	s5 =	sadd.s32 $0x3400, s0;
	s6 =	sadd.s32 $0x34600, s0  }
0x7: {  	s7 =	sadd.s32 $0x2A600, s0;
	s4 =	sand.u32 $0x1, s4;
	s8 =	sadd.s32 $0x3E600, s0  }
0x8: {  	s10 =	smul.u32 $0x50000, s11;
	s12 =	sadd.s32 $0x3EE00, s0;
	s0 =	sadd.s32 $0x66E00, s0  }
0x9: {  	s25 =	sshll.u32 s11, $0x6;
	_ =	strace $0x80000047;
	[dreg:$0x4] =	wrdreg s12  }
0xa: {  	s13 =	smul.u32 $0xA00, s11;
	s9 =	ssub.s32 $0x2, s4;
	[dreg:$0x5] =	wrdreg s0  }
0xb: {  	s12 =	sor.u32 $0x1C07, s25;
	p0 =	seq.s32 s4, $0x1;
	s23 =	sshrl.u32 s9, $0x1  }
0xc: {  	s24 =	sshrl.u32 s10, $0x2;
	s28 =	sor.u32 $0x10, s13;
	s16 =	sadd.s32 s6, s13  }
0xd: {  	s18 =	sor.u32 $0x20, s13;
	s20 =	sor.u32 $0x30, s13;
	s10 =	simm.s32 $0x180  }
0xe: {  	s0 =	ssub.s32 s9, s23;
	s15 =	sadd.s32 s24, s2;
	[dreg:$0x7] =	wrdreg s16  }
0xf: {  	s17 =	sadd.s32 s6, s28;
	s4 =	sadd.s32 s7, s28;
	[dreg:$0x6] =	wrdreg s15  }
0x10: {  	s19 =	sadd.s32 s6, s18;
	s16 =	sadd.s32 s7, s18;
	[dreg:$0x8] =	wrdreg s17  }
0x11: {  	s21 =	sadd.s32 s6, s20;
	s28 =	smul.u32 $0x2800, s11;
	[dreg:$0x9] =	wrdreg s4  }
0x12: {  	s18 =	simm.s32 $0x4400;
	s9 =	sadd.s32 $0x4000, s15;
	[dreg:$0xa] =	wrdreg s19  }
0x13: {  	s26 =	sadd.s32 $0x8000, s15;
	s14 =	sadd.s32 $0xC000, s15;
	[dreg:$0xb] =	wrdreg s16  }
0x14: {  	s15 =	sadd.s32 $0x10000, s15;
	[dreg:$0xc] =	wrdreg s21;
	s4 =	sadd.s32 s7, s20  }
0x15: {  	s0 =	smax.u32 s0, $0x1;
	s16 =	simm.s32 $0x400;
	s17 =	simm.s32 $0x2  }
0x16: {  	s19 =	simm.s32 $0x5;
	s20 =	simm.s32 $0x3;
	[dreg:$0xd] =	wrdreg s4  }
0x17: {  	s21 =	simm.s32 $0x6;
	[dreg:$0xe] =	wrdreg s0;
	s22 =	sshrl.u32 s9, $0x3  }
0x18: {  	s23 =	sshrl.u32 s26, $0x3;
	s24 =	sshrl.u32 s14, $0x3;
	[dreg:$0x14] =	wrdreg s28  }
.Ltmp0:
0x19: {  	s25 =	sshrl.u32 s15, $0x3;
	[dreg:$0xf] =	wrdreg s22;
	(pc) =	sbr.rel .LBB2_1-.Ltmp0, $4  }
0x1a: {  	s26 =	sadd.s32 s7, s13;
	s0 =	simm.s32 $0x280;
	[dreg:$0x10] =	wrdreg s23  }
0x1b: {  	s4 =	simm.s32 $0x100;
	s9 =	simm.s32 $0x300;
	[dreg:$0x11] =	wrdreg s24  }
0x1c: {  	s14 =	simm.s32 $0x380;
	s15 =	simm.s32 $0x1;
	[dreg:$0x12] =	wrdreg s25  }
0x1d: {  	[dreg:$0x13] =	wrdreg s26;
	s22 =	simm.s32 $0x4;
	s23 =	simm.s32 $0x0  }
.LBB2_8:
0x1e: {  	s25 =	rddreg [dreg:$0x5]  }
.LBB2_9:
0x1f: {  	_ =	swait.ge [sflag:s21], $0x4000  }
0x20: {  	[sflag:s21] =	ssyncset.done $0x0  }
0x21: {  	[sflag:s21] =	ssyncadd.s32 $0xFFFFC000  }
0x22: {  	[spmem:s2] =	stream.indirect.scatter.add.f32 [tilespmem:s18], [sflag:$0x7], $0x80, s14, s31, $0xb8;
	[tilespmem:$0x1C400] =	vst v63  }
0x23: {  	_ =	swait.ge [sflag:s29], $0x4000  }
0x24: {  	[sflag:s29] =	ssyncset.done $0x0  }
0x25: {  	[sflag:s29] =	ssyncadd.s32 $0xFFFFC000  }
0x26: {  	s11 =	rddreg [dreg:$0x14];
	[bflag:$0x0] =	sbarrier.arrive $0xFFFF  }
0x27: {  	s11 =	sadd.s32 s25, s11;
	s24 =	rddreg [dreg:$0x15]  }
0x28: {  	[hbm:s11], [sflag:s12] =	dma.local [spmem:s24], $0x2800  }
0x29: {  	_ =	swait.ge [sflag:s29], $0x2800  }
0x2a: {  	s23 =	sadd.s32 $0x1, s23;
	s28 =	rddreg [dreg:$0xe]  }
0x2b: {  	p1 =	sne.s32 s23, s28  }
.Ltmp1:
0x2c: {  	_ = 	snop;
	(pc) =	sbr.rel @!p1 .LBB2_10-.Ltmp1, $3  }
0x2d: {  	_ =	sdelay $0x1  }
0x2e: {  	[sflag:s29] =	ssyncset.done $0x0  }
0x2f: {  	[sflag:s29] =	ssyncadd.s32 $0xFFFFD800  }
.LBB2_1:
0x30: {  	s11 =	rddreg [dreg:$0x6]  }
0x31: {  	s11 =	sshrl.u32 s11, $0x3  }
0x32: {  	[dreg:$0x15] =	wrdreg s11  }
0x33: {  	[spmem:s11], [sflag:s12] =	dma.local [hbm:s8], $0x800  }
0x34: {  	_ =	swait.ge [sflag:s29], $0x800  }
0x35: {  	[sflag:s29] =	ssyncset.done $0x0  }
0x36: {  	s24 =	rddreg [dreg:$0xf];
	[sflag:s29] =	ssyncadd.s32 $0xFFFFF800  }
0x37: {  	[spmem:s24], [sflag:s12] =	dma.local [hbm:s8], $0x800  }
0x38: {  	_ =	swait.ge [sflag:s29], $0x800  }
0x39: {  	[sflag:s29] =	ssyncset.done $0x0  }
0x3a: {  	s25 =	rddreg [dreg:$0x10];
	[sflag:s29] =	ssyncadd.s32 $0xFFFFF800  }
0x3b: {  	[spmem:s25], [sflag:s12] =	dma.local [hbm:s8], $0x800  }
0x3c: {  	_ =	swait.ge [sflag:s29], $0x800  }
0x3d: {  	[sflag:s29] =	ssyncset.done $0x0  }
0x3e: {  	s26 =	rddreg [dreg:$0x11];
	[sflag:s29] =	ssyncadd.s32 $0xFFFFF800  }
0x3f: {  	[spmem:s26], [sflag:s12] =	dma.local [hbm:s8], $0x800  }
0x40: {  	_ =	swait.ge [sflag:s29], $0x800  }
0x41: {  	[sflag:s29] =	ssyncset.done $0x0  }
0x42: {  	s28 =	rddreg [dreg:$0x12];
	[sflag:s29] =	ssyncadd.s32 $0xFFFFF800  }
0x43: {  	[spmem:s28], [sflag:s12] =	dma.local [hbm:s8], $0x800  }
0x44: {  	_ =	swait.ge [sflag:s29], $0x800  }
0x45: {  	[sflag:s29] =	ssyncset.done $0x0  }
0x46: {  	s24 =	rddreg [dreg:$0x7];
	[sflag:s29] =	ssyncadd.s32 $0xFFFFF800  }
0x47: {  	[tilespmem:s3], [sflag:$0x1] =	stream.linear.gather [hbm4b:s24+s3], $0x80, $0x38;
	[tilespmem:$0x1C400] =	vst v63  }
0x48: {  	s25 =	rddreg [dreg:$0x13]  }
0x49: {  	[tilespmem:s30], [sflag:$0x1] =	stream.linear.gather [hbm4b:s25+s3], $0x80, $0x38;
	[tilespmem:$0x1C400] =	vst v63  }
0x4a: {  	s26 =	rddreg [dreg:$0x8]  }
0x4b: {  	[tilespmem:s31], [sflag:$0x2] =	stream.linear.gather [hbm4b:s26+s3], $0x80, $0x38;
	[tilespmem:$0x1C400] =	vst v63  }
0x4c: {  	s28 =	rddreg [dreg:$0x9]  }
0x4d: {  	[tilespmem:s0], [sflag:$0x2] =	stream.linear.gather [hbm4b:s28+s3], $0x80, $0x38;
	[tilespmem:$0x1C400] =	vst v63  }
0x4e: {  	s24 =	rddreg [dreg:$0xa]  }
0x4f: {  	[tilespmem:s4], [sflag:$0x3] =	stream.linear.gather [hbm4b:s24+s3], $0x80, $0x38;
	[tilespmem:$0x1C400] =	vst v63  }
0x50: {  	s25 =	rddreg [dreg:$0xb]  }
0x51: {  	[tilespmem:s9], [sflag:$0x3] =	stream.linear.gather [hbm4b:s25+s3], $0x80, $0x38;
	[tilespmem:$0x1C400] =	vst v63  }
0x52: {  	s26 =	rddreg [dreg:$0xc]  }
0x53: {  	[tilespmem:s10], [sflag:$0x4] =	stream.linear.gather [hbm4b:s26+s3], $0x80, $0x38;
	[tilespmem:$0x1C400] =	vst v63  }
0x54: {  	s28 =	rddreg [dreg:$0xd]  }
0x55: {  	[tilespmem:s14], [sflag:$0x4] =	stream.linear.gather [hbm4b:s28+s3], $0x80, $0x38;
	[tilespmem:$0x1C400] =	vst v63  }
0x56: {  	_ =	swait.ge [sflag:s15], $0x80  }
.Ltmp2:
0x57: {  	[sflag:s15] =	ssyncset.done $0x0;
	(pc) =	sbr.rel @!p0 .LBB2_2-.Ltmp2, $4  }
0x58: {  	[sflag:s15] =	ssyncadd.s32 $0xFFFFFF80  }
0x59: {  	_ =	swait.ge [sflag:s15], $0x80  }
0x5a: {  	[sflag:s15] =	ssyncset.done $0x0  }
0x5b: {  	s25 =	simm.s32 $0x0;
	[sflag:s15] =	ssyncadd.s32 $0xFFFFFF80  }
0x5c: {  	[tilespmem:s16], [sflag:$0x5] =	stream.indirect.gather [hbm4b:s5+s31], $0x80, s25, s31, $0xb8;
	[tilespmem:$0x1C400] =	vst v63  }
0x5d: {  	_ =	swait.ge [sflag:s17], $0x80  }
0x5e: {  	[sflag:s17] =	ssyncset.done $0x0  }
0x5f: {  	[sflag:s17] =	ssyncadd.s32 $0xFFFFFF80  }
0x60: {  	_ =	swait.ge [sflag:s17], $0x80  }
0x61: {  	[sflag:s17] =	ssyncset.done $0x0  }
0x62: {  	[sflag:s17] =	ssyncadd.s32 $0xFFFFFF80  }
0x63: {  	[tilespmem:s18], [sflag:$0x6] =	stream.indirect.gather [hbm4b:s5+s31], $0x80, s31, s31, $0xb8;
	[tilespmem:$0x1C400] =	vst v63  }
0x64: {  	[bflag:$0x0] =	sbarrier.arrive $0xFFFF  }
.LBB2_7:
0x65: {  	_ =	swait.ge [sflag:s19], $0x4000;
	p1 =	seq.s32 s25, $0x9C0  }
0x66: {  	[sflag:s19] =	ssyncset.done $0x0;
	s11 =	sadd.s32 @!p1 s25, s13  }
0x67: {  	s24 =	sxor.u32 @!p1 $0xFFFFFFFF, s25;
	[sflag:s19] =	ssyncadd.s32 $0xFFFFC000;
	s11 =	sadd.s32 @!p1 $0x40, s11  }
0x68: {  	[spmem:s2] =	stream.indirect.scatter.add.f32 [tilespmem:s16], [sflag:$0x7], $0x80, s30, s31, $0xb8;
	[tilespmem:$0x1C400] =	vst v63  }
0x69: {  	s24 =	sand.u32 @!p1 $0x40, s24;
	s11 =	sand.u32 @!p1 $0x1FF80, s11;
	_ =	swait.ge [sflag:s29], $0x4000  }
0x6a: {  	s11 =	sor.u32 @!p1 s24, s11;
	[sflag:s29] =	ssyncset.done $0x0  }
0x6b: {  	s26 =	simm.s32 @!p1 $0x0;
	s24 =	sadd.s32 @!p1 s6, s11;
	[sflag:s29] =	ssyncadd.s32 $0xFFFFC000  }
0x6c: {  	[tilespmem:s26], [sflag:$0x1] =	stream.linear.gather @!p1 [hbm4b:s24+s26], $0x80, $0x38;
	[tilespmem:$0x1C400] =	vst v63  }
0x6d: {  	s11 =	sadd.s32 @!p1 s7, s11;
	s24 =	simm.s32 @!p1 $0x200  }
0x6e: {  	[tilespmem:s24], [sflag:$0x1] =	stream.linear.gather @!p1 [hbm4b:s11+s26], $0x80, $0x38;
	[tilespmem:$0x1C400] =	vst v63  }
0x6f: {  	_ =	swait.ge [sflag:s20], $0x80  }
0x70: {  	[sflag:s20] =	ssyncset.done $0x0  }
0x71: {  	[sflag:s20] =	ssyncadd.s32 $0xFFFFFF80  }
0x72: {  	_ =	swait.ge [sflag:s20], $0x80  }
0x73: {  	[sflag:s20] =	ssyncset.done $0x0  }
0x74: {  	[sflag:s20] =	ssyncadd.s32 $0xFFFFFF80  }
0x75: {  	[tilespmem:s16], [sflag:$0x5] =	stream.indirect.gather [hbm4b:s5+s31], $0x80, s4, s31, $0xb8;
	[tilespmem:$0x1C400] =	vst v63  }
0x76: {  	_ =	swait.ge [sflag:s21], $0x4000  }
0x77: {  	s11 =	sadd.s32 @!p1 $0x50, s25;
	[sflag:s21] =	ssyncset.done $0x0  }
0x78: {  	s24 =	sadd.s32 @!p1 s13, s11;
	[sflag:s21] =	ssyncadd.s32 $0xFFFFC000  }
0x79: {  	[spmem:s2] =	stream.indirect.scatter.add.f32 [tilespmem:s18], [sflag:$0x7], $0x80, s0, s31, $0xb8;
	[tilespmem:$0x1C400] =	vst v63  }
0x7a: {  	s11 =	sand.u32 @!p1 $0x50, s11;
	s24 =	sand.u32 @!p1 $0x1FF80, s24;
	_ =	swait.ge [sflag:s29], $0x4000  }
0x7b: {  	s11 =	sor.u32 @!p1 s11, s24;
	[sflag:s29] =	ssyncset.done $0x0  }
0x7c: {  	s28 =	simm.s32 @!p1 $0x80;
	s24 =	sadd.s32 @!p1 s6, s11;
	[sflag:s29] =	ssyncadd.s32 $0xFFFFC000  }
0x7d: {  	[tilespmem:s28], [sflag:$0x2] =	stream.linear.gather @!p1 [hbm4b:s24+s26], $0x80, $0x38;
	[tilespmem:$0x1C400] =	vst v63  }
0x7e: {  	s11 =	sadd.s32 @!p1 s7, s11;
	s24 =	simm.s32 @!p1 $0x280  }
0x7f: {  	[tilespmem:s24], [sflag:$0x2] =	stream.linear.gather @!p1 [hbm4b:s11+s26], $0x80, $0x38;
	[tilespmem:$0x1C400] =	vst v63  }
0x80: {  	_ =	swait.ge [sflag:s22], $0x80  }
0x81: {  	[sflag:s22] =	ssyncset.done $0x0  }
0x82: {  	[sflag:s22] =	ssyncadd.s32 $0xFFFFFF80  }
0x83: {  	_ =	swait.ge [sflag:s22], $0x80  }
0x84: {  	[sflag:s22] =	ssyncset.done $0x0  }
0x85: {  	[sflag:s22] =	ssyncadd.s32 $0xFFFFFF80  }
0x86: {  	[tilespmem:s18], [sflag:$0x6] =	stream.indirect.gather [hbm4b:s5+s31], $0x80, s10, s31, $0xb8;
	[tilespmem:$0x1C400] =	vst v63  }
0x87: {  	_ =	swait.ge [sflag:s19], $0x4000  }
0x88: {  	[sflag:s19] =	ssyncset.done $0x0  }
.Ltmp3:
0x89: {  	[sflag:s19] =	ssyncadd.s32 $0xFFFFC000;
	(pc) =	sbr.rel @p1 .LBB2_8-.Ltmp3, $4  }
0x8a: {  	[spmem:s2] =	stream.indirect.scatter.add.f32 [tilespmem:s16], [sflag:$0x7], $0x80, s9, s31, $0xb8;
	[tilespmem:$0x1C400] =	vst v63  }
0x8b: {  	_ =	swait.ge [sflag:s29], $0x4000  }
0x8c: {  	[sflag:s29] =	ssyncset.done $0x0  }
0x8d: {  	[sflag:s29] =	ssyncadd.s32 $0xFFFFC000  }
0x8e: {  	s11 =	sadd.s32 s25, s13  }
0x8f: {  	s26 =	sadd.s32 $0x60, s25;
	s24 =	sadd.s32 $0x60, s11  }
0x90: {  	s26 =	sand.u32 $0x60, s26;
	s24 =	sand.u32 $0x1FF80, s24  }
0x91: {  	s24 =	sor.u32 s26, s24  }
0x92: {  	s26 =	sadd.s32 s6, s24  }
0x93: {  	[tilespmem:s4], [sflag:$0x3] =	stream.linear.gather [hbm4b:s26+s3], $0x80, $0x38;
	[tilespmem:$0x1C400] =	vst v63  }
0x94: {  	s24 =	sadd.s32 s7, s24  }
0x95: {  	[tilespmem:s9], [sflag:$0x3] =	stream.linear.gather [hbm4b:s24+s3], $0x80, $0x38;
	[tilespmem:$0x1C400] =	vst v63  }
0x96: {  	_ =	swait.ge [sflag:s15], $0x80  }
0x97: {  	[sflag:s15] =	ssyncset.done $0x0  }
0x98: {  	[sflag:s15] =	ssyncadd.s32 $0xFFFFFF80  }
0x99: {  	_ =	swait.ge [sflag:s15], $0x80  }
0x9a: {  	[sflag:s15] =	ssyncset.done $0x0  }
0x9b: {  	[sflag:s15] =	ssyncadd.s32 $0xFFFFFF80  }
0x9c: {  	[tilespmem:s16], [sflag:$0x5] =	stream.indirect.gather [hbm4b:s5+s31], $0x80, s3, s31, $0xb8;
	[tilespmem:$0x1C400] =	vst v63  }
0x9d: {  	_ =	swait.ge [sflag:s21], $0x4000  }
0x9e: {  	[sflag:s21] =	ssyncset.done $0x0  }
0x9f: {  	s28 =	sadd.s32 $0x70, s25;
	s11 =	sadd.s32 $0x70, s11;
	[sflag:s21] =	ssyncadd.s32 $0xFFFFC000  }
0xa0: {  	[spmem:s2] =	stream.indirect.scatter.add.f32 [tilespmem:s18], [sflag:$0x7], $0x80, s14, s31, $0xb8;
	[tilespmem:$0x1C400] =	vst v63  }
0xa1: {  	s11 =	sand.u32 $0x1FF80, s11;
	s24 =	sand.u32 $0x70, s28;
	_ =	swait.ge [sflag:s29], $0x4000  }
0xa2: {  	s11 =	sor.u32 s24, s11;
	[sflag:s29] =	ssyncset.done $0x0  }
0xa3: {  	s24 =	sadd.s32 s6, s11;
	[sflag:s29] =	ssyncadd.s32 $0xFFFFC000  }
0xa4: {  	[tilespmem:s10], [sflag:$0x4] =	stream.linear.gather [hbm4b:s24+s3], $0x80, $0x38;
	[tilespmem:$0x1C400] =	vst v63  }
0xa5: {  	s11 =	sadd.s32 s7, s11  }
0xa6: {  	[tilespmem:s14], [sflag:$0x4] =	stream.linear.gather [hbm4b:s11+s3], $0x80, $0x38;
	[tilespmem:$0x1C400] =	vst v63  }
0xa7: {  	_ =	swait.ge [sflag:s17], $0x80  }
0xa8: {  	[sflag:s17] =	ssyncset.done $0x0  }
.Ltmp4:
0xa9: {  	[sflag:s17] =	ssyncadd.s32 $0xFFFFFF80;
	(pc) =	sbr.rel .LBB2_7-.Ltmp4, $4  }
0xaa: {  	_ =	swait.ge [sflag:s17], $0x80  }
0xab: {  	[sflag:s17] =	ssyncset.done $0x0  }
0xac: {  	s25 =	sadd.s32 $0x40, s25;
	[sflag:s17] =	ssyncadd.s32 $0xFFFFFF80  }
0xad: {  	[tilespmem:s18], [sflag:$0x6] =	stream.indirect.gather [hbm4b:s5+s31], $0x80, s31, s31, $0xb8;
	[tilespmem:$0x1C400] =	vst v63  }
.LBB2_2:
0xae: {  	[tilespmem:s16], [sflag:$0x5] =	stream.indirect.gather [hbm4b:s1+s31], $0x80, s25, s31, $0xb8;
	[tilespmem:$0x1C400] =	vst v63  }
0xaf: {  	_ =	swait.ge [sflag:s17], $0x80  }
0xb0: {  	[sflag:s17] =	ssyncset.done $0x0  }
0xb1: {  	[sflag:s17] =	ssyncadd.s32 $0xFFFFFF80  }
0xb2: {  	_ =	swait.ge [sflag:s17], $0x80  }
0xb3: {  	[sflag:s17] =	ssyncset.done $0x0  }
0xb4: {  	[sflag:s17] =	ssyncadd.s32 $0xFFFFFF80  }
0xb5: {  	[tilespmem:s18], [sflag:$0x6] =	stream.indirect.gather [hbm4b:s1+s31], $0x80, s31, s31, $0xb8;
	[tilespmem:$0x1C400] =	vst v63  }
0xb6: {  	[bflag:$0x0] =	sbarrier.arrive $0xFFFF  }
.LBB2_3:
0xb7: {  	_ =	swait.ge [sflag:s19], $0x4000;
	p1 =	seq.s32 s25, $0x9C0  }
0xb8: {  	[sflag:s19] =	ssyncset.done $0x0;
	s26 =	sadd.s32 @!p1 s25, s13  }
0xb9: {  	s28 =	sxor.u32 @!p1 $0xFFFFFFFF, s25;
	[sflag:s19] =	ssyncadd.s32 $0xFFFFC000;
	s26 =	sadd.s32 @!p1 $0x40, s26  }
0xba: {  	[spmem:s2] =	stream.indirect.scatter.add.f32 [tilespmem:s16], [sflag:$0x7], $0x80, s30, s31, $0xb8;
	[tilespmem:$0x1C400] =	vst v63  }
0xbb: {  	s28 =	sand.u32 @!p1 $0x40, s28;
	s26 =	sand.u32 @!p1 $0x1FF80, s26;
	_ =	swait.ge [sflag:s29], $0x4000  }
0xbc: {  	s26 =	sor.u32 @!p1 s28, s26;
	[sflag:s29] =	ssyncset.done $0x0  }
0xbd: {  	s11 =	simm.s32 @!p1 $0x0;
	s28 =	sadd.s32 @!p1 s6, s26;
	[sflag:s29] =	ssyncadd.s32 $0xFFFFC000  }
0xbe: {  	[tilespmem:s11], [sflag:$0x1] =	stream.linear.gather @!p1 [hbm4b:s28+s11], $0x80, $0x38;
	[tilespmem:$0x1C400] =	vst v63  }
0xbf: {  	s26 =	sadd.s32 @!p1 s7, s26;
	s28 =	simm.s32 @!p1 $0x200  }
0xc0: {  	[tilespmem:s28], [sflag:$0x1] =	stream.linear.gather @!p1 [hbm4b:s26+s11], $0x80, $0x38;
	[tilespmem:$0x1C400] =	vst v63  }
0xc1: {  	_ =	swait.ge [sflag:s20], $0x80  }
0xc2: {  	[sflag:s20] =	ssyncset.done $0x0  }
0xc3: {  	[sflag:s20] =	ssyncadd.s32 $0xFFFFFF80  }
0xc4: {  	_ =	swait.ge [sflag:s20], $0x80  }
0xc5: {  	[sflag:s20] =	ssyncset.done $0x0  }
0xc6: {  	[sflag:s20] =	ssyncadd.s32 $0xFFFFFF80  }
0xc7: {  	[tilespmem:s16], [sflag:$0x5] =	stream.indirect.gather [hbm4b:s1+s31], $0x80, s4, s31, $0xb8;
	[tilespmem:$0x1C400] =	vst v63  }
0xc8: {  	_ =	swait.ge [sflag:s21], $0x4000  }
0xc9: {  	s26 =	sadd.s32 @!p1 $0x50, s25;
	[sflag:s21] =	ssyncset.done $0x0  }
0xca: {  	s28 =	sadd.s32 @!p1 s13, s26;
	[sflag:s21] =	ssyncadd.s32 $0xFFFFC000  }
0xcb: {  	[spmem:s2] =	stream.indirect.scatter.add.f32 [tilespmem:s18], [sflag:$0x7], $0x80, s0, s31, $0xb8;
	[tilespmem:$0x1C400] =	vst v63  }
0xcc: {  	s26 =	sand.u32 @!p1 $0x50, s26;
	s28 =	sand.u32 @!p1 $0x1FF80, s28;
	_ =	swait.ge [sflag:s29], $0x4000  }
0xcd: {  	s26 =	sor.u32 @!p1 s26, s28;
	[sflag:s29] =	ssyncset.done $0x0  }
0xce: {  	s24 =	simm.s32 @!p1 $0x80;
	s28 =	sadd.s32 @!p1 s6, s26;
	[sflag:s29] =	ssyncadd.s32 $0xFFFFC000  }
0xcf: {  	[tilespmem:s24], [sflag:$0x2] =	stream.linear.gather @!p1 [hbm4b:s28+s11], $0x80, $0x38;
	[tilespmem:$0x1C400] =	vst v63  }
0xd0: {  	s24 =	sadd.s32 @!p1 s7, s26;
	s26 =	simm.s32 @!p1 $0x280  }
0xd1: {  	[tilespmem:s26], [sflag:$0x2] =	stream.linear.gather @!p1 [hbm4b:s24+s11], $0x80, $0x38;
	[tilespmem:$0x1C400] =	vst v63  }
0xd2: {  	_ =	swait.ge [sflag:s22], $0x80  }
0xd3: {  	[sflag:s22] =	ssyncset.done $0x0  }
0xd4: {  	[sflag:s22] =	ssyncadd.s32 $0xFFFFFF80  }
0xd5: {  	_ =	swait.ge [sflag:s22], $0x80  }
0xd6: {  	[sflag:s22] =	ssyncset.done $0x0  }
0xd7: {  	[sflag:s22] =	ssyncadd.s32 $0xFFFFFF80  }
0xd8: {  	[tilespmem:s18], [sflag:$0x6] =	stream.indirect.gather [hbm4b:s1+s31], $0x80, s10, s31, $0xb8;
	[tilespmem:$0x1C400] =	vst v63  }
0xd9: {  	_ =	swait.ge [sflag:s19], $0x4000  }
0xda: {  	[sflag:s19] =	ssyncset.done $0x0  }
.Ltmp5:
0xdb: {  	[sflag:s19] =	ssyncadd.s32 $0xFFFFC000;
	(pc) =	sbr.rel @p1 .LBB2_4-.Ltmp5, $4  }
0xdc: {  	[spmem:s2] =	stream.indirect.scatter.add.f32 [tilespmem:s16], [sflag:$0x7], $0x80, s9, s31, $0xb8;
	[tilespmem:$0x1C400] =	vst v63  }
0xdd: {  	_ =	swait.ge [sflag:s29], $0x4000  }
0xde: {  	[sflag:s29] =	ssyncset.done $0x0  }
0xdf: {  	[sflag:s29] =	ssyncadd.s32 $0xFFFFC000  }
0xe0: {  	s11 =	sadd.s32 s25, s13  }
0xe1: {  	s26 =	sadd.s32 $0x60, s25;
	s24 =	sadd.s32 $0x60, s11  }
0xe2: {  	s26 =	sand.u32 $0x60, s26;
	s24 =	sand.u32 $0x1FF80, s24  }
0xe3: {  	s24 =	sor.u32 s26, s24  }
0xe4: {  	s26 =	sadd.s32 s6, s24  }
0xe5: {  	[tilespmem:s4], [sflag:$0x3] =	stream.linear.gather [hbm4b:s26+s3], $0x80, $0x38;
	[tilespmem:$0x1C400] =	vst v63  }
0xe6: {  	s24 =	sadd.s32 s7, s24  }
0xe7: {  	[tilespmem:s9], [sflag:$0x3] =	stream.linear.gather [hbm4b:s24+s3], $0x80, $0x38;
	[tilespmem:$0x1C400] =	vst v63  }
0xe8: {  	_ =	swait.ge [sflag:s15], $0x80  }
0xe9: {  	[sflag:s15] =	ssyncset.done $0x0  }
0xea: {  	[sflag:s15] =	ssyncadd.s32 $0xFFFFFF80  }
0xeb: {  	_ =	swait.ge [sflag:s15], $0x80  }
0xec: {  	[sflag:s15] =	ssyncset.done $0x0  }
0xed: {  	[sflag:s15] =	ssyncadd.s32 $0xFFFFFF80  }
0xee: {  	[tilespmem:s16], [sflag:$0x5] =	stream.indirect.gather [hbm4b:s1+s31], $0x80, s3, s31, $0xb8;
	[tilespmem:$0x1C400] =	vst v63  }
0xef: {  	_ =	swait.ge [sflag:s21], $0x4000  }
0xf0: {  	[sflag:s21] =	ssyncset.done $0x0  }
0xf1: {  	s28 =	sadd.s32 $0x70, s25;
	s11 =	sadd.s32 $0x70, s11;
	[sflag:s21] =	ssyncadd.s32 $0xFFFFC000  }
0xf2: {  	[spmem:s2] =	stream.indirect.scatter.add.f32 [tilespmem:s18], [sflag:$0x7], $0x80, s14, s31, $0xb8;
	[tilespmem:$0x1C400] =	vst v63  }
0xf3: {  	s11 =	sand.u32 $0x1FF80, s11;
	s24 =	sand.u32 $0x70, s28;
	_ =	swait.ge [sflag:s29], $0x4000  }
0xf4: {  	s11 =	sor.u32 s24, s11;
	[sflag:s29] =	ssyncset.done $0x0  }
0xf5: {  	s24 =	sadd.s32 s6, s11;
	[sflag:s29] =	ssyncadd.s32 $0xFFFFC000  }
0xf6: {  	[tilespmem:s10], [sflag:$0x4] =	stream.linear.gather [hbm4b:s24+s3], $0x80, $0x38;
	[tilespmem:$0x1C400] =	vst v63  }
0xf7: {  	s11 =	sadd.s32 s7, s11  }
0xf8: {  	[tilespmem:s14], [sflag:$0x4] =	stream.linear.gather [hbm4b:s11+s3], $0x80, $0x38;
	[tilespmem:$0x1C400] =	vst v63  }
0xf9: {  	_ =	swait.ge [sflag:s17], $0x80  }
0xfa: {  	[sflag:s17] =	ssyncset.done $0x0  }
.Ltmp6:
0xfb: {  	[sflag:s17] =	ssyncadd.s32 $0xFFFFFF80;
	(pc) =	sbr.rel .LBB2_3-.Ltmp6, $4  }
0xfc: {  	_ =	swait.ge [sflag:s17], $0x80  }
0xfd: {  	[sflag:s17] =	ssyncset.done $0x0  }
0xfe: {  	s25 =	sadd.s32 $0x40, s25;
	[sflag:s17] =	ssyncadd.s32 $0xFFFFFF80  }
0xff: {  	[tilespmem:s18], [sflag:$0x6] =	stream.indirect.gather [hbm4b:s1+s31], $0x80, s31, s31, $0xb8;
	[tilespmem:$0x1C400] =	vst v63  }
.LBB2_4:
.Ltmp7:
0x100: {  	(pc) =	sbr.rel .LBB2_9-.Ltmp7, $2  }
0x101: {  	_ =	sdelay $0x2  }
0x102: {  	s25 =	rddreg [dreg:$0x4]  }
.LBB2_10:
0x103: {  	_ =	sfence.sel $0x180000  }
0x104: {  	[bflag:$0x0] =	sbarrier.arrive $0xFFFF  }
0x105: {  	_ =	strace $0x90000047  }
0x106: {  	s0 =	stileid.u32;
	[bflag:$0x2] =	sbarrier.arrive $0xFFFF  }
0x107: {  	p0 =	sne.s32 s0, $0x0;
	s0 =	rddreg [dreg:$0x3]  }
0x108: {  	s0 =	sadd.s32 @!p0 $0x100000, s0  }
0x109: {  	[sflag:s0] =	ssyncadd.tile.s32 @!p0 $0x1;
	_ =	shalt  }
.Lfunc_end2:
_tile_overlayer_lowered:
.L_overlay_start_2:
0x10a: {  	(tag) =	ssettag $0x2  }
0x10b: {  	s0 =	rddreg [dreg:$0x0];
	s2 =	stileid.u32  }
0x10c: {  	s1 =	rddreg [dreg:$0x1];
	p0 =	sne.s32 s2, $0x0  }
0x10d: {  	s3 =	rddreg [dreg:$0x2];
	[bflag:$0x3] =	sbarrier.arrive $0xFFFF;
	s2 =	simm.s32 @!p0 $0x1C07  }
0x10e: {  	[timem:s3], [sflag:s2] =	dma.local @!p0 [hbm:s0], s1  }
0x10f: {  	s0 =	simm.s32 @!p0 $0x7  }
0x110: {  	_ =	swait.ge @!p0 [sflag:s0], s1  }
0x111: {  	s1 =	ssub.s32 @!p0 $0x0, s1;
	[sflag:s0] =	ssyncset.done @!p0 $0x0  }
0x112: {  	[sflag:s0] =	ssyncadd.s32 @!p0 s1  }
0x113: {  	[bflag:$0x3] =	sbarrier.arrive $0xFFFF  }
0x114: {  	_ =	shalt  }

</sc_bundles>
